<compile_context>
chip_gen: v7x
topology: tpu7x:2x2x1
jax: 0.10.2.dev20260603
libtpu: 0.0.44.dev20260713+nightly
codegen_flags: <defaults>
</compile_context>

<pallas_src>
import functools

import jax
import jax.numpy as jnp
from jax import lax
from jax.experimental import pallas as pl
from jax.experimental.pallas import tpu as pltpu
from jax.experimental.pallas import tpu_sc as plsc

N_SETS = 16
N_POINTS = 4096
N_MARKS = 3
N_CLASSES = 32
H = W = 512
N_TOTAL = N_SETS * N_POINTS

NC = 2
NS = 16
NW = NC * NS
N_PER_W = N_TOTAL // NW
ROUND = 512
NROUND = N_PER_W // ROUND
LANES = 16
GROUPS = ROUND // LANES

_POS_ROWS = 4
_MARK_ROWS = 8
_N_ROWS = _POS_ROWS + N_MARKS * _MARK_ROWS

_SPATIAL_OFF = (0, 1, W, W + 1)
_PLANE = H * W


def _sc_body(py_hbm, px_hbm, c0_hbm, c1_hbm, c2_hbm, mask_hbm,
             pos_hbm, mm0_hbm, mm1_hbm, mm2_hbm, out_hbm, *scratch):
  pts_v = scratch[0:5]
  mask_v = scratch[5]
  p = 6
  idx_a = scratch[p:p + 4]; p += 4
  val_a = scratch[p:p + 4]; p += 4
  idx_b = scratch[p:p + 4]; p += 4
  val_b = scratch[p:p + 4]; p += 4
  out_v = scratch[p:p + 4]; p += 4
  sem_a, sem_b = scratch[p], scratch[p + 1]

  wid = lax.axis_index("s") * NC + lax.axis_index("c")
  base = wid * N_PER_W

  comp_hbm = (py_hbm, px_hbm, c0_hbm, c1_hbm, c2_hbm)
  for r in range(5):
    pltpu.sync_copy(comp_hbm[r].at[pl.ds(base, N_PER_W)], pts_v[r])
  pltpu.sync_copy(mask_hbm.at[pl.ds(base, N_PER_W)], mask_v)

  map_refs = (pos_hbm, mm0_hbm, mm1_hbm, mm2_hbm)

  def compute_idx(ci, idx):
    def gbody(g, _):
      off = ci * ROUND + g * LANES
      col = g * LANES
      ty = pts_v[0][pl.ds(off, LANES)] * float(H - 1)
      tx = pts_v[1][pl.ds(off, LANES)] * float(W - 1)
      y0 = jnp.minimum(ty.astype(jnp.int32), H - 2)
      x0 = jnp.minimum(tx.astype(jnp.int32), W - 2)
      s00 = y0 * W + x0
      for k in range(_POS_ROWS):
        idx[0][pl.ds(k * ROUND + col, LANES)] = s00 + _SPATIAL_OFF[k]
      for i in range(N_MARKS):
        c = pts_v[2 + i][pl.ds(off, LANES)] * float(N_CLASSES - 1)
        c0 = jnp.minimum(c.astype(jnp.int32), N_CLASSES - 2)
        b = c0 * _PLANE + s00
        for k in range(_MARK_ROWS):
          o = _SPATIAL_OFF[k % 4] + (_PLANE if k >= 4 else 0)
          idx[1 + i][pl.ds(k * ROUND + col, LANES)] = b + o
      return 0

    lax.fori_loop(0, GROUPS, gbody, 0)

  def fire(idx, val, sem):
    for m in range(4):
      pltpu.async_copy(map_refs[m].at[idx[m]], val[m], sem)

  def drain(idx, val, sem):
    for m in range(4):
      pltpu.make_async_copy(map_refs[m].at[idx[m]], val[m], sem).wait()

  def interp(ci, val):
    def gbody(g, _):
      off = ci * ROUND + g * LANES
      col = g * LANES
      ty = pts_v[0][pl.ds(off, LANES)] * float(H - 1)
      tx = pts_v[1][pl.ds(off, LANES)] * float(W - 1)
      y0 = jnp.minimum(ty.astype(jnp.int32), H - 2)
      x0 = jnp.minimum(tx.astype(jnp.int32), W - 2)
      wy = ty - y0.astype(jnp.float32)
      wx = tx - x0.astype(jnp.float32)
      msk = mask_v[pl.ds(off, LANES)]

      def bilerp(v00, v01, v10, v11):
        top = v00 + wx * (v01 - v00)
        bot = v10 + wx * (v11 - v10)
        return top + wy * (bot - top)

      pvals = [val[0][pl.ds(k * ROUND + col, LANES)] for k in range(_POS_ROWS)]
      out_v[0][pl.ds(off, LANES)] = bilerp(*pvals) * msk
      for i in range(N_MARKS):
        c = pts_v[2 + i][pl.ds(off, LANES)] * float(N_CLASSES - 1)
        c0 = jnp.minimum(c.astype(jnp.int32), N_CLASSES - 2)
        wc = c - c0.astype(jnp.float32)
        mvals = [val[1 + i][pl.ds(k * ROUND + col, LANES)]
                 for k in range(_MARK_ROWS)]
        p0 = bilerp(*mvals[0:4])
        p1 = bilerp(*mvals[4:8])
        out_v[1 + i][pl.ds(off, LANES)] = (p0 + wc * (p1 - p0)) * msk
      return 0

    lax.fori_loop(0, GROUPS, gbody, 0)

  compute_idx(0, idx_a)
  fire(idx_a, val_a, sem_a)

  def pair_body(j, _):
    c0 = 2 * j
    compute_idx(c0 + 1, idx_b)
    fire(idx_b, val_b, sem_b)
    drain(idx_a, val_a, sem_a)
    interp(c0, val_a)
    compute_idx(c0 + 2, idx_a)
    fire(idx_a, val_a, sem_a)
    drain(idx_b, val_b, sem_b)
    interp(c0 + 1, val_b)
    return 0

  lax.fori_loop(0, NROUND // 2 - 1, pair_body, 0)

  compute_idx(NROUND - 1, idx_b)
  fire(idx_b, val_b, sem_b)
  drain(idx_a, val_a, sem_a)
  interp(NROUND - 2, val_a)
  drain(idx_b, val_b, sem_b)
  interp(NROUND - 1, val_b)

  for k in range(1 + N_MARKS):
    pltpu.sync_copy(out_v[k], out_hbm.at[pl.ds(k * N_TOTAL + base, N_PER_W)])


@jax.jit
def _sc_call(py, px, c0, c1, c2, mask, pos_map, mm0, mm1, mm2):
  mesh = plsc.VectorSubcoreMesh(core_axis_name="c", subcore_axis_name="s")
  return pl.kernel(
      _sc_body,
      out_type=jax.ShapeDtypeStruct(((1 + N_MARKS) * N_TOTAL,), jnp.float32),
      mesh=mesh,
      scratch_types=(
          [pltpu.VMEM((N_PER_W,), jnp.float32) for _ in range(5)]
          + [pltpu.VMEM((N_PER_W,), jnp.float32)]
          + [pltpu.VMEM((_POS_ROWS * ROUND,), jnp.int32)]
          + [pltpu.VMEM((_MARK_ROWS * ROUND,), jnp.int32) for _ in range(3)]
          + [pltpu.VMEM((_POS_ROWS * ROUND,), jnp.float32)]
          + [pltpu.VMEM((_MARK_ROWS * ROUND,), jnp.float32) for _ in range(3)]
          + [pltpu.VMEM((_POS_ROWS * ROUND,), jnp.int32)]
          + [pltpu.VMEM((_MARK_ROWS * ROUND,), jnp.int32) for _ in range(3)]
          + [pltpu.VMEM((_POS_ROWS * ROUND,), jnp.float32)]
          + [pltpu.VMEM((_MARK_ROWS * ROUND,), jnp.float32) for _ in range(3)]
          + [pltpu.VMEM((N_PER_W,), jnp.float32) for _ in range(4)]
          + [pltpu.SemaphoreType.DMA, pltpu.SemaphoreType.DMA]
      ),
  )(py, px, c0, c1, c2, mask, pos_map, mm0, mm1, mm2)


def kernel(points, points_mask, position_energy_map,
           marks_energy_map_0, marks_energy_map_1, marks_energy_map_2):
  pts = points.reshape(N_TOTAL, 2 + N_MARKS)
  comps = [pts[:, r] for r in range(5)]
  mask = points_mask.reshape(N_TOTAL)
  pos_map = position_energy_map.reshape(H * W)
  mm0 = marks_energy_map_0.reshape(N_CLASSES * H * W)
  mm1 = marks_energy_map_1.reshape(N_CLASSES * H * W)
  mm2 = marks_energy_map_2.reshape(N_CLASSES * H * W)
  out = _sc_call(*comps, mask, pos_map, mm0, mm1, mm2)
  return out.reshape(1 + N_MARKS, N_SETS, N_POINTS)

# --- scband reference (transcript-rebuilt; emitter-appended) ---
"""Pipeline reference for scband-dummy-likelihood-83133386981510 (READ-ONLY COPY).

The authoritative reference and input builder live on the scoring server;
editing this copy changes nothing except your own understanding.
"""

import jax, jax.numpy as jnp
import numpy as np

N_SETS = 16
N_POINTS = 4096
N_MARKS = 3
N_CLASSES = 32
H = W = 512


def setup_inputs(seed: int = 0) -> dict:
    key = jax.random.key(seed)
    k1, k2, k3, k4, k5 = jax.random.split(key, 5)
    points = jax.random.uniform(k1, (N_SETS, N_POINTS, 2 + N_MARKS), dtype=jnp.float32)
    points_mask = jnp.ones((N_SETS, N_POINTS), dtype=jnp.float32)
    position_energy_map = jax.random.normal(k2, (1, 1, H, W), dtype=jnp.float32)
    marks_energy_map_0 = jax.random.normal(k3, (N_CLASSES, H, W), dtype=jnp.float32)
    marks_energy_map_1 = jax.random.normal(k4, (N_CLASSES, H, W), dtype=jnp.float32)
    marks_energy_map_2 = jax.random.normal(k5, (N_CLASSES, H, W), dtype=jnp.float32)
    return {
        'points': points,
        'points_mask': points_mask,
        'position_energy_map': position_energy_map,
        'marks_energy_map_0': marks_energy_map_0,
        'marks_energy_map_1': marks_energy_map_1,
        'marks_energy_map_2': marks_energy_map_2,
    }


def _bilinear2d(image2d, py, px):
    # image2d: [H, W]; py, px: float pixel coordinates of arbitrary shape
    Hh, Ww = image2d.shape
    y0 = jnp.clip(jnp.floor(py).astype(jnp.int32), 0, Hh - 1)
    x0 = jnp.clip(jnp.floor(px).astype(jnp.int32), 0, Ww - 1)
    y1 = jnp.clip(y0 + 1, 0, Hh - 1)
    x1 = jnp.clip(x0 + 1, 0, Ww - 1)
    wy = py - jnp.floor(py)
    wx = px - jnp.floor(px)
    v00 = image2d[y0, x0]
    v01 = image2d[y0, x1]
    v10 = image2d[y1, x0]
    v11 = image2d[y1, x1]
    return (1.0 - wy) * ((1.0 - wx) * v00 + wx * v01) + wy * ((1.0 - wx) * v10 + wx * v11)


def _interpolate_marks(image3d, marks, py, px):
    # image3d: [C, H, W]; marks in [0,1] mapped linearly onto C classes;
    # trilinear interpolation (bilinear spatial x linear over class axis)
    C, Hh, Ww = image3d.shape
    y0 = jnp.clip(jnp.floor(py).astype(jnp.int32), 0, Hh - 1)
    x0 = jnp.clip(jnp.floor(px).astype(jnp.int32), 0, Ww - 1)
    y1 = jnp.clip(y0 + 1, 0, Hh - 1)
    x1 = jnp.clip(x0 + 1, 0, Ww - 1)
    wy = py - jnp.floor(py)
    wx = px - jnp.floor(px)
    c = marks * (C - 1)
    c0 = jnp.clip(jnp.floor(c).astype(jnp.int32), 0, C - 1)
    c1 = jnp.clip(c0 + 1, 0, C - 1)
    wc = c - jnp.floor(c)

    def gather_plane(cc):
        v00 = image3d[cc, y0, x0]
        v01 = image3d[cc, y0, x1]
        v10 = image3d[cc, y1, x0]
        v11 = image3d[cc, y1, x1]
        return (1.0 - wy) * ((1.0 - wx) * v00 + wx * v01) + wy * ((1.0 - wx) * v10 + wx * v11)

    return (1.0 - wc) * gather_plane(c0) + wc * gather_plane(c1)


def reference(points, points_mask, position_energy_map, marks_energy_map_0, marks_energy_map_1, marks_energy_map_2):
    n_sets, n_points = points.shape[0], points.shape[1]
    Hh, Ww = position_energy_map.shape[2], position_energy_map.shape[3]
    py = points[..., 0] * (Hh - 1)
    px = points[..., 1] * (Ww - 1)
    # position term
    position_energies = _bilinear2d(position_energy_map[0, 0], py, px)
    position_energies = position_energies.reshape((n_sets, n_points)) * points_mask
    outs = [position_energies]
    # mark terms
    mark_maps = [marks_energy_map_0, marks_energy_map_1, marks_energy_map_2]
    for i, mm in enumerate(mark_maps):
        me = _interpolate_marks(mm, points[..., 2 + i], py, px)
        outs.append(me.reshape((n_sets, n_points)) * points_mask)
    return jnp.stack(outs, axis=0)  # [1 + n_marks, n_sets, n_points]

if __name__ == "__main__":
    import jax
    _d = setup_inputs()
    print(jax.jit(kernel)(*tuple(_d.values())))

</pallas_src>

<mosaic_0001>
#map = affine_map<(d0, d1) -> (0)>
module attributes {stable_mosaic.version = 14 : i64} {
  func.func @_sc_body(%arg0: i32, %arg1: i32, %arg2: memref<65536xf32, #tpu.memory_space<hbm>>, %arg3: memref<65536xf32, #tpu.memory_space<hbm>>, %arg4: memref<65536xf32, #tpu.memory_space<hbm>>, %arg5: memref<65536xf32, #tpu.memory_space<hbm>>, %arg6: memref<65536xf32, #tpu.memory_space<hbm>>, %arg7: memref<65536xf32, #tpu.memory_space<hbm>>, %arg8: memref<262144xf32, #tpu.memory_space<hbm>>, %arg9: memref<8388608xf32, #tpu.memory_space<hbm>>, %arg10: memref<8388608xf32, #tpu.memory_space<hbm>>, %arg11: memref<8388608xf32, #tpu.memory_space<hbm>>, %arg12: memref<262144xf32, #tpu.memory_space<hbm>>, %arg13: memref<2048xf32, #tpu.memory_space<vmem>>, %arg14: memref<2048xf32, #tpu.memory_space<vmem>>, %arg15: memref<2048xf32, #tpu.memory_space<vmem>>, %arg16: memref<2048xf32, #tpu.memory_space<vmem>>, %arg17: memref<2048xf32, #tpu.memory_space<vmem>>, %arg18: memref<2048xf32, #tpu.memory_space<vmem>>, %arg19: memref<2048xi32, #tpu.memory_space<vmem>>, %arg20: memref<4096xi32, #tpu.memory_space<vmem>>, %arg21: memref<4096xi32, #tpu.memory_space<vmem>>, %arg22: memref<4096xi32, #tpu.memory_space<vmem>>, %arg23: memref<2048xf32, #tpu.memory_space<vmem>>, %arg24: memref<4096xf32, #tpu.memory_space<vmem>>, %arg25: memref<4096xf32, #tpu.memory_space<vmem>>, %arg26: memref<4096xf32, #tpu.memory_space<vmem>>, %arg27: memref<2048xi32, #tpu.memory_space<vmem>>, %arg28: memref<4096xi32, #tpu.memory_space<vmem>>, %arg29: memref<4096xi32, #tpu.memory_space<vmem>>, %arg30: memref<4096xi32, #tpu.memory_space<vmem>>, %arg31: memref<2048xf32, #tpu.memory_space<vmem>>, %arg32: memref<4096xf32, #tpu.memory_space<vmem>>, %arg33: memref<4096xf32, #tpu.memory_space<vmem>>, %arg34: memref<4096xf32, #tpu.memory_space<vmem>>, %arg35: memref<2048xf32, #tpu.memory_space<vmem>>, %arg36: memref<2048xf32, #tpu.memory_space<vmem>>, %arg37: memref<2048xf32, #tpu.memory_space<vmem>>, %arg38: memref<2048xf32, #tpu.memory_space<vmem>>, %arg39: memref<!tpu.dma_semaphore, #tpu.memory_space<semaphore_mem>>, %arg40: memref<!tpu.dma_semaphore, #tpu.memory_space<semaphore_mem>>) attributes {dimension_semantics = [#tpu.dimension_semantics<core_parallel>, #tpu.dimension_semantics<subcore_parallel>], iteration_bounds = array<i64: 2, 16>, scalar_prefetch = 0 : i64, scratch_operands = 28 : i64, tpu.core_type = #tpu.core_type<sc_vector_subcore>, window_params = [{transform_indices = #map}, {transform_indices = #map}, {transform_indices = #map}, {transform_indices = #map}, {transform_indices = #map}, {transform_indices = #map}, {transform_indices = #map}, {transform_indices = #map}, {transform_indices = #map}, {transform_indices = #map}, {transform_indices = #map}]} {
    %mul3A = arith.constant 2 : i32
    %mul3A_0 = arith.muli %arg1, %mul3A : i32
    %add3A = arith.addi %mul3A_0, %arg0 : i32
    %mul3A_1 = arith.constant 2048 : i32
    %mul3A_2 = arith.muli %add3A, %mul3A_1 : i32
    "tpu.region"() ({
      %run_scoped3A = tpu.sem_alloc : memref<!tpu.dma_semaphore, #tpu.memory_space<semaphore_mem>>
      %dma_start3A_140 = tpu.memref_slice %arg2[%mul3A_2] : memref<65536xf32, #tpu.memory_space<hbm>> -> memref<2048xf32, #tpu.memory_space<hbm>>
      %dma_start3A_141 = tpu.memref_slice %arg2[%mul3A_2] : memref<65536xf32, #tpu.memory_space<hbm>> -> memref<2048xf32, #tpu.memory_space<hbm>>
      tpu.enqueue_dma source(%dma_start3A_141 : memref<2048xf32, #tpu.memory_space<hbm>>) target(%arg13 : memref<2048xf32, #tpu.memory_space<vmem>>) target_semaphore(%run_scoped3A : memref<!tpu.dma_semaphore, #tpu.memory_space<semaphore_mem>>)
      %dma_wait3A_142 = tpu.memref_slice %arg2[%mul3A_2] : memref<65536xf32, #tpu.memory_space<hbm>> -> memref<2048xf32, #tpu.memory_space<hbm>>
      %dma_wait3A_143 = tpu.memref_slice %arg2[%mul3A_2] : memref<65536xf32, #tpu.memory_space<hbm>> -> memref<2048xf32, #tpu.memory_space<hbm>>
      tpu.wait_dma2 semaphore(%run_scoped3A : memref<!tpu.dma_semaphore, #tpu.memory_space<semaphore_mem>>) src(%dma_wait3A_143 : memref<2048xf32, #tpu.memory_space<hbm>>) dst(%arg13 : memref<2048xf32, #tpu.memory_space<vmem>>)
      tpu.yield
    }) : () -> ()
    "tpu.region"() ({
      %run_scoped3A = tpu.sem_alloc : memref<!tpu.dma_semaphore, #tpu.memory_space<semaphore_mem>>
      %dma_start3A_140 = tpu.memref_slice %arg3[%mul3A_2] : memref<65536xf32, #tpu.memory_space<hbm>> -> memref<2048xf32, #tpu.memory_space<hbm>>
      %dma_start3A_141 = tpu.memref_slice %arg3[%mul3A_2] : memref<65536xf32, #tpu.memory_space<hbm>> -> memref<2048xf32, #tpu.memory_space<hbm>>
      tpu.enqueue_dma source(%dma_start3A_141 : memref<2048xf32, #tpu.memory_space<hbm>>) target(%arg14 : memref<2048xf32, #tpu.memory_space<vmem>>) target_semaphore(%run_scoped3A : memref<!tpu.dma_semaphore, #tpu.memory_space<semaphore_mem>>)
      %dma_wait3A_142 = tpu.memref_slice %arg3[%mul3A_2] : memref<65536xf32, #tpu.memory_space<hbm>> -> memref<2048xf32, #tpu.memory_space<hbm>>
      %dma_wait3A_143 = tpu.memref_slice %arg3[%mul3A_2] : memref<65536xf32, #tpu.memory_space<hbm>> -> memref<2048xf32, #tpu.memory_space<hbm>>
      tpu.wait_dma2 semaphore(%run_scoped3A : memref<!tpu.dma_semaphore, #tpu.memory_space<semaphore_mem>>) src(%dma_wait3A_143 : memref<2048xf32, #tpu.memory_space<hbm>>) dst(%arg14 : memref<2048xf32, #tpu.memory_space<vmem>>)
      tpu.yield
    }) : () -> ()
    "tpu.region"() ({
      %run_scoped3A = tpu.sem_alloc : memref<!tpu.dma_semaphore, #tpu.memory_space<semaphore_mem>>
      %dma_start3A_140 = tpu.memref_slice %arg4[%mul3A_2] : memref<65536xf32, #tpu.memory_space<hbm>> -> memref<2048xf32, #tpu.memory_space<hbm>>
      %dma_start3A_141 = tpu.memref_slice %arg4[%mul3A_2] : memref<65536xf32, #tpu.memory_space<hbm>> -> memref<2048xf32, #tpu.memory_space<hbm>>
      tpu.enqueue_dma source(%dma_start3A_141 : memref<2048xf32, #tpu.memory_space<hbm>>) target(%arg15 : memref<2048xf32, #tpu.memory_space<vmem>>) target_semaphore(%run_scoped3A : memref<!tpu.dma_semaphore, #tpu.memory_space<semaphore_mem>>)
      %dma_wait3A_142 = tpu.memref_slice %arg4[%mul3A_2] : memref<65536xf32, #tpu.memory_space<hbm>> -> memref<2048xf32, #tpu.memory_space<hbm>>
      %dma_wait3A_143 = tpu.memref_slice %arg4[%mul3A_2] : memref<65536xf32, #tpu.memory_space<hbm>> -> memref<2048xf32, #tpu.memory_space<hbm>>
      tpu.wait_dma2 semaphore(%run_scoped3A : memref<!tpu.dma_semaphore, #tpu.memory_space<semaphore_mem>>) src(%dma_wait3A_143 : memref<2048xf32, #tpu.memory_space<hbm>>) dst(%arg15 : memref<2048xf32, #tpu.memory_space<vmem>>)
      tpu.yield
    }) : () -> ()
    "tpu.region"() ({
      %run_scoped3A = tpu.sem_alloc : memref<!tpu.dma_semaphore, #tpu.memory_space<semaphore_mem>>
      %dma_start3A_140 = tpu.memref_slice %arg5[%mul3A_2] : memref<65536xf32, #tpu.memory_space<hbm>> -> memref<2048xf32, #tpu.memory_space<hbm>>
      %dma_start3A_141 = tpu.memref_slice %arg5[%mul3A_2] : memref<65536xf32, #tpu.memory_space<hbm>> -> memref<2048xf32, #tpu.memory_space<hbm>>
      tpu.enqueue_dma source(%dma_start3A_141 : memref<2048xf32, #tpu.memory_space<hbm>>) target(%arg16 : memref<2048xf32, #tpu.memory_space<vmem>>) target_semaphore(%run_scoped3A : memref<!tpu.dma_semaphore, #tpu.memory_space<semaphore_mem>>)
      %dma_wait3A_142 = tpu.memref_slice %arg5[%mul3A_2] : memref<65536xf32, #tpu.memory_space<hbm>> -> memref<2048xf32, #tpu.memory_space<hbm>>
      %dma_wait3A_143 = tpu.memref_slice %arg5[%mul3A_2] : memref<65536xf32, #tpu.memory_space<hbm>> -> memref<2048xf32, #tpu.memory_space<hbm>>
      tpu.wait_dma2 semaphore(%run_scoped3A : memref<!tpu.dma_semaphore, #tpu.memory_space<semaphore_mem>>) src(%dma_wait3A_143 : memref<2048xf32, #tpu.memory_space<hbm>>) dst(%arg16 : memref<2048xf32, #tpu.memory_space<vmem>>)
      tpu.yield
    }) : () -> ()
    "tpu.region"() ({
      %run_scoped3A = tpu.sem_alloc : memref<!tpu.dma_semaphore, #tpu.memory_space<semaphore_mem>>
      %dma_start3A_140 = tpu.memref_slice %arg6[%mul3A_2] : memref<65536xf32, #tpu.memory_space<hbm>> -> memref<2048xf32, #tpu.memory_space<hbm>>
      %dma_start3A_141 = tpu.memref_slice %arg6[%mul3A_2] : memref<65536xf32, #tpu.memory_space<hbm>> -> memref<2048xf32, #tpu.memory_space<hbm>>
      tpu.enqueue_dma source(%dma_start3A_141 : memref<2048xf32, #tpu.memory_space<hbm>>) target(%arg17 : memref<2048xf32, #tpu.memory_space<vmem>>) target_semaphore(%run_scoped3A : memref<!tpu.dma_semaphore, #tpu.memory_space<semaphore_mem>>)
      %dma_wait3A_142 = tpu.memref_slice %arg6[%mul3A_2] : memref<65536xf32, #tpu.memory_space<hbm>> -> memref<2048xf32, #tpu.memory_space<hbm>>
      %dma_wait3A_143 = tpu.memref_slice %arg6[%mul3A_2] : memref<65536xf32, #tpu.memory_space<hbm>> -> memref<2048xf32, #tpu.memory_space<hbm>>
      tpu.wait_dma2 semaphore(%run_scoped3A : memref<!tpu.dma_semaphore, #tpu.memory_space<semaphore_mem>>) src(%dma_wait3A_143 : memref<2048xf32, #tpu.memory_space<hbm>>) dst(%arg17 : memref<2048xf32, #tpu.memory_space<vmem>>)
      tpu.yield
    }) : () -> ()
    "tpu.region"() ({
      %run_scoped3A = tpu.sem_alloc : memref<!tpu.dma_semaphore, #tpu.memory_space<semaphore_mem>>
      %dma_start3A_140 = tpu.memref_slice %arg7[%mul3A_2] : memref<65536xf32, #tpu.memory_space<hbm>> -> memref<2048xf32, #tpu.memory_space<hbm>>
      %dma_start3A_141 = tpu.memref_slice %arg7[%mul3A_2] : memref<65536xf32, #tpu.memory_space<hbm>> -> memref<2048xf32, #tpu.memory_space<hbm>>
      tpu.enqueue_dma source(%dma_start3A_141 : memref<2048xf32, #tpu.memory_space<hbm>>) target(%arg18 : memref<2048xf32, #tpu.memory_space<vmem>>) target_semaphore(%run_scoped3A : memref<!tpu.dma_semaphore, #tpu.memory_space<semaphore_mem>>)
      %dma_wait3A_142 = tpu.memref_slice %arg7[%mul3A_2] : memref<65536xf32, #tpu.memory_space<hbm>> -> memref<2048xf32, #tpu.memory_space<hbm>>
      %dma_wait3A_143 = tpu.memref_slice %arg7[%mul3A_2] : memref<65536xf32, #tpu.memory_space<hbm>> -> memref<2048xf32, #tpu.memory_space<hbm>>
      tpu.wait_dma2 semaphore(%run_scoped3A : memref<!tpu.dma_semaphore, #tpu.memory_space<semaphore_mem>>) src(%dma_wait3A_143 : memref<2048xf32, #tpu.memory_space<hbm>>) dst(%arg18 : memref<2048xf32, #tpu.memory_space<vmem>>)
      tpu.yield
    }) : () -> ()
    %scan3A = arith.constant 0 : i32
    %scan3A_3 = arith.constant 0 : i32
    %scan3A_4 = arith.constant 32 : i32
    %scan3A_5 = arith.addi %scan3A_3, %scan3A_4 : i32
    %scan3A_6 = arith.constant 1 : i32
    %scan3A_7 = scf.for %scan3A_140 = %scan3A_3 to %scan3A_5 step %scan3A_6 iter_args(%scan3A_141 = %scan3A) -> (i32)  : i32 {
      %mul3A_142 = arith.constant 16 : i32
      %mul3A_143 = arith.muli %scan3A_140, %mul3A_142 : i32
      %add3A_144 = arith.constant 0 : i32
      %add3A_145 = arith.addi %add3A_144, %mul3A_143 : i32
      %mul3A_146 = arith.constant 16 : i32
      %mul3A_147 = arith.muli %scan3A_140, %mul3A_146 : i32
      %get3A = arith.index_cast %add3A_145 : i32 to index
      %get3A_148 = tpu.vector_load %arg13[%get3A] {strides = array<i32>} : memref<2048xf32, #tpu.memory_space<vmem>>, vector<16xf32>,
      %get3A_149 = vector.shape_cast %get3A_148 : vector<16xf32> to vector<16xf32>
      %mul3A_150 = arith.constant 5.110000e+02 : f32
      %mul3A_151 = vector.broadcast %mul3A_150 : f32 to vector<16xf32>
      %mul3A_152 = arith.mulf %get3A_149, %mul3A_151 : vector<16xf32>
      %get3A_153 = arith.index_cast %add3A_145 : i32 to index
      %get3A_154 = tpu.vector_load %arg14[%get3A_153] {strides = array<i32>} : memref<2048xf32, #tpu.memory_space<vmem>>, vector<16xf32>,
      %get3A_155 = vector.shape_cast %get3A_154 : vector<16xf32> to vector<16xf32>
      %mul3A_156 = arith.constant 5.110000e+02 : f32
      %mul3A_157 = vector.broadcast %mul3A_156 : f32 to vector<16xf32>
      %mul3A_158 = arith.mulf %get3A_155, %mul3A_157 : vector<16xf32>
      %convert_element_type3A = arith.fptosi %mul3A_152 : vector<16xf32> to vector<16xi32>
      %min3A = arith.constant 510 : i32
      %min3A_159 = vector.broadcast %min3A : i32 to vector<16xi32>
      %min3A_160 = arith.minsi %convert_element_type3A, %min3A_159 : vector<16xi32>
      %convert_element_type3A_161 = arith.fptosi %mul3A_158 : vector<16xf32> to vector<16xi32>
      %min3A_162 = arith.constant 510 : i32
      %min3A_163 = vector.broadcast %min3A_162 : i32 to vector<16xi32>
      %min3A_164 = arith.minsi %convert_element_type3A_161, %min3A_163 : vector<16xi32>
      %mul3A_165 = arith.constant 512 : i32
      %mul3A_166 = vector.broadcast %mul3A_165 : i32 to vector<16xi32>
      %mul3A_167 = arith.muli %min3A_160, %mul3A_166 : vector<16xi32>
      %add3A_168 = arith.addi %mul3A_167, %min3A_164 : vector<16xi32>
      %add3A_169 = arith.constant 0 : i32
      %add3A_170 = vector.broadcast %add3A_169 : i32 to vector<16xi32>
      %add3A_171 = arith.addi %add3A_168, %add3A_170 : vector<16xi32>
      %add3A_172 = arith.constant 0 : i32
      %add3A_173 = arith.addi %add3A_172, %mul3A_147 : i32
      %swap3A = arith.index_cast %add3A_173 : i32 to index
      %swap3A_174 = tpu.vector_load %arg19[%swap3A] {strides = array<i32>} : memref<2048xi32, #tpu.memory_space<vmem>>, vector<16xi32>,
      %swap3A_175 = vector.shape_cast %swap3A_174 : vector<16xi32> to vector<16xi32>
      %swap3A_176 = vector.shape_cast %add3A_171 : vector<16xi32> to vector<16xi32>
      tpu.vector_store %arg19[%swap3A], %swap3A_176 {strides = array<i32>} : memref<2048xi32, #tpu.memory_space<vmem>>, vector<16xi32>,
      %add3A_177 = arith.constant 1 : i32
      %add3A_178 = vector.broadcast %add3A_177 : i32 to vector<16xi32>
      %add3A_179 = arith.addi %add3A_168, %add3A_178 : vector<16xi32>
      %add3A_180 = arith.constant 512 : i32
      %add3A_181 = arith.addi %add3A_180, %mul3A_147 : i32
      %swap3A_182 = arith.index_cast %add3A_181 : i32 to index
      %swap3A_183 = tpu.vector_load %arg19[%swap3A_182] {strides = array<i32>} : memref<2048xi32, #tpu.memory_space<vmem>>, vector<16xi32>,
      %swap3A_184 = vector.shape_cast %swap3A_183 : vector<16xi32> to vector<16xi32>
      %swap3A_185 = vector.shape_cast %add3A_179 : vector<16xi32> to vector<16xi32>
      tpu.vector_store %arg19[%swap3A_182], %swap3A_185 {strides = array<i32>} : memref<2048xi32, #tpu.memory_space<vmem>>, vector<16xi32>,
      %add3A_186 = arith.constant 512 : i32
      %add3A_187 = vector.broadcast %add3A_186 : i32 to vector<16xi32>
      %add3A_188 = arith.addi %add3A_168, %add3A_187 : vector<16xi32>
      %add3A_189 = arith.constant 1024 : i32
      %add3A_190 = arith.addi %add3A_189, %mul3A_147 : i32
      %swap3A_191 = arith.index_cast %add3A_190 : i32 to index
      %swap3A_192 = tpu.vector_load %arg19[%swap3A_191] {strides = array<i32>} : memref<2048xi32, #tpu.memory_space<vmem>>, vector<16xi32>,
      %swap3A_193 = vector.shape_cast %swap3A_192 : vector<16xi32> to vector<16xi32>
      %swap3A_194 = vector.shape_cast %add3A_188 : vector<16xi32> to vector<16xi32>
      tpu.vector_store %arg19[%swap3A_191], %swap3A_194 {strides = array<i32>} : memref<2048xi32, #tpu.memory_space<vmem>>, vector<16xi32>,
      %add3A_195 = arith.constant 513 : i32
      %add3A_196 = vector.broadcast %add3A_195 : i32 to vector<16xi32>
      %add3A_197 = arith.addi %add3A_168, %add3A_196 : vector<16xi32>
      %add3A_198 = arith.constant 1536 : i32
      %add3A_199 = arith.addi %add3A_198, %mul3A_147 : i32
      %swap3A_200 = arith.index_cast %add3A_199 : i32 to index
      %swap3A_201 = tpu.vector_load %arg19[%swap3A_200] {strides = array<i32>} : memref<2048xi32, #tpu.memory_space<vmem>>, vector<16xi32>,
      %swap3A_202 = vector.shape_cast %swap3A_201 : vector<16xi32> to vector<16xi32>
      %swap3A_203 = vector.shape_cast %add3A_197 : vector<16xi32> to vector<16xi32>
      tpu.vector_store %arg19[%swap3A_200], %swap3A_203 {strides = array<i32>} : memref<2048xi32, #tpu.memory_space<vmem>>, vector<16xi32>,
      %get3A_204 = arith.index_cast %add3A_145 : i32 to index
      %get3A_205 = tpu.vector_load %arg15[%get3A_204] {strides = array<i32>} : memref<2048xf32, #tpu.memory_space<vmem>>, vector<16xf32>,
      %get3A_206 = vector.shape_cast %get3A_205 : vector<16xf32> to vector<16xf32>
      %mul3A_207 = arith.constant 3.100000e+01 : f32
      %mul3A_208 = vector.broadcast %mul3A_207 : f32 to vector<16xf32>
      %mul3A_209 = arith.mulf %get3A_206, %mul3A_208 : vector<16xf32>
      %convert_element_type3A_210 = arith.fptosi %mul3A_209 : vector<16xf32> to vector<16xi32>
      %min3A_211 = arith.constant 30 : i32
      %min3A_212 = vector.broadcast %min3A_211 : i32 to vector<16xi32>
      %min3A_213 = arith.minsi %convert_element_type3A_210, %min3A_212 : vector<16xi32>
      %mul3A_214 = arith.constant 262144 : i32
      %mul3A_215 = vector.broadcast %mul3A_214 : i32 to vector<16xi32>
      %mul3A_216 = arith.muli %min3A_213, %mul3A_215 : vector<16xi32>
      %add3A_217 = arith.addi %mul3A_216, %add3A_168 : vector<16xi32>
      %add3A_218 = arith.constant 0 : i32
      %add3A_219 = vector.broadcast %add3A_218 : i32 to vector<16xi32>
      %add3A_220 = arith.addi %add3A_217, %add3A_219 : vector<16xi32>
      %add3A_221 = arith.constant 0 : i32
      %add3A_222 = arith.addi %add3A_221, %mul3A_147 : i32
      %swap3A_223 = arith.index_cast %add3A_222 : i32 to index
      %swap3A_224 = tpu.vector_load %arg20[%swap3A_223] {strides = array<i32>} : memref<4096xi32, #tpu.memory_space<vmem>>, vector<16xi32>,
      %swap3A_225 = vector.shape_cast %swap3A_224 : vector<16xi32> to vector<16xi32>
      %swap3A_226 = vector.shape_cast %add3A_220 : vector<16xi32> to vector<16xi32>
      tpu.vector_store %arg20[%swap3A_223], %swap3A_226 {strides = array<i32>} : memref<4096xi32, #tpu.memory_space<vmem>>, vector<16xi32>,
      %add3A_227 = arith.constant 1 : i32
      %add3A_228 = vector.broadcast %add3A_227 : i32 to vector<16xi32>
      %add3A_229 = arith.addi %add3A_217, %add3A_228 : vector<16xi32>
      %add3A_230 = arith.constant 512 : i32
      %add3A_231 = arith.addi %add3A_230, %mul3A_147 : i32
      %swap3A_232 = arith.index_cast %add3A_231 : i32 to index
      %swap3A_233 = tpu.vector_load %arg20[%swap3A_232] {strides = array<i32>} : memref<4096xi32, #tpu.memory_space<vmem>>, vector<16xi32>,
      %swap3A_234 = vector.shape_cast %swap3A_233 : vector<16xi32> to vector<16xi32>
      %swap3A_235 = vector.shape_cast %add3A_229 : vector<16xi32> to vector<16xi32>
      tpu.vector_store %arg20[%swap3A_232], %swap3A_235 {strides = array<i32>} : memref<4096xi32, #tpu.memory_space<vmem>>, vector<16xi32>,
      %add3A_236 = arith.constant 512 : i32
      %add3A_237 = vector.broadcast %add3A_236 : i32 to vector<16xi32>
      %add3A_238 = arith.addi %add3A_217, %add3A_237 : vector<16xi32>
      %add3A_239 = arith.constant 1024 : i32
      %add3A_240 = arith.addi %add3A_239, %mul3A_147 : i32
      %swap3A_241 = arith.index_cast %add3A_240 : i32 to index
      %swap3A_242 = tpu.vector_load %arg20[%swap3A_241] {strides = array<i32>} : memref<4096xi32, #tpu.memory_space<vmem>>, vector<16xi32>,
      %swap3A_243 = vector.shape_cast %swap3A_242 : vector<16xi32> to vector<16xi32>
      %swap3A_244 = vector.shape_cast %add3A_238 : vector<16xi32> to vector<16xi32>
      tpu.vector_store %arg20[%swap3A_241], %swap3A_244 {strides = array<i32>} : memref<4096xi32, #tpu.memory_space<vmem>>, vector<16xi32>,
      %add3A_245 = arith.constant 513 : i32
      %add3A_246 = vector.broadcast %add3A_245 : i32 to vector<16xi32>
      %add3A_247 = arith.addi %add3A_217, %add3A_246 : vector<16xi32>
      %add3A_248 = arith.constant 1536 : i32
      %add3A_249 = arith.addi %add3A_248, %mul3A_147 : i32
      %swap3A_250 = arith.index_cast %add3A_249 : i32 to index
      %swap3A_251 = tpu.vector_load %arg20[%swap3A_250] {strides = array<i32>} : memref<4096xi32, #tpu.memory_space<vmem>>, vector<16xi32>,
      %swap3A_252 = vector.shape_cast %swap3A_251 : vector<16xi32> to vector<16xi32>
      %swap3A_253 = vector.shape_cast %add3A_247 : vector<16xi32> to vector<16xi32>
      tpu.vector_store %arg20[%swap3A_250], %swap3A_253 {strides = array<i32>} : memref<4096xi32, #tpu.memory_space<vmem>>, vector<16xi32>,
      %add3A_254 = arith.constant 262144 : i32
      %add3A_255 = vector.broadcast %add3A_254 : i32 to vector<16xi32>
      %add3A_256 = arith.addi %add3A_217, %add3A_255 : vector<16xi32>
      %add3A_257 = arith.constant 2048 : i32
      %add3A_258 = arith.addi %add3A_257, %mul3A_147 : i32
      %swap3A_259 = arith.index_cast %add3A_258 : i32 to index
      %swap3A_260 = tpu.vector_load %arg20[%swap3A_259] {strides = array<i32>} : memref<4096xi32, #tpu.memory_space<vmem>>, vector<16xi32>,
      %swap3A_261 = vector.shape_cast %swap3A_260 : vector<16xi32> to vector<16xi32>
      %swap3A_262 = vector.shape_cast %add3A_256 : vector<16xi32> to vector<16xi32>
      tpu.vector_store %arg20[%swap3A_259], %swap3A_262 {strides = array<i32>} : memref<4096xi32, #tpu.memory_space<vmem>>, vector<16xi32>,
      %add3A_263 = arith.constant 262145 : i32
      %add3A_264 = vector.broadcast %add3A_263 : i32 to vector<16xi32>
      %add3A_265 = arith.addi %add3A_217, %add3A_264 : vector<16xi32>
      %add3A_266 = arith.constant 2560 : i32
      %add3A_267 = arith.addi %add3A_266, %mul3A_147 : i32
      %swap3A_268 = arith.index_cast %add3A_267 : i32 to index
      %swap3A_269 = tpu.vector_load %arg20[%swap3A_268] {strides = array<i32>} : memref<4096xi32, #tpu.memory_space<vmem>>, vector<16xi32>,
      %swap3A_270 = vector.shape_cast %swap3A_269 : vector<16xi32> to vector<16xi32>
      %swap3A_271 = vector.shape_cast %add3A_265 : vector<16xi32> to vector<16xi32>
      tpu.vector_store %arg20[%swap3A_268], %swap3A_271 {strides = array<i32>} : memref<4096xi32, #tpu.memory_space<vmem>>, vector<16xi32>,
      %add3A_272 = arith.constant 262656 : i32
      %add3A_273 = vector.broadcast %add3A_272 : i32 to vector<16xi32>
      %add3A_274 = arith.addi %add3A_217, %add3A_273 : vector<16xi32>
      %add3A_275 = arith.constant 3072 : i32
      %add3A_276 = arith.addi %add3A_275, %mul3A_147 : i32
      %swap3A_277 = arith.index_cast %add3A_276 : i32 to index
      %swap3A_278 = tpu.vector_load %arg20[%swap3A_277] {strides = array<i32>} : memref<4096xi32, #tpu.memory_space<vmem>>, vector<16xi32>,
      %swap3A_279 = vector.shape_cast %swap3A_278 : vector<16xi32> to vector<16xi32>
      %swap3A_280 = vector.shape_cast %add3A_274 : vector<16xi32> to vector<16xi32>
      tpu.vector_store %arg20[%swap3A_277], %swap3A_280 {strides = array<i32>} : memref<4096xi32, #tpu.memory_space<vmem>>, vector<16xi32>,
      %add3A_281 = arith.constant 262657 : i32
      %add3A_282 = vector.broadcast %add3A_281 : i32 to vector<16xi32>
      %add3A_283 = arith.addi %add3A_217, %add3A_282 : vector<16xi32>
      %add3A_284 = arith.constant 3584 : i32
      %add3A_285 = arith.addi %add3A_284, %mul3A_147 : i32
      %swap3A_286 = arith.index_cast %add3A_285 : i32 to index
      %swap3A_287 = tpu.vector_load %arg20[%swap3A_286] {strides = array<i32>} : memref<4096xi32, #tpu.memory_space<vmem>>, vector<16xi32>,
      %swap3A_288 = vector.shape_cast %swap3A_287 : vector<16xi32> to vector<16xi32>
      %swap3A_289 = vector.shape_cast %add3A_283 : vector<16xi32> to vector<16xi32>
      tpu.vector_store %arg20[%swap3A_286], %swap3A_289 {strides = array<i32>} : memref<4096xi32, #tpu.memory_space<vmem>>, vector<16xi32>,
      %get3A_290 = arith.index_cast %add3A_145 : i32 to index
      %get3A_291 = tpu.vector_load %arg16[%get3A_290] {strides = array<i32>} : memref<2048xf32, #tpu.memory_space<vmem>>, vector<16xf32>,
      %get3A_292 = vector.shape_cast %get3A_291 : vector<16xf32> to vector<16xf32>
      %mul3A_293 = arith.constant 3.100000e+01 : f32
      %mul3A_294 = vector.broadcast %mul3A_293 : f32 to vector<16xf32>
      %mul3A_295 = arith.mulf %get3A_292, %mul3A_294 : vector<16xf32>
      %convert_element_type3A_296 = arith.fptosi %mul3A_295 : vector<16xf32> to vector<16xi32>
      %min3A_297 = arith.constant 30 : i32
      %min3A_298 = vector.broadcast %min3A_297 : i32 to vector<16xi32>
      %min3A_299 = arith.minsi %convert_element_type3A_296, %min3A_298 : vector<16xi32>
      %mul3A_300 = arith.constant 262144 : i32
      %mul3A_301 = vector.broadcast %mul3A_300 : i32 to vector<16xi32>
      %mul3A_302 = arith.muli %min3A_299, %mul3A_301 : vector<16xi32>
      %add3A_303 = arith.addi %mul3A_302, %add3A_168 : vector<16xi32>
      %add3A_304 = arith.constant 0 : i32
      %add3A_305 = vector.broadcast %add3A_304 : i32 to vector<16xi32>
      %add3A_306 = arith.addi %add3A_303, %add3A_305 : vector<16xi32>
      %add3A_307 = arith.constant 0 : i32
      %add3A_308 = arith.addi %add3A_307, %mul3A_147 : i32
      %swap3A_309 = arith.index_cast %add3A_308 : i32 to index
      %swap3A_310 = tpu.vector_load %arg21[%swap3A_309] {strides = array<i32>} : memref<4096xi32, #tpu.memory_space<vmem>>, vector<16xi32>,
      %swap3A_311 = vector.shape_cast %swap3A_310 : vector<16xi32> to vector<16xi32>
      %swap3A_312 = vector.shape_cast %add3A_306 : vector<16xi32> to vector<16xi32>
      tpu.vector_store %arg21[%swap3A_309], %swap3A_312 {strides = array<i32>} : memref<4096xi32, #tpu.memory_space<vmem>>, vector<16xi32>,
      %add3A_313 = arith.constant 1 : i32
      %add3A_314 = vector.broadcast %add3A_313 : i32 to vector<16xi32>
      %add3A_315 = arith.addi %add3A_303, %add3A_314 : vector<16xi32>
      %add3A_316 = arith.constant 512 : i32
      %add3A_317 = arith.addi %add3A_316, %mul3A_147 : i32
      %swap3A_318 = arith.index_cast %add3A_317 : i32 to index
      %swap3A_319 = tpu.vector_load %arg21[%swap3A_318] {strides = array<i32>} : memref<4096xi32, #tpu.memory_space<vmem>>, vector<16xi32>,
      %swap3A_320 = vector.shape_cast %swap3A_319 : vector<16xi32> to vector<16xi32>
      %swap3A_321 = vector.shape_cast %add3A_315 : vector<16xi32> to vector<16xi32>
      tpu.vector_store %arg21[%swap3A_318], %swap3A_321 {strides = array<i32>} : memref<4096xi32, #tpu.memory_space<vmem>>, vector<16xi32>,
      %add3A_322 = arith.constant 512 : i32
      %add3A_323 = vector.broadcast %add3A_322 : i32 to vector<16xi32>
      %add3A_324 = arith.addi %add3A_303, %add3A_323 : vector<16xi32>
      %add3A_325 = arith.constant 1024 : i32
      %add3A_326 = arith.addi %add3A_325, %mul3A_147 : i32
      %swap3A_327 = arith.index_cast %add3A_326 : i32 to index
      %swap3A_328 = tpu.vector_load %arg21[%swap3A_327] {strides = array<i32>} : memref<4096xi32, #tpu.memory_space<vmem>>, vector<16xi32>,
      %swap3A_329 = vector.shape_cast %swap3A_328 : vector<16xi32> to vector<16xi32>
      %swap3A_330 = vector.shape_cast %add3A_324 : vector<16xi32> to vector<16xi32>
      tpu.vector_store %arg21[%swap3A_327], %swap3A_330 {strides = array<i32>} : memref<4096xi32, #tpu.memory_space<vmem>>, vector<16xi32>,
      %add3A_331 = arith.constant 513 : i32
      %add3A_332 = vector.broadcast %add3A_331 : i32 to vector<16xi32>
      %add3A_333 = arith.addi %add3A_303, %add3A_332 : vector<16xi32>
      %add3A_334 = arith.constant 1536 : i32
      %add3A_335 = arith.addi %add3A_334, %mul3A_147 : i32
      %swap3A_336 = arith.index_cast %add3A_335 : i32 to index
      %swap3A_337 = tpu.vector_load %arg21[%swap3A_336] {strides = array<i32>} : memref<4096xi32, #tpu.memory_space<vmem>>, vector<16xi32>,
      %swap3A_338 = vector.shape_cast %swap3A_337 : vector<16xi32> to vector<16xi32>
      %swap3A_339 = vector.shape_cast %add3A_333 : vector<16xi32> to vector<16xi32>
      tpu.vector_store %arg21[%swap3A_336], %swap3A_339 {strides = array<i32>} : memref<4096xi32, #tpu.memory_space<vmem>>, vector<16xi32>,
      %add3A_340 = arith.constant 262144 : i32
      %add3A_341 = vector.broadcast %add3A_340 : i32 to vector<16xi32>
      %add3A_342 = arith.addi %add3A_303, %add3A_341 : vector<16xi32>
      %add3A_343 = arith.constant 2048 : i32
      %add3A_344 = arith.addi %add3A_343, %mul3A_147 : i32
      %swap3A_345 = arith.index_cast %add3A_344 : i32 to index
      %swap3A_346 = tpu.vector_load %arg21[%swap3A_345] {strides = array<i32>} : memref<4096xi32, #tpu.memory_space<vmem>>, vector<16xi32>,
      %swap3A_347 = vector.shape_cast %swap3A_346 : vector<16xi32> to vector<16xi32>
      %swap3A_348 = vector.shape_cast %add3A_342 : vector<16xi32> to vector<16xi32>
      tpu.vector_store %arg21[%swap3A_345], %swap3A_348 {strides = array<i32>} : memref<4096xi32, #tpu.memory_space<vmem>>, vector<16xi32>,
      %add3A_349 = arith.constant 262145 : i32
      %add3A_350 = vector.broadcast %add3A_349 : i32 to vector<16xi32>
      %add3A_351 = arith.addi %add3A_303, %add3A_350 : vector<16xi32>
      %add3A_352 = arith.constant 2560 : i32
      %add3A_353 = arith.addi %add3A_352, %mul3A_147 : i32
      %swap3A_354 = arith.index_cast %add3A_353 : i32 to index
      %swap3A_355 = tpu.vector_load %arg21[%swap3A_354] {strides = array<i32>} : memref<4096xi32, #tpu.memory_space<vmem>>, vector<16xi32>,
      %swap3A_356 = vector.shape_cast %swap3A_355 : vector<16xi32> to vector<16xi32>
      %swap3A_357 = vector.shape_cast %add3A_351 : vector<16xi32> to vector<16xi32>
      tpu.vector_store %arg21[%swap3A_354], %swap3A_357 {strides = array<i32>} : memref<4096xi32, #tpu.memory_space<vmem>>, vector<16xi32>,
      %add3A_358 = arith.constant 262656 : i32
      %add3A_359 = vector.broadcast %add3A_358 : i32 to vector<16xi32>
      %add3A_360 = arith.addi %add3A_303, %add3A_359 : vector<16xi32>
      %add3A_361 = arith.constant 3072 : i32
      %add3A_362 = arith.addi %add3A_361, %mul3A_147 : i32
      %swap3A_363 = arith.index_cast %add3A_362 : i32 to index
      %swap3A_364 = tpu.vector_load %arg21[%swap3A_363] {strides = array<i32>} : memref<4096xi32, #tpu.memory_space<vmem>>, vector<16xi32>,
      %swap3A_365 = vector.shape_cast %swap3A_364 : vector<16xi32> to vector<16xi32>
      %swap3A_366 = vector.shape_cast %add3A_360 : vector<16xi32> to vector<16xi32>
      tpu.vector_store %arg21[%swap3A_363], %swap3A_366 {strides = array<i32>} : memref<4096xi32, #tpu.memory_space<vmem>>, vector<16xi32>,
      %add3A_367 = arith.constant 262657 : i32
      %add3A_368 = vector.broadcast %add3A_367 : i32 to vector<16xi32>
      %add3A_369 = arith.addi %add3A_303, %add3A_368 : vector<16xi32>
      %add3A_370 = arith.constant 3584 : i32
      %add3A_371 = arith.addi %add3A_370, %mul3A_147 : i32
      %swap3A_372 = arith.index_cast %add3A_371 : i32 to index
      %swap3A_373 = tpu.vector_load %arg21[%swap3A_372] {strides = array<i32>} : memref<4096xi32, #tpu.memory_space<vmem>>, vector<16xi32>,
      %swap3A_374 = vector.shape_cast %swap3A_373 : vector<16xi32> to vector<16xi32>
      %swap3A_375 = vector.shape_cast %add3A_369 : vector<16xi32> to vector<16xi32>
      tpu.vector_store %arg21[%swap3A_372], %swap3A_375 {strides = array<i32>} : memref<4096xi32, #tpu.memory_space<vmem>>, vector<16xi32>,
      %get3A_376 = arith.index_cast %add3A_145 : i32 to index
      %get3A_377 = tpu.vector_load %arg17[%get3A_376] {strides = array<i32>} : memref<2048xf32, #tpu.memory_space<vmem>>, vector<16xf32>,
      %get3A_378 = vector.shape_cast %get3A_377 : vector<16xf32> to vector<16xf32>
      %mul3A_379 = arith.constant 3.100000e+01 : f32
      %mul3A_380 = vector.broadcast %mul3A_379 : f32 to vector<16xf32>
      %mul3A_381 = arith.mulf %get3A_378, %mul3A_380 : vector<16xf32>
      %convert_element_type3A_382 = arith.fptosi %mul3A_381 : vector<16xf32> to vector<16xi32>
      %min3A_383 = arith.constant 30 : i32
      %min3A_384 = vector.broadcast %min3A_383 : i32 to vector<16xi32>
      %min3A_385 = arith.minsi %convert_element_type3A_382, %min3A_384 : vector<16xi32>
      %mul3A_386 = arith.constant 262144 : i32
      %mul3A_387 = vector.broadcast %mul3A_386 : i32 to vector<16xi32>
      %mul3A_388 = arith.muli %min3A_385, %mul3A_387 : vector<16xi32>
      %add3A_389 = arith.addi %mul3A_388, %add3A_168 : vector<16xi32>
      %add3A_390 = arith.constant 0 : i32
      %add3A_391 = vector.broadcast %add3A_390 : i32 to vector<16xi32>
      %add3A_392 = arith.addi %add3A_389, %add3A_391 : vector<16xi32>
      %add3A_393 = arith.constant 0 : i32
      %add3A_394 = arith.addi %add3A_393, %mul3A_147 : i32
      %swap3A_395 = arith.index_cast %add3A_394 : i32 to index
      %swap3A_396 = tpu.vector_load %arg22[%swap3A_395] {strides = array<i32>} : memref<4096xi32, #tpu.memory_space<vmem>>, vector<16xi32>,
      %swap3A_397 = vector.shape_cast %swap3A_396 : vector<16xi32> to vector<16xi32>
      %swap3A_398 = vector.shape_cast %add3A_392 : vector<16xi32> to vector<16xi32>
      tpu.vector_store %arg22[%swap3A_395], %swap3A_398 {strides = array<i32>} : memref<4096xi32, #tpu.memory_space<vmem>>, vector<16xi32>,
      %add3A_399 = arith.constant 1 : i32
      %add3A_400 = vector.broadcast %add3A_399 : i32 to vector<16xi32>
      %add3A_401 = arith.addi %add3A_389, %add3A_400 : vector<16xi32>
      %add3A_402 = arith.constant 512 : i32
      %add3A_403 = arith.addi %add3A_402, %mul3A_147 : i32
      %swap3A_404 = arith.index_cast %add3A_403 : i32 to index
      %swap3A_405 = tpu.vector_load %arg22[%swap3A_404] {strides = array<i32>} : memref<4096xi32, #tpu.memory_space<vmem>>, vector<16xi32>,
      %swap3A_406 = vector.shape_cast %swap3A_405 : vector<16xi32> to vector<16xi32>
      %swap3A_407 = vector.shape_cast %add3A_401 : vector<16xi32> to vector<16xi32>
      tpu.vector_store %arg22[%swap3A_404], %swap3A_407 {strides = array<i32>} : memref<4096xi32, #tpu.memory_space<vmem>>, vector<16xi32>,
      %add3A_408 = arith.constant 512 : i32
      %add3A_409 = vector.broadcast %add3A_408 : i32 to vector<16xi32>
      %add3A_410 = arith.addi %add3A_389, %add3A_409 : vector<16xi32>
      %add3A_411 = arith.constant 1024 : i32
      %add3A_412 = arith.addi %add3A_411, %mul3A_147 : i32
      %swap3A_413 = arith.index_cast %add3A_412 : i32 to index
      %swap3A_414 = tpu.vector_load %arg22[%swap3A_413] {strides = array<i32>} : memref<4096xi32, #tpu.memory_space<vmem>>, vector<16xi32>,
      %swap3A_415 = vector.shape_cast %swap3A_414 : vector<16xi32> to vector<16xi32>
      %swap3A_416 = vector.shape_cast %add3A_410 : vector<16xi32> to vector<16xi32>
      tpu.vector_store %arg22[%swap3A_413], %swap3A_416 {strides = array<i32>} : memref<4096xi32, #tpu.memory_space<vmem>>, vector<16xi32>,
      %add3A_417 = arith.constant 513 : i32
      %add3A_418 = vector.broadcast %add3A_417 : i32 to vector<16xi32>
      %add3A_419 = arith.addi %add3A_389, %add3A_418 : vector<16xi32>
      %add3A_420 = arith.constant 1536 : i32
      %add3A_421 = arith.addi %add3A_420, %mul3A_147 : i32
      %swap3A_422 = arith.index_cast %add3A_421 : i32 to index
      %swap3A_423 = tpu.vector_load %arg22[%swap3A_422] {strides = array<i32>} : memref<4096xi32, #tpu.memory_space<vmem>>, vector<16xi32>,
      %swap3A_424 = vector.shape_cast %swap3A_423 : vector<16xi32> to vector<16xi32>
      %swap3A_425 = vector.shape_cast %add3A_419 : vector<16xi32> to vector<16xi32>
      tpu.vector_store %arg22[%swap3A_422], %swap3A_425 {strides = array<i32>} : memref<4096xi32, #tpu.memory_space<vmem>>, vector<16xi32>,
      %add3A_426 = arith.constant 262144 : i32
      %add3A_427 = vector.broadcast %add3A_426 : i32 to vector<16xi32>
      %add3A_428 = arith.addi %add3A_389, %add3A_427 : vector<16xi32>
      %add3A_429 = arith.constant 2048 : i32
      %add3A_430 = arith.addi %add3A_429, %mul3A_147 : i32
      %swap3A_431 = arith.index_cast %add3A_430 : i32 to index
      %swap3A_432 = tpu.vector_load %arg22[%swap3A_431] {strides = array<i32>} : memref<4096xi32, #tpu.memory_space<vmem>>, vector<16xi32>,
      %swap3A_433 = vector.shape_cast %swap3A_432 : vector<16xi32> to vector<16xi32>
      %swap3A_434 = vector.shape_cast %add3A_428 : vector<16xi32> to vector<16xi32>
      tpu.vector_store %arg22[%swap3A_431], %swap3A_434 {strides = array<i32>} : memref<4096xi32, #tpu.memory_space<vmem>>, vector<16xi32>,
      %add3A_435 = arith.constant 262145 : i32
      %add3A_436 = vector.broadcast %add3A_435 : i32 to vector<16xi32>
      %add3A_437 = arith.addi %add3A_389, %add3A_436 : vector<16xi32>
      %add3A_438 = arith.constant 2560 : i32
      %add3A_439 = arith.addi %add3A_438, %mul3A_147 : i32
      %swap3A_440 = arith.index_cast %add3A_439 : i32 to index
      %swap3A_441 = tpu.vector_load %arg22[%swap3A_440] {strides = array<i32>} : memref<4096xi32, #tpu.memory_space<vmem>>, vector<16xi32>,
      %swap3A_442 = vector.shape_cast %swap3A_441 : vector<16xi32> to vector<16xi32>
      %swap3A_443 = vector.shape_cast %add3A_437 : vector<16xi32> to vector<16xi32>
      tpu.vector_store %arg22[%swap3A_440], %swap3A_443 {strides = array<i32>} : memref<4096xi32, #tpu.memory_space<vmem>>, vector<16xi32>,
      %add3A_444 = arith.constant 262656 : i32
      %add3A_445 = vector.broadcast %add3A_444 : i32 to vector<16xi32>
      %add3A_446 = arith.addi %add3A_389, %add3A_445 : vector<16xi32>
      %add3A_447 = arith.constant 3072 : i32
      %add3A_448 = arith.addi %add3A_447, %mul3A_147 : i32
      %swap3A_449 = arith.index_cast %add3A_448 : i32 to index
      %swap3A_450 = tpu.vector_load %arg22[%swap3A_449] {strides = array<i32>} : memref<4096xi32, #tpu.memory_space<vmem>>, vector<16xi32>,
      %swap3A_451 = vector.shape_cast %swap3A_450 : vector<16xi32> to vector<16xi32>
      %swap3A_452 = vector.shape_cast %add3A_446 : vector<16xi32> to vector<16xi32>
      tpu.vector_store %arg22[%swap3A_449], %swap3A_452 {strides = array<i32>} : memref<4096xi32, #tpu.memory_space<vmem>>, vector<16xi32>,
      %add3A_453 = arith.constant 262657 : i32
      %add3A_454 = vector.broadcast %add3A_453 : i32 to vector<16xi32>
      %add3A_455 = arith.addi %add3A_389, %add3A_454 : vector<16xi32>
      %add3A_456 = arith.constant 3584 : i32
      %add3A_457 = arith.addi %add3A_456, %mul3A_147 : i32
      %swap3A_458 = arith.index_cast %add3A_457 : i32 to index
      %swap3A_459 = tpu.vector_load %arg22[%swap3A_458] {strides = array<i32>} : memref<4096xi32, #tpu.memory_space<vmem>>, vector<16xi32>,
      %swap3A_460 = vector.shape_cast %swap3A_459 : vector<16xi32> to vector<16xi32>
      %swap3A_461 = vector.shape_cast %add3A_455 : vector<16xi32> to vector<16xi32>
      tpu.vector_store %arg22[%swap3A_458], %swap3A_461 {strides = array<i32>} : memref<4096xi32, #tpu.memory_space<vmem>>, vector<16xi32>,
      %scan3A_462 = arith.constant 0 : i32
      scf.yield %scan3A_462 : i32
    }
    %scan3A_8 = arith.constant 32 : i32
    %dma_start3A = arith.constant 0 : i32
    %dma_start3A_9 = tpu.memref_slice %arg8[%dma_start3A] : memref<262144xf32, #tpu.memory_space<hbm>> -> memref<262144xf32, #tpu.memory_space<hbm>>
    tpu.enqueue_indirect_dma source(%dma_start3A_9 : memref<262144xf32, #tpu.memory_space<hbm>>) target(%arg23 : memref<2048xf32, #tpu.memory_space<vmem>>) offsets(%arg19 : memref<2048xi32, #tpu.memory_space<vmem>>) semaphore(%arg39 : memref<!tpu.dma_semaphore, #tpu.memory_space<semaphore_mem>>)
    %dma_start3A_10 = arith.constant 0 : i32
    %dma_start3A_11 = tpu.memref_slice %arg9[%dma_start3A_10] : memref<8388608xf32, #tpu.memory_space<hbm>> -> memref<8388608xf32, #tpu.memory_space<hbm>>
    tpu.enqueue_indirect_dma source(%dma_start3A_11 : memref<8388608xf32, #tpu.memory_space<hbm>>) target(%arg24 : memref<4096xf32, #tpu.memory_space<vmem>>) offsets(%arg20 : memref<4096xi32, #tpu.memory_space<vmem>>) semaphore(%arg39 : memref<!tpu.dma_semaphore, #tpu.memory_space<semaphore_mem>>)
    %dma_start3A_12 = arith.constant 0 : i32
    %dma_start3A_13 = tpu.memref_slice %arg10[%dma_start3A_12] : memref<8388608xf32, #tpu.memory_space<hbm>> -> memref<8388608xf32, #tpu.memory_space<hbm>>
    tpu.enqueue_indirect_dma source(%dma_start3A_13 : memref<8388608xf32, #tpu.memory_space<hbm>>) target(%arg25 : memref<4096xf32, #tpu.memory_space<vmem>>) offsets(%arg21 : memref<4096xi32, #tpu.memory_space<vmem>>) semaphore(%arg39 : memref<!tpu.dma_semaphore, #tpu.memory_space<semaphore_mem>>)
    %dma_start3A_14 = arith.constant 0 : i32
    %dma_start3A_15 = tpu.memref_slice %arg11[%dma_start3A_14] : memref<8388608xf32, #tpu.memory_space<hbm>> -> memref<8388608xf32, #tpu.memory_space<hbm>>
    tpu.enqueue_indirect_dma source(%dma_start3A_15 : memref<8388608xf32, #tpu.memory_space<hbm>>) target(%arg26 : memref<4096xf32, #tpu.memory_space<vmem>>) offsets(%arg22 : memref<4096xi32, #tpu.memory_space<vmem>>) semaphore(%arg39 : memref<!tpu.dma_semaphore, #tpu.memory_space<semaphore_mem>>)
    %scan3A_16 = arith.constant 0 : i32
    %scan3A_17 = arith.constant 0 : i32
    %mul3A_18 = arith.constant 2 : i32
    %mul3A_19 = arith.muli %mul3A_18, %scan3A_17 : i32
    %add3A_20 = arith.constant 1 : i32
    %add3A_21 = arith.addi %mul3A_19, %add3A_20 : i32
    %scan3A_22 = arith.constant 0 : i32
    %scan3A_23 = arith.constant 0 : i32
    %scan3A_24 = arith.constant 32 : i32
    %scan3A_25 = arith.addi %scan3A_23, %scan3A_24 : i32
    %scan3A_26 = arith.constant 1 : i32
    %scan3A_27 = scf.for %scan3A_140 = %scan3A_23 to %scan3A_25 step %scan3A_26 iter_args(%scan3A_141 = %scan3A_22) -> (i32)  : i32 {
      %mul3A_142 = arith.constant 512 : i32
      %mul3A_143 = arith.muli %add3A_21, %mul3A_142 : i32
      %mul3A_144 = arith.constant 16 : i32
      %mul3A_145 = arith.muli %scan3A_140, %mul3A_144 : i32
      %add3A_146 = arith.addi %mul3A_143, %mul3A_145 : i32
      %mul3A_147 = arith.constant 16 : i32
      %mul3A_148 = arith.muli %scan3A_140, %mul3A_147 : i32
      %get3A = arith.index_cast %add3A_146 : i32 to index
      %get3A_149 = tpu.vector_load %arg13[%get3A] {strides = array<i32>} : memref<2048xf32, #tpu.memory_space<vmem>>, vector<16xf32>,
      %get3A_150 = vector.shape_cast %get3A_149 : vector<16xf32> to vector<16xf32>
      %mul3A_151 = arith.constant 5.110000e+02 : f32
      %mul3A_152 = vector.broadcast %mul3A_151 : f32 to vector<16xf32>
      %mul3A_153 = arith.mulf %get3A_150, %mul3A_152 : vector<16xf32>
      %get3A_154 = arith.index_cast %add3A_146 : i32 to index
      %get3A_155 = tpu.vector_load %arg14[%get3A_154] {strides = array<i32>} : memref<2048xf32, #tpu.memory_space<vmem>>, vector<16xf32>,
      %get3A_156 = vector.shape_cast %get3A_155 : vector<16xf32> to vector<16xf32>
      %mul3A_157 = arith.constant 5.110000e+02 : f32
      %mul3A_158 = vector.broadcast %mul3A_157 : f32 to vector<16xf32>
      %mul3A_159 = arith.mulf %get3A_156, %mul3A_158 : vector<16xf32>
      %convert_element_type3A = arith.fptosi %mul3A_153 : vector<16xf32> to vector<16xi32>
      %min3A = arith.constant 510 : i32
      %min3A_160 = vector.broadcast %min3A : i32 to vector<16xi32>
      %min3A_161 = arith.minsi %convert_element_type3A, %min3A_160 : vector<16xi32>
      %convert_element_type3A_162 = arith.fptosi %mul3A_159 : vector<16xf32> to vector<16xi32>
      %min3A_163 = arith.constant 510 : i32
      %min3A_164 = vector.broadcast %min3A_163 : i32 to vector<16xi32>
      %min3A_165 = arith.minsi %convert_element_type3A_162, %min3A_164 : vector<16xi32>
      %mul3A_166 = arith.constant 512 : i32
      %mul3A_167 = vector.broadcast %mul3A_166 : i32 to vector<16xi32>
      %mul3A_168 = arith.muli %min3A_161, %mul3A_167 : vector<16xi32>
      %add3A_169 = arith.addi %mul3A_168, %min3A_165 : vector<16xi32>
      %add3A_170 = arith.constant 0 : i32
      %add3A_171 = vector.broadcast %add3A_170 : i32 to vector<16xi32>
      %add3A_172 = arith.addi %add3A_169, %add3A_171 : vector<16xi32>
      %add3A_173 = arith.constant 0 : i32
      %add3A_174 = arith.addi %add3A_173, %mul3A_148 : i32
      %swap3A = arith.index_cast %add3A_174 : i32 to index
      %swap3A_175 = tpu.vector_load %arg27[%swap3A] {strides = array<i32>} : memref<2048xi32, #tpu.memory_space<vmem>>, vector<16xi32>,
      %swap3A_176 = vector.shape_cast %swap3A_175 : vector<16xi32> to vector<16xi32>
      %swap3A_177 = vector.shape_cast %add3A_172 : vector<16xi32> to vector<16xi32>
      tpu.vector_store %arg27[%swap3A], %swap3A_177 {strides = array<i32>} : memref<2048xi32, #tpu.memory_space<vmem>>, vector<16xi32>,
      %add3A_178 = arith.constant 1 : i32
      %add3A_179 = vector.broadcast %add3A_178 : i32 to vector<16xi32>
      %add3A_180 = arith.addi %add3A_169, %add3A_179 : vector<16xi32>
      %add3A_181 = arith.constant 512 : i32
      %add3A_182 = arith.addi %add3A_181, %mul3A_148 : i32
      %swap3A_183 = arith.index_cast %add3A_182 : i32 to index
      %swap3A_184 = tpu.vector_load %arg27[%swap3A_183] {strides = array<i32>} : memref<2048xi32, #tpu.memory_space<vmem>>, vector<16xi32>,
      %swap3A_185 = vector.shape_cast %swap3A_184 : vector<16xi32> to vector<16xi32>
      %swap3A_186 = vector.shape_cast %add3A_180 : vector<16xi32> to vector<16xi32>
      tpu.vector_store %arg27[%swap3A_183], %swap3A_186 {strides = array<i32>} : memref<2048xi32, #tpu.memory_space<vmem>>, vector<16xi32>,
      %add3A_187 = arith.constant 512 : i32
      %add3A_188 = vector.broadcast %add3A_187 : i32 to vector<16xi32>
      %add3A_189 = arith.addi %add3A_169, %add3A_188 : vector<16xi32>
      %add3A_190 = arith.constant 1024 : i32
      %add3A_191 = arith.addi %add3A_190, %mul3A_148 : i32
      %swap3A_192 = arith.index_cast %add3A_191 : i32 to index
      %swap3A_193 = tpu.vector_load %arg27[%swap3A_192] {strides = array<i32>} : memref<2048xi32, #tpu.memory_space<vmem>>, vector<16xi32>,
      %swap3A_194 = vector.shape_cast %swap3A_193 : vector<16xi32> to vector<16xi32>
      %swap3A_195 = vector.shape_cast %add3A_189 : vector<16xi32> to vector<16xi32>
      tpu.vector_store %arg27[%swap3A_192], %swap3A_195 {strides = array<i32>} : memref<2048xi32, #tpu.memory_space<vmem>>, vector<16xi32>,
      %add3A_196 = arith.constant 513 : i32
      %add3A_197 = vector.broadcast %add3A_196 : i32 to vector<16xi32>
      %add3A_198 = arith.addi %add3A_169, %add3A_197 : vector<16xi32>
      %add3A_199 = arith.constant 1536 : i32
      %add3A_200 = arith.addi %add3A_199, %mul3A_148 : i32
      %swap3A_201 = arith.index_cast %add3A_200 : i32 to index
      %swap3A_202 = tpu.vector_load %arg27[%swap3A_201] {strides = array<i32>} : memref<2048xi32, #tpu.memory_space<vmem>>, vector<16xi32>,
      %swap3A_203 = vector.shape_cast %swap3A_202 : vector<16xi32> to vector<16xi32>
      %swap3A_204 = vector.shape_cast %add3A_198 : vector<16xi32> to vector<16xi32>
      tpu.vector_store %arg27[%swap3A_201], %swap3A_204 {strides = array<i32>} : memref<2048xi32, #tpu.memory_space<vmem>>, vector<16xi32>,
      %get3A_205 = arith.index_cast %add3A_146 : i32 to index
      %get3A_206 = tpu.vector_load %arg15[%get3A_205] {strides = array<i32>} : memref<2048xf32, #tpu.memory_space<vmem>>, vector<16xf32>,
      %get3A_207 = vector.shape_cast %get3A_206 : vector<16xf32> to vector<16xf32>
      %mul3A_208 = arith.constant 3.100000e+01 : f32
      %mul3A_209 = vector.broadcast %mul3A_208 : f32 to vector<16xf32>
      %mul3A_210 = arith.mulf %get3A_207, %mul3A_209 : vector<16xf32>
      %convert_element_type3A_211 = arith.fptosi %mul3A_210 : vector<16xf32> to vector<16xi32>
      %min3A_212 = arith.constant 30 : i32
      %min3A_213 = vector.broadcast %min3A_212 : i32 to vector<16xi32>
      %min3A_214 = arith.minsi %convert_element_type3A_211, %min3A_213 : vector<16xi32>
      %mul3A_215 = arith.constant 262144 : i32
      %mul3A_216 = vector.broadcast %mul3A_215 : i32 to vector<16xi32>
      %mul3A_217 = arith.muli %min3A_214, %mul3A_216 : vector<16xi32>
      %add3A_218 = arith.addi %mul3A_217, %add3A_169 : vector<16xi32>
      %add3A_219 = arith.constant 0 : i32
      %add3A_220 = vector.broadcast %add3A_219 : i32 to vector<16xi32>
      %add3A_221 = arith.addi %add3A_218, %add3A_220 : vector<16xi32>
      %add3A_222 = arith.constant 0 : i32
      %add3A_223 = arith.addi %add3A_222, %mul3A_148 : i32
      %swap3A_224 = arith.index_cast %add3A_223 : i32 to index
      %swap3A_225 = tpu.vector_load %arg28[%swap3A_224] {strides = array<i32>} : memref<4096xi32, #tpu.memory_space<vmem>>, vector<16xi32>,
      %swap3A_226 = vector.shape_cast %swap3A_225 : vector<16xi32> to vector<16xi32>
      %swap3A_227 = vector.shape_cast %add3A_221 : vector<16xi32> to vector<16xi32>
      tpu.vector_store %arg28[%swap3A_224], %swap3A_227 {strides = array<i32>} : memref<4096xi32, #tpu.memory_space<vmem>>, vector<16xi32>,
      %add3A_228 = arith.constant 1 : i32
      %add3A_229 = vector.broadcast %add3A_228 : i32 to vector<16xi32>
      %add3A_230 = arith.addi %add3A_218, %add3A_229 : vector<16xi32>
      %add3A_231 = arith.constant 512 : i32
      %add3A_232 = arith.addi %add3A_231, %mul3A_148 : i32
      %swap3A_233 = arith.index_cast %add3A_232 : i32 to index
      %swap3A_234 = tpu.vector_load %arg28[%swap3A_233] {strides = array<i32>} : memref<4096xi32, #tpu.memory_space<vmem>>, vector<16xi32>,
      %swap3A_235 = vector.shape_cast %swap3A_234 : vector<16xi32> to vector<16xi32>
      %swap3A_236 = vector.shape_cast %add3A_230 : vector<16xi32> to vector<16xi32>
      tpu.vector_store %arg28[%swap3A_233], %swap3A_236 {strides = array<i32>} : memref<4096xi32, #tpu.memory_space<vmem>>, vector<16xi32>,
      %add3A_237 = arith.constant 512 : i32
      %add3A_238 = vector.broadcast %add3A_237 : i32 to vector<16xi32>
      %add3A_239 = arith.addi %add3A_218, %add3A_238 : vector<16xi32>
      %add3A_240 = arith.constant 1024 : i32
      %add3A_241 = arith.addi %add3A_240, %mul3A_148 : i32
      %swap3A_242 = arith.index_cast %add3A_241 : i32 to index
      %swap3A_243 = tpu.vector_load %arg28[%swap3A_242] {strides = array<i32>} : memref<4096xi32, #tpu.memory_space<vmem>>, vector<16xi32>,
      %swap3A_244 = vector.shape_cast %swap3A_243 : vector<16xi32> to vector<16xi32>
      %swap3A_245 = vector.shape_cast %add3A_239 : vector<16xi32> to vector<16xi32>
      tpu.vector_store %arg28[%swap3A_242], %swap3A_245 {strides = array<i32>} : memref<4096xi32, #tpu.memory_space<vmem>>, vector<16xi32>,
      %add3A_246 = arith.constant 513 : i32
      %add3A_247 = vector.broadcast %add3A_246 : i32 to vector<16xi32>
      %add3A_248 = arith.addi %add3A_218, %add3A_247 : vector<16xi32>
      %add3A_249 = arith.constant 1536 : i32
      %add3A_250 = arith.addi %add3A_249, %mul3A_148 : i32
      %swap3A_251 = arith.index_cast %add3A_250 : i32 to index
      %swap3A_252 = tpu.vector_load %arg28[%swap3A_251] {strides = array<i32>} : memref<4096xi32, #tpu.memory_space<vmem>>, vector<16xi32>,
      %swap3A_253 = vector.shape_cast %swap3A_252 : vector<16xi32> to vector<16xi32>
      %swap3A_254 = vector.shape_cast %add3A_248 : vector<16xi32> to vector<16xi32>
      tpu.vector_store %arg28[%swap3A_251], %swap3A_254 {strides = array<i32>} : memref<4096xi32, #tpu.memory_space<vmem>>, vector<16xi32>,
      %add3A_255 = arith.constant 262144 : i32
      %add3A_256 = vector.broadcast %add3A_255 : i32 to vector<16xi32>
      %add3A_257 = arith.addi %add3A_218, %add3A_256 : vector<16xi32>
      %add3A_258 = arith.constant 2048 : i32
      %add3A_259 = arith.addi %add3A_258, %mul3A_148 : i32
      %swap3A_260 = arith.index_cast %add3A_259 : i32 to index
      %swap3A_261 = tpu.vector_load %arg28[%swap3A_260] {strides = array<i32>} : memref<4096xi32, #tpu.memory_space<vmem>>, vector<16xi32>,
      %swap3A_262 = vector.shape_cast %swap3A_261 : vector<16xi32> to vector<16xi32>
      %swap3A_263 = vector.shape_cast %add3A_257 : vector<16xi32> to vector<16xi32>
      tpu.vector_store %arg28[%swap3A_260], %swap3A_263 {strides = array<i32>} : memref<4096xi32, #tpu.memory_space<vmem>>, vector<16xi32>,
      %add3A_264 = arith.constant 262145 : i32
      %add3A_265 = vector.broadcast %add3A_264 : i32 to vector<16xi32>
      %add3A_266 = arith.addi %add3A_218, %add3A_265 : vector<16xi32>
      %add3A_267 = arith.constant 2560 : i32
      %add3A_268 = arith.addi %add3A_267, %mul3A_148 : i32
      %swap3A_269 = arith.index_cast %add3A_268 : i32 to index
      %swap3A_270 = tpu.vector_load %arg28[%swap3A_269] {strides = array<i32>} : memref<4096xi32, #tpu.memory_space<vmem>>, vector<16xi32>,
      %swap3A_271 = vector.shape_cast %swap3A_270 : vector<16xi32> to vector<16xi32>
      %swap3A_272 = vector.shape_cast %add3A_266 : vector<16xi32> to vector<16xi32>
      tpu.vector_store %arg28[%swap3A_269], %swap3A_272 {strides = array<i32>} : memref<4096xi32, #tpu.memory_space<vmem>>, vector<16xi32>,
      %add3A_273 = arith.constant 262656 : i32
      %add3A_274 = vector.broadcast %add3A_273 : i32 to vector<16xi32>
      %add3A_275 = arith.addi %add3A_218, %add3A_274 : vector<16xi32>
      %add3A_276 = arith.constant 3072 : i32
      %add3A_277 = arith.addi %add3A_276, %mul3A_148 : i32
      %swap3A_278 = arith.index_cast %add3A_277 : i32 to index
      %swap3A_279 = tpu.vector_load %arg28[%swap3A_278] {strides = array<i32>} : memref<4096xi32, #tpu.memory_space<vmem>>, vector<16xi32>,
      %swap3A_280 = vector.shape_cast %swap3A_279 : vector<16xi32> to vector<16xi32>
      %swap3A_281 = vector.shape_cast %add3A_275 : vector<16xi32> to vector<16xi32>
      tpu.vector_store %arg28[%swap3A_278], %swap3A_281 {strides = array<i32>} : memref<4096xi32, #tpu.memory_space<vmem>>, vector<16xi32>,
      %add3A_282 = arith.constant 262657 : i32
      %add3A_283 = vector.broadcast %add3A_282 : i32 to vector<16xi32>
      %add3A_284 = arith.addi %add3A_218, %add3A_283 : vector<16xi32>
      %add3A_285 = arith.constant 3584 : i32
      %add3A_286 = arith.addi %add3A_285, %mul3A_148 : i32
      %swap3A_287 = arith.index_cast %add3A_286 : i32 to index
      %swap3A_288 = tpu.vector_load %arg28[%swap3A_287] {strides = array<i32>} : memref<4096xi32, #tpu.memory_space<vmem>>, vector<16xi32>,
      %swap3A_289 = vector.shape_cast %swap3A_288 : vector<16xi32> to vector<16xi32>
      %swap3A_290 = vector.shape_cast %add3A_284 : vector<16xi32> to vector<16xi32>
      tpu.vector_store %arg28[%swap3A_287], %swap3A_290 {strides = array<i32>} : memref<4096xi32, #tpu.memory_space<vmem>>, vector<16xi32>,
      %get3A_291 = arith.index_cast %add3A_146 : i32 to index
      %get3A_292 = tpu.vector_load %arg16[%get3A_291] {strides = array<i32>} : memref<2048xf32, #tpu.memory_space<vmem>>, vector<16xf32>,
      %get3A_293 = vector.shape_cast %get3A_292 : vector<16xf32> to vector<16xf32>
      %mul3A_294 = arith.constant 3.100000e+01 : f32
      %mul3A_295 = vector.broadcast %mul3A_294 : f32 to vector<16xf32>
      %mul3A_296 = arith.mulf %get3A_293, %mul3A_295 : vector<16xf32>
      %convert_element_type3A_297 = arith.fptosi %mul3A_296 : vector<16xf32> to vector<16xi32>
      %min3A_298 = arith.constant 30 : i32
      %min3A_299 = vector.broadcast %min3A_298 : i32 to vector<16xi32>
      %min3A_300 = arith.minsi %convert_element_type3A_297, %min3A_299 : vector<16xi32>
      %mul3A_301 = arith.constant 262144 : i32
      %mul3A_302 = vector.broadcast %mul3A_301 : i32 to vector<16xi32>
      %mul3A_303 = arith.muli %min3A_300, %mul3A_302 : vector<16xi32>
      %add3A_304 = arith.addi %mul3A_303, %add3A_169 : vector<16xi32>
      %add3A_305 = arith.constant 0 : i32
      %add3A_306 = vector.broadcast %add3A_305 : i32 to vector<16xi32>
      %add3A_307 = arith.addi %add3A_304, %add3A_306 : vector<16xi32>
      %add3A_308 = arith.constant 0 : i32
      %add3A_309 = arith.addi %add3A_308, %mul3A_148 : i32
      %swap3A_310 = arith.index_cast %add3A_309 : i32 to index
      %swap3A_311 = tpu.vector_load %arg29[%swap3A_310] {strides = array<i32>} : memref<4096xi32, #tpu.memory_space<vmem>>, vector<16xi32>,
      %swap3A_312 = vector.shape_cast %swap3A_311 : vector<16xi32> to vector<16xi32>
      %swap3A_313 = vector.shape_cast %add3A_307 : vector<16xi32> to vector<16xi32>
      tpu.vector_store %arg29[%swap3A_310], %swap3A_313 {strides = array<i32>} : memref<4096xi32, #tpu.memory_space<vmem>>, vector<16xi32>,
      %add3A_314 = arith.constant 1 : i32
      %add3A_315 = vector.broadcast %add3A_314 : i32 to vector<16xi32>
      %add3A_316 = arith.addi %add3A_304, %add3A_315 : vector<16xi32>
      %add3A_317 = arith.constant 512 : i32
      %add3A_318 = arith.addi %add3A_317, %mul3A_148 : i32
      %swap3A_319 = arith.index_cast %add3A_318 : i32 to index
      %swap3A_320 = tpu.vector_load %arg29[%swap3A_319] {strides = array<i32>} : memref<4096xi32, #tpu.memory_space<vmem>>, vector<16xi32>,
      %swap3A_321 = vector.shape_cast %swap3A_320 : vector<16xi32> to vector<16xi32>
      %swap3A_322 = vector.shape_cast %add3A_316 : vector<16xi32> to vector<16xi32>
      tpu.vector_store %arg29[%swap3A_319], %swap3A_322 {strides = array<i32>} : memref<4096xi32, #tpu.memory_space<vmem>>, vector<16xi32>,
      %add3A_323 = arith.constant 512 : i32
      %add3A_324 = vector.broadcast %add3A_323 : i32 to vector<16xi32>
      %add3A_325 = arith.addi %add3A_304, %add3A_324 : vector<16xi32>
      %add3A_326 = arith.constant 1024 : i32
      %add3A_327 = arith.addi %add3A_326, %mul3A_148 : i32
      %swap3A_328 = arith.index_cast %add3A_327 : i32 to index
      %swap3A_329 = tpu.vector_load %arg29[%swap3A_328] {strides = array<i32>} : memref<4096xi32, #tpu.memory_space<vmem>>, vector<16xi32>,
      %swap3A_330 = vector.shape_cast %swap3A_329 : vector<16xi32> to vector<16xi32>
      %swap3A_331 = vector.shape_cast %add3A_325 : vector<16xi32> to vector<16xi32>
      tpu.vector_store %arg29[%swap3A_328], %swap3A_331 {strides = array<i32>} : memref<4096xi32, #tpu.memory_space<vmem>>, vector<16xi32>,
      %add3A_332 = arith.constant 513 : i32
      %add3A_333 = vector.broadcast %add3A_332 : i32 to vector<16xi32>
      %add3A_334 = arith.addi %add3A_304, %add3A_333 : vector<16xi32>
      %add3A_335 = arith.constant 1536 : i32
      %add3A_336 = arith.addi %add3A_335, %mul3A_148 : i32
      %swap3A_337 = arith.index_cast %add3A_336 : i32 to index
      %swap3A_338 = tpu.vector_load %arg29[%swap3A_337] {strides = array<i32>} : memref<4096xi32, #tpu.memory_space<vmem>>, vector<16xi32>,
      %swap3A_339 = vector.shape_cast %swap3A_338 : vector<16xi32> to vector<16xi32>
      %swap3A_340 = vector.shape_cast %add3A_334 : vector<16xi32> to vector<16xi32>
      tpu.vector_store %arg29[%swap3A_337], %swap3A_340 {strides = array<i32>} : memref<4096xi32, #tpu.memory_space<vmem>>, vector<16xi32>,
      %add3A_341 = arith.constant 262144 : i32
      %add3A_342 = vector.broadcast %add3A_341 : i32 to vector<16xi32>
      %add3A_343 = arith.addi %add3A_304, %add3A_342 : vector<16xi32>
      %add3A_344 = arith.constant 2048 : i32
      %add3A_345 = arith.addi %add3A_344, %mul3A_148 : i32
      %swap3A_346 = arith.index_cast %add3A_345 : i32 to index
      %swap3A_347 = tpu.vector_load %arg29[%swap3A_346] {strides = array<i32>} : memref<4096xi32, #tpu.memory_space<vmem>>, vector<16xi32>,
      %swap3A_348 = vector.shape_cast %swap3A_347 : vector<16xi32> to vector<16xi32>
      %swap3A_349 = vector.shape_cast %add3A_343 : vector<16xi32> to vector<16xi32>
      tpu.vector_store %arg29[%swap3A_346], %swap3A_349 {strides = array<i32>} : memref<4096xi32, #tpu.memory_space<vmem>>, vector<16xi32>,
      %add3A_350 = arith.constant 262145 : i32
      %add3A_351 = vector.broadcast %add3A_350 : i32 to vector<16xi32>
      %add3A_352 = arith.addi %add3A_304, %add3A_351 : vector<16xi32>
      %add3A_353 = arith.constant 2560 : i32
      %add3A_354 = arith.addi %add3A_353, %mul3A_148 : i32
      %swap3A_355 = arith.index_cast %add3A_354 : i32 to index
      %swap3A_356 = tpu.vector_load %arg29[%swap3A_355] {strides = array<i32>} : memref<4096xi32, #tpu.memory_space<vmem>>, vector<16xi32>,
      %swap3A_357 = vector.shape_cast %swap3A_356 : vector<16xi32> to vector<16xi32>
      %swap3A_358 = vector.shape_cast %add3A_352 : vector<16xi32> to vector<16xi32>
      tpu.vector_store %arg29[%swap3A_355], %swap3A_358 {strides = array<i32>} : memref<4096xi32, #tpu.memory_space<vmem>>, vector<16xi32>,
      %add3A_359 = arith.constant 262656 : i32
      %add3A_360 = vector.broadcast %add3A_359 : i32 to vector<16xi32>
      %add3A_361 = arith.addi %add3A_304, %add3A_360 : vector<16xi32>
      %add3A_362 = arith.constant 3072 : i32
      %add3A_363 = arith.addi %add3A_362, %mul3A_148 : i32
      %swap3A_364 = arith.index_cast %add3A_363 : i32 to index
      %swap3A_365 = tpu.vector_load %arg29[%swap3A_364] {strides = array<i32>} : memref<4096xi32, #tpu.memory_space<vmem>>, vector<16xi32>,
      %swap3A_366 = vector.shape_cast %swap3A_365 : vector<16xi32> to vector<16xi32>
      %swap3A_367 = vector.shape_cast %add3A_361 : vector<16xi32> to vector<16xi32>
      tpu.vector_store %arg29[%swap3A_364], %swap3A_367 {strides = array<i32>} : memref<4096xi32, #tpu.memory_space<vmem>>, vector<16xi32>,
      %add3A_368 = arith.constant 262657 : i32
      %add3A_369 = vector.broadcast %add3A_368 : i32 to vector<16xi32>
      %add3A_370 = arith.addi %add3A_304, %add3A_369 : vector<16xi32>
      %add3A_371 = arith.constant 3584 : i32
      %add3A_372 = arith.addi %add3A_371, %mul3A_148 : i32
      %swap3A_373 = arith.index_cast %add3A_372 : i32 to index
      %swap3A_374 = tpu.vector_load %arg29[%swap3A_373] {strides = array<i32>} : memref<4096xi32, #tpu.memory_space<vmem>>, vector<16xi32>,
      %swap3A_375 = vector.shape_cast %swap3A_374 : vector<16xi32> to vector<16xi32>
      %swap3A_376 = vector.shape_cast %add3A_370 : vector<16xi32> to vector<16xi32>
      tpu.vector_store %arg29[%swap3A_373], %swap3A_376 {strides = array<i32>} : memref<4096xi32, #tpu.memory_space<vmem>>, vector<16xi32>,
      %get3A_377 = arith.index_cast %add3A_146 : i32 to index
      %get3A_378 = tpu.vector_load %arg17[%get3A_377] {strides = array<i32>} : memref<2048xf32, #tpu.memory_space<vmem>>, vector<16xf32>,
      %get3A_379 = vector.shape_cast %get3A_378 : vector<16xf32> to vector<16xf32>
      %mul3A_380 = arith.constant 3.100000e+01 : f32
      %mul3A_381 = vector.broadcast %mul3A_380 : f32 to vector<16xf32>
      %mul3A_382 = arith.mulf %get3A_379, %mul3A_381 : vector<16xf32>
      %convert_element_type3A_383 = arith.fptosi %mul3A_382 : vector<16xf32> to vector<16xi32>
      %min3A_384 = arith.constant 30 : i32
      %min3A_385 = vector.broadcast %min3A_384 : i32 to vector<16xi32>
      %min3A_386 = arith.minsi %convert_element_type3A_383, %min3A_385 : vector<16xi32>
      %mul3A_387 = arith.constant 262144 : i32
      %mul3A_388 = vector.broadcast %mul3A_387 : i32 to vector<16xi32>
      %mul3A_389 = arith.muli %min3A_386, %mul3A_388 : vector<16xi32>
      %add3A_390 = arith.addi %mul3A_389, %add3A_169 : vector<16xi32>
      %add3A_391 = arith.constant 0 : i32
      %add3A_392 = vector.broadcast %add3A_391 : i32 to vector<16xi32>
      %add3A_393 = arith.addi %add3A_390, %add3A_392 : vector<16xi32>
      %add3A_394 = arith.constant 0 : i32
      %add3A_395 = arith.addi %add3A_394, %mul3A_148 : i32
      %swap3A_396 = arith.index_cast %add3A_395 : i32 to index
      %swap3A_397 = tpu.vector_load %arg30[%swap3A_396] {strides = array<i32>} : memref<4096xi32, #tpu.memory_space<vmem>>, vector<16xi32>,
      %swap3A_398 = vector.shape_cast %swap3A_397 : vector<16xi32> to vector<16xi32>
      %swap3A_399 = vector.shape_cast %add3A_393 : vector<16xi32> to vector<16xi32>
      tpu.vector_store %arg30[%swap3A_396], %swap3A_399 {strides = array<i32>} : memref<4096xi32, #tpu.memory_space<vmem>>, vector<16xi32>,
      %add3A_400 = arith.constant 1 : i32
      %add3A_401 = vector.broadcast %add3A_400 : i32 to vector<16xi32>
      %add3A_402 = arith.addi %add3A_390, %add3A_401 : vector<16xi32>
      %add3A_403 = arith.constant 512 : i32
      %add3A_404 = arith.addi %add3A_403, %mul3A_148 : i32
      %swap3A_405 = arith.index_cast %add3A_404 : i32 to index
      %swap3A_406 = tpu.vector_load %arg30[%swap3A_405] {strides = array<i32>} : memref<4096xi32, #tpu.memory_space<vmem>>, vector<16xi32>,
      %swap3A_407 = vector.shape_cast %swap3A_406 : vector<16xi32> to vector<16xi32>
      %swap3A_408 = vector.shape_cast %add3A_402 : vector<16xi32> to vector<16xi32>
      tpu.vector_store %arg30[%swap3A_405], %swap3A_408 {strides = array<i32>} : memref<4096xi32, #tpu.memory_space<vmem>>, vector<16xi32>,
      %add3A_409 = arith.constant 512 : i32
      %add3A_410 = vector.broadcast %add3A_409 : i32 to vector<16xi32>
      %add3A_411 = arith.addi %add3A_390, %add3A_410 : vector<16xi32>
      %add3A_412 = arith.constant 1024 : i32
      %add3A_413 = arith.addi %add3A_412, %mul3A_148 : i32
      %swap3A_414 = arith.index_cast %add3A_413 : i32 to index
      %swap3A_415 = tpu.vector_load %arg30[%swap3A_414] {strides = array<i32>} : memref<4096xi32, #tpu.memory_space<vmem>>, vector<16xi32>,
      %swap3A_416 = vector.shape_cast %swap3A_415 : vector<16xi32> to vector<16xi32>
      %swap3A_417 = vector.shape_cast %add3A_411 : vector<16xi32> to vector<16xi32>
      tpu.vector_store %arg30[%swap3A_414], %swap3A_417 {strides = array<i32>} : memref<4096xi32, #tpu.memory_space<vmem>>, vector<16xi32>,
      %add3A_418 = arith.constant 513 : i32
      %add3A_419 = vector.broadcast %add3A_418 : i32 to vector<16xi32>
      %add3A_420 = arith.addi %add3A_390, %add3A_419 : vector<16xi32>
      %add3A_421 = arith.constant 1536 : i32
      %add3A_422 = arith.addi %add3A_421, %mul3A_148 : i32
      %swap3A_423 = arith.index_cast %add3A_422 : i32 to index
      %swap3A_424 = tpu.vector_load %arg30[%swap3A_423] {strides = array<i32>} : memref<4096xi32, #tpu.memory_space<vmem>>, vector<16xi32>,
      %swap3A_425 = vector.shape_cast %swap3A_424 : vector<16xi32> to vector<16xi32>
      %swap3A_426 = vector.shape_cast %add3A_420 : vector<16xi32> to vector<16xi32>
      tpu.vector_store %arg30[%swap3A_423], %swap3A_426 {strides = array<i32>} : memref<4096xi32, #tpu.memory_space<vmem>>, vector<16xi32>,
      %add3A_427 = arith.constant 262144 : i32
      %add3A_428 = vector.broadcast %add3A_427 : i32 to vector<16xi32>
      %add3A_429 = arith.addi %add3A_390, %add3A_428 : vector<16xi32>
      %add3A_430 = arith.constant 2048 : i32
      %add3A_431 = arith.addi %add3A_430, %mul3A_148 : i32
      %swap3A_432 = arith.index_cast %add3A_431 : i32 to index
      %swap3A_433 = tpu.vector_load %arg30[%swap3A_432] {strides = array<i32>} : memref<4096xi32, #tpu.memory_space<vmem>>, vector<16xi32>,
      %swap3A_434 = vector.shape_cast %swap3A_433 : vector<16xi32> to vector<16xi32>
      %swap3A_435 = vector.shape_cast %add3A_429 : vector<16xi32> to vector<16xi32>
      tpu.vector_store %arg30[%swap3A_432], %swap3A_435 {strides = array<i32>} : memref<4096xi32, #tpu.memory_space<vmem>>, vector<16xi32>,
      %add3A_436 = arith.constant 262145 : i32
      %add3A_437 = vector.broadcast %add3A_436 : i32 to vector<16xi32>
      %add3A_438 = arith.addi %add3A_390, %add3A_437 : vector<16xi32>
      %add3A_439 = arith.constant 2560 : i32
      %add3A_440 = arith.addi %add3A_439, %mul3A_148 : i32
      %swap3A_441 = arith.index_cast %add3A_440 : i32 to index
      %swap3A_442 = tpu.vector_load %arg30[%swap3A_441] {strides = array<i32>} : memref<4096xi32, #tpu.memory_space<vmem>>, vector<16xi32>,
      %swap3A_443 = vector.shape_cast %swap3A_442 : vector<16xi32> to vector<16xi32>
      %swap3A_444 = vector.shape_cast %add3A_438 : vector<16xi32> to vector<16xi32>
      tpu.vector_store %arg30[%swap3A_441], %swap3A_444 {strides = array<i32>} : memref<4096xi32, #tpu.memory_space<vmem>>, vector<16xi32>,
      %add3A_445 = arith.constant 262656 : i32
      %add3A_446 = vector.broadcast %add3A_445 : i32 to vector<16xi32>
      %add3A_447 = arith.addi %add3A_390, %add3A_446 : vector<16xi32>
      %add3A_448 = arith.constant 3072 : i32
      %add3A_449 = arith.addi %add3A_448, %mul3A_148 : i32
      %swap3A_450 = arith.index_cast %add3A_449 : i32 to index
      %swap3A_451 = tpu.vector_load %arg30[%swap3A_450] {strides = array<i32>} : memref<4096xi32, #tpu.memory_space<vmem>>, vector<16xi32>,
      %swap3A_452 = vector.shape_cast %swap3A_451 : vector<16xi32> to vector<16xi32>
      %swap3A_453 = vector.shape_cast %add3A_447 : vector<16xi32> to vector<16xi32>
      tpu.vector_store %arg30[%swap3A_450], %swap3A_453 {strides = array<i32>} : memref<4096xi32, #tpu.memory_space<vmem>>, vector<16xi32>,
      %add3A_454 = arith.constant 262657 : i32
      %add3A_455 = vector.broadcast %add3A_454 : i32 to vector<16xi32>
      %add3A_456 = arith.addi %add3A_390, %add3A_455 : vector<16xi32>
      %add3A_457 = arith.constant 3584 : i32
      %add3A_458 = arith.addi %add3A_457, %mul3A_148 : i32
      %swap3A_459 = arith.index_cast %add3A_458 : i32 to index
      %swap3A_460 = tpu.vector_load %arg30[%swap3A_459] {strides = array<i32>} : memref<4096xi32, #tpu.memory_space<vmem>>, vector<16xi32>,
      %swap3A_461 = vector.shape_cast %swap3A_460 : vector<16xi32> to vector<16xi32>
      %swap3A_462 = vector.shape_cast %add3A_456 : vector<16xi32> to vector<16xi32>
      tpu.vector_store %arg30[%swap3A_459], %swap3A_462 {strides = array<i32>} : memref<4096xi32, #tpu.memory_space<vmem>>, vector<16xi32>,
      %scan3A_463 = arith.constant 0 : i32
      scf.yield %scan3A_463 : i32
    }
    %scan3A_28 = arith.constant 32 : i32
    %dma_start3A_29 = arith.constant 0 : i32
    %dma_start3A_30 = tpu.memref_slice %arg8[%dma_start3A_29] : memref<262144xf32, #tpu.memory_space<hbm>> -> memref<262144xf32, #tpu.memory_space<hbm>>
    tpu.enqueue_indirect_dma source(%dma_start3A_30 : memref<262144xf32, #tpu.memory_space<hbm>>) target(%arg31 : memref<2048xf32, #tpu.memory_space<vmem>>) offsets(%arg27 : memref<2048xi32, #tpu.memory_space<vmem>>) semaphore(%arg40 : memref<!tpu.dma_semaphore, #tpu.memory_space<semaphore_mem>>)
    %dma_start3A_31 = arith.constant 0 : i32
    %dma_start3A_32 = tpu.memref_slice %arg9[%dma_start3A_31] : memref<8388608xf32, #tpu.memory_space<hbm>> -> memref<8388608xf32, #tpu.memory_space<hbm>>
    tpu.enqueue_indirect_dma source(%dma_start3A_32 : memref<8388608xf32, #tpu.memory_space<hbm>>) target(%arg32 : memref<4096xf32, #tpu.memory_space<vmem>>) offsets(%arg28 : memref<4096xi32, #tpu.memory_space<vmem>>) semaphore(%arg40 : memref<!tpu.dma_semaphore, #tpu.memory_space<semaphore_mem>>)
    %dma_start3A_33 = arith.constant 0 : i32
    %dma_start3A_34 = tpu.memref_slice %arg10[%dma_start3A_33] : memref<8388608xf32, #tpu.memory_space<hbm>> -> memref<8388608xf32, #tpu.memory_space<hbm>>
    tpu.enqueue_indirect_dma source(%dma_start3A_34 : memref<8388608xf32, #tpu.memory_space<hbm>>) target(%arg33 : memref<4096xf32, #tpu.memory_space<vmem>>) offsets(%arg29 : memref<4096xi32, #tpu.memory_space<vmem>>) semaphore(%arg40 : memref<!tpu.dma_semaphore, #tpu.memory_space<semaphore_mem>>)
    %dma_start3A_35 = arith.constant 0 : i32
    %dma_start3A_36 = tpu.memref_slice %arg11[%dma_start3A_35] : memref<8388608xf32, #tpu.memory_space<hbm>> -> memref<8388608xf32, #tpu.memory_space<hbm>>
    tpu.enqueue_indirect_dma source(%dma_start3A_36 : memref<8388608xf32, #tpu.memory_space<hbm>>) target(%arg34 : memref<4096xf32, #tpu.memory_space<vmem>>) offsets(%arg30 : memref<4096xi32, #tpu.memory_space<vmem>>) semaphore(%arg40 : memref<!tpu.dma_semaphore, #tpu.memory_space<semaphore_mem>>)
    %dma_wait3A = arith.constant 0 : i32
    %dma_wait3A_37 = tpu.memref_slice %arg8[%dma_wait3A] : memref<262144xf32, #tpu.memory_space<hbm>> -> memref<262144xf32, #tpu.memory_space<hbm>>
    tpu.wait_indirect_dma semaphore(%arg39 : memref<!tpu.dma_semaphore, #tpu.memory_space<semaphore_mem>>) src(%dma_wait3A_37 : memref<262144xf32, #tpu.memory_space<hbm>>) dst(%arg23 : memref<2048xf32, #tpu.memory_space<vmem>>)
    %dma_wait3A_38 = arith.constant 0 : i32
    %dma_wait3A_39 = tpu.memref_slice %arg9[%dma_wait3A_38] : memref<8388608xf32, #tpu.memory_space<hbm>> -> memref<8388608xf32, #tpu.memory_space<hbm>>
    tpu.wait_indirect_dma semaphore(%arg39 : memref<!tpu.dma_semaphore, #tpu.memory_space<semaphore_mem>>) src(%dma_wait3A_39 : memref<8388608xf32, #tpu.memory_space<hbm>>) dst(%arg24 : memref<4096xf32, #tpu.memory_space<vmem>>)
    %dma_wait3A_40 = arith.constant 0 : i32
    %dma_wait3A_41 = tpu.memref_slice %arg10[%dma_wait3A_40] : memref<8388608xf32, #tpu.memory_space<hbm>> -> memref<8388608xf32, #tpu.memory_space<hbm>>
    tpu.wait_indirect_dma semaphore(%arg39 : memref<!tpu.dma_semaphore, #tpu.memory_space<semaphore_mem>>) src(%dma_wait3A_41 : memref<8388608xf32, #tpu.memory_space<hbm>>) dst(%arg25 : memref<4096xf32, #tpu.memory_space<vmem>>)
    %dma_wait3A_42 = arith.constant 0 : i32
    %dma_wait3A_43 = tpu.memref_slice %arg11[%dma_wait3A_42] : memref<8388608xf32, #tpu.memory_space<hbm>> -> memref<8388608xf32, #tpu.memory_space<hbm>>
    tpu.wait_indirect_dma semaphore(%arg39 : memref<!tpu.dma_semaphore, #tpu.memory_space<semaphore_mem>>) src(%dma_wait3A_43 : memref<8388608xf32, #tpu.memory_space<hbm>>) dst(%arg26 : memref<4096xf32, #tpu.memory_space<vmem>>)
    %scan3A_44 = arith.constant 0 : i32
    %scan3A_45 = arith.constant 0 : i32
    %scan3A_46 = arith.constant 32 : i32
    %scan3A_47 = arith.addi %scan3A_45, %scan3A_46 : i32
    %scan3A_48 = arith.constant 1 : i32
    %scan3A_49 = scf.for %scan3A_140 = %scan3A_45 to %scan3A_47 step %scan3A_48 iter_args(%scan3A_141 = %scan3A_44) -> (i32)  : i32 {
      %mul3A_142 = arith.constant 512 : i32
      %mul3A_143 = arith.muli %mul3A_19, %mul3A_142 : i32
      %mul3A_144 = arith.constant 16 : i32
      %mul3A_145 = arith.muli %scan3A_140, %mul3A_144 : i32
      %add3A_146 = arith.addi %mul3A_143, %mul3A_145 : i32
      %mul3A_147 = arith.constant 16 : i32
      %mul3A_148 = arith.muli %scan3A_140, %mul3A_147 : i32
      %get3A = arith.index_cast %add3A_146 : i32 to index
      %get3A_149 = tpu.vector_load %arg13[%get3A] {strides = array<i32>} : memref<2048xf32, #tpu.memory_space<vmem>>, vector<16xf32>,
      %get3A_150 = vector.shape_cast %get3A_149 : vector<16xf32> to vector<16xf32>
      %mul3A_151 = arith.constant 5.110000e+02 : f32
      %mul3A_152 = vector.broadcast %mul3A_151 : f32 to vector<16xf32>
      %mul3A_153 = arith.mulf %get3A_150, %mul3A_152 : vector<16xf32>
      %get3A_154 = arith.index_cast %add3A_146 : i32 to index
      %get3A_155 = tpu.vector_load %arg14[%get3A_154] {strides = array<i32>} : memref<2048xf32, #tpu.memory_space<vmem>>, vector<16xf32>,
      %get3A_156 = vector.shape_cast %get3A_155 : vector<16xf32> to vector<16xf32>
      %mul3A_157 = arith.constant 5.110000e+02 : f32
      %mul3A_158 = vector.broadcast %mul3A_157 : f32 to vector<16xf32>
      %mul3A_159 = arith.mulf %get3A_156, %mul3A_158 : vector<16xf32>
      %convert_element_type3A = arith.fptosi %mul3A_153 : vector<16xf32> to vector<16xi32>
      %min3A = arith.constant 510 : i32
      %min3A_160 = vector.broadcast %min3A : i32 to vector<16xi32>
      %min3A_161 = arith.minsi %convert_element_type3A, %min3A_160 : vector<16xi32>
      %convert_element_type3A_162 = arith.fptosi %mul3A_159 : vector<16xf32> to vector<16xi32>
      %min3A_163 = arith.constant 510 : i32
      %min3A_164 = vector.broadcast %min3A_163 : i32 to vector<16xi32>
      %min3A_165 = arith.minsi %convert_element_type3A_162, %min3A_164 : vector<16xi32>
      %convert_element_type3A_166 = arith.sitofp %min3A_161 : vector<16xi32> to vector<16xf32>
      %sub3A = arith.subf %mul3A_153, %convert_element_type3A_166 : vector<16xf32>
      %convert_element_type3A_167 = arith.sitofp %min3A_165 : vector<16xi32> to vector<16xf32>
      %sub3A_168 = arith.subf %mul3A_159, %convert_element_type3A_167 : vector<16xf32>
      %get3A_169 = arith.index_cast %add3A_146 : i32 to index
      %get3A_170 = tpu.vector_load %arg18[%get3A_169] {strides = array<i32>} : memref<2048xf32, #tpu.memory_space<vmem>>, vector<16xf32>,
      %get3A_171 = vector.shape_cast %get3A_170 : vector<16xf32> to vector<16xf32>
      %add3A_172 = arith.constant 0 : i32
      %add3A_173 = arith.addi %add3A_172, %mul3A_148 : i32
      %get3A_174 = arith.index_cast %add3A_173 : i32 to index
      %get3A_175 = tpu.vector_load %arg23[%get3A_174] {strides = array<i32>} : memref<2048xf32, #tpu.memory_space<vmem>>, vector<16xf32>,
      %get3A_176 = vector.shape_cast %get3A_175 : vector<16xf32> to vector<16xf32>
      %add3A_177 = arith.constant 512 : i32
      %add3A_178 = arith.addi %add3A_177, %mul3A_148 : i32
      %get3A_179 = arith.index_cast %add3A_178 : i32 to index
      %get3A_180 = tpu.vector_load %arg23[%get3A_179] {strides = array<i32>} : memref<2048xf32, #tpu.memory_space<vmem>>, vector<16xf32>,
      %get3A_181 = vector.shape_cast %get3A_180 : vector<16xf32> to vector<16xf32>
      %add3A_182 = arith.constant 1024 : i32
      %add3A_183 = arith.addi %add3A_182, %mul3A_148 : i32
      %get3A_184 = arith.index_cast %add3A_183 : i32 to index
      %get3A_185 = tpu.vector_load %arg23[%get3A_184] {strides = array<i32>} : memref<2048xf32, #tpu.memory_space<vmem>>, vector<16xf32>,
      %get3A_186 = vector.shape_cast %get3A_185 : vector<16xf32> to vector<16xf32>
      %add3A_187 = arith.constant 1536 : i32
      %add3A_188 = arith.addi %add3A_187, %mul3A_148 : i32
      %get3A_189 = arith.index_cast %add3A_188 : i32 to index
      %get3A_190 = tpu.vector_load %arg23[%get3A_189] {strides = array<i32>} : memref<2048xf32, #tpu.memory_space<vmem>>, vector<16xf32>,
      %get3A_191 = vector.shape_cast %get3A_190 : vector<16xf32> to vector<16xf32>
      %sub3A_192 = arith.subf %get3A_181, %get3A_176 : vector<16xf32>
      %mul3A_193 = arith.mulf %sub3A_168, %sub3A_192 : vector<16xf32>
      %add3A_194 = arith.addf %get3A_176, %mul3A_193 : vector<16xf32>
      %sub3A_195 = arith.subf %get3A_191, %get3A_186 : vector<16xf32>
      %mul3A_196 = arith.mulf %sub3A_168, %sub3A_195 : vector<16xf32>
      %add3A_197 = arith.addf %get3A_186, %mul3A_196 : vector<16xf32>
      %sub3A_198 = arith.subf %add3A_197, %add3A_194 : vector<16xf32>
      %mul3A_199 = arith.mulf %sub3A, %sub3A_198 : vector<16xf32>
      %add3A_200 = arith.addf %add3A_194, %mul3A_199 : vector<16xf32>
      %mul3A_201 = arith.mulf %add3A_200, %get3A_171 : vector<16xf32>
      %swap3A = arith.index_cast %add3A_146 : i32 to index
      %swap3A_202 = tpu.vector_load %arg35[%swap3A] {strides = array<i32>} : memref<2048xf32, #tpu.memory_space<vmem>>, vector<16xf32>,
      %swap3A_203 = vector.shape_cast %swap3A_202 : vector<16xf32> to vector<16xf32>
      %swap3A_204 = vector.shape_cast %mul3A_201 : vector<16xf32> to vector<16xf32>
      tpu.vector_store %arg35[%swap3A], %swap3A_204 {strides = array<i32>} : memref<2048xf32, #tpu.memory_space<vmem>>, vector<16xf32>,
      %get3A_205 = arith.index_cast %add3A_146 : i32 to index
      %get3A_206 = tpu.vector_load %arg15[%get3A_205] {strides = array<i32>} : memref<2048xf32, #tpu.memory_space<vmem>>, vector<16xf32>,
      %get3A_207 = vector.shape_cast %get3A_206 : vector<16xf32> to vector<16xf32>
      %mul3A_208 = arith.constant 3.100000e+01 : f32
      %mul3A_209 = vector.broadcast %mul3A_208 : f32 to vector<16xf32>
      %mul3A_210 = arith.mulf %get3A_207, %mul3A_209 : vector<16xf32>
      %convert_element_type3A_211 = arith.fptosi %mul3A_210 : vector<16xf32> to vector<16xi32>
      %min3A_212 = arith.constant 30 : i32
      %min3A_213 = vector.broadcast %min3A_212 : i32 to vector<16xi32>
      %min3A_214 = arith.minsi %convert_element_type3A_211, %min3A_213 : vector<16xi32>
      %convert_element_type3A_215 = arith.sitofp %min3A_214 : vector<16xi32> to vector<16xf32>
      %sub3A_216 = arith.subf %mul3A_210, %convert_element_type3A_215 : vector<16xf32>
      %add3A_217 = arith.constant 0 : i32
      %add3A_218 = arith.addi %add3A_217, %mul3A_148 : i32
      %get3A_219 = arith.index_cast %add3A_218 : i32 to index
      %get3A_220 = tpu.vector_load %arg24[%get3A_219] {strides = array<i32>} : memref<4096xf32, #tpu.memory_space<vmem>>, vector<16xf32>,
      %get3A_221 = vector.shape_cast %get3A_220 : vector<16xf32> to vector<16xf32>
      %add3A_222 = arith.constant 512 : i32
      %add3A_223 = arith.addi %add3A_222, %mul3A_148 : i32
      %get3A_224 = arith.index_cast %add3A_223 : i32 to index
      %get3A_225 = tpu.vector_load %arg24[%get3A_224] {strides = array<i32>} : memref<4096xf32, #tpu.memory_space<vmem>>, vector<16xf32>,
      %get3A_226 = vector.shape_cast %get3A_225 : vector<16xf32> to vector<16xf32>
      %add3A_227 = arith.constant 1024 : i32
      %add3A_228 = arith.addi %add3A_227, %mul3A_148 : i32
      %get3A_229 = arith.index_cast %add3A_228 : i32 to index
      %get3A_230 = tpu.vector_load %arg24[%get3A_229] {strides = array<i32>} : memref<4096xf32, #tpu.memory_space<vmem>>, vector<16xf32>,
      %get3A_231 = vector.shape_cast %get3A_230 : vector<16xf32> to vector<16xf32>
      %add3A_232 = arith.constant 1536 : i32
      %add3A_233 = arith.addi %add3A_232, %mul3A_148 : i32
      %get3A_234 = arith.index_cast %add3A_233 : i32 to index
      %get3A_235 = tpu.vector_load %arg24[%get3A_234] {strides = array<i32>} : memref<4096xf32, #tpu.memory_space<vmem>>, vector<16xf32>,
      %get3A_236 = vector.shape_cast %get3A_235 : vector<16xf32> to vector<16xf32>
      %add3A_237 = arith.constant 2048 : i32
      %add3A_238 = arith.addi %add3A_237, %mul3A_148 : i32
      %get3A_239 = arith.index_cast %add3A_238 : i32 to index
      %get3A_240 = tpu.vector_load %arg24[%get3A_239] {strides = array<i32>} : memref<4096xf32, #tpu.memory_space<vmem>>, vector<16xf32>,
      %get3A_241 = vector.shape_cast %get3A_240 : vector<16xf32> to vector<16xf32>
      %add3A_242 = arith.constant 2560 : i32
      %add3A_243 = arith.addi %add3A_242, %mul3A_148 : i32
      %get3A_244 = arith.index_cast %add3A_243 : i32 to index
      %get3A_245 = tpu.vector_load %arg24[%get3A_244] {strides = array<i32>} : memref<4096xf32, #tpu.memory_space<vmem>>, vector<16xf32>,
      %get3A_246 = vector.shape_cast %get3A_245 : vector<16xf32> to vector<16xf32>
      %add3A_247 = arith.constant 3072 : i32
      %add3A_248 = arith.addi %add3A_247, %mul3A_148 : i32
      %get3A_249 = arith.index_cast %add3A_248 : i32 to index
      %get3A_250 = tpu.vector_load %arg24[%get3A_249] {strides = array<i32>} : memref<4096xf32, #tpu.memory_space<vmem>>, vector<16xf32>,
      %get3A_251 = vector.shape_cast %get3A_250 : vector<16xf32> to vector<16xf32>
      %add3A_252 = arith.constant 3584 : i32
      %add3A_253 = arith.addi %add3A_252, %mul3A_148 : i32
      %get3A_254 = arith.index_cast %add3A_253 : i32 to index
      %get3A_255 = tpu.vector_load %arg24[%get3A_254] {strides = array<i32>} : memref<4096xf32, #tpu.memory_space<vmem>>, vector<16xf32>,
      %get3A_256 = vector.shape_cast %get3A_255 : vector<16xf32> to vector<16xf32>
      %sub3A_257 = arith.subf %get3A_226, %get3A_221 : vector<16xf32>
      %mul3A_258 = arith.mulf %sub3A_168, %sub3A_257 : vector<16xf32>
      %add3A_259 = arith.addf %get3A_221, %mul3A_258 : vector<16xf32>
      %sub3A_260 = arith.subf %get3A_236, %get3A_231 : vector<16xf32>
      %mul3A_261 = arith.mulf %sub3A_168, %sub3A_260 : vector<16xf32>
      %add3A_262 = arith.addf %get3A_231, %mul3A_261 : vector<16xf32>
      %sub3A_263 = arith.subf %add3A_262, %add3A_259 : vector<16xf32>
      %mul3A_264 = arith.mulf %sub3A, %sub3A_263 : vector<16xf32>
      %add3A_265 = arith.addf %add3A_259, %mul3A_264 : vector<16xf32>
      %sub3A_266 = arith.subf %get3A_246, %get3A_241 : vector<16xf32>
      %mul3A_267 = arith.mulf %sub3A_168, %sub3A_266 : vector<16xf32>
      %add3A_268 = arith.addf %get3A_241, %mul3A_267 : vector<16xf32>
      %sub3A_269 = arith.subf %get3A_256, %get3A_251 : vector<16xf32>
      %mul3A_270 = arith.mulf %sub3A_168, %sub3A_269 : vector<16xf32>
      %add3A_271 = arith.addf %get3A_251, %mul3A_270 : vector<16xf32>
      %sub3A_272 = arith.subf %add3A_271, %add3A_268 : vector<16xf32>
      %mul3A_273 = arith.mulf %sub3A, %sub3A_272 : vector<16xf32>
      %add3A_274 = arith.addf %add3A_268, %mul3A_273 : vector<16xf32>
      %sub3A_275 = arith.subf %add3A_274, %add3A_265 : vector<16xf32>
      %mul3A_276 = arith.mulf %sub3A_216, %sub3A_275 : vector<16xf32>
      %add3A_277 = arith.addf %add3A_265, %mul3A_276 : vector<16xf32>
      %mul3A_278 = arith.mulf %add3A_277, %get3A_171 : vector<16xf32>
      %swap3A_279 = arith.index_cast %add3A_146 : i32 to index
      %swap3A_280 = tpu.vector_load %arg36[%swap3A_279] {strides = array<i32>} : memref<2048xf32, #tpu.memory_space<vmem>>, vector<16xf32>,
      %swap3A_281 = vector.shape_cast %swap3A_280 : vector<16xf32> to vector<16xf32>
      %swap3A_282 = vector.shape_cast %mul3A_278 : vector<16xf32> to vector<16xf32>
      tpu.vector_store %arg36[%swap3A_279], %swap3A_282 {strides = array<i32>} : memref<2048xf32, #tpu.memory_space<vmem>>, vector<16xf32>,
      %get3A_283 = arith.index_cast %add3A_146 : i32 to index
      %get3A_284 = tpu.vector_load %arg16[%get3A_283] {strides = array<i32>} : memref<2048xf32, #tpu.memory_space<vmem>>, vector<16xf32>,
      %get3A_285 = vector.shape_cast %get3A_284 : vector<16xf32> to vector<16xf32>
      %mul3A_286 = arith.constant 3.100000e+01 : f32
      %mul3A_287 = vector.broadcast %mul3A_286 : f32 to vector<16xf32>
      %mul3A_288 = arith.mulf %get3A_285, %mul3A_287 : vector<16xf32>
      %convert_element_type3A_289 = arith.fptosi %mul3A_288 : vector<16xf32> to vector<16xi32>
      %min3A_290 = arith.constant 30 : i32
      %min3A_291 = vector.broadcast %min3A_290 : i32 to vector<16xi32>
      %min3A_292 = arith.minsi %convert_element_type3A_289, %min3A_291 : vector<16xi32>
      %convert_element_type3A_293 = arith.sitofp %min3A_292 : vector<16xi32> to vector<16xf32>
      %sub3A_294 = arith.subf %mul3A_288, %convert_element_type3A_293 : vector<16xf32>
      %add3A_295 = arith.constant 0 : i32
      %add3A_296 = arith.addi %add3A_295, %mul3A_148 : i32
      %get3A_297 = arith.index_cast %add3A_296 : i32 to index
      %get3A_298 = tpu.vector_load %arg25[%get3A_297] {strides = array<i32>} : memref<4096xf32, #tpu.memory_space<vmem>>, vector<16xf32>,
      %get3A_299 = vector.shape_cast %get3A_298 : vector<16xf32> to vector<16xf32>
      %add3A_300 = arith.constant 512 : i32
      %add3A_301 = arith.addi %add3A_300, %mul3A_148 : i32
      %get3A_302 = arith.index_cast %add3A_301 : i32 to index
      %get3A_303 = tpu.vector_load %arg25[%get3A_302] {strides = array<i32>} : memref<4096xf32, #tpu.memory_space<vmem>>, vector<16xf32>,
      %get3A_304 = vector.shape_cast %get3A_303 : vector<16xf32> to vector<16xf32>
      %add3A_305 = arith.constant 1024 : i32
      %add3A_306 = arith.addi %add3A_305, %mul3A_148 : i32
      %get3A_307 = arith.index_cast %add3A_306 : i32 to index
      %get3A_308 = tpu.vector_load %arg25[%get3A_307] {strides = array<i32>} : memref<4096xf32, #tpu.memory_space<vmem>>, vector<16xf32>,
      %get3A_309 = vector.shape_cast %get3A_308 : vector<16xf32> to vector<16xf32>
      %add3A_310 = arith.constant 1536 : i32
      %add3A_311 = arith.addi %add3A_310, %mul3A_148 : i32
      %get3A_312 = arith.index_cast %add3A_311 : i32 to index
      %get3A_313 = tpu.vector_load %arg25[%get3A_312] {strides = array<i32>} : memref<4096xf32, #tpu.memory_space<vmem>>, vector<16xf32>,
      %get3A_314 = vector.shape_cast %get3A_313 : vector<16xf32> to vector<16xf32>
      %add3A_315 = arith.constant 2048 : i32
      %add3A_316 = arith.addi %add3A_315, %mul3A_148 : i32
      %get3A_317 = arith.index_cast %add3A_316 : i32 to index
      %get3A_318 = tpu.vector_load %arg25[%get3A_317] {strides = array<i32>} : memref<4096xf32, #tpu.memory_space<vmem>>, vector<16xf32>,
      %get3A_319 = vector.shape_cast %get3A_318 : vector<16xf32> to vector<16xf32>
      %add3A_320 = arith.constant 2560 : i32
      %add3A_321 = arith.addi %add3A_320, %mul3A_148 : i32
      %get3A_322 = arith.index_cast %add3A_321 : i32 to index
      %get3A_323 = tpu.vector_load %arg25[%get3A_322] {strides = array<i32>} : memref<4096xf32, #tpu.memory_space<vmem>>, vector<16xf32>,
      %get3A_324 = vector.shape_cast %get3A_323 : vector<16xf32> to vector<16xf32>
      %add3A_325 = arith.constant 3072 : i32
      %add3A_326 = arith.addi %add3A_325, %mul3A_148 : i32
      %get3A_327 = arith.index_cast %add3A_326 : i32 to index
      %get3A_328 = tpu.vector_load %arg25[%get3A_327] {strides = array<i32>} : memref<4096xf32, #tpu.memory_space<vmem>>, vector<16xf32>,
      %get3A_329 = vector.shape_cast %get3A_328 : vector<16xf32> to vector<16xf32>
      %add3A_330 = arith.constant 3584 : i32
      %add3A_331 = arith.addi %add3A_330, %mul3A_148 : i32
      %get3A_332 = arith.index_cast %add3A_331 : i32 to index
      %get3A_333 = tpu.vector_load %arg25[%get3A_332] {strides = array<i32>} : memref<4096xf32, #tpu.memory_space<vmem>>, vector<16xf32>,
      %get3A_334 = vector.shape_cast %get3A_333 : vector<16xf32> to vector<16xf32>
      %sub3A_335 = arith.subf %get3A_304, %get3A_299 : vector<16xf32>
      %mul3A_336 = arith.mulf %sub3A_168, %sub3A_335 : vector<16xf32>
      %add3A_337 = arith.addf %get3A_299, %mul3A_336 : vector<16xf32>
      %sub3A_338 = arith.subf %get3A_314, %get3A_309 : vector<16xf32>
      %mul3A_339 = arith.mulf %sub3A_168, %sub3A_338 : vector<16xf32>
      %add3A_340 = arith.addf %get3A_309, %mul3A_339 : vector<16xf32>
      %sub3A_341 = arith.subf %add3A_340, %add3A_337 : vector<16xf32>
      %mul3A_342 = arith.mulf %sub3A, %sub3A_341 : vector<16xf32>
      %add3A_343 = arith.addf %add3A_337, %mul3A_342 : vector<16xf32>
      %sub3A_344 = arith.subf %get3A_324, %get3A_319 : vector<16xf32>
      %mul3A_345 = arith.mulf %sub3A_168, %sub3A_344 : vector<16xf32>
      %add3A_346 = arith.addf %get3A_319, %mul3A_345 : vector<16xf32>
      %sub3A_347 = arith.subf %get3A_334, %get3A_329 : vector<16xf32>
      %mul3A_348 = arith.mulf %sub3A_168, %sub3A_347 : vector<16xf32>
      %add3A_349 = arith.addf %get3A_329, %mul3A_348 : vector<16xf32>
      %sub3A_350 = arith.subf %add3A_349, %add3A_346 : vector<16xf32>
      %mul3A_351 = arith.mulf %sub3A, %sub3A_350 : vector<16xf32>
      %add3A_352 = arith.addf %add3A_346, %mul3A_351 : vector<16xf32>
      %sub3A_353 = arith.subf %add3A_352, %add3A_343 : vector<16xf32>
      %mul3A_354 = arith.mulf %sub3A_294, %sub3A_353 : vector<16xf32>
      %add3A_355 = arith.addf %add3A_343, %mul3A_354 : vector<16xf32>
      %mul3A_356 = arith.mulf %add3A_355, %get3A_171 : vector<16xf32>
      %swap3A_357 = arith.index_cast %add3A_146 : i32 to index
      %swap3A_358 = tpu.vector_load %arg37[%swap3A_357] {strides = array<i32>} : memref<2048xf32, #tpu.memory_space<vmem>>, vector<16xf32>,
      %swap3A_359 = vector.shape_cast %swap3A_358 : vector<16xf32> to vector<16xf32>
      %swap3A_360 = vector.shape_cast %mul3A_356 : vector<16xf32> to vector<16xf32>
      tpu.vector_store %arg37[%swap3A_357], %swap3A_360 {strides = array<i32>} : memref<2048xf32, #tpu.memory_space<vmem>>, vector<16xf32>,
      %get3A_361 = arith.index_cast %add3A_146 : i32 to index
      %get3A_362 = tpu.vector_load %arg17[%get3A_361] {strides = array<i32>} : memref<2048xf32, #tpu.memory_space<vmem>>, vector<16xf32>,
      %get3A_363 = vector.shape_cast %get3A_362 : vector<16xf32> to vector<16xf32>
      %mul3A_364 = arith.constant 3.100000e+01 : f32
      %mul3A_365 = vector.broadcast %mul3A_364 : f32 to vector<16xf32>
      %mul3A_366 = arith.mulf %get3A_363, %mul3A_365 : vector<16xf32>
      %convert_element_type3A_367 = arith.fptosi %mul3A_366 : vector<16xf32> to vector<16xi32>
      %min3A_368 = arith.constant 30 : i32
      %min3A_369 = vector.broadcast %min3A_368 : i32 to vector<16xi32>
      %min3A_370 = arith.minsi %convert_element_type3A_367, %min3A_369 : vector<16xi32>
      %convert_element_type3A_371 = arith.sitofp %min3A_370 : vector<16xi32> to vector<16xf32>
      %sub3A_372 = arith.subf %mul3A_366, %convert_element_type3A_371 : vector<16xf32>
      %add3A_373 = arith.constant 0 : i32
      %add3A_374 = arith.addi %add3A_373, %mul3A_148 : i32
      %get3A_375 = arith.index_cast %add3A_374 : i32 to index
      %get3A_376 = tpu.vector_load %arg26[%get3A_375] {strides = array<i32>} : memref<4096xf32, #tpu.memory_space<vmem>>, vector<16xf32>,
      %get3A_377 = vector.shape_cast %get3A_376 : vector<16xf32> to vector<16xf32>
      %add3A_378 = arith.constant 512 : i32
      %add3A_379 = arith.addi %add3A_378, %mul3A_148 : i32
      %get3A_380 = arith.index_cast %add3A_379 : i32 to index
      %get3A_381 = tpu.vector_load %arg26[%get3A_380] {strides = array<i32>} : memref<4096xf32, #tpu.memory_space<vmem>>, vector<16xf32>,
      %get3A_382 = vector.shape_cast %get3A_381 : vector<16xf32> to vector<16xf32>
      %add3A_383 = arith.constant 1024 : i32
      %add3A_384 = arith.addi %add3A_383, %mul3A_148 : i32
      %get3A_385 = arith.index_cast %add3A_384 : i32 to index
      %get3A_386 = tpu.vector_load %arg26[%get3A_385] {strides = array<i32>} : memref<4096xf32, #tpu.memory_space<vmem>>, vector<16xf32>,
      %get3A_387 = vector.shape_cast %get3A_386 : vector<16xf32> to vector<16xf32>
      %add3A_388 = arith.constant 1536 : i32
      %add3A_389 = arith.addi %add3A_388, %mul3A_148 : i32
      %get3A_390 = arith.index_cast %add3A_389 : i32 to index
      %get3A_391 = tpu.vector_load %arg26[%get3A_390] {strides = array<i32>} : memref<4096xf32, #tpu.memory_space<vmem>>, vector<16xf32>,
      %get3A_392 = vector.shape_cast %get3A_391 : vector<16xf32> to vector<16xf32>
      %add3A_393 = arith.constant 2048 : i32
      %add3A_394 = arith.addi %add3A_393, %mul3A_148 : i32
      %get3A_395 = arith.index_cast %add3A_394 : i32 to index
      %get3A_396 = tpu.vector_load %arg26[%get3A_395] {strides = array<i32>} : memref<4096xf32, #tpu.memory_space<vmem>>, vector<16xf32>,
      %get3A_397 = vector.shape_cast %get3A_396 : vector<16xf32> to vector<16xf32>
      %add3A_398 = arith.constant 2560 : i32
      %add3A_399 = arith.addi %add3A_398, %mul3A_148 : i32
      %get3A_400 = arith.index_cast %add3A_399 : i32 to index
      %get3A_401 = tpu.vector_load %arg26[%get3A_400] {strides = array<i32>} : memref<4096xf32, #tpu.memory_space<vmem>>, vector<16xf32>,
      %get3A_402 = vector.shape_cast %get3A_401 : vector<16xf32> to vector<16xf32>
      %add3A_403 = arith.constant 3072 : i32
      %add3A_404 = arith.addi %add3A_403, %mul3A_148 : i32
      %get3A_405 = arith.index_cast %add3A_404 : i32 to index
      %get3A_406 = tpu.vector_load %arg26[%get3A_405] {strides = array<i32>} : memref<4096xf32, #tpu.memory_space<vmem>>, vector<16xf32>,
      %get3A_407 = vector.shape_cast %get3A_406 : vector<16xf32> to vector<16xf32>
      %add3A_408 = arith.constant 3584 : i32
      %add3A_409 = arith.addi %add3A_408, %mul3A_148 : i32
      %get3A_410 = arith.index_cast %add3A_409 : i32 to index
      %get3A_411 = tpu.vector_load %arg26[%get3A_410] {strides = array<i32>} : memref<4096xf32, #tpu.memory_space<vmem>>, vector<16xf32>,
      %get3A_412 = vector.shape_cast %get3A_411 : vector<16xf32> to vector<16xf32>
      %sub3A_413 = arith.subf %get3A_382, %get3A_377 : vector<16xf32>
      %mul3A_414 = arith.mulf %sub3A_168, %sub3A_413 : vector<16xf32>
      %add3A_415 = arith.addf %get3A_377, %mul3A_414 : vector<16xf32>
      %sub3A_416 = arith.subf %get3A_392, %get3A_387 : vector<16xf32>
      %mul3A_417 = arith.mulf %sub3A_168, %sub3A_416 : vector<16xf32>
      %add3A_418 = arith.addf %get3A_387, %mul3A_417 : vector<16xf32>
      %sub3A_419 = arith.subf %add3A_418, %add3A_415 : vector<16xf32>
      %mul3A_420 = arith.mulf %sub3A, %sub3A_419 : vector<16xf32>
      %add3A_421 = arith.addf %add3A_415, %mul3A_420 : vector<16xf32>
      %sub3A_422 = arith.subf %get3A_402, %get3A_397 : vector<16xf32>
      %mul3A_423 = arith.mulf %sub3A_168, %sub3A_422 : vector<16xf32>
      %add3A_424 = arith.addf %get3A_397, %mul3A_423 : vector<16xf32>
      %sub3A_425 = arith.subf %get3A_412, %get3A_407 : vector<16xf32>
      %mul3A_426 = arith.mulf %sub3A_168, %sub3A_425 : vector<16xf32>
      %add3A_427 = arith.addf %get3A_407, %mul3A_426 : vector<16xf32>
      %sub3A_428 = arith.subf %add3A_427, %add3A_424 : vector<16xf32>
      %mul3A_429 = arith.mulf %sub3A, %sub3A_428 : vector<16xf32>
      %add3A_430 = arith.addf %add3A_424, %mul3A_429 : vector<16xf32>
      %sub3A_431 = arith.subf %add3A_430, %add3A_421 : vector<16xf32>
      %mul3A_432 = arith.mulf %sub3A_372, %sub3A_431 : vector<16xf32>
      %add3A_433 = arith.addf %add3A_421, %mul3A_432 : vector<16xf32>
      %mul3A_434 = arith.mulf %add3A_433, %get3A_171 : vector<16xf32>
      %swap3A_435 = arith.index_cast %add3A_146 : i32 to index
      %swap3A_436 = tpu.vector_load %arg38[%swap3A_435] {strides = array<i32>} : memref<2048xf32, #tpu.memory_space<vmem>>, vector<16xf32>,
      %swap3A_437 = vector.shape_cast %swap3A_436 : vector<16xf32> to vector<16xf32>
      %swap3A_438 = vector.shape_cast %mul3A_434 : vector<16xf32> to vector<16xf32>
      tpu.vector_store %arg38[%swap3A_435], %swap3A_438 {strides = array<i32>} : memref<2048xf32, #tpu.memory_space<vmem>>, vector<16xf32>,
      %scan3A_439 = arith.constant 0 : i32
      scf.yield %scan3A_439 : i32
    }
    %scan3A_50 = arith.constant 32 : i32
    %add3A_51 = arith.constant 2 : i32
    %add3A_52 = arith.addi %mul3A_19, %add3A_51 : i32
    %scan3A_53 = arith.constant 0 : i32
    %scan3A_54 = arith.constant 0 : i32
    %scan3A_55 = arith.constant 32 : i32
    %scan3A_56 = arith.addi %scan3A_54, %scan3A_55 : i32
    %scan3A_57 = arith.constant 1 : i32
    %scan3A_58 = scf.for %scan3A_140 = %scan3A_54 to %scan3A_56 step %scan3A_57 iter_args(%scan3A_141 = %scan3A_53) -> (i32)  : i32 {
      %mul3A_142 = arith.constant 512 : i32
      %mul3A_143 = arith.muli %add3A_52, %mul3A_142 : i32
      %mul3A_144 = arith.constant 16 : i32
      %mul3A_145 = arith.muli %scan3A_140, %mul3A_144 : i32
      %add3A_146 = arith.addi %mul3A_143, %mul3A_145 : i32
      %mul3A_147 = arith.constant 16 : i32
      %mul3A_148 = arith.muli %scan3A_140, %mul3A_147 : i32
      %get3A = arith.index_cast %add3A_146 : i32 to index
      %get3A_149 = tpu.vector_load %arg13[%get3A] {strides = array<i32>} : memref<2048xf32, #tpu.memory_space<vmem>>, vector<16xf32>,
      %get3A_150 = vector.shape_cast %get3A_149 : vector<16xf32> to vector<16xf32>
      %mul3A_151 = arith.constant 5.110000e+02 : f32
      %mul3A_152 = vector.broadcast %mul3A_151 : f32 to vector<16xf32>
      %mul3A_153 = arith.mulf %get3A_150, %mul3A_152 : vector<16xf32>
      %get3A_154 = arith.index_cast %add3A_146 : i32 to index
      %get3A_155 = tpu.vector_load %arg14[%get3A_154] {strides = array<i32>} : memref<2048xf32, #tpu.memory_space<vmem>>, vector<16xf32>,
      %get3A_156 = vector.shape_cast %get3A_155 : vector<16xf32> to vector<16xf32>
      %mul3A_157 = arith.constant 5.110000e+02 : f32
      %mul3A_158 = vector.broadcast %mul3A_157 : f32 to vector<16xf32>
      %mul3A_159 = arith.mulf %get3A_156, %mul3A_158 : vector<16xf32>
      %convert_element_type3A = arith.fptosi %mul3A_153 : vector<16xf32> to vector<16xi32>
      %min3A = arith.constant 510 : i32
      %min3A_160 = vector.broadcast %min3A : i32 to vector<16xi32>
      %min3A_161 = arith.minsi %convert_element_type3A, %min3A_160 : vector<16xi32>
      %convert_element_type3A_162 = arith.fptosi %mul3A_159 : vector<16xf32> to vector<16xi32>
      %min3A_163 = arith.constant 510 : i32
      %min3A_164 = vector.broadcast %min3A_163 : i32 to vector<16xi32>
      %min3A_165 = arith.minsi %convert_element_type3A_162, %min3A_164 : vector<16xi32>
      %mul3A_166 = arith.constant 512 : i32
      %mul3A_167 = vector.broadcast %mul3A_166 : i32 to vector<16xi32>
      %mul3A_168 = arith.muli %min3A_161, %mul3A_167 : vector<16xi32>
      %add3A_169 = arith.addi %mul3A_168, %min3A_165 : vector<16xi32>
      %add3A_170 = arith.constant 0 : i32
      %add3A_171 = vector.broadcast %add3A_170 : i32 to vector<16xi32>
      %add3A_172 = arith.addi %add3A_169, %add3A_171 : vector<16xi32>
      %add3A_173 = arith.constant 0 : i32
      %add3A_174 = arith.addi %add3A_173, %mul3A_148 : i32
      %swap3A = arith.index_cast %add3A_174 : i32 to index
      %swap3A_175 = tpu.vector_load %arg19[%swap3A] {strides = array<i32>} : memref<2048xi32, #tpu.memory_space<vmem>>, vector<16xi32>,
      %swap3A_176 = vector.shape_cast %swap3A_175 : vector<16xi32> to vector<16xi32>
      %swap3A_177 = vector.shape_cast %add3A_172 : vector<16xi32> to vector<16xi32>
      tpu.vector_store %arg19[%swap3A], %swap3A_177 {strides = array<i32>} : memref<2048xi32, #tpu.memory_space<vmem>>, vector<16xi32>,
      %add3A_178 = arith.constant 1 : i32
      %add3A_179 = vector.broadcast %add3A_178 : i32 to vector<16xi32>
      %add3A_180 = arith.addi %add3A_169, %add3A_179 : vector<16xi32>
      %add3A_181 = arith.constant 512 : i32
      %add3A_182 = arith.addi %add3A_181, %mul3A_148 : i32
      %swap3A_183 = arith.index_cast %add3A_182 : i32 to index
      %swap3A_184 = tpu.vector_load %arg19[%swap3A_183] {strides = array<i32>} : memref<2048xi32, #tpu.memory_space<vmem>>, vector<16xi32>,
      %swap3A_185 = vector.shape_cast %swap3A_184 : vector<16xi32> to vector<16xi32>
      %swap3A_186 = vector.shape_cast %add3A_180 : vector<16xi32> to vector<16xi32>
      tpu.vector_store %arg19[%swap3A_183], %swap3A_186 {strides = array<i32>} : memref<2048xi32, #tpu.memory_space<vmem>>, vector<16xi32>,
      %add3A_187 = arith.constant 512 : i32
      %add3A_188 = vector.broadcast %add3A_187 : i32 to vector<16xi32>
      %add3A_189 = arith.addi %add3A_169, %add3A_188 : vector<16xi32>
      %add3A_190 = arith.constant 1024 : i32
      %add3A_191 = arith.addi %add3A_190, %mul3A_148 : i32
      %swap3A_192 = arith.index_cast %add3A_191 : i32 to index
      %swap3A_193 = tpu.vector_load %arg19[%swap3A_192] {strides = array<i32>} : memref<2048xi32, #tpu.memory_space<vmem>>, vector<16xi32>,
      %swap3A_194 = vector.shape_cast %swap3A_193 : vector<16xi32> to vector<16xi32>
      %swap3A_195 = vector.shape_cast %add3A_189 : vector<16xi32> to vector<16xi32>
      tpu.vector_store %arg19[%swap3A_192], %swap3A_195 {strides = array<i32>} : memref<2048xi32, #tpu.memory_space<vmem>>, vector<16xi32>,
      %add3A_196 = arith.constant 513 : i32
      %add3A_197 = vector.broadcast %add3A_196 : i32 to vector<16xi32>
      %add3A_198 = arith.addi %add3A_169, %add3A_197 : vector<16xi32>
      %add3A_199 = arith.constant 1536 : i32
      %add3A_200 = arith.addi %add3A_199, %mul3A_148 : i32
      %swap3A_201 = arith.index_cast %add3A_200 : i32 to index
      %swap3A_202 = tpu.vector_load %arg19[%swap3A_201] {strides = array<i32>} : memref<2048xi32, #tpu.memory_space<vmem>>, vector<16xi32>,
      %swap3A_203 = vector.shape_cast %swap3A_202 : vector<16xi32> to vector<16xi32>
      %swap3A_204 = vector.shape_cast %add3A_198 : vector<16xi32> to vector<16xi32>
      tpu.vector_store %arg19[%swap3A_201], %swap3A_204 {strides = array<i32>} : memref<2048xi32, #tpu.memory_space<vmem>>, vector<16xi32>,
      %get3A_205 = arith.index_cast %add3A_146 : i32 to index
      %get3A_206 = tpu.vector_load %arg15[%get3A_205] {strides = array<i32>} : memref<2048xf32, #tpu.memory_space<vmem>>, vector<16xf32>,
      %get3A_207 = vector.shape_cast %get3A_206 : vector<16xf32> to vector<16xf32>
      %mul3A_208 = arith.constant 3.100000e+01 : f32
      %mul3A_209 = vector.broadcast %mul3A_208 : f32 to vector<16xf32>
      %mul3A_210 = arith.mulf %get3A_207, %mul3A_209 : vector<16xf32>
      %convert_element_type3A_211 = arith.fptosi %mul3A_210 : vector<16xf32> to vector<16xi32>
      %min3A_212 = arith.constant 30 : i32
      %min3A_213 = vector.broadcast %min3A_212 : i32 to vector<16xi32>
      %min3A_214 = arith.minsi %convert_element_type3A_211, %min3A_213 : vector<16xi32>
      %mul3A_215 = arith.constant 262144 : i32
      %mul3A_216 = vector.broadcast %mul3A_215 : i32 to vector<16xi32>
      %mul3A_217 = arith.muli %min3A_214, %mul3A_216 : vector<16xi32>
      %add3A_218 = arith.addi %mul3A_217, %add3A_169 : vector<16xi32>
      %add3A_219 = arith.constant 0 : i32
      %add3A_220 = vector.broadcast %add3A_219 : i32 to vector<16xi32>
      %add3A_221 = arith.addi %add3A_218, %add3A_220 : vector<16xi32>
      %add3A_222 = arith.constant 0 : i32
      %add3A_223 = arith.addi %add3A_222, %mul3A_148 : i32
      %swap3A_224 = arith.index_cast %add3A_223 : i32 to index
      %swap3A_225 = tpu.vector_load %arg20[%swap3A_224] {strides = array<i32>} : memref<4096xi32, #tpu.memory_space<vmem>>, vector<16xi32>,
      %swap3A_226 = vector.shape_cast %swap3A_225 : vector<16xi32> to vector<16xi32>
      %swap3A_227 = vector.shape_cast %add3A_221 : vector<16xi32> to vector<16xi32>
      tpu.vector_store %arg20[%swap3A_224], %swap3A_227 {strides = array<i32>} : memref<4096xi32, #tpu.memory_space<vmem>>, vector<16xi32>,
      %add3A_228 = arith.constant 1 : i32
      %add3A_229 = vector.broadcast %add3A_228 : i32 to vector<16xi32>
      %add3A_230 = arith.addi %add3A_218, %add3A_229 : vector<16xi32>
      %add3A_231 = arith.constant 512 : i32
      %add3A_232 = arith.addi %add3A_231, %mul3A_148 : i32
      %swap3A_233 = arith.index_cast %add3A_232 : i32 to index
      %swap3A_234 = tpu.vector_load %arg20[%swap3A_233] {strides = array<i32>} : memref<4096xi32, #tpu.memory_space<vmem>>, vector<16xi32>,
      %swap3A_235 = vector.shape_cast %swap3A_234 : vector<16xi32> to vector<16xi32>
      %swap3A_236 = vector.shape_cast %add3A_230 : vector<16xi32> to vector<16xi32>
      tpu.vector_store %arg20[%swap3A_233], %swap3A_236 {strides = array<i32>} : memref<4096xi32, #tpu.memory_space<vmem>>, vector<16xi32>,
      %add3A_237 = arith.constant 512 : i32
      %add3A_238 = vector.broadcast %add3A_237 : i32 to vector<16xi32>
      %add3A_239 = arith.addi %add3A_218, %add3A_238 : vector<16xi32>
      %add3A_240 = arith.constant 1024 : i32
      %add3A_241 = arith.addi %add3A_240, %mul3A_148 : i32
      %swap3A_242 = arith.index_cast %add3A_241 : i32 to index
      %swap3A_243 = tpu.vector_load %arg20[%swap3A_242] {strides = array<i32>} : memref<4096xi32, #tpu.memory_space<vmem>>, vector<16xi32>,
      %swap3A_244 = vector.shape_cast %swap3A_243 : vector<16xi32> to vector<16xi32>
      %swap3A_245 = vector.shape_cast %add3A_239 : vector<16xi32> to vector<16xi32>
      tpu.vector_store %arg20[%swap3A_242], %swap3A_245 {strides = array<i32>} : memref<4096xi32, #tpu.memory_space<vmem>>, vector<16xi32>,
      %add3A_246 = arith.constant 513 : i32
      %add3A_247 = vector.broadcast %add3A_246 : i32 to vector<16xi32>
      %add3A_248 = arith.addi %add3A_218, %add3A_247 : vector<16xi32>
      %add3A_249 = arith.constant 1536 : i32
      %add3A_250 = arith.addi %add3A_249, %mul3A_148 : i32
      %swap3A_251 = arith.index_cast %add3A_250 : i32 to index
      %swap3A_252 = tpu.vector_load %arg20[%swap3A_251] {strides = array<i32>} : memref<4096xi32, #tpu.memory_space<vmem>>, vector<16xi32>,
      %swap3A_253 = vector.shape_cast %swap3A_252 : vector<16xi32> to vector<16xi32>
      %swap3A_254 = vector.shape_cast %add3A_248 : vector<16xi32> to vector<16xi32>
      tpu.vector_store %arg20[%swap3A_251], %swap3A_254 {strides = array<i32>} : memref<4096xi32, #tpu.memory_space<vmem>>, vector<16xi32>,
      %add3A_255 = arith.constant 262144 : i32
      %add3A_256 = vector.broadcast %add3A_255 : i32 to vector<16xi32>
      %add3A_257 = arith.addi %add3A_218, %add3A_256 : vector<16xi32>
      %add3A_258 = arith.constant 2048 : i32
      %add3A_259 = arith.addi %add3A_258, %mul3A_148 : i32
      %swap3A_260 = arith.index_cast %add3A_259 : i32 to index
      %swap3A_261 = tpu.vector_load %arg20[%swap3A_260] {strides = array<i32>} : memref<4096xi32, #tpu.memory_space<vmem>>, vector<16xi32>,
      %swap3A_262 = vector.shape_cast %swap3A_261 : vector<16xi32> to vector<16xi32>
      %swap3A_263 = vector.shape_cast %add3A_257 : vector<16xi32> to vector<16xi32>
      tpu.vector_store %arg20[%swap3A_260], %swap3A_263 {strides = array<i32>} : memref<4096xi32, #tpu.memory_space<vmem>>, vector<16xi32>,
      %add3A_264 = arith.constant 262145 : i32
      %add3A_265 = vector.broadcast %add3A_264 : i32 to vector<16xi32>
      %add3A_266 = arith.addi %add3A_218, %add3A_265 : vector<16xi32>
      %add3A_267 = arith.constant 2560 : i32
      %add3A_268 = arith.addi %add3A_267, %mul3A_148 : i32
      %swap3A_269 = arith.index_cast %add3A_268 : i32 to index
      %swap3A_270 = tpu.vector_load %arg20[%swap3A_269] {strides = array<i32>} : memref<4096xi32, #tpu.memory_space<vmem>>, vector<16xi32>,
      %swap3A_271 = vector.shape_cast %swap3A_270 : vector<16xi32> to vector<16xi32>
      %swap3A_272 = vector.shape_cast %add3A_266 : vector<16xi32> to vector<16xi32>
      tpu.vector_store %arg20[%swap3A_269], %swap3A_272 {strides = array<i32>} : memref<4096xi32, #tpu.memory_space<vmem>>, vector<16xi32>,
      %add3A_273 = arith.constant 262656 : i32
      %add3A_274 = vector.broadcast %add3A_273 : i32 to vector<16xi32>
      %add3A_275 = arith.addi %add3A_218, %add3A_274 : vector<16xi32>
      %add3A_276 = arith.constant 3072 : i32
      %add3A_277 = arith.addi %add3A_276, %mul3A_148 : i32
      %swap3A_278 = arith.index_cast %add3A_277 : i32 to index
      %swap3A_279 = tpu.vector_load %arg20[%swap3A_278] {strides = array<i32>} : memref<4096xi32, #tpu.memory_space<vmem>>, vector<16xi32>,
      %swap3A_280 = vector.shape_cast %swap3A_279 : vector<16xi32> to vector<16xi32>
      %swap3A_281 = vector.shape_cast %add3A_275 : vector<16xi32> to vector<16xi32>
      tpu.vector_store %arg20[%swap3A_278], %swap3A_281 {strides = array<i32>} : memref<4096xi32, #tpu.memory_space<vmem>>, vector<16xi32>,
      %add3A_282 = arith.constant 262657 : i32
      %add3A_283 = vector.broadcast %add3A_282 : i32 to vector<16xi32>
      %add3A_284 = arith.addi %add3A_218, %add3A_283 : vector<16xi32>
      %add3A_285 = arith.constant 3584 : i32
      %add3A_286 = arith.addi %add3A_285, %mul3A_148 : i32
      %swap3A_287 = arith.index_cast %add3A_286 : i32 to index
      %swap3A_288 = tpu.vector_load %arg20[%swap3A_287] {strides = array<i32>} : memref<4096xi32, #tpu.memory_space<vmem>>, vector<16xi32>,
      %swap3A_289 = vector.shape_cast %swap3A_288 : vector<16xi32> to vector<16xi32>
      %swap3A_290 = vector.shape_cast %add3A_284 : vector<16xi32> to vector<16xi32>
      tpu.vector_store %arg20[%swap3A_287], %swap3A_290 {strides = array<i32>} : memref<4096xi32, #tpu.memory_space<vmem>>, vector<16xi32>,
      %get3A_291 = arith.index_cast %add3A_146 : i32 to index
      %get3A_292 = tpu.vector_load %arg16[%get3A_291] {strides = array<i32>} : memref<2048xf32, #tpu.memory_space<vmem>>, vector<16xf32>,
      %get3A_293 = vector.shape_cast %get3A_292 : vector<16xf32> to vector<16xf32>
      %mul3A_294 = arith.constant 3.100000e+01 : f32
      %mul3A_295 = vector.broadcast %mul3A_294 : f32 to vector<16xf32>
      %mul3A_296 = arith.mulf %get3A_293, %mul3A_295 : vector<16xf32>
      %convert_element_type3A_297 = arith.fptosi %mul3A_296 : vector<16xf32> to vector<16xi32>
      %min3A_298 = arith.constant 30 : i32
      %min3A_299 = vector.broadcast %min3A_298 : i32 to vector<16xi32>
      %min3A_300 = arith.minsi %convert_element_type3A_297, %min3A_299 : vector<16xi32>
      %mul3A_301 = arith.constant 262144 : i32
      %mul3A_302 = vector.broadcast %mul3A_301 : i32 to vector<16xi32>
      %mul3A_303 = arith.muli %min3A_300, %mul3A_302 : vector<16xi32>
      %add3A_304 = arith.addi %mul3A_303, %add3A_169 : vector<16xi32>
      %add3A_305 = arith.constant 0 : i32
      %add3A_306 = vector.broadcast %add3A_305 : i32 to vector<16xi32>
      %add3A_307 = arith.addi %add3A_304, %add3A_306 : vector<16xi32>
      %add3A_308 = arith.constant 0 : i32
      %add3A_309 = arith.addi %add3A_308, %mul3A_148 : i32
      %swap3A_310 = arith.index_cast %add3A_309 : i32 to index
      %swap3A_311 = tpu.vector_load %arg21[%swap3A_310] {strides = array<i32>} : memref<4096xi32, #tpu.memory_space<vmem>>, vector<16xi32>,
      %swap3A_312 = vector.shape_cast %swap3A_311 : vector<16xi32> to vector<16xi32>
      %swap3A_313 = vector.shape_cast %add3A_307 : vector<16xi32> to vector<16xi32>
      tpu.vector_store %arg21[%swap3A_310], %swap3A_313 {strides = array<i32>} : memref<4096xi32, #tpu.memory_space<vmem>>, vector<16xi32>,
      %add3A_314 = arith.constant 1 : i32
      %add3A_315 = vector.broadcast %add3A_314 : i32 to vector<16xi32>
      %add3A_316 = arith.addi %add3A_304, %add3A_315 : vector<16xi32>
      %add3A_317 = arith.constant 512 : i32
      %add3A_318 = arith.addi %add3A_317, %mul3A_148 : i32
      %swap3A_319 = arith.index_cast %add3A_318 : i32 to index
      %swap3A_320 = tpu.vector_load %arg21[%swap3A_319] {strides = array<i32>} : memref<4096xi32, #tpu.memory_space<vmem>>, vector<16xi32>,
      %swap3A_321 = vector.shape_cast %swap3A_320 : vector<16xi32> to vector<16xi32>
      %swap3A_322 = vector.shape_cast %add3A_316 : vector<16xi32> to vector<16xi32>
      tpu.vector_store %arg21[%swap3A_319], %swap3A_322 {strides = array<i32>} : memref<4096xi32, #tpu.memory_space<vmem>>, vector<16xi32>,
      %add3A_323 = arith.constant 512 : i32
      %add3A_324 = vector.broadcast %add3A_323 : i32 to vector<16xi32>
      %add3A_325 = arith.addi %add3A_304, %add3A_324 : vector<16xi32>
      %add3A_326 = arith.constant 1024 : i32
      %add3A_327 = arith.addi %add3A_326, %mul3A_148 : i32
      %swap3A_328 = arith.index_cast %add3A_327 : i32 to index
      %swap3A_329 = tpu.vector_load %arg21[%swap3A_328] {strides = array<i32>} : memref<4096xi32, #tpu.memory_space<vmem>>, vector<16xi32>,
      %swap3A_330 = vector.shape_cast %swap3A_329 : vector<16xi32> to vector<16xi32>
      %swap3A_331 = vector.shape_cast %add3A_325 : vector<16xi32> to vector<16xi32>
      tpu.vector_store %arg21[%swap3A_328], %swap3A_331 {strides = array<i32>} : memref<4096xi32, #tpu.memory_space<vmem>>, vector<16xi32>,
      %add3A_332 = arith.constant 513 : i32
      %add3A_333 = vector.broadcast %add3A_332 : i32 to vector<16xi32>
      %add3A_334 = arith.addi %add3A_304, %add3A_333 : vector<16xi32>
      %add3A_335 = arith.constant 1536 : i32
      %add3A_336 = arith.addi %add3A_335, %mul3A_148 : i32
      %swap3A_337 = arith.index_cast %add3A_336 : i32 to index
      %swap3A_338 = tpu.vector_load %arg21[%swap3A_337] {strides = array<i32>} : memref<4096xi32, #tpu.memory_space<vmem>>, vector<16xi32>,
      %swap3A_339 = vector.shape_cast %swap3A_338 : vector<16xi32> to vector<16xi32>
      %swap3A_340 = vector.shape_cast %add3A_334 : vector<16xi32> to vector<16xi32>
      tpu.vector_store %arg21[%swap3A_337], %swap3A_340 {strides = array<i32>} : memref<4096xi32, #tpu.memory_space<vmem>>, vector<16xi32>,
      %add3A_341 = arith.constant 262144 : i32
      %add3A_342 = vector.broadcast %add3A_341 : i32 to vector<16xi32>
      %add3A_343 = arith.addi %add3A_304, %add3A_342 : vector<16xi32>
      %add3A_344 = arith.constant 2048 : i32
      %add3A_345 = arith.addi %add3A_344, %mul3A_148 : i32
      %swap3A_346 = arith.index_cast %add3A_345 : i32 to index
      %swap3A_347 = tpu.vector_load %arg21[%swap3A_346] {strides = array<i32>} : memref<4096xi32, #tpu.memory_space<vmem>>, vector<16xi32>,
      %swap3A_348 = vector.shape_cast %swap3A_347 : vector<16xi32> to vector<16xi32>
      %swap3A_349 = vector.shape_cast %add3A_343 : vector<16xi32> to vector<16xi32>
      tpu.vector_store %arg21[%swap3A_346], %swap3A_349 {strides = array<i32>} : memref<4096xi32, #tpu.memory_space<vmem>>, vector<16xi32>,
      %add3A_350 = arith.constant 262145 : i32
      %add3A_351 = vector.broadcast %add3A_350 : i32 to vector<16xi32>
      %add3A_352 = arith.addi %add3A_304, %add3A_351 : vector<16xi32>
      %add3A_353 = arith.constant 2560 : i32
      %add3A_354 = arith.addi %add3A_353, %mul3A_148 : i32
      %swap3A_355 = arith.index_cast %add3A_354 : i32 to index
      %swap3A_356 = tpu.vector_load %arg21[%swap3A_355] {strides = array<i32>} : memref<4096xi32, #tpu.memory_space<vmem>>, vector<16xi32>,
      %swap3A_357 = vector.shape_cast %swap3A_356 : vector<16xi32> to vector<16xi32>
      %swap3A_358 = vector.shape_cast %add3A_352 : vector<16xi32> to vector<16xi32>
      tpu.vector_store %arg21[%swap3A_355], %swap3A_358 {strides = array<i32>} : memref<4096xi32, #tpu.memory_space<vmem>>, vector<16xi32>,
      %add3A_359 = arith.constant 262656 : i32
      %add3A_360 = vector.broadcast %add3A_359 : i32 to vector<16xi32>
      %add3A_361 = arith.addi %add3A_304, %add3A_360 : vector<16xi32>
      %add3A_362 = arith.constant 3072 : i32
      %add3A_363 = arith.addi %add3A_362, %mul3A_148 : i32
      %swap3A_364 = arith.index_cast %add3A_363 : i32 to index
      %swap3A_365 = tpu.vector_load %arg21[%swap3A_364] {strides = array<i32>} : memref<4096xi32, #tpu.memory_space<vmem>>, vector<16xi32>,
      %swap3A_366 = vector.shape_cast %swap3A_365 : vector<16xi32> to vector<16xi32>
      %swap3A_367 = vector.shape_cast %add3A_361 : vector<16xi32> to vector<16xi32>
      tpu.vector_store %arg21[%swap3A_364], %swap3A_367 {strides = array<i32>} : memref<4096xi32, #tpu.memory_space<vmem>>, vector<16xi32>,
      %add3A_368 = arith.constant 262657 : i32
      %add3A_369 = vector.broadcast %add3A_368 : i32 to vector<16xi32>
      %add3A_370 = arith.addi %add3A_304, %add3A_369 : vector<16xi32>
      %add3A_371 = arith.constant 3584 : i32
      %add3A_372 = arith.addi %add3A_371, %mul3A_148 : i32
      %swap3A_373 = arith.index_cast %add3A_372 : i32 to index
      %swap3A_374 = tpu.vector_load %arg21[%swap3A_373] {strides = array<i32>} : memref<4096xi32, #tpu.memory_space<vmem>>, vector<16xi32>,
      %swap3A_375 = vector.shape_cast %swap3A_374 : vector<16xi32> to vector<16xi32>
      %swap3A_376 = vector.shape_cast %add3A_370 : vector<16xi32> to vector<16xi32>
      tpu.vector_store %arg21[%swap3A_373], %swap3A_376 {strides = array<i32>} : memref<4096xi32, #tpu.memory_space<vmem>>, vector<16xi32>,
      %get3A_377 = arith.index_cast %add3A_146 : i32 to index
      %get3A_378 = tpu.vector_load %arg17[%get3A_377] {strides = array<i32>} : memref<2048xf32, #tpu.memory_space<vmem>>, vector<16xf32>,
      %get3A_379 = vector.shape_cast %get3A_378 : vector<16xf32> to vector<16xf32>
      %mul3A_380 = arith.constant 3.100000e+01 : f32
      %mul3A_381 = vector.broadcast %mul3A_380 : f32 to vector<16xf32>
      %mul3A_382 = arith.mulf %get3A_379, %mul3A_381 : vector<16xf32>
      %convert_element_type3A_383 = arith.fptosi %mul3A_382 : vector<16xf32> to vector<16xi32>
      %min3A_384 = arith.constant 30 : i32
      %min3A_385 = vector.broadcast %min3A_384 : i32 to vector<16xi32>
      %min3A_386 = arith.minsi %convert_element_type3A_383, %min3A_385 : vector<16xi32>
      %mul3A_387 = arith.constant 262144 : i32
      %mul3A_388 = vector.broadcast %mul3A_387 : i32 to vector<16xi32>
      %mul3A_389 = arith.muli %min3A_386, %mul3A_388 : vector<16xi32>
      %add3A_390 = arith.addi %mul3A_389, %add3A_169 : vector<16xi32>
      %add3A_391 = arith.constant 0 : i32
      %add3A_392 = vector.broadcast %add3A_391 : i32 to vector<16xi32>
      %add3A_393 = arith.addi %add3A_390, %add3A_392 : vector<16xi32>
      %add3A_394 = arith.constant 0 : i32
      %add3A_395 = arith.addi %add3A_394, %mul3A_148 : i32
      %swap3A_396 = arith.index_cast %add3A_395 : i32 to index
      %swap3A_397 = tpu.vector_load %arg22[%swap3A_396] {strides = array<i32>} : memref<4096xi32, #tpu.memory_space<vmem>>, vector<16xi32>,
      %swap3A_398 = vector.shape_cast %swap3A_397 : vector<16xi32> to vector<16xi32>
      %swap3A_399 = vector.shape_cast %add3A_393 : vector<16xi32> to vector<16xi32>
      tpu.vector_store %arg22[%swap3A_396], %swap3A_399 {strides = array<i32>} : memref<4096xi32, #tpu.memory_space<vmem>>, vector<16xi32>,
      %add3A_400 = arith.constant 1 : i32
      %add3A_401 = vector.broadcast %add3A_400 : i32 to vector<16xi32>
      %add3A_402 = arith.addi %add3A_390, %add3A_401 : vector<16xi32>
      %add3A_403 = arith.constant 512 : i32
      %add3A_404 = arith.addi %add3A_403, %mul3A_148 : i32
      %swap3A_405 = arith.index_cast %add3A_404 : i32 to index
      %swap3A_406 = tpu.vector_load %arg22[%swap3A_405] {strides = array<i32>} : memref<4096xi32, #tpu.memory_space<vmem>>, vector<16xi32>,
      %swap3A_407 = vector.shape_cast %swap3A_406 : vector<16xi32> to vector<16xi32>
      %swap3A_408 = vector.shape_cast %add3A_402 : vector<16xi32> to vector<16xi32>
      tpu.vector_store %arg22[%swap3A_405], %swap3A_408 {strides = array<i32>} : memref<4096xi32, #tpu.memory_space<vmem>>, vector<16xi32>,
      %add3A_409 = arith.constant 512 : i32
      %add3A_410 = vector.broadcast %add3A_409 : i32 to vector<16xi32>
      %add3A_411 = arith.addi %add3A_390, %add3A_410 : vector<16xi32>
      %add3A_412 = arith.constant 1024 : i32
      %add3A_413 = arith.addi %add3A_412, %mul3A_148 : i32
      %swap3A_414 = arith.index_cast %add3A_413 : i32 to index
      %swap3A_415 = tpu.vector_load %arg22[%swap3A_414] {strides = array<i32>} : memref<4096xi32, #tpu.memory_space<vmem>>, vector<16xi32>,
      %swap3A_416 = vector.shape_cast %swap3A_415 : vector<16xi32> to vector<16xi32>
      %swap3A_417 = vector.shape_cast %add3A_411 : vector<16xi32> to vector<16xi32>
      tpu.vector_store %arg22[%swap3A_414], %swap3A_417 {strides = array<i32>} : memref<4096xi32, #tpu.memory_space<vmem>>, vector<16xi32>,
      %add3A_418 = arith.constant 513 : i32
      %add3A_419 = vector.broadcast %add3A_418 : i32 to vector<16xi32>
      %add3A_420 = arith.addi %add3A_390, %add3A_419 : vector<16xi32>
      %add3A_421 = arith.constant 1536 : i32
      %add3A_422 = arith.addi %add3A_421, %mul3A_148 : i32
      %swap3A_423 = arith.index_cast %add3A_422 : i32 to index
      %swap3A_424 = tpu.vector_load %arg22[%swap3A_423] {strides = array<i32>} : memref<4096xi32, #tpu.memory_space<vmem>>, vector<16xi32>,
      %swap3A_425 = vector.shape_cast %swap3A_424 : vector<16xi32> to vector<16xi32>
      %swap3A_426 = vector.shape_cast %add3A_420 : vector<16xi32> to vector<16xi32>
      tpu.vector_store %arg22[%swap3A_423], %swap3A_426 {strides = array<i32>} : memref<4096xi32, #tpu.memory_space<vmem>>, vector<16xi32>,
      %add3A_427 = arith.constant 262144 : i32
      %add3A_428 = vector.broadcast %add3A_427 : i32 to vector<16xi32>
      %add3A_429 = arith.addi %add3A_390, %add3A_428 : vector<16xi32>
      %add3A_430 = arith.constant 2048 : i32
      %add3A_431 = arith.addi %add3A_430, %mul3A_148 : i32
      %swap3A_432 = arith.index_cast %add3A_431 : i32 to index
      %swap3A_433 = tpu.vector_load %arg22[%swap3A_432] {strides = array<i32>} : memref<4096xi32, #tpu.memory_space<vmem>>, vector<16xi32>,
      %swap3A_434 = vector.shape_cast %swap3A_433 : vector<16xi32> to vector<16xi32>
      %swap3A_435 = vector.shape_cast %add3A_429 : vector<16xi32> to vector<16xi32>
      tpu.vector_store %arg22[%swap3A_432], %swap3A_435 {strides = array<i32>} : memref<4096xi32, #tpu.memory_space<vmem>>, vector<16xi32>,
      %add3A_436 = arith.constant 262145 : i32
      %add3A_437 = vector.broadcast %add3A_436 : i32 to vector<16xi32>
      %add3A_438 = arith.addi %add3A_390, %add3A_437 : vector<16xi32>
      %add3A_439 = arith.constant 2560 : i32
      %add3A_440 = arith.addi %add3A_439, %mul3A_148 : i32
      %swap3A_441 = arith.index_cast %add3A_440 : i32 to index
      %swap3A_442 = tpu.vector_load %arg22[%swap3A_441] {strides = array<i32>} : memref<4096xi32, #tpu.memory_space<vmem>>, vector<16xi32>,
      %swap3A_443 = vector.shape_cast %swap3A_442 : vector<16xi32> to vector<16xi32>
      %swap3A_444 = vector.shape_cast %add3A_438 : vector<16xi32> to vector<16xi32>
      tpu.vector_store %arg22[%swap3A_441], %swap3A_444 {strides = array<i32>} : memref<4096xi32, #tpu.memory_space<vmem>>, vector<16xi32>,
      %add3A_445 = arith.constant 262656 : i32
      %add3A_446 = vector.broadcast %add3A_445 : i32 to vector<16xi32>
      %add3A_447 = arith.addi %add3A_390, %add3A_446 : vector<16xi32>
      %add3A_448 = arith.constant 3072 : i32
      %add3A_449 = arith.addi %add3A_448, %mul3A_148 : i32
      %swap3A_450 = arith.index_cast %add3A_449 : i32 to index
      %swap3A_451 = tpu.vector_load %arg22[%swap3A_450] {strides = array<i32>} : memref<4096xi32, #tpu.memory_space<vmem>>, vector<16xi32>,
      %swap3A_452 = vector.shape_cast %swap3A_451 : vector<16xi32> to vector<16xi32>
      %swap3A_453 = vector.shape_cast %add3A_447 : vector<16xi32> to vector<16xi32>
      tpu.vector_store %arg22[%swap3A_450], %swap3A_453 {strides = array<i32>} : memref<4096xi32, #tpu.memory_space<vmem>>, vector<16xi32>,
      %add3A_454 = arith.constant 262657 : i32
      %add3A_455 = vector.broadcast %add3A_454 : i32 to vector<16xi32>
      %add3A_456 = arith.addi %add3A_390, %add3A_455 : vector<16xi32>
      %add3A_457 = arith.constant 3584 : i32
      %add3A_458 = arith.addi %add3A_457, %mul3A_148 : i32
      %swap3A_459 = arith.index_cast %add3A_458 : i32 to index
      %swap3A_460 = tpu.vector_load %arg22[%swap3A_459] {strides = array<i32>} : memref<4096xi32, #tpu.memory_space<vmem>>, vector<16xi32>,
      %swap3A_461 = vector.shape_cast %swap3A_460 : vector<16xi32> to vector<16xi32>
      %swap3A_462 = vector.shape_cast %add3A_456 : vector<16xi32> to vector<16xi32>
      tpu.vector_store %arg22[%swap3A_459], %swap3A_462 {strides = array<i32>} : memref<4096xi32, #tpu.memory_space<vmem>>, vector<16xi32>,
      %scan3A_463 = arith.constant 0 : i32
      scf.yield %scan3A_463 : i32
    }
    %scan3A_59 = arith.constant 32 : i32
    %dma_start3A_60 = arith.constant 0 : i32
    %dma_start3A_61 = tpu.memref_slice %arg8[%dma_start3A_60] : memref<262144xf32, #tpu.memory_space<hbm>> -> memref<262144xf32, #tpu.memory_space<hbm>>
    tpu.enqueue_indirect_dma source(%dma_start3A_61 : memref<262144xf32, #tpu.memory_space<hbm>>) target(%arg23 : memref<2048xf32, #tpu.memory_space<vmem>>) offsets(%arg19 : memref<2048xi32, #tpu.memory_space<vmem>>) semaphore(%arg39 : memref<!tpu.dma_semaphore, #tpu.memory_space<semaphore_mem>>)
    %dma_start3A_62 = arith.constant 0 : i32
    %dma_start3A_63 = tpu.memref_slice %arg9[%dma_start3A_62] : memref<8388608xf32, #tpu.memory_space<hbm>> -> memref<8388608xf32, #tpu.memory_space<hbm>>
    tpu.enqueue_indirect_dma source(%dma_start3A_63 : memref<8388608xf32, #tpu.memory_space<hbm>>) target(%arg24 : memref<4096xf32, #tpu.memory_space<vmem>>) offsets(%arg20 : memref<4096xi32, #tpu.memory_space<vmem>>) semaphore(%arg39 : memref<!tpu.dma_semaphore, #tpu.memory_space<semaphore_mem>>)
    %dma_start3A_64 = arith.constant 0 : i32
    %dma_start3A_65 = tpu.memref_slice %arg10[%dma_start3A_64] : memref<8388608xf32, #tpu.memory_space<hbm>> -> memref<8388608xf32, #tpu.memory_space<hbm>>
    tpu.enqueue_indirect_dma source(%dma_start3A_65 : memref<8388608xf32, #tpu.memory_space<hbm>>) target(%arg25 : memref<4096xf32, #tpu.memory_space<vmem>>) offsets(%arg21 : memref<4096xi32, #tpu.memory_space<vmem>>) semaphore(%arg39 : memref<!tpu.dma_semaphore, #tpu.memory_space<semaphore_mem>>)
    %dma_start3A_66 = arith.constant 0 : i32
    %dma_start3A_67 = tpu.memref_slice %arg11[%dma_start3A_66] : memref<8388608xf32, #tpu.memory_space<hbm>> -> memref<8388608xf32, #tpu.memory_space<hbm>>
    tpu.enqueue_indirect_dma source(%dma_start3A_67 : memref<8388608xf32, #tpu.memory_space<hbm>>) target(%arg26 : memref<4096xf32, #tpu.memory_space<vmem>>) offsets(%arg22 : memref<4096xi32, #tpu.memory_space<vmem>>) semaphore(%arg39 : memref<!tpu.dma_semaphore, #tpu.memory_space<semaphore_mem>>)
    %dma_wait3A_68 = arith.constant 0 : i32
    %dma_wait3A_69 = tpu.memref_slice %arg8[%dma_wait3A_68] : memref<262144xf32, #tpu.memory_space<hbm>> -> memref<262144xf32, #tpu.memory_space<hbm>>
    tpu.wait_indirect_dma semaphore(%arg40 : memref<!tpu.dma_semaphore, #tpu.memory_space<semaphore_mem>>) src(%dma_wait3A_69 : memref<262144xf32, #tpu.memory_space<hbm>>) dst(%arg31 : memref<2048xf32, #tpu.memory_space<vmem>>)
    %dma_wait3A_70 = arith.constant 0 : i32
    %dma_wait3A_71 = tpu.memref_slice %arg9[%dma_wait3A_70] : memref<8388608xf32, #tpu.memory_space<hbm>> -> memref<8388608xf32, #tpu.memory_space<hbm>>
    tpu.wait_indirect_dma semaphore(%arg40 : memref<!tpu.dma_semaphore, #tpu.memory_space<semaphore_mem>>) src(%dma_wait3A_71 : memref<8388608xf32, #tpu.memory_space<hbm>>) dst(%arg32 : memref<4096xf32, #tpu.memory_space<vmem>>)
    %dma_wait3A_72 = arith.constant 0 : i32
    %dma_wait3A_73 = tpu.memref_slice %arg10[%dma_wait3A_72] : memref<8388608xf32, #tpu.memory_space<hbm>> -> memref<8388608xf32, #tpu.memory_space<hbm>>
    tpu.wait_indirect_dma semaphore(%arg40 : memref<!tpu.dma_semaphore, #tpu.memory_space<semaphore_mem>>) src(%dma_wait3A_73 : memref<8388608xf32, #tpu.memory_space<hbm>>) dst(%arg33 : memref<4096xf32, #tpu.memory_space<vmem>>)
    %dma_wait3A_74 = arith.constant 0 : i32
    %dma_wait3A_75 = tpu.memref_slice %arg11[%dma_wait3A_74] : memref<8388608xf32, #tpu.memory_space<hbm>> -> memref<8388608xf32, #tpu.memory_space<hbm>>
    tpu.wait_indirect_dma semaphore(%arg40 : memref<!tpu.dma_semaphore, #tpu.memory_space<semaphore_mem>>) src(%dma_wait3A_75 : memref<8388608xf32, #tpu.memory_space<hbm>>) dst(%arg34 : memref<4096xf32, #tpu.memory_space<vmem>>)
    %add3A_76 = arith.constant 1 : i32
    %add3A_77 = arith.addi %mul3A_19, %add3A_76 : i32
    %scan3A_78 = arith.constant 0 : i32
    %scan3A_79 = arith.constant 0 : i32
    %scan3A_80 = arith.constant 32 : i32
    %scan3A_81 = arith.addi %scan3A_79, %scan3A_80 : i32
    %scan3A_82 = arith.constant 1 : i32
    %scan3A_83 = scf.for %scan3A_140 = %scan3A_79 to %scan3A_81 step %scan3A_82 iter_args(%scan3A_141 = %scan3A_78) -> (i32)  : i32 {
      %mul3A_142 = arith.constant 512 : i32
      %mul3A_143 = arith.muli %add3A_77, %mul3A_142 : i32
      %mul3A_144 = arith.constant 16 : i32
      %mul3A_145 = arith.muli %scan3A_140, %mul3A_144 : i32
      %add3A_146 = arith.addi %mul3A_143, %mul3A_145 : i32
      %mul3A_147 = arith.constant 16 : i32
      %mul3A_148 = arith.muli %scan3A_140, %mul3A_147 : i32
      %get3A = arith.index_cast %add3A_146 : i32 to index
      %get3A_149 = tpu.vector_load %arg13[%get3A] {strides = array<i32>} : memref<2048xf32, #tpu.memory_space<vmem>>, vector<16xf32>,
      %get3A_150 = vector.shape_cast %get3A_149 : vector<16xf32> to vector<16xf32>
      %mul3A_151 = arith.constant 5.110000e+02 : f32
      %mul3A_152 = vector.broadcast %mul3A_151 : f32 to vector<16xf32>
      %mul3A_153 = arith.mulf %get3A_150, %mul3A_152 : vector<16xf32>
      %get3A_154 = arith.index_cast %add3A_146 : i32 to index
      %get3A_155 = tpu.vector_load %arg14[%get3A_154] {strides = array<i32>} : memref<2048xf32, #tpu.memory_space<vmem>>, vector<16xf32>,
      %get3A_156 = vector.shape_cast %get3A_155 : vector<16xf32> to vector<16xf32>
      %mul3A_157 = arith.constant 5.110000e+02 : f32
      %mul3A_158 = vector.broadcast %mul3A_157 : f32 to vector<16xf32>
      %mul3A_159 = arith.mulf %get3A_156, %mul3A_158 : vector<16xf32>
      %convert_element_type3A = arith.fptosi %mul3A_153 : vector<16xf32> to vector<16xi32>
      %min3A = arith.constant 510 : i32
      %min3A_160 = vector.broadcast %min3A : i32 to vector<16xi32>
      %min3A_161 = arith.minsi %convert_element_type3A, %min3A_160 : vector<16xi32>
      %convert_element_type3A_162 = arith.fptosi %mul3A_159 : vector<16xf32> to vector<16xi32>
      %min3A_163 = arith.constant 510 : i32
      %min3A_164 = vector.broadcast %min3A_163 : i32 to vector<16xi32>
      %min3A_165 = arith.minsi %convert_element_type3A_162, %min3A_164 : vector<16xi32>
      %convert_element_type3A_166 = arith.sitofp %min3A_161 : vector<16xi32> to vector<16xf32>
      %sub3A = arith.subf %mul3A_153, %convert_element_type3A_166 : vector<16xf32>
      %convert_element_type3A_167 = arith.sitofp %min3A_165 : vector<16xi32> to vector<16xf32>
      %sub3A_168 = arith.subf %mul3A_159, %convert_element_type3A_167 : vector<16xf32>
      %get3A_169 = arith.index_cast %add3A_146 : i32 to index
      %get3A_170 = tpu.vector_load %arg18[%get3A_169] {strides = array<i32>} : memref<2048xf32, #tpu.memory_space<vmem>>, vector<16xf32>,
      %get3A_171 = vector.shape_cast %get3A_170 : vector<16xf32> to vector<16xf32>
      %add3A_172 = arith.constant 0 : i32
      %add3A_173 = arith.addi %add3A_172, %mul3A_148 : i32
      %get3A_174 = arith.index_cast %add3A_173 : i32 to index
      %get3A_175 = tpu.vector_load %arg31[%get3A_174] {strides = array<i32>} : memref<2048xf32, #tpu.memory_space<vmem>>, vector<16xf32>,
      %get3A_176 = vector.shape_cast %get3A_175 : vector<16xf32> to vector<16xf32>
      %add3A_177 = arith.constant 512 : i32
      %add3A_178 = arith.addi %add3A_177, %mul3A_148 : i32
      %get3A_179 = arith.index_cast %add3A_178 : i32 to index
      %get3A_180 = tpu.vector_load %arg31[%get3A_179] {strides = array<i32>} : memref<2048xf32, #tpu.memory_space<vmem>>, vector<16xf32>,
      %get3A_181 = vector.shape_cast %get3A_180 : vector<16xf32> to vector<16xf32>
      %add3A_182 = arith.constant 1024 : i32
      %add3A_183 = arith.addi %add3A_182, %mul3A_148 : i32
      %get3A_184 = arith.index_cast %add3A_183 : i32 to index
      %get3A_185 = tpu.vector_load %arg31[%get3A_184] {strides = array<i32>} : memref<2048xf32, #tpu.memory_space<vmem>>, vector<16xf32>,
      %get3A_186 = vector.shape_cast %get3A_185 : vector<16xf32> to vector<16xf32>
      %add3A_187 = arith.constant 1536 : i32
      %add3A_188 = arith.addi %add3A_187, %mul3A_148 : i32
      %get3A_189 = arith.index_cast %add3A_188 : i32 to index
      %get3A_190 = tpu.vector_load %arg31[%get3A_189] {strides = array<i32>} : memref<2048xf32, #tpu.memory_space<vmem>>, vector<16xf32>,
      %get3A_191 = vector.shape_cast %get3A_190 : vector<16xf32> to vector<16xf32>
      %sub3A_192 = arith.subf %get3A_181, %get3A_176 : vector<16xf32>
      %mul3A_193 = arith.mulf %sub3A_168, %sub3A_192 : vector<16xf32>
      %add3A_194 = arith.addf %get3A_176, %mul3A_193 : vector<16xf32>
      %sub3A_195 = arith.subf %get3A_191, %get3A_186 : vector<16xf32>
      %mul3A_196 = arith.mulf %sub3A_168, %sub3A_195 : vector<16xf32>
      %add3A_197 = arith.addf %get3A_186, %mul3A_196 : vector<16xf32>
      %sub3A_198 = arith.subf %add3A_197, %add3A_194 : vector<16xf32>
      %mul3A_199 = arith.mulf %sub3A, %sub3A_198 : vector<16xf32>
      %add3A_200 = arith.addf %add3A_194, %mul3A_199 : vector<16xf32>
      %mul3A_201 = arith.mulf %add3A_200, %get3A_171 : vector<16xf32>
      %swap3A = arith.index_cast %add3A_146 : i32 to index
      %swap3A_202 = tpu.vector_load %arg35[%swap3A] {strides = array<i32>} : memref<2048xf32, #tpu.memory_space<vmem>>, vector<16xf32>,
      %swap3A_203 = vector.shape_cast %swap3A_202 : vector<16xf32> to vector<16xf32>
      %swap3A_204 = vector.shape_cast %mul3A_201 : vector<16xf32> to vector<16xf32>
      tpu.vector_store %arg35[%swap3A], %swap3A_204 {strides = array<i32>} : memref<2048xf32, #tpu.memory_space<vmem>>, vector<16xf32>,
      %get3A_205 = arith.index_cast %add3A_146 : i32 to index
      %get3A_206 = tpu.vector_load %arg15[%get3A_205] {strides = array<i32>} : memref<2048xf32, #tpu.memory_space<vmem>>, vector<16xf32>,
      %get3A_207 = vector.shape_cast %get3A_206 : vector<16xf32> to vector<16xf32>
      %mul3A_208 = arith.constant 3.100000e+01 : f32
      %mul3A_209 = vector.broadcast %mul3A_208 : f32 to vector<16xf32>
      %mul3A_210 = arith.mulf %get3A_207, %mul3A_209 : vector<16xf32>
      %convert_element_type3A_211 = arith.fptosi %mul3A_210 : vector<16xf32> to vector<16xi32>
      %min3A_212 = arith.constant 30 : i32
      %min3A_213 = vector.broadcast %min3A_212 : i32 to vector<16xi32>
      %min3A_214 = arith.minsi %convert_element_type3A_211, %min3A_213 : vector<16xi32>
      %convert_element_type3A_215 = arith.sitofp %min3A_214 : vector<16xi32> to vector<16xf32>
      %sub3A_216 = arith.subf %mul3A_210, %convert_element_type3A_215 : vector<16xf32>
      %add3A_217 = arith.constant 0 : i32
      %add3A_218 = arith.addi %add3A_217, %mul3A_148 : i32
      %get3A_219 = arith.index_cast %add3A_218 : i32 to index
      %get3A_220 = tpu.vector_load %arg32[%get3A_219] {strides = array<i32>} : memref<4096xf32, #tpu.memory_space<vmem>>, vector<16xf32>,
      %get3A_221 = vector.shape_cast %get3A_220 : vector<16xf32> to vector<16xf32>
      %add3A_222 = arith.constant 512 : i32
      %add3A_223 = arith.addi %add3A_222, %mul3A_148 : i32
      %get3A_224 = arith.index_cast %add3A_223 : i32 to index
      %get3A_225 = tpu.vector_load %arg32[%get3A_224] {strides = array<i32>} : memref<4096xf32, #tpu.memory_space<vmem>>, vector<16xf32>,
      %get3A_226 = vector.shape_cast %get3A_225 : vector<16xf32> to vector<16xf32>
      %add3A_227 = arith.constant 1024 : i32
      %add3A_228 = arith.addi %add3A_227, %mul3A_148 : i32
      %get3A_229 = arith.index_cast %add3A_228 : i32 to index
      %get3A_230 = tpu.vector_load %arg32[%get3A_229] {strides = array<i32>} : memref<4096xf32, #tpu.memory_space<vmem>>, vector<16xf32>,
      %get3A_231 = vector.shape_cast %get3A_230 : vector<16xf32> to vector<16xf32>
      %add3A_232 = arith.constant 1536 : i32
      %add3A_233 = arith.addi %add3A_232, %mul3A_148 : i32
      %get3A_234 = arith.index_cast %add3A_233 : i32 to index
      %get3A_235 = tpu.vector_load %arg32[%get3A_234] {strides = array<i32>} : memref<4096xf32, #tpu.memory_space<vmem>>, vector<16xf32>,
      %get3A_236 = vector.shape_cast %get3A_235 : vector<16xf32> to vector<16xf32>
      %add3A_237 = arith.constant 2048 : i32
      %add3A_238 = arith.addi %add3A_237, %mul3A_148 : i32
      %get3A_239 = arith.index_cast %add3A_238 : i32 to index
      %get3A_240 = tpu.vector_load %arg32[%get3A_239] {strides = array<i32>} : memref<4096xf32, #tpu.memory_space<vmem>>, vector<16xf32>,
      %get3A_241 = vector.shape_cast %get3A_240 : vector<16xf32> to vector<16xf32>
      %add3A_242 = arith.constant 2560 : i32
      %add3A_243 = arith.addi %add3A_242, %mul3A_148 : i32
      %get3A_244 = arith.index_cast %add3A_243 : i32 to index
      %get3A_245 = tpu.vector_load %arg32[%get3A_244] {strides = array<i32>} : memref<4096xf32, #tpu.memory_space<vmem>>, vector<16xf32>,
      %get3A_246 = vector.shape_cast %get3A_245 : vector<16xf32> to vector<16xf32>
      %add3A_247 = arith.constant 3072 : i32
      %add3A_248 = arith.addi %add3A_247, %mul3A_148 : i32
      %get3A_249 = arith.index_cast %add3A_248 : i32 to index
      %get3A_250 = tpu.vector_load %arg32[%get3A_249] {strides = array<i32>} : memref<4096xf32, #tpu.memory_space<vmem>>, vector<16xf32>,
      %get3A_251 = vector.shape_cast %get3A_250 : vector<16xf32> to vector<16xf32>
      %add3A_252 = arith.constant 3584 : i32
      %add3A_253 = arith.addi %add3A_252, %mul3A_148 : i32
      %get3A_254 = arith.index_cast %add3A_253 : i32 to index
      %get3A_255 = tpu.vector_load %arg32[%get3A_254] {strides = array<i32>} : memref<4096xf32, #tpu.memory_space<vmem>>, vector<16xf32>,
      %get3A_256 = vector.shape_cast %get3A_255 : vector<16xf32> to vector<16xf32>
      %sub3A_257 = arith.subf %get3A_226, %get3A_221 : vector<16xf32>
      %mul3A_258 = arith.mulf %sub3A_168, %sub3A_257 : vector<16xf32>
      %add3A_259 = arith.addf %get3A_221, %mul3A_258 : vector<16xf32>
      %sub3A_260 = arith.subf %get3A_236, %get3A_231 : vector<16xf32>
      %mul3A_261 = arith.mulf %sub3A_168, %sub3A_260 : vector<16xf32>
      %add3A_262 = arith.addf %get3A_231, %mul3A_261 : vector<16xf32>
      %sub3A_263 = arith.subf %add3A_262, %add3A_259 : vector<16xf32>
      %mul3A_264 = arith.mulf %sub3A, %sub3A_263 : vector<16xf32>
      %add3A_265 = arith.addf %add3A_259, %mul3A_264 : vector<16xf32>
      %sub3A_266 = arith.subf %get3A_246, %get3A_241 : vector<16xf32>
      %mul3A_267 = arith.mulf %sub3A_168, %sub3A_266 : vector<16xf32>
      %add3A_268 = arith.addf %get3A_241, %mul3A_267 : vector<16xf32>
      %sub3A_269 = arith.subf %get3A_256, %get3A_251 : vector<16xf32>
      %mul3A_270 = arith.mulf %sub3A_168, %sub3A_269 : vector<16xf32>
      %add3A_271 = arith.addf %get3A_251, %mul3A_270 : vector<16xf32>
      %sub3A_272 = arith.subf %add3A_271, %add3A_268 : vector<16xf32>
      %mul3A_273 = arith.mulf %sub3A, %sub3A_272 : vector<16xf32>
      %add3A_274 = arith.addf %add3A_268, %mul3A_273 : vector<16xf32>
      %sub3A_275 = arith.subf %add3A_274, %add3A_265 : vector<16xf32>
      %mul3A_276 = arith.mulf %sub3A_216, %sub3A_275 : vector<16xf32>
      %add3A_277 = arith.addf %add3A_265, %mul3A_276 : vector<16xf32>
      %mul3A_278 = arith.mulf %add3A_277, %get3A_171 : vector<16xf32>
      %swap3A_279 = arith.index_cast %add3A_146 : i32 to index
      %swap3A_280 = tpu.vector_load %arg36[%swap3A_279] {strides = array<i32>} : memref<2048xf32, #tpu.memory_space<vmem>>, vector<16xf32>,
      %swap3A_281 = vector.shape_cast %swap3A_280 : vector<16xf32> to vector<16xf32>
      %swap3A_282 = vector.shape_cast %mul3A_278 : vector<16xf32> to vector<16xf32>
      tpu.vector_store %arg36[%swap3A_279], %swap3A_282 {strides = array<i32>} : memref<2048xf32, #tpu.memory_space<vmem>>, vector<16xf32>,
      %get3A_283 = arith.index_cast %add3A_146 : i32 to index
      %get3A_284 = tpu.vector_load %arg16[%get3A_283] {strides = array<i32>} : memref<2048xf32, #tpu.memory_space<vmem>>, vector<16xf32>,
      %get3A_285 = vector.shape_cast %get3A_284 : vector<16xf32> to vector<16xf32>
      %mul3A_286 = arith.constant 3.100000e+01 : f32
      %mul3A_287 = vector.broadcast %mul3A_286 : f32 to vector<16xf32>
      %mul3A_288 = arith.mulf %get3A_285, %mul3A_287 : vector<16xf32>
      %convert_element_type3A_289 = arith.fptosi %mul3A_288 : vector<16xf32> to vector<16xi32>
      %min3A_290 = arith.constant 30 : i32
      %min3A_291 = vector.broadcast %min3A_290 : i32 to vector<16xi32>
      %min3A_292 = arith.minsi %convert_element_type3A_289, %min3A_291 : vector<16xi32>
      %convert_element_type3A_293 = arith.sitofp %min3A_292 : vector<16xi32> to vector<16xf32>
      %sub3A_294 = arith.subf %mul3A_288, %convert_element_type3A_293 : vector<16xf32>
      %add3A_295 = arith.constant 0 : i32
      %add3A_296 = arith.addi %add3A_295, %mul3A_148 : i32
      %get3A_297 = arith.index_cast %add3A_296 : i32 to index
      %get3A_298 = tpu.vector_load %arg33[%get3A_297] {strides = array<i32>} : memref<4096xf32, #tpu.memory_space<vmem>>, vector<16xf32>,
      %get3A_299 = vector.shape_cast %get3A_298 : vector<16xf32> to vector<16xf32>
      %add3A_300 = arith.constant 512 : i32
      %add3A_301 = arith.addi %add3A_300, %mul3A_148 : i32
      %get3A_302 = arith.index_cast %add3A_301 : i32 to index
      %get3A_303 = tpu.vector_load %arg33[%get3A_302] {strides = array<i32>} : memref<4096xf32, #tpu.memory_space<vmem>>, vector<16xf32>,
      %get3A_304 = vector.shape_cast %get3A_303 : vector<16xf32> to vector<16xf32>
      %add3A_305 = arith.constant 1024 : i32
      %add3A_306 = arith.addi %add3A_305, %mul3A_148 : i32
      %get3A_307 = arith.index_cast %add3A_306 : i32 to index
      %get3A_308 = tpu.vector_load %arg33[%get3A_307] {strides = array<i32>} : memref<4096xf32, #tpu.memory_space<vmem>>, vector<16xf32>,
      %get3A_309 = vector.shape_cast %get3A_308 : vector<16xf32> to vector<16xf32>
      %add3A_310 = arith.constant 1536 : i32
      %add3A_311 = arith.addi %add3A_310, %mul3A_148 : i32
      %get3A_312 = arith.index_cast %add3A_311 : i32 to index
      %get3A_313 = tpu.vector_load %arg33[%get3A_312] {strides = array<i32>} : memref<4096xf32, #tpu.memory_space<vmem>>, vector<16xf32>,
      %get3A_314 = vector.shape_cast %get3A_313 : vector<16xf32> to vector<16xf32>
      %add3A_315 = arith.constant 2048 : i32
      %add3A_316 = arith.addi %add3A_315, %mul3A_148 : i32
      %get3A_317 = arith.index_cast %add3A_316 : i32 to index
      %get3A_318 = tpu.vector_load %arg33[%get3A_317] {strides = array<i32>} : memref<4096xf32, #tpu.memory_space<vmem>>, vector<16xf32>,
      %get3A_319 = vector.shape_cast %get3A_318 : vector<16xf32> to vector<16xf32>
      %add3A_320 = arith.constant 2560 : i32
      %add3A_321 = arith.addi %add3A_320, %mul3A_148 : i32
      %get3A_322 = arith.index_cast %add3A_321 : i32 to index
      %get3A_323 = tpu.vector_load %arg33[%get3A_322] {strides = array<i32>} : memref<4096xf32, #tpu.memory_space<vmem>>, vector<16xf32>,
      %get3A_324 = vector.shape_cast %get3A_323 : vector<16xf32> to vector<16xf32>
      %add3A_325 = arith.constant 3072 : i32
      %add3A_326 = arith.addi %add3A_325, %mul3A_148 : i32
      %get3A_327 = arith.index_cast %add3A_326 : i32 to index
      %get3A_328 = tpu.vector_load %arg33[%get3A_327] {strides = array<i32>} : memref<4096xf32, #tpu.memory_space<vmem>>, vector<16xf32>,
      %get3A_329 = vector.shape_cast %get3A_328 : vector<16xf32> to vector<16xf32>
      %add3A_330 = arith.constant 3584 : i32
      %add3A_331 = arith.addi %add3A_330, %mul3A_148 : i32
      %get3A_332 = arith.index_cast %add3A_331 : i32 to index
      %get3A_333 = tpu.vector_load %arg33[%get3A_332] {strides = array<i32>} : memref<4096xf32, #tpu.memory_space<vmem>>, vector<16xf32>,
      %get3A_334 = vector.shape_cast %get3A_333 : vector<16xf32> to vector<16xf32>
      %sub3A_335 = arith.subf %get3A_304, %get3A_299 : vector<16xf32>
      %mul3A_336 = arith.mulf %sub3A_168, %sub3A_335 : vector<16xf32>
      %add3A_337 = arith.addf %get3A_299, %mul3A_336 : vector<16xf32>
      %sub3A_338 = arith.subf %get3A_314, %get3A_309 : vector<16xf32>
      %mul3A_339 = arith.mulf %sub3A_168, %sub3A_338 : vector<16xf32>
      %add3A_340 = arith.addf %get3A_309, %mul3A_339 : vector<16xf32>
      %sub3A_341 = arith.subf %add3A_340, %add3A_337 : vector<16xf32>
      %mul3A_342 = arith.mulf %sub3A, %sub3A_341 : vector<16xf32>
      %add3A_343 = arith.addf %add3A_337, %mul3A_342 : vector<16xf32>
      %sub3A_344 = arith.subf %get3A_324, %get3A_319 : vector<16xf32>
      %mul3A_345 = arith.mulf %sub3A_168, %sub3A_344 : vector<16xf32>
      %add3A_346 = arith.addf %get3A_319, %mul3A_345 : vector<16xf32>
      %sub3A_347 = arith.subf %get3A_334, %get3A_329 : vector<16xf32>
      %mul3A_348 = arith.mulf %sub3A_168, %sub3A_347 : vector<16xf32>
      %add3A_349 = arith.addf %get3A_329, %mul3A_348 : vector<16xf32>
      %sub3A_350 = arith.subf %add3A_349, %add3A_346 : vector<16xf32>
      %mul3A_351 = arith.mulf %sub3A, %sub3A_350 : vector<16xf32>
      %add3A_352 = arith.addf %add3A_346, %mul3A_351 : vector<16xf32>
      %sub3A_353 = arith.subf %add3A_352, %add3A_343 : vector<16xf32>
      %mul3A_354 = arith.mulf %sub3A_294, %sub3A_353 : vector<16xf32>
      %add3A_355 = arith.addf %add3A_343, %mul3A_354 : vector<16xf32>
      %mul3A_356 = arith.mulf %add3A_355, %get3A_171 : vector<16xf32>
      %swap3A_357 = arith.index_cast %add3A_146 : i32 to index
      %swap3A_358 = tpu.vector_load %arg37[%swap3A_357] {strides = array<i32>} : memref<2048xf32, #tpu.memory_space<vmem>>, vector<16xf32>,
      %swap3A_359 = vector.shape_cast %swap3A_358 : vector<16xf32> to vector<16xf32>
      %swap3A_360 = vector.shape_cast %mul3A_356 : vector<16xf32> to vector<16xf32>
      tpu.vector_store %arg37[%swap3A_357], %swap3A_360 {strides = array<i32>} : memref<2048xf32, #tpu.memory_space<vmem>>, vector<16xf32>,
      %get3A_361 = arith.index_cast %add3A_146 : i32 to index
      %get3A_362 = tpu.vector_load %arg17[%get3A_361] {strides = array<i32>} : memref<2048xf32, #tpu.memory_space<vmem>>, vector<16xf32>,
      %get3A_363 = vector.shape_cast %get3A_362 : vector<16xf32> to vector<16xf32>
      %mul3A_364 = arith.constant 3.100000e+01 : f32
      %mul3A_365 = vector.broadcast %mul3A_364 : f32 to vector<16xf32>
      %mul3A_366 = arith.mulf %get3A_363, %mul3A_365 : vector<16xf32>
      %convert_element_type3A_367 = arith.fptosi %mul3A_366 : vector<16xf32> to vector<16xi32>
      %min3A_368 = arith.constant 30 : i32
      %min3A_369 = vector.broadcast %min3A_368 : i32 to vector<16xi32>
      %min3A_370 = arith.minsi %convert_element_type3A_367, %min3A_369 : vector<16xi32>
      %convert_element_type3A_371 = arith.sitofp %min3A_370 : vector<16xi32> to vector<16xf32>
      %sub3A_372 = arith.subf %mul3A_366, %convert_element_type3A_371 : vector<16xf32>
      %add3A_373 = arith.constant 0 : i32
      %add3A_374 = arith.addi %add3A_373, %mul3A_148 : i32
      %get3A_375 = arith.index_cast %add3A_374 : i32 to index
      %get3A_376 = tpu.vector_load %arg34[%get3A_375] {strides = array<i32>} : memref<4096xf32, #tpu.memory_space<vmem>>, vector<16xf32>,
      %get3A_377 = vector.shape_cast %get3A_376 : vector<16xf32> to vector<16xf32>
      %add3A_378 = arith.constant 512 : i32
      %add3A_379 = arith.addi %add3A_378, %mul3A_148 : i32
      %get3A_380 = arith.index_cast %add3A_379 : i32 to index
      %get3A_381 = tpu.vector_load %arg34[%get3A_380] {strides = array<i32>} : memref<4096xf32, #tpu.memory_space<vmem>>, vector<16xf32>,
      %get3A_382 = vector.shape_cast %get3A_381 : vector<16xf32> to vector<16xf32>
      %add3A_383 = arith.constant 1024 : i32
      %add3A_384 = arith.addi %add3A_383, %mul3A_148 : i32
      %get3A_385 = arith.index_cast %add3A_384 : i32 to index
      %get3A_386 = tpu.vector_load %arg34[%get3A_385] {strides = array<i32>} : memref<4096xf32, #tpu.memory_space<vmem>>, vector<16xf32>,
      %get3A_387 = vector.shape_cast %get3A_386 : vector<16xf32> to vector<16xf32>
      %add3A_388 = arith.constant 1536 : i32
      %add3A_389 = arith.addi %add3A_388, %mul3A_148 : i32
      %get3A_390 = arith.index_cast %add3A_389 : i32 to index
      %get3A_391 = tpu.vector_load %arg34[%get3A_390] {strides = array<i32>} : memref<4096xf32, #tpu.memory_space<vmem>>, vector<16xf32>,
      %get3A_392 = vector.shape_cast %get3A_391 : vector<16xf32> to vector<16xf32>
      %add3A_393 = arith.constant 2048 : i32
      %add3A_394 = arith.addi %add3A_393, %mul3A_148 : i32
      %get3A_395 = arith.index_cast %add3A_394 : i32 to index
      %get3A_396 = tpu.vector_load %arg34[%get3A_395] {strides = array<i32>} : memref<4096xf32, #tpu.memory_space<vmem>>, vector<16xf32>,
      %get3A_397 = vector.shape_cast %get3A_396 : vector<16xf32> to vector<16xf32>
      %add3A_398 = arith.constant 2560 : i32
      %add3A_399 = arith.addi %add3A_398, %mul3A_148 : i32
      %get3A_400 = arith.index_cast %add3A_399 : i32 to index
      %get3A_401 = tpu.vector_load %arg34[%get3A_400] {strides = array<i32>} : memref<4096xf32, #tpu.memory_space<vmem>>, vector<16xf32>,
      %get3A_402 = vector.shape_cast %get3A_401 : vector<16xf32> to vector<16xf32>
      %add3A_403 = arith.constant 3072 : i32
      %add3A_404 = arith.addi %add3A_403, %mul3A_148 : i32
      %get3A_405 = arith.index_cast %add3A_404 : i32 to index
      %get3A_406 = tpu.vector_load %arg34[%get3A_405] {strides = array<i32>} : memref<4096xf32, #tpu.memory_space<vmem>>, vector<16xf32>,
      %get3A_407 = vector.shape_cast %get3A_406 : vector<16xf32> to vector<16xf32>
      %add3A_408 = arith.constant 3584 : i32
      %add3A_409 = arith.addi %add3A_408, %mul3A_148 : i32
      %get3A_410 = arith.index_cast %add3A_409 : i32 to index
      %get3A_411 = tpu.vector_load %arg34[%get3A_410] {strides = array<i32>} : memref<4096xf32, #tpu.memory_space<vmem>>, vector<16xf32>,
      %get3A_412 = vector.shape_cast %get3A_411 : vector<16xf32> to vector<16xf32>
      %sub3A_413 = arith.subf %get3A_382, %get3A_377 : vector<16xf32>
      %mul3A_414 = arith.mulf %sub3A_168, %sub3A_413 : vector<16xf32>
      %add3A_415 = arith.addf %get3A_377, %mul3A_414 : vector<16xf32>
      %sub3A_416 = arith.subf %get3A_392, %get3A_387 : vector<16xf32>
      %mul3A_417 = arith.mulf %sub3A_168, %sub3A_416 : vector<16xf32>
      %add3A_418 = arith.addf %get3A_387, %mul3A_417 : vector<16xf32>
      %sub3A_419 = arith.subf %add3A_418, %add3A_415 : vector<16xf32>
      %mul3A_420 = arith.mulf %sub3A, %sub3A_419 : vector<16xf32>
      %add3A_421 = arith.addf %add3A_415, %mul3A_420 : vector<16xf32>
      %sub3A_422 = arith.subf %get3A_402, %get3A_397 : vector<16xf32>
      %mul3A_423 = arith.mulf %sub3A_168, %sub3A_422 : vector<16xf32>
      %add3A_424 = arith.addf %get3A_397, %mul3A_423 : vector<16xf32>
      %sub3A_425 = arith.subf %get3A_412, %get3A_407 : vector<16xf32>
      %mul3A_426 = arith.mulf %sub3A_168, %sub3A_425 : vector<16xf32>
      %add3A_427 = arith.addf %get3A_407, %mul3A_426 : vector<16xf32>
      %sub3A_428 = arith.subf %add3A_427, %add3A_424 : vector<16xf32>
      %mul3A_429 = arith.mulf %sub3A, %sub3A_428 : vector<16xf32>
      %add3A_430 = arith.addf %add3A_424, %mul3A_429 : vector<16xf32>
      %sub3A_431 = arith.subf %add3A_430, %add3A_421 : vector<16xf32>
      %mul3A_432 = arith.mulf %sub3A_372, %sub3A_431 : vector<16xf32>
      %add3A_433 = arith.addf %add3A_421, %mul3A_432 : vector<16xf32>
      %mul3A_434 = arith.mulf %add3A_433, %get3A_171 : vector<16xf32>
      %swap3A_435 = arith.index_cast %add3A_146 : i32 to index
      %swap3A_436 = tpu.vector_load %arg38[%swap3A_435] {strides = array<i32>} : memref<2048xf32, #tpu.memory_space<vmem>>, vector<16xf32>,
      %swap3A_437 = vector.shape_cast %swap3A_436 : vector<16xf32> to vector<16xf32>
      %swap3A_438 = vector.shape_cast %mul3A_434 : vector<16xf32> to vector<16xf32>
      tpu.vector_store %arg38[%swap3A_435], %swap3A_438 {strides = array<i32>} : memref<2048xf32, #tpu.memory_space<vmem>>, vector<16xf32>,
      %scan3A_439 = arith.constant 0 : i32
      scf.yield %scan3A_439 : i32
    }
    %scan3A_84 = arith.constant 32 : i32
    %scan3A_85 = arith.constant 0 : i32
    %scan3A_86 = arith.constant 1 : i32
    %scan3A_87 = arith.constant 0 : i32
    %scan3A_88 = arith.constant 0 : i32
    %scan3A_89 = arith.constant 32 : i32
    %scan3A_90 = arith.addi %scan3A_88, %scan3A_89 : i32
    %scan3A_91 = arith.constant 1 : i32
    %scan3A_92 = scf.for %scan3A_140 = %scan3A_88 to %scan3A_90 step %scan3A_91 iter_args(%scan3A_141 = %scan3A_87) -> (i32)  : i32 {
      %mul3A_142 = arith.constant 16 : i32
      %mul3A_143 = arith.muli %scan3A_140, %mul3A_142 : i32
      %add3A_144 = arith.constant 1536 : i32
      %add3A_145 = arith.addi %add3A_144, %mul3A_143 : i32
      %mul3A_146 = arith.constant 16 : i32
      %mul3A_147 = arith.muli %scan3A_140, %mul3A_146 : i32
      %get3A = arith.index_cast %add3A_145 : i32 to index
      %get3A_148 = tpu.vector_load %arg13[%get3A] {strides = array<i32>} : memref<2048xf32, #tpu.memory_space<vmem>>, vector<16xf32>,
      %get3A_149 = vector.shape_cast %get3A_148 : vector<16xf32> to vector<16xf32>
      %mul3A_150 = arith.constant 5.110000e+02 : f32
      %mul3A_151 = vector.broadcast %mul3A_150 : f32 to vector<16xf32>
      %mul3A_152 = arith.mulf %get3A_149, %mul3A_151 : vector<16xf32>
      %get3A_153 = arith.index_cast %add3A_145 : i32 to index
      %get3A_154 = tpu.vector_load %arg14[%get3A_153] {strides = array<i32>} : memref<2048xf32, #tpu.memory_space<vmem>>, vector<16xf32>,
      %get3A_155 = vector.shape_cast %get3A_154 : vector<16xf32> to vector<16xf32>
      %mul3A_156 = arith.constant 5.110000e+02 : f32
      %mul3A_157 = vector.broadcast %mul3A_156 : f32 to vector<16xf32>
      %mul3A_158 = arith.mulf %get3A_155, %mul3A_157 : vector<16xf32>
      %convert_element_type3A = arith.fptosi %mul3A_152 : vector<16xf32> to vector<16xi32>
      %min3A = arith.constant 510 : i32
      %min3A_159 = vector.broadcast %min3A : i32 to vector<16xi32>
      %min3A_160 = arith.minsi %convert_element_type3A, %min3A_159 : vector<16xi32>
      %convert_element_type3A_161 = arith.fptosi %mul3A_158 : vector<16xf32> to vector<16xi32>
      %min3A_162 = arith.constant 510 : i32
      %min3A_163 = vector.broadcast %min3A_162 : i32 to vector<16xi32>
      %min3A_164 = arith.minsi %convert_element_type3A_161, %min3A_163 : vector<16xi32>
      %mul3A_165 = arith.constant 512 : i32
      %mul3A_166 = vector.broadcast %mul3A_165 : i32 to vector<16xi32>
      %mul3A_167 = arith.muli %min3A_160, %mul3A_166 : vector<16xi32>
      %add3A_168 = arith.addi %mul3A_167, %min3A_164 : vector<16xi32>
      %add3A_169 = arith.constant 0 : i32
      %add3A_170 = vector.broadcast %add3A_169 : i32 to vector<16xi32>
      %add3A_171 = arith.addi %add3A_168, %add3A_170 : vector<16xi32>
      %add3A_172 = arith.constant 0 : i32
      %add3A_173 = arith.addi %add3A_172, %mul3A_147 : i32
      %swap3A = arith.index_cast %add3A_173 : i32 to index
      %swap3A_174 = tpu.vector_load %arg27[%swap3A] {strides = array<i32>} : memref<2048xi32, #tpu.memory_space<vmem>>, vector<16xi32>,
      %swap3A_175 = vector.shape_cast %swap3A_174 : vector<16xi32> to vector<16xi32>
      %swap3A_176 = vector.shape_cast %add3A_171 : vector<16xi32> to vector<16xi32>
      tpu.vector_store %arg27[%swap3A], %swap3A_176 {strides = array<i32>} : memref<2048xi32, #tpu.memory_space<vmem>>, vector<16xi32>,
      %add3A_177 = arith.constant 1 : i32
      %add3A_178 = vector.broadcast %add3A_177 : i32 to vector<16xi32>
      %add3A_179 = arith.addi %add3A_168, %add3A_178 : vector<16xi32>
      %add3A_180 = arith.constant 512 : i32
      %add3A_181 = arith.addi %add3A_180, %mul3A_147 : i32
      %swap3A_182 = arith.index_cast %add3A_181 : i32 to index
      %swap3A_183 = tpu.vector_load %arg27[%swap3A_182] {strides = array<i32>} : memref<2048xi32, #tpu.memory_space<vmem>>, vector<16xi32>,
      %swap3A_184 = vector.shape_cast %swap3A_183 : vector<16xi32> to vector<16xi32>
      %swap3A_185 = vector.shape_cast %add3A_179 : vector<16xi32> to vector<16xi32>
      tpu.vector_store %arg27[%swap3A_182], %swap3A_185 {strides = array<i32>} : memref<2048xi32, #tpu.memory_space<vmem>>, vector<16xi32>,
      %add3A_186 = arith.constant 512 : i32
      %add3A_187 = vector.broadcast %add3A_186 : i32 to vector<16xi32>
      %add3A_188 = arith.addi %add3A_168, %add3A_187 : vector<16xi32>
      %add3A_189 = arith.constant 1024 : i32
      %add3A_190 = arith.addi %add3A_189, %mul3A_147 : i32
      %swap3A_191 = arith.index_cast %add3A_190 : i32 to index
      %swap3A_192 = tpu.vector_load %arg27[%swap3A_191] {strides = array<i32>} : memref<2048xi32, #tpu.memory_space<vmem>>, vector<16xi32>,
      %swap3A_193 = vector.shape_cast %swap3A_192 : vector<16xi32> to vector<16xi32>
      %swap3A_194 = vector.shape_cast %add3A_188 : vector<16xi32> to vector<16xi32>
      tpu.vector_store %arg27[%swap3A_191], %swap3A_194 {strides = array<i32>} : memref<2048xi32, #tpu.memory_space<vmem>>, vector<16xi32>,
      %add3A_195 = arith.constant 513 : i32
      %add3A_196 = vector.broadcast %add3A_195 : i32 to vector<16xi32>
      %add3A_197 = arith.addi %add3A_168, %add3A_196 : vector<16xi32>
      %add3A_198 = arith.constant 1536 : i32
      %add3A_199 = arith.addi %add3A_198, %mul3A_147 : i32
      %swap3A_200 = arith.index_cast %add3A_199 : i32 to index
      %swap3A_201 = tpu.vector_load %arg27[%swap3A_200] {strides = array<i32>} : memref<2048xi32, #tpu.memory_space<vmem>>, vector<16xi32>,
      %swap3A_202 = vector.shape_cast %swap3A_201 : vector<16xi32> to vector<16xi32>
      %swap3A_203 = vector.shape_cast %add3A_197 : vector<16xi32> to vector<16xi32>
      tpu.vector_store %arg27[%swap3A_200], %swap3A_203 {strides = array<i32>} : memref<2048xi32, #tpu.memory_space<vmem>>, vector<16xi32>,
      %get3A_204 = arith.index_cast %add3A_145 : i32 to index
      %get3A_205 = tpu.vector_load %arg15[%get3A_204] {strides = array<i32>} : memref<2048xf32, #tpu.memory_space<vmem>>, vector<16xf32>,
      %get3A_206 = vector.shape_cast %get3A_205 : vector<16xf32> to vector<16xf32>
      %mul3A_207 = arith.constant 3.100000e+01 : f32
      %mul3A_208 = vector.broadcast %mul3A_207 : f32 to vector<16xf32>
      %mul3A_209 = arith.mulf %get3A_206, %mul3A_208 : vector<16xf32>
      %convert_element_type3A_210 = arith.fptosi %mul3A_209 : vector<16xf32> to vector<16xi32>
      %min3A_211 = arith.constant 30 : i32
      %min3A_212 = vector.broadcast %min3A_211 : i32 to vector<16xi32>
      %min3A_213 = arith.minsi %convert_element_type3A_210, %min3A_212 : vector<16xi32>
      %mul3A_214 = arith.constant 262144 : i32
      %mul3A_215 = vector.broadcast %mul3A_214 : i32 to vector<16xi32>
      %mul3A_216 = arith.muli %min3A_213, %mul3A_215 : vector<16xi32>
      %add3A_217 = arith.addi %mul3A_216, %add3A_168 : vector<16xi32>
      %add3A_218 = arith.constant 0 : i32
      %add3A_219 = vector.broadcast %add3A_218 : i32 to vector<16xi32>
      %add3A_220 = arith.addi %add3A_217, %add3A_219 : vector<16xi32>
      %add3A_221 = arith.constant 0 : i32
      %add3A_222 = arith.addi %add3A_221, %mul3A_147 : i32
      %swap3A_223 = arith.index_cast %add3A_222 : i32 to index
      %swap3A_224 = tpu.vector_load %arg28[%swap3A_223] {strides = array<i32>} : memref<4096xi32, #tpu.memory_space<vmem>>, vector<16xi32>,
      %swap3A_225 = vector.shape_cast %swap3A_224 : vector<16xi32> to vector<16xi32>
      %swap3A_226 = vector.shape_cast %add3A_220 : vector<16xi32> to vector<16xi32>
      tpu.vector_store %arg28[%swap3A_223], %swap3A_226 {strides = array<i32>} : memref<4096xi32, #tpu.memory_space<vmem>>, vector<16xi32>,
      %add3A_227 = arith.constant 1 : i32
      %add3A_228 = vector.broadcast %add3A_227 : i32 to vector<16xi32>
      %add3A_229 = arith.addi %add3A_217, %add3A_228 : vector<16xi32>
      %add3A_230 = arith.constant 512 : i32
      %add3A_231 = arith.addi %add3A_230, %mul3A_147 : i32
      %swap3A_232 = arith.index_cast %add3A_231 : i32 to index
      %swap3A_233 = tpu.vector_load %arg28[%swap3A_232] {strides = array<i32>} : memref<4096xi32, #tpu.memory_space<vmem>>, vector<16xi32>,
      %swap3A_234 = vector.shape_cast %swap3A_233 : vector<16xi32> to vector<16xi32>
      %swap3A_235 = vector.shape_cast %add3A_229 : vector<16xi32> to vector<16xi32>
      tpu.vector_store %arg28[%swap3A_232], %swap3A_235 {strides = array<i32>} : memref<4096xi32, #tpu.memory_space<vmem>>, vector<16xi32>,
      %add3A_236 = arith.constant 512 : i32
      %add3A_237 = vector.broadcast %add3A_236 : i32 to vector<16xi32>
      %add3A_238 = arith.addi %add3A_217, %add3A_237 : vector<16xi32>
      %add3A_239 = arith.constant 1024 : i32
      %add3A_240 = arith.addi %add3A_239, %mul3A_147 : i32
      %swap3A_241 = arith.index_cast %add3A_240 : i32 to index
      %swap3A_242 = tpu.vector_load %arg28[%swap3A_241] {strides = array<i32>} : memref<4096xi32, #tpu.memory_space<vmem>>, vector<16xi32>,
      %swap3A_243 = vector.shape_cast %swap3A_242 : vector<16xi32> to vector<16xi32>
      %swap3A_244 = vector.shape_cast %add3A_238 : vector<16xi32> to vector<16xi32>
      tpu.vector_store %arg28[%swap3A_241], %swap3A_244 {strides = array<i32>} : memref<4096xi32, #tpu.memory_space<vmem>>, vector<16xi32>,
      %add3A_245 = arith.constant 513 : i32
      %add3A_246 = vector.broadcast %add3A_245 : i32 to vector<16xi32>
      %add3A_247 = arith.addi %add3A_217, %add3A_246 : vector<16xi32>
      %add3A_248 = arith.constant 1536 : i32
      %add3A_249 = arith.addi %add3A_248, %mul3A_147 : i32
      %swap3A_250 = arith.index_cast %add3A_249 : i32 to index
      %swap3A_251 = tpu.vector_load %arg28[%swap3A_250] {strides = array<i32>} : memref<4096xi32, #tpu.memory_space<vmem>>, vector<16xi32>,
      %swap3A_252 = vector.shape_cast %swap3A_251 : vector<16xi32> to vector<16xi32>
      %swap3A_253 = vector.shape_cast %add3A_247 : vector<16xi32> to vector<16xi32>
      tpu.vector_store %arg28[%swap3A_250], %swap3A_253 {strides = array<i32>} : memref<4096xi32, #tpu.memory_space<vmem>>, vector<16xi32>,
      %add3A_254 = arith.constant 262144 : i32
      %add3A_255 = vector.broadcast %add3A_254 : i32 to vector<16xi32>
      %add3A_256 = arith.addi %add3A_217, %add3A_255 : vector<16xi32>
      %add3A_257 = arith.constant 2048 : i32
      %add3A_258 = arith.addi %add3A_257, %mul3A_147 : i32
      %swap3A_259 = arith.index_cast %add3A_258 : i32 to index
      %swap3A_260 = tpu.vector_load %arg28[%swap3A_259] {strides = array<i32>} : memref<4096xi32, #tpu.memory_space<vmem>>, vector<16xi32>,
      %swap3A_261 = vector.shape_cast %swap3A_260 : vector<16xi32> to vector<16xi32>
      %swap3A_262 = vector.shape_cast %add3A_256 : vector<16xi32> to vector<16xi32>
      tpu.vector_store %arg28[%swap3A_259], %swap3A_262 {strides = array<i32>} : memref<4096xi32, #tpu.memory_space<vmem>>, vector<16xi32>,
      %add3A_263 = arith.constant 262145 : i32
      %add3A_264 = vector.broadcast %add3A_263 : i32 to vector<16xi32>
      %add3A_265 = arith.addi %add3A_217, %add3A_264 : vector<16xi32>
      %add3A_266 = arith.constant 2560 : i32
      %add3A_267 = arith.addi %add3A_266, %mul3A_147 : i32
      %swap3A_268 = arith.index_cast %add3A_267 : i32 to index
      %swap3A_269 = tpu.vector_load %arg28[%swap3A_268] {strides = array<i32>} : memref<4096xi32, #tpu.memory_space<vmem>>, vector<16xi32>,
      %swap3A_270 = vector.shape_cast %swap3A_269 : vector<16xi32> to vector<16xi32>
      %swap3A_271 = vector.shape_cast %add3A_265 : vector<16xi32> to vector<16xi32>
      tpu.vector_store %arg28[%swap3A_268], %swap3A_271 {strides = array<i32>} : memref<4096xi32, #tpu.memory_space<vmem>>, vector<16xi32>,
      %add3A_272 = arith.constant 262656 : i32
      %add3A_273 = vector.broadcast %add3A_272 : i32 to vector<16xi32>
      %add3A_274 = arith.addi %add3A_217, %add3A_273 : vector<16xi32>
      %add3A_275 = arith.constant 3072 : i32
      %add3A_276 = arith.addi %add3A_275, %mul3A_147 : i32
      %swap3A_277 = arith.index_cast %add3A_276 : i32 to index
      %swap3A_278 = tpu.vector_load %arg28[%swap3A_277] {strides = array<i32>} : memref<4096xi32, #tpu.memory_space<vmem>>, vector<16xi32>,
      %swap3A_279 = vector.shape_cast %swap3A_278 : vector<16xi32> to vector<16xi32>
      %swap3A_280 = vector.shape_cast %add3A_274 : vector<16xi32> to vector<16xi32>
      tpu.vector_store %arg28[%swap3A_277], %swap3A_280 {strides = array<i32>} : memref<4096xi32, #tpu.memory_space<vmem>>, vector<16xi32>,
      %add3A_281 = arith.constant 262657 : i32
      %add3A_282 = vector.broadcast %add3A_281 : i32 to vector<16xi32>
      %add3A_283 = arith.addi %add3A_217, %add3A_282 : vector<16xi32>
      %add3A_284 = arith.constant 3584 : i32
      %add3A_285 = arith.addi %add3A_284, %mul3A_147 : i32
      %swap3A_286 = arith.index_cast %add3A_285 : i32 to index
      %swap3A_287 = tpu.vector_load %arg28[%swap3A_286] {strides = array<i32>} : memref<4096xi32, #tpu.memory_space<vmem>>, vector<16xi32>,
      %swap3A_288 = vector.shape_cast %swap3A_287 : vector<16xi32> to vector<16xi32>
      %swap3A_289 = vector.shape_cast %add3A_283 : vector<16xi32> to vector<16xi32>
      tpu.vector_store %arg28[%swap3A_286], %swap3A_289 {strides = array<i32>} : memref<4096xi32, #tpu.memory_space<vmem>>, vector<16xi32>,
      %get3A_290 = arith.index_cast %add3A_145 : i32 to index
      %get3A_291 = tpu.vector_load %arg16[%get3A_290] {strides = array<i32>} : memref<2048xf32, #tpu.memory_space<vmem>>, vector<16xf32>,
      %get3A_292 = vector.shape_cast %get3A_291 : vector<16xf32> to vector<16xf32>
      %mul3A_293 = arith.constant 3.100000e+01 : f32
      %mul3A_294 = vector.broadcast %mul3A_293 : f32 to vector<16xf32>
      %mul3A_295 = arith.mulf %get3A_292, %mul3A_294 : vector<16xf32>
      %convert_element_type3A_296 = arith.fptosi %mul3A_295 : vector<16xf32> to vector<16xi32>
      %min3A_297 = arith.constant 30 : i32
      %min3A_298 = vector.broadcast %min3A_297 : i32 to vector<16xi32>
      %min3A_299 = arith.minsi %convert_element_type3A_296, %min3A_298 : vector<16xi32>
      %mul3A_300 = arith.constant 262144 : i32
      %mul3A_301 = vector.broadcast %mul3A_300 : i32 to vector<16xi32>
      %mul3A_302 = arith.muli %min3A_299, %mul3A_301 : vector<16xi32>
      %add3A_303 = arith.addi %mul3A_302, %add3A_168 : vector<16xi32>
      %add3A_304 = arith.constant 0 : i32
      %add3A_305 = vector.broadcast %add3A_304 : i32 to vector<16xi32>
      %add3A_306 = arith.addi %add3A_303, %add3A_305 : vector<16xi32>
      %add3A_307 = arith.constant 0 : i32
      %add3A_308 = arith.addi %add3A_307, %mul3A_147 : i32
      %swap3A_309 = arith.index_cast %add3A_308 : i32 to index
      %swap3A_310 = tpu.vector_load %arg29[%swap3A_309] {strides = array<i32>} : memref<4096xi32, #tpu.memory_space<vmem>>, vector<16xi32>,
      %swap3A_311 = vector.shape_cast %swap3A_310 : vector<16xi32> to vector<16xi32>
      %swap3A_312 = vector.shape_cast %add3A_306 : vector<16xi32> to vector<16xi32>
      tpu.vector_store %arg29[%swap3A_309], %swap3A_312 {strides = array<i32>} : memref<4096xi32, #tpu.memory_space<vmem>>, vector<16xi32>,
      %add3A_313 = arith.constant 1 : i32
      %add3A_314 = vector.broadcast %add3A_313 : i32 to vector<16xi32>
      %add3A_315 = arith.addi %add3A_303, %add3A_314 : vector<16xi32>
      %add3A_316 = arith.constant 512 : i32
      %add3A_317 = arith.addi %add3A_316, %mul3A_147 : i32
      %swap3A_318 = arith.index_cast %add3A_317 : i32 to index
      %swap3A_319 = tpu.vector_load %arg29[%swap3A_318] {strides = array<i32>} : memref<4096xi32, #tpu.memory_space<vmem>>, vector<16xi32>,
      %swap3A_320 = vector.shape_cast %swap3A_319 : vector<16xi32> to vector<16xi32>
      %swap3A_321 = vector.shape_cast %add3A_315 : vector<16xi32> to vector<16xi32>
      tpu.vector_store %arg29[%swap3A_318], %swap3A_321 {strides = array<i32>} : memref<4096xi32, #tpu.memory_space<vmem>>, vector<16xi32>,
      %add3A_322 = arith.constant 512 : i32
      %add3A_323 = vector.broadcast %add3A_322 : i32 to vector<16xi32>
      %add3A_324 = arith.addi %add3A_303, %add3A_323 : vector<16xi32>
      %add3A_325 = arith.constant 1024 : i32
      %add3A_326 = arith.addi %add3A_325, %mul3A_147 : i32
      %swap3A_327 = arith.index_cast %add3A_326 : i32 to index
      %swap3A_328 = tpu.vector_load %arg29[%swap3A_327] {strides = array<i32>} : memref<4096xi32, #tpu.memory_space<vmem>>, vector<16xi32>,
      %swap3A_329 = vector.shape_cast %swap3A_328 : vector<16xi32> to vector<16xi32>
      %swap3A_330 = vector.shape_cast %add3A_324 : vector<16xi32> to vector<16xi32>
      tpu.vector_store %arg29[%swap3A_327], %swap3A_330 {strides = array<i32>} : memref<4096xi32, #tpu.memory_space<vmem>>, vector<16xi32>,
      %add3A_331 = arith.constant 513 : i32
      %add3A_332 = vector.broadcast %add3A_331 : i32 to vector<16xi32>
      %add3A_333 = arith.addi %add3A_303, %add3A_332 : vector<16xi32>
      %add3A_334 = arith.constant 1536 : i32
      %add3A_335 = arith.addi %add3A_334, %mul3A_147 : i32
      %swap3A_336 = arith.index_cast %add3A_335 : i32 to index
      %swap3A_337 = tpu.vector_load %arg29[%swap3A_336] {strides = array<i32>} : memref<4096xi32, #tpu.memory_space<vmem>>, vector<16xi32>,
      %swap3A_338 = vector.shape_cast %swap3A_337 : vector<16xi32> to vector<16xi32>
      %swap3A_339 = vector.shape_cast %add3A_333 : vector<16xi32> to vector<16xi32>
      tpu.vector_store %arg29[%swap3A_336], %swap3A_339 {strides = array<i32>} : memref<4096xi32, #tpu.memory_space<vmem>>, vector<16xi32>,
      %add3A_340 = arith.constant 262144 : i32
      %add3A_341 = vector.broadcast %add3A_340 : i32 to vector<16xi32>
      %add3A_342 = arith.addi %add3A_303, %add3A_341 : vector<16xi32>
      %add3A_343 = arith.constant 2048 : i32
      %add3A_344 = arith.addi %add3A_343, %mul3A_147 : i32
      %swap3A_345 = arith.index_cast %add3A_344 : i32 to index
      %swap3A_346 = tpu.vector_load %arg29[%swap3A_345] {strides = array<i32>} : memref<4096xi32, #tpu.memory_space<vmem>>, vector<16xi32>,
      %swap3A_347 = vector.shape_cast %swap3A_346 : vector<16xi32> to vector<16xi32>
      %swap3A_348 = vector.shape_cast %add3A_342 : vector<16xi32> to vector<16xi32>
      tpu.vector_store %arg29[%swap3A_345], %swap3A_348 {strides = array<i32>} : memref<4096xi32, #tpu.memory_space<vmem>>, vector<16xi32>,
      %add3A_349 = arith.constant 262145 : i32
      %add3A_350 = vector.broadcast %add3A_349 : i32 to vector<16xi32>
      %add3A_351 = arith.addi %add3A_303, %add3A_350 : vector<16xi32>
      %add3A_352 = arith.constant 2560 : i32
      %add3A_353 = arith.addi %add3A_352, %mul3A_147 : i32
      %swap3A_354 = arith.index_cast %add3A_353 : i32 to index
      %swap3A_355 = tpu.vector_load %arg29[%swap3A_354] {strides = array<i32>} : memref<4096xi32, #tpu.memory_space<vmem>>, vector<16xi32>,
      %swap3A_356 = vector.shape_cast %swap3A_355 : vector<16xi32> to vector<16xi32>
      %swap3A_357 = vector.shape_cast %add3A_351 : vector<16xi32> to vector<16xi32>
      tpu.vector_store %arg29[%swap3A_354], %swap3A_357 {strides = array<i32>} : memref<4096xi32, #tpu.memory_space<vmem>>, vector<16xi32>,
      %add3A_358 = arith.constant 262656 : i32
      %add3A_359 = vector.broadcast %add3A_358 : i32 to vector<16xi32>
      %add3A_360 = arith.addi %add3A_303, %add3A_359 : vector<16xi32>
      %add3A_361 = arith.constant 3072 : i32
      %add3A_362 = arith.addi %add3A_361, %mul3A_147 : i32
      %swap3A_363 = arith.index_cast %add3A_362 : i32 to index
      %swap3A_364 = tpu.vector_load %arg29[%swap3A_363] {strides = array<i32>} : memref<4096xi32, #tpu.memory_space<vmem>>, vector<16xi32>,
      %swap3A_365 = vector.shape_cast %swap3A_364 : vector<16xi32> to vector<16xi32>
      %swap3A_366 = vector.shape_cast %add3A_360 : vector<16xi32> to vector<16xi32>
      tpu.vector_store %arg29[%swap3A_363], %swap3A_366 {strides = array<i32>} : memref<4096xi32, #tpu.memory_space<vmem>>, vector<16xi32>,
      %add3A_367 = arith.constant 262657 : i32
      %add3A_368 = vector.broadcast %add3A_367 : i32 to vector<16xi32>
      %add3A_369 = arith.addi %add3A_303, %add3A_368 : vector<16xi32>
      %add3A_370 = arith.constant 3584 : i32
      %add3A_371 = arith.addi %add3A_370, %mul3A_147 : i32
      %swap3A_372 = arith.index_cast %add3A_371 : i32 to index
      %swap3A_373 = tpu.vector_load %arg29[%swap3A_372] {strides = array<i32>} : memref<4096xi32, #tpu.memory_space<vmem>>, vector<16xi32>,
      %swap3A_374 = vector.shape_cast %swap3A_373 : vector<16xi32> to vector<16xi32>
      %swap3A_375 = vector.shape_cast %add3A_369 : vector<16xi32> to vector<16xi32>
      tpu.vector_store %arg29[%swap3A_372], %swap3A_375 {strides = array<i32>} : memref<4096xi32, #tpu.memory_space<vmem>>, vector<16xi32>,
      %get3A_376 = arith.index_cast %add3A_145 : i32 to index
      %get3A_377 = tpu.vector_load %arg17[%get3A_376] {strides = array<i32>} : memref<2048xf32, #tpu.memory_space<vmem>>, vector<16xf32>,
      %get3A_378 = vector.shape_cast %get3A_377 : vector<16xf32> to vector<16xf32>
      %mul3A_379 = arith.constant 3.100000e+01 : f32
      %mul3A_380 = vector.broadcast %mul3A_379 : f32 to vector<16xf32>
      %mul3A_381 = arith.mulf %get3A_378, %mul3A_380 : vector<16xf32>
      %convert_element_type3A_382 = arith.fptosi %mul3A_381 : vector<16xf32> to vector<16xi32>
      %min3A_383 = arith.constant 30 : i32
      %min3A_384 = vector.broadcast %min3A_383 : i32 to vector<16xi32>
      %min3A_385 = arith.minsi %convert_element_type3A_382, %min3A_384 : vector<16xi32>
      %mul3A_386 = arith.constant 262144 : i32
      %mul3A_387 = vector.broadcast %mul3A_386 : i32 to vector<16xi32>
      %mul3A_388 = arith.muli %min3A_385, %mul3A_387 : vector<16xi32>
      %add3A_389 = arith.addi %mul3A_388, %add3A_168 : vector<16xi32>
      %add3A_390 = arith.constant 0 : i32
      %add3A_391 = vector.broadcast %add3A_390 : i32 to vector<16xi32>
      %add3A_392 = arith.addi %add3A_389, %add3A_391 : vector<16xi32>
      %add3A_393 = arith.constant 0 : i32
      %add3A_394 = arith.addi %add3A_393, %mul3A_147 : i32
      %swap3A_395 = arith.index_cast %add3A_394 : i32 to index
      %swap3A_396 = tpu.vector_load %arg30[%swap3A_395] {strides = array<i32>} : memref<4096xi32, #tpu.memory_space<vmem>>, vector<16xi32>,
      %swap3A_397 = vector.shape_cast %swap3A_396 : vector<16xi32> to vector<16xi32>
      %swap3A_398 = vector.shape_cast %add3A_392 : vector<16xi32> to vector<16xi32>
      tpu.vector_store %arg30[%swap3A_395], %swap3A_398 {strides = array<i32>} : memref<4096xi32, #tpu.memory_space<vmem>>, vector<16xi32>,
      %add3A_399 = arith.constant 1 : i32
      %add3A_400 = vector.broadcast %add3A_399 : i32 to vector<16xi32>
      %add3A_401 = arith.addi %add3A_389, %add3A_400 : vector<16xi32>
      %add3A_402 = arith.constant 512 : i32
      %add3A_403 = arith.addi %add3A_402, %mul3A_147 : i32
      %swap3A_404 = arith.index_cast %add3A_403 : i32 to index
      %swap3A_405 = tpu.vector_load %arg30[%swap3A_404] {strides = array<i32>} : memref<4096xi32, #tpu.memory_space<vmem>>, vector<16xi32>,
      %swap3A_406 = vector.shape_cast %swap3A_405 : vector<16xi32> to vector<16xi32>
      %swap3A_407 = vector.shape_cast %add3A_401 : vector<16xi32> to vector<16xi32>
      tpu.vector_store %arg30[%swap3A_404], %swap3A_407 {strides = array<i32>} : memref<4096xi32, #tpu.memory_space<vmem>>, vector<16xi32>,
      %add3A_408 = arith.constant 512 : i32
      %add3A_409 = vector.broadcast %add3A_408 : i32 to vector<16xi32>
      %add3A_410 = arith.addi %add3A_389, %add3A_409 : vector<16xi32>
      %add3A_411 = arith.constant 1024 : i32
      %add3A_412 = arith.addi %add3A_411, %mul3A_147 : i32
      %swap3A_413 = arith.index_cast %add3A_412 : i32 to index
      %swap3A_414 = tpu.vector_load %arg30[%swap3A_413] {strides = array<i32>} : memref<4096xi32, #tpu.memory_space<vmem>>, vector<16xi32>,
      %swap3A_415 = vector.shape_cast %swap3A_414 : vector<16xi32> to vector<16xi32>
      %swap3A_416 = vector.shape_cast %add3A_410 : vector<16xi32> to vector<16xi32>
      tpu.vector_store %arg30[%swap3A_413], %swap3A_416 {strides = array<i32>} : memref<4096xi32, #tpu.memory_space<vmem>>, vector<16xi32>,
      %add3A_417 = arith.constant 513 : i32
      %add3A_418 = vector.broadcast %add3A_417 : i32 to vector<16xi32>
      %add3A_419 = arith.addi %add3A_389, %add3A_418 : vector<16xi32>
      %add3A_420 = arith.constant 1536 : i32
      %add3A_421 = arith.addi %add3A_420, %mul3A_147 : i32
      %swap3A_422 = arith.index_cast %add3A_421 : i32 to index
      %swap3A_423 = tpu.vector_load %arg30[%swap3A_422] {strides = array<i32>} : memref<4096xi32, #tpu.memory_space<vmem>>, vector<16xi32>,
      %swap3A_424 = vector.shape_cast %swap3A_423 : vector<16xi32> to vector<16xi32>
      %swap3A_425 = vector.shape_cast %add3A_419 : vector<16xi32> to vector<16xi32>
      tpu.vector_store %arg30[%swap3A_422], %swap3A_425 {strides = array<i32>} : memref<4096xi32, #tpu.memory_space<vmem>>, vector<16xi32>,
      %add3A_426 = arith.constant 262144 : i32
      %add3A_427 = vector.broadcast %add3A_426 : i32 to vector<16xi32>
      %add3A_428 = arith.addi %add3A_389, %add3A_427 : vector<16xi32>
      %add3A_429 = arith.constant 2048 : i32
      %add3A_430 = arith.addi %add3A_429, %mul3A_147 : i32
      %swap3A_431 = arith.index_cast %add3A_430 : i32 to index
      %swap3A_432 = tpu.vector_load %arg30[%swap3A_431] {strides = array<i32>} : memref<4096xi32, #tpu.memory_space<vmem>>, vector<16xi32>,
      %swap3A_433 = vector.shape_cast %swap3A_432 : vector<16xi32> to vector<16xi32>
      %swap3A_434 = vector.shape_cast %add3A_428 : vector<16xi32> to vector<16xi32>
      tpu.vector_store %arg30[%swap3A_431], %swap3A_434 {strides = array<i32>} : memref<4096xi32, #tpu.memory_space<vmem>>, vector<16xi32>,
      %add3A_435 = arith.constant 262145 : i32
      %add3A_436 = vector.broadcast %add3A_435 : i32 to vector<16xi32>
      %add3A_437 = arith.addi %add3A_389, %add3A_436 : vector<16xi32>
      %add3A_438 = arith.constant 2560 : i32
      %add3A_439 = arith.addi %add3A_438, %mul3A_147 : i32
      %swap3A_440 = arith.index_cast %add3A_439 : i32 to index
      %swap3A_441 = tpu.vector_load %arg30[%swap3A_440] {strides = array<i32>} : memref<4096xi32, #tpu.memory_space<vmem>>, vector<16xi32>,
      %swap3A_442 = vector.shape_cast %swap3A_441 : vector<16xi32> to vector<16xi32>
      %swap3A_443 = vector.shape_cast %add3A_437 : vector<16xi32> to vector<16xi32>
      tpu.vector_store %arg30[%swap3A_440], %swap3A_443 {strides = array<i32>} : memref<4096xi32, #tpu.memory_space<vmem>>, vector<16xi32>,
      %add3A_444 = arith.constant 262656 : i32
      %add3A_445 = vector.broadcast %add3A_444 : i32 to vector<16xi32>
      %add3A_446 = arith.addi %add3A_389, %add3A_445 : vector<16xi32>
      %add3A_447 = arith.constant 3072 : i32
      %add3A_448 = arith.addi %add3A_447, %mul3A_147 : i32
      %swap3A_449 = arith.index_cast %add3A_448 : i32 to index
      %swap3A_450 = tpu.vector_load %arg30[%swap3A_449] {strides = array<i32>} : memref<4096xi32, #tpu.memory_space<vmem>>, vector<16xi32>,
      %swap3A_451 = vector.shape_cast %swap3A_450 : vector<16xi32> to vector<16xi32>
      %swap3A_452 = vector.shape_cast %add3A_446 : vector<16xi32> to vector<16xi32>
      tpu.vector_store %arg30[%swap3A_449], %swap3A_452 {strides = array<i32>} : memref<4096xi32, #tpu.memory_space<vmem>>, vector<16xi32>,
      %add3A_453 = arith.constant 262657 : i32
      %add3A_454 = vector.broadcast %add3A_453 : i32 to vector<16xi32>
      %add3A_455 = arith.addi %add3A_389, %add3A_454 : vector<16xi32>
      %add3A_456 = arith.constant 3584 : i32
      %add3A_457 = arith.addi %add3A_456, %mul3A_147 : i32
      %swap3A_458 = arith.index_cast %add3A_457 : i32 to index
      %swap3A_459 = tpu.vector_load %arg30[%swap3A_458] {strides = array<i32>} : memref<4096xi32, #tpu.memory_space<vmem>>, vector<16xi32>,
      %swap3A_460 = vector.shape_cast %swap3A_459 : vector<16xi32> to vector<16xi32>
      %swap3A_461 = vector.shape_cast %add3A_455 : vector<16xi32> to vector<16xi32>
      tpu.vector_store %arg30[%swap3A_458], %swap3A_461 {strides = array<i32>} : memref<4096xi32, #tpu.memory_space<vmem>>, vector<16xi32>,
      %scan3A_462 = arith.constant 0 : i32
      scf.yield %scan3A_462 : i32
    }
    %scan3A_93 = arith.constant 32 : i32
    %dma_start3A_94 = arith.constant 0 : i32
    %dma_start3A_95 = tpu.memref_slice %arg8[%dma_start3A_94] : memref<262144xf32, #tpu.memory_space<hbm>> -> memref<262144xf32, #tpu.memory_space<hbm>>
    tpu.enqueue_indirect_dma source(%dma_start3A_95 : memref<262144xf32, #tpu.memory_space<hbm>>) target(%arg31 : memref<2048xf32, #tpu.memory_space<vmem>>) offsets(%arg27 : memref<2048xi32, #tpu.memory_space<vmem>>) semaphore(%arg40 : memref<!tpu.dma_semaphore, #tpu.memory_space<semaphore_mem>>)
    %dma_start3A_96 = arith.constant 0 : i32
    %dma_start3A_97 = tpu.memref_slice %arg9[%dma_start3A_96] : memref<8388608xf32, #tpu.memory_space<hbm>> -> memref<8388608xf32, #tpu.memory_space<hbm>>
    tpu.enqueue_indirect_dma source(%dma_start3A_97 : memref<8388608xf32, #tpu.memory_space<hbm>>) target(%arg32 : memref<4096xf32, #tpu.memory_space<vmem>>) offsets(%arg28 : memref<4096xi32, #tpu.memory_space<vmem>>) semaphore(%arg40 : memref<!tpu.dma_semaphore, #tpu.memory_space<semaphore_mem>>)
    %dma_start3A_98 = arith.constant 0 : i32
    %dma_start3A_99 = tpu.memref_slice %arg10[%dma_start3A_98] : memref<8388608xf32, #tpu.memory_space<hbm>> -> memref<8388608xf32, #tpu.memory_space<hbm>>
    tpu.enqueue_indirect_dma source(%dma_start3A_99 : memref<8388608xf32, #tpu.memory_space<hbm>>) target(%arg33 : memref<4096xf32, #tpu.memory_space<vmem>>) offsets(%arg29 : memref<4096xi32, #tpu.memory_space<vmem>>) semaphore(%arg40 : memref<!tpu.dma_semaphore, #tpu.memory_space<semaphore_mem>>)
    %dma_start3A_100 = arith.constant 0 : i32
    %dma_start3A_101 = tpu.memref_slice %arg11[%dma_start3A_100] : memref<8388608xf32, #tpu.memory_space<hbm>> -> memref<8388608xf32, #tpu.memory_space<hbm>>
    tpu.enqueue_indirect_dma source(%dma_start3A_101 : memref<8388608xf32, #tpu.memory_space<hbm>>) target(%arg34 : memref<4096xf32, #tpu.memory_space<vmem>>) offsets(%arg30 : memref<4096xi32, #tpu.memory_space<vmem>>) semaphore(%arg40 : memref<!tpu.dma_semaphore, #tpu.memory_space<semaphore_mem>>)
    %dma_wait3A_102 = arith.constant 0 : i32
    %dma_wait3A_103 = tpu.memref_slice %arg8[%dma_wait3A_102] : memref<262144xf32, #tpu.memory_space<hbm>> -> memref<262144xf32, #tpu.memory_space<hbm>>
    tpu.wait_indirect_dma semaphore(%arg39 : memref<!tpu.dma_semaphore, #tpu.memory_space<semaphore_mem>>) src(%dma_wait3A_103 : memref<262144xf32, #tpu.memory_space<hbm>>) dst(%arg23 : memref<2048xf32, #tpu.memory_space<vmem>>)
    %dma_wait3A_104 = arith.constant 0 : i32
    %dma_wait3A_105 = tpu.memref_slice %arg9[%dma_wait3A_104] : memref<8388608xf32, #tpu.memory_space<hbm>> -> memref<8388608xf32, #tpu.memory_space<hbm>>
    tpu.wait_indirect_dma semaphore(%arg39 : memref<!tpu.dma_semaphore, #tpu.memory_space<semaphore_mem>>) src(%dma_wait3A_105 : memref<8388608xf32, #tpu.memory_space<hbm>>) dst(%arg24 : memref<4096xf32, #tpu.memory_space<vmem>>)
    %dma_wait3A_106 = arith.constant 0 : i32
    %dma_wait3A_107 = tpu.memref_slice %arg10[%dma_wait3A_106] : memref<8388608xf32, #tpu.memory_space<hbm>> -> memref<8388608xf32, #tpu.memory_space<hbm>>
    tpu.wait_indirect_dma semaphore(%arg39 : memref<!tpu.dma_semaphore, #tpu.memory_space<semaphore_mem>>) src(%dma_wait3A_107 : memref<8388608xf32, #tpu.memory_space<hbm>>) dst(%arg25 : memref<4096xf32, #tpu.memory_space<vmem>>)
    %dma_wait3A_108 = arith.constant 0 : i32
    %dma_wait3A_109 = tpu.memref_slice %arg11[%dma_wait3A_108] : memref<8388608xf32, #tpu.memory_space<hbm>> -> memref<8388608xf32, #tpu.memory_space<hbm>>
    tpu.wait_indirect_dma semaphore(%arg39 : memref<!tpu.dma_semaphore, #tpu.memory_space<semaphore_mem>>) src(%dma_wait3A_109 : memref<8388608xf32, #tpu.memory_space<hbm>>) dst(%arg26 : memref<4096xf32, #tpu.memory_space<vmem>>)
    %scan3A_110 = arith.constant 0 : i32
    %scan3A_111 = arith.constant 0 : i32
    %scan3A_112 = arith.constant 32 : i32
    %scan3A_113 = arith.addi %scan3A_111, %scan3A_112 : i32
    %scan3A_114 = arith.constant 1 : i32
    %scan3A_115 = scf.for %scan3A_140 = %scan3A_111 to %scan3A_113 step %scan3A_114 iter_args(%scan3A_141 = %scan3A_110) -> (i32)  : i32 {
      %mul3A_142 = arith.constant 16 : i32
      %mul3A_143 = arith.muli %scan3A_140, %mul3A_142 : i32
      %add3A_144 = arith.constant 1024 : i32
      %add3A_145 = arith.addi %add3A_144, %mul3A_143 : i32
      %mul3A_146 = arith.constant 16 : i32
      %mul3A_147 = arith.muli %scan3A_140, %mul3A_146 : i32
      %get3A = arith.index_cast %add3A_145 : i32 to index
      %get3A_148 = tpu.vector_load %arg13[%get3A] {strides = array<i32>} : memref<2048xf32, #tpu.memory_space<vmem>>, vector<16xf32>,
      %get3A_149 = vector.shape_cast %get3A_148 : vector<16xf32> to vector<16xf32>
      %mul3A_150 = arith.constant 5.110000e+02 : f32
      %mul3A_151 = vector.broadcast %mul3A_150 : f32 to vector<16xf32>
      %mul3A_152 = arith.mulf %get3A_149, %mul3A_151 : vector<16xf32>
      %get3A_153 = arith.index_cast %add3A_145 : i32 to index
      %get3A_154 = tpu.vector_load %arg14[%get3A_153] {strides = array<i32>} : memref<2048xf32, #tpu.memory_space<vmem>>, vector<16xf32>,
      %get3A_155 = vector.shape_cast %get3A_154 : vector<16xf32> to vector<16xf32>
      %mul3A_156 = arith.constant 5.110000e+02 : f32
      %mul3A_157 = vector.broadcast %mul3A_156 : f32 to vector<16xf32>
      %mul3A_158 = arith.mulf %get3A_155, %mul3A_157 : vector<16xf32>
      %convert_element_type3A = arith.fptosi %mul3A_152 : vector<16xf32> to vector<16xi32>
      %min3A = arith.constant 510 : i32
      %min3A_159 = vector.broadcast %min3A : i32 to vector<16xi32>
      %min3A_160 = arith.minsi %convert_element_type3A, %min3A_159 : vector<16xi32>
      %convert_element_type3A_161 = arith.fptosi %mul3A_158 : vector<16xf32> to vector<16xi32>
      %min3A_162 = arith.constant 510 : i32
      %min3A_163 = vector.broadcast %min3A_162 : i32 to vector<16xi32>
      %min3A_164 = arith.minsi %convert_element_type3A_161, %min3A_163 : vector<16xi32>
      %convert_element_type3A_165 = arith.sitofp %min3A_160 : vector<16xi32> to vector<16xf32>
      %sub3A = arith.subf %mul3A_152, %convert_element_type3A_165 : vector<16xf32>
      %convert_element_type3A_166 = arith.sitofp %min3A_164 : vector<16xi32> to vector<16xf32>
      %sub3A_167 = arith.subf %mul3A_158, %convert_element_type3A_166 : vector<16xf32>
      %get3A_168 = arith.index_cast %add3A_145 : i32 to index
      %get3A_169 = tpu.vector_load %arg18[%get3A_168] {strides = array<i32>} : memref<2048xf32, #tpu.memory_space<vmem>>, vector<16xf32>,
      %get3A_170 = vector.shape_cast %get3A_169 : vector<16xf32> to vector<16xf32>
      %add3A_171 = arith.constant 0 : i32
      %add3A_172 = arith.addi %add3A_171, %mul3A_147 : i32
      %get3A_173 = arith.index_cast %add3A_172 : i32 to index
      %get3A_174 = tpu.vector_load %arg23[%get3A_173] {strides = array<i32>} : memref<2048xf32, #tpu.memory_space<vmem>>, vector<16xf32>,
      %get3A_175 = vector.shape_cast %get3A_174 : vector<16xf32> to vector<16xf32>
      %add3A_176 = arith.constant 512 : i32
      %add3A_177 = arith.addi %add3A_176, %mul3A_147 : i32
      %get3A_178 = arith.index_cast %add3A_177 : i32 to index
      %get3A_179 = tpu.vector_load %arg23[%get3A_178] {strides = array<i32>} : memref<2048xf32, #tpu.memory_space<vmem>>, vector<16xf32>,
      %get3A_180 = vector.shape_cast %get3A_179 : vector<16xf32> to vector<16xf32>
      %add3A_181 = arith.constant 1024 : i32
      %add3A_182 = arith.addi %add3A_181, %mul3A_147 : i32
      %get3A_183 = arith.index_cast %add3A_182 : i32 to index
      %get3A_184 = tpu.vector_load %arg23[%get3A_183] {strides = array<i32>} : memref<2048xf32, #tpu.memory_space<vmem>>, vector<16xf32>,
      %get3A_185 = vector.shape_cast %get3A_184 : vector<16xf32> to vector<16xf32>
      %add3A_186 = arith.constant 1536 : i32
      %add3A_187 = arith.addi %add3A_186, %mul3A_147 : i32
      %get3A_188 = arith.index_cast %add3A_187 : i32 to index
      %get3A_189 = tpu.vector_load %arg23[%get3A_188] {strides = array<i32>} : memref<2048xf32, #tpu.memory_space<vmem>>, vector<16xf32>,
      %get3A_190 = vector.shape_cast %get3A_189 : vector<16xf32> to vector<16xf32>
      %sub3A_191 = arith.subf %get3A_180, %get3A_175 : vector<16xf32>
      %mul3A_192 = arith.mulf %sub3A_167, %sub3A_191 : vector<16xf32>
      %add3A_193 = arith.addf %get3A_175, %mul3A_192 : vector<16xf32>
      %sub3A_194 = arith.subf %get3A_190, %get3A_185 : vector<16xf32>
      %mul3A_195 = arith.mulf %sub3A_167, %sub3A_194 : vector<16xf32>
      %add3A_196 = arith.addf %get3A_185, %mul3A_195 : vector<16xf32>
      %sub3A_197 = arith.subf %add3A_196, %add3A_193 : vector<16xf32>
      %mul3A_198 = arith.mulf %sub3A, %sub3A_197 : vector<16xf32>
      %add3A_199 = arith.addf %add3A_193, %mul3A_198 : vector<16xf32>
      %mul3A_200 = arith.mulf %add3A_199, %get3A_170 : vector<16xf32>
      %swap3A = arith.index_cast %add3A_145 : i32 to index
      %swap3A_201 = tpu.vector_load %arg35[%swap3A] {strides = array<i32>} : memref<2048xf32, #tpu.memory_space<vmem>>, vector<16xf32>,
      %swap3A_202 = vector.shape_cast %swap3A_201 : vector<16xf32> to vector<16xf32>
      %swap3A_203 = vector.shape_cast %mul3A_200 : vector<16xf32> to vector<16xf32>
      tpu.vector_store %arg35[%swap3A], %swap3A_203 {strides = array<i32>} : memref<2048xf32, #tpu.memory_space<vmem>>, vector<16xf32>,
      %get3A_204 = arith.index_cast %add3A_145 : i32 to index
      %get3A_205 = tpu.vector_load %arg15[%get3A_204] {strides = array<i32>} : memref<2048xf32, #tpu.memory_space<vmem>>, vector<16xf32>,
      %get3A_206 = vector.shape_cast %get3A_205 : vector<16xf32> to vector<16xf32>
      %mul3A_207 = arith.constant 3.100000e+01 : f32
      %mul3A_208 = vector.broadcast %mul3A_207 : f32 to vector<16xf32>
      %mul3A_209 = arith.mulf %get3A_206, %mul3A_208 : vector<16xf32>
      %convert_element_type3A_210 = arith.fptosi %mul3A_209 : vector<16xf32> to vector<16xi32>
      %min3A_211 = arith.constant 30 : i32
      %min3A_212 = vector.broadcast %min3A_211 : i32 to vector<16xi32>
      %min3A_213 = arith.minsi %convert_element_type3A_210, %min3A_212 : vector<16xi32>
      %convert_element_type3A_214 = arith.sitofp %min3A_213 : vector<16xi32> to vector<16xf32>
      %sub3A_215 = arith.subf %mul3A_209, %convert_element_type3A_214 : vector<16xf32>
      %add3A_216 = arith.constant 0 : i32
      %add3A_217 = arith.addi %add3A_216, %mul3A_147 : i32
      %get3A_218 = arith.index_cast %add3A_217 : i32 to index
      %get3A_219 = tpu.vector_load %arg24[%get3A_218] {strides = array<i32>} : memref<4096xf32, #tpu.memory_space<vmem>>, vector<16xf32>,
      %get3A_220 = vector.shape_cast %get3A_219 : vector<16xf32> to vector<16xf32>
      %add3A_221 = arith.constant 512 : i32
      %add3A_222 = arith.addi %add3A_221, %mul3A_147 : i32
      %get3A_223 = arith.index_cast %add3A_222 : i32 to index
      %get3A_224 = tpu.vector_load %arg24[%get3A_223] {strides = array<i32>} : memref<4096xf32, #tpu.memory_space<vmem>>, vector<16xf32>,
      %get3A_225 = vector.shape_cast %get3A_224 : vector<16xf32> to vector<16xf32>
      %add3A_226 = arith.constant 1024 : i32
      %add3A_227 = arith.addi %add3A_226, %mul3A_147 : i32
      %get3A_228 = arith.index_cast %add3A_227 : i32 to index
      %get3A_229 = tpu.vector_load %arg24[%get3A_228] {strides = array<i32>} : memref<4096xf32, #tpu.memory_space<vmem>>, vector<16xf32>,
      %get3A_230 = vector.shape_cast %get3A_229 : vector<16xf32> to vector<16xf32>
      %add3A_231 = arith.constant 1536 : i32
      %add3A_232 = arith.addi %add3A_231, %mul3A_147 : i32
      %get3A_233 = arith.index_cast %add3A_232 : i32 to index
      %get3A_234 = tpu.vector_load %arg24[%get3A_233] {strides = array<i32>} : memref<4096xf32, #tpu.memory_space<vmem>>, vector<16xf32>,
      %get3A_235 = vector.shape_cast %get3A_234 : vector<16xf32> to vector<16xf32>
      %add3A_236 = arith.constant 2048 : i32
      %add3A_237 = arith.addi %add3A_236, %mul3A_147 : i32
      %get3A_238 = arith.index_cast %add3A_237 : i32 to index
      %get3A_239 = tpu.vector_load %arg24[%get3A_238] {strides = array<i32>} : memref<4096xf32, #tpu.memory_space<vmem>>, vector<16xf32>,
      %get3A_240 = vector.shape_cast %get3A_239 : vector<16xf32> to vector<16xf32>
      %add3A_241 = arith.constant 2560 : i32
      %add3A_242 = arith.addi %add3A_241, %mul3A_147 : i32
      %get3A_243 = arith.index_cast %add3A_242 : i32 to index
      %get3A_244 = tpu.vector_load %arg24[%get3A_243] {strides = array<i32>} : memref<4096xf32, #tpu.memory_space<vmem>>, vector<16xf32>,
      %get3A_245 = vector.shape_cast %get3A_244 : vector<16xf32> to vector<16xf32>
      %add3A_246 = arith.constant 3072 : i32
      %add3A_247 = arith.addi %add3A_246, %mul3A_147 : i32
      %get3A_248 = arith.index_cast %add3A_247 : i32 to index
      %get3A_249 = tpu.vector_load %arg24[%get3A_248] {strides = array<i32>} : memref<4096xf32, #tpu.memory_space<vmem>>, vector<16xf32>,
      %get3A_250 = vector.shape_cast %get3A_249 : vector<16xf32> to vector<16xf32>
      %add3A_251 = arith.constant 3584 : i32
      %add3A_252 = arith.addi %add3A_251, %mul3A_147 : i32
      %get3A_253 = arith.index_cast %add3A_252 : i32 to index
      %get3A_254 = tpu.vector_load %arg24[%get3A_253] {strides = array<i32>} : memref<4096xf32, #tpu.memory_space<vmem>>, vector<16xf32>,
      %get3A_255 = vector.shape_cast %get3A_254 : vector<16xf32> to vector<16xf32>
      %sub3A_256 = arith.subf %get3A_225, %get3A_220 : vector<16xf32>
      %mul3A_257 = arith.mulf %sub3A_167, %sub3A_256 : vector<16xf32>
      %add3A_258 = arith.addf %get3A_220, %mul3A_257 : vector<16xf32>
      %sub3A_259 = arith.subf %get3A_235, %get3A_230 : vector<16xf32>
      %mul3A_260 = arith.mulf %sub3A_167, %sub3A_259 : vector<16xf32>
      %add3A_261 = arith.addf %get3A_230, %mul3A_260 : vector<16xf32>
      %sub3A_262 = arith.subf %add3A_261, %add3A_258 : vector<16xf32>
      %mul3A_263 = arith.mulf %sub3A, %sub3A_262 : vector<16xf32>
      %add3A_264 = arith.addf %add3A_258, %mul3A_263 : vector<16xf32>
      %sub3A_265 = arith.subf %get3A_245, %get3A_240 : vector<16xf32>
      %mul3A_266 = arith.mulf %sub3A_167, %sub3A_265 : vector<16xf32>
      %add3A_267 = arith.addf %get3A_240, %mul3A_266 : vector<16xf32>
      %sub3A_268 = arith.subf %get3A_255, %get3A_250 : vector<16xf32>
      %mul3A_269 = arith.mulf %sub3A_167, %sub3A_268 : vector<16xf32>
      %add3A_270 = arith.addf %get3A_250, %mul3A_269 : vector<16xf32>
      %sub3A_271 = arith.subf %add3A_270, %add3A_267 : vector<16xf32>
      %mul3A_272 = arith.mulf %sub3A, %sub3A_271 : vector<16xf32>
      %add3A_273 = arith.addf %add3A_267, %mul3A_272 : vector<16xf32>
      %sub3A_274 = arith.subf %add3A_273, %add3A_264 : vector<16xf32>
      %mul3A_275 = arith.mulf %sub3A_215, %sub3A_274 : vector<16xf32>
      %add3A_276 = arith.addf %add3A_264, %mul3A_275 : vector<16xf32>
      %mul3A_277 = arith.mulf %add3A_276, %get3A_170 : vector<16xf32>
      %swap3A_278 = arith.index_cast %add3A_145 : i32 to index
      %swap3A_279 = tpu.vector_load %arg36[%swap3A_278] {strides = array<i32>} : memref<2048xf32, #tpu.memory_space<vmem>>, vector<16xf32>,
      %swap3A_280 = vector.shape_cast %swap3A_279 : vector<16xf32> to vector<16xf32>
      %swap3A_281 = vector.shape_cast %mul3A_277 : vector<16xf32> to vector<16xf32>
      tpu.vector_store %arg36[%swap3A_278], %swap3A_281 {strides = array<i32>} : memref<2048xf32, #tpu.memory_space<vmem>>, vector<16xf32>,
      %get3A_282 = arith.index_cast %add3A_145 : i32 to index
      %get3A_283 = tpu.vector_load %arg16[%get3A_282] {strides = array<i32>} : memref<2048xf32, #tpu.memory_space<vmem>>, vector<16xf32>,
      %get3A_284 = vector.shape_cast %get3A_283 : vector<16xf32> to vector<16xf32>
      %mul3A_285 = arith.constant 3.100000e+01 : f32
      %mul3A_286 = vector.broadcast %mul3A_285 : f32 to vector<16xf32>
      %mul3A_287 = arith.mulf %get3A_284, %mul3A_286 : vector<16xf32>
      %convert_element_type3A_288 = arith.fptosi %mul3A_287 : vector<16xf32> to vector<16xi32>
      %min3A_289 = arith.constant 30 : i32
      %min3A_290 = vector.broadcast %min3A_289 : i32 to vector<16xi32>
      %min3A_291 = arith.minsi %convert_element_type3A_288, %min3A_290 : vector<16xi32>
      %convert_element_type3A_292 = arith.sitofp %min3A_291 : vector<16xi32> to vector<16xf32>
      %sub3A_293 = arith.subf %mul3A_287, %convert_element_type3A_292 : vector<16xf32>
      %add3A_294 = arith.constant 0 : i32
      %add3A_295 = arith.addi %add3A_294, %mul3A_147 : i32
      %get3A_296 = arith.index_cast %add3A_295 : i32 to index
      %get3A_297 = tpu.vector_load %arg25[%get3A_296] {strides = array<i32>} : memref<4096xf32, #tpu.memory_space<vmem>>, vector<16xf32>,
      %get3A_298 = vector.shape_cast %get3A_297 : vector<16xf32> to vector<16xf32>
      %add3A_299 = arith.constant 512 : i32
      %add3A_300 = arith.addi %add3A_299, %mul3A_147 : i32
      %get3A_301 = arith.index_cast %add3A_300 : i32 to index
      %get3A_302 = tpu.vector_load %arg25[%get3A_301] {strides = array<i32>} : memref<4096xf32, #tpu.memory_space<vmem>>, vector<16xf32>,
      %get3A_303 = vector.shape_cast %get3A_302 : vector<16xf32> to vector<16xf32>
      %add3A_304 = arith.constant 1024 : i32
      %add3A_305 = arith.addi %add3A_304, %mul3A_147 : i32
      %get3A_306 = arith.index_cast %add3A_305 : i32 to index
      %get3A_307 = tpu.vector_load %arg25[%get3A_306] {strides = array<i32>} : memref<4096xf32, #tpu.memory_space<vmem>>, vector<16xf32>,
      %get3A_308 = vector.shape_cast %get3A_307 : vector<16xf32> to vector<16xf32>
      %add3A_309 = arith.constant 1536 : i32
      %add3A_310 = arith.addi %add3A_309, %mul3A_147 : i32
      %get3A_311 = arith.index_cast %add3A_310 : i32 to index
      %get3A_312 = tpu.vector_load %arg25[%get3A_311] {strides = array<i32>} : memref<4096xf32, #tpu.memory_space<vmem>>, vector<16xf32>,
      %get3A_313 = vector.shape_cast %get3A_312 : vector<16xf32> to vector<16xf32>
      %add3A_314 = arith.constant 2048 : i32
      %add3A_315 = arith.addi %add3A_314, %mul3A_147 : i32
      %get3A_316 = arith.index_cast %add3A_315 : i32 to index
      %get3A_317 = tpu.vector_load %arg25[%get3A_316] {strides = array<i32>} : memref<4096xf32, #tpu.memory_space<vmem>>, vector<16xf32>,
      %get3A_318 = vector.shape_cast %get3A_317 : vector<16xf32> to vector<16xf32>
      %add3A_319 = arith.constant 2560 : i32
      %add3A_320 = arith.addi %add3A_319, %mul3A_147 : i32
      %get3A_321 = arith.index_cast %add3A_320 : i32 to index
      %get3A_322 = tpu.vector_load %arg25[%get3A_321] {strides = array<i32>} : memref<4096xf32, #tpu.memory_space<vmem>>, vector<16xf32>,
      %get3A_323 = vector.shape_cast %get3A_322 : vector<16xf32> to vector<16xf32>
      %add3A_324 = arith.constant 3072 : i32
      %add3A_325 = arith.addi %add3A_324, %mul3A_147 : i32
      %get3A_326 = arith.index_cast %add3A_325 : i32 to index
      %get3A_327 = tpu.vector_load %arg25[%get3A_326] {strides = array<i32>} : memref<4096xf32, #tpu.memory_space<vmem>>, vector<16xf32>,
      %get3A_328 = vector.shape_cast %get3A_327 : vector<16xf32> to vector<16xf32>
      %add3A_329 = arith.constant 3584 : i32
      %add3A_330 = arith.addi %add3A_329, %mul3A_147 : i32
      %get3A_331 = arith.index_cast %add3A_330 : i32 to index
      %get3A_332 = tpu.vector_load %arg25[%get3A_331] {strides = array<i32>} : memref<4096xf32, #tpu.memory_space<vmem>>, vector<16xf32>,
      %get3A_333 = vector.shape_cast %get3A_332 : vector<16xf32> to vector<16xf32>
      %sub3A_334 = arith.subf %get3A_303, %get3A_298 : vector<16xf32>
      %mul3A_335 = arith.mulf %sub3A_167, %sub3A_334 : vector<16xf32>
      %add3A_336 = arith.addf %get3A_298, %mul3A_335 : vector<16xf32>
      %sub3A_337 = arith.subf %get3A_313, %get3A_308 : vector<16xf32>
      %mul3A_338 = arith.mulf %sub3A_167, %sub3A_337 : vector<16xf32>
      %add3A_339 = arith.addf %get3A_308, %mul3A_338 : vector<16xf32>
      %sub3A_340 = arith.subf %add3A_339, %add3A_336 : vector<16xf32>
      %mul3A_341 = arith.mulf %sub3A, %sub3A_340 : vector<16xf32>
      %add3A_342 = arith.addf %add3A_336, %mul3A_341 : vector<16xf32>
      %sub3A_343 = arith.subf %get3A_323, %get3A_318 : vector<16xf32>
      %mul3A_344 = arith.mulf %sub3A_167, %sub3A_343 : vector<16xf32>
      %add3A_345 = arith.addf %get3A_318, %mul3A_344 : vector<16xf32>
      %sub3A_346 = arith.subf %get3A_333, %get3A_328 : vector<16xf32>
      %mul3A_347 = arith.mulf %sub3A_167, %sub3A_346 : vector<16xf32>
      %add3A_348 = arith.addf %get3A_328, %mul3A_347 : vector<16xf32>
      %sub3A_349 = arith.subf %add3A_348, %add3A_345 : vector<16xf32>
      %mul3A_350 = arith.mulf %sub3A, %sub3A_349 : vector<16xf32>
      %add3A_351 = arith.addf %add3A_345, %mul3A_350 : vector<16xf32>
      %sub3A_352 = arith.subf %add3A_351, %add3A_342 : vector<16xf32>
      %mul3A_353 = arith.mulf %sub3A_293, %sub3A_352 : vector<16xf32>
      %add3A_354 = arith.addf %add3A_342, %mul3A_353 : vector<16xf32>
      %mul3A_355 = arith.mulf %add3A_354, %get3A_170 : vector<16xf32>
      %swap3A_356 = arith.index_cast %add3A_145 : i32 to index
      %swap3A_357 = tpu.vector_load %arg37[%swap3A_356] {strides = array<i32>} : memref<2048xf32, #tpu.memory_space<vmem>>, vector<16xf32>,
      %swap3A_358 = vector.shape_cast %swap3A_357 : vector<16xf32> to vector<16xf32>
      %swap3A_359 = vector.shape_cast %mul3A_355 : vector<16xf32> to vector<16xf32>
      tpu.vector_store %arg37[%swap3A_356], %swap3A_359 {strides = array<i32>} : memref<2048xf32, #tpu.memory_space<vmem>>, vector<16xf32>,
      %get3A_360 = arith.index_cast %add3A_145 : i32 to index
      %get3A_361 = tpu.vector_load %arg17[%get3A_360] {strides = array<i32>} : memref<2048xf32, #tpu.memory_space<vmem>>, vector<16xf32>,
      %get3A_362 = vector.shape_cast %get3A_361 : vector<16xf32> to vector<16xf32>
      %mul3A_363 = arith.constant 3.100000e+01 : f32
      %mul3A_364 = vector.broadcast %mul3A_363 : f32 to vector<16xf32>
      %mul3A_365 = arith.mulf %get3A_362, %mul3A_364 : vector<16xf32>
      %convert_element_type3A_366 = arith.fptosi %mul3A_365 : vector<16xf32> to vector<16xi32>
      %min3A_367 = arith.constant 30 : i32
      %min3A_368 = vector.broadcast %min3A_367 : i32 to vector<16xi32>
      %min3A_369 = arith.minsi %convert_element_type3A_366, %min3A_368 : vector<16xi32>
      %convert_element_type3A_370 = arith.sitofp %min3A_369 : vector<16xi32> to vector<16xf32>
      %sub3A_371 = arith.subf %mul3A_365, %convert_element_type3A_370 : vector<16xf32>
      %add3A_372 = arith.constant 0 : i32
      %add3A_373 = arith.addi %add3A_372, %mul3A_147 : i32
      %get3A_374 = arith.index_cast %add3A_373 : i32 to index
      %get3A_375 = tpu.vector_load %arg26[%get3A_374] {strides = array<i32>} : memref<4096xf32, #tpu.memory_space<vmem>>, vector<16xf32>,
      %get3A_376 = vector.shape_cast %get3A_375 : vector<16xf32> to vector<16xf32>
      %add3A_377 = arith.constant 512 : i32
      %add3A_378 = arith.addi %add3A_377, %mul3A_147 : i32
      %get3A_379 = arith.index_cast %add3A_378 : i32 to index
      %get3A_380 = tpu.vector_load %arg26[%get3A_379] {strides = array<i32>} : memref<4096xf32, #tpu.memory_space<vmem>>, vector<16xf32>,
      %get3A_381 = vector.shape_cast %get3A_380 : vector<16xf32> to vector<16xf32>
      %add3A_382 = arith.constant 1024 : i32
      %add3A_383 = arith.addi %add3A_382, %mul3A_147 : i32
      %get3A_384 = arith.index_cast %add3A_383 : i32 to index
      %get3A_385 = tpu.vector_load %arg26[%get3A_384] {strides = array<i32>} : memref<4096xf32, #tpu.memory_space<vmem>>, vector<16xf32>,
      %get3A_386 = vector.shape_cast %get3A_385 : vector<16xf32> to vector<16xf32>
      %add3A_387 = arith.constant 1536 : i32
      %add3A_388 = arith.addi %add3A_387, %mul3A_147 : i32
      %get3A_389 = arith.index_cast %add3A_388 : i32 to index
      %get3A_390 = tpu.vector_load %arg26[%get3A_389] {strides = array<i32>} : memref<4096xf32, #tpu.memory_space<vmem>>, vector<16xf32>,
      %get3A_391 = vector.shape_cast %get3A_390 : vector<16xf32> to vector<16xf32>
      %add3A_392 = arith.constant 2048 : i32
      %add3A_393 = arith.addi %add3A_392, %mul3A_147 : i32
      %get3A_394 = arith.index_cast %add3A_393 : i32 to index
      %get3A_395 = tpu.vector_load %arg26[%get3A_394] {strides = array<i32>} : memref<4096xf32, #tpu.memory_space<vmem>>, vector<16xf32>,
      %get3A_396 = vector.shape_cast %get3A_395 : vector<16xf32> to vector<16xf32>
      %add3A_397 = arith.constant 2560 : i32
      %add3A_398 = arith.addi %add3A_397, %mul3A_147 : i32
      %get3A_399 = arith.index_cast %add3A_398 : i32 to index
      %get3A_400 = tpu.vector_load %arg26[%get3A_399] {strides = array<i32>} : memref<4096xf32, #tpu.memory_space<vmem>>, vector<16xf32>,
      %get3A_401 = vector.shape_cast %get3A_400 : vector<16xf32> to vector<16xf32>
      %add3A_402 = arith.constant 3072 : i32
      %add3A_403 = arith.addi %add3A_402, %mul3A_147 : i32
      %get3A_404 = arith.index_cast %add3A_403 : i32 to index
      %get3A_405 = tpu.vector_load %arg26[%get3A_404] {strides = array<i32>} : memref<4096xf32, #tpu.memory_space<vmem>>, vector<16xf32>,
      %get3A_406 = vector.shape_cast %get3A_405 : vector<16xf32> to vector<16xf32>
      %add3A_407 = arith.constant 3584 : i32
      %add3A_408 = arith.addi %add3A_407, %mul3A_147 : i32
      %get3A_409 = arith.index_cast %add3A_408 : i32 to index
      %get3A_410 = tpu.vector_load %arg26[%get3A_409] {strides = array<i32>} : memref<4096xf32, #tpu.memory_space<vmem>>, vector<16xf32>,
      %get3A_411 = vector.shape_cast %get3A_410 : vector<16xf32> to vector<16xf32>
      %sub3A_412 = arith.subf %get3A_381, %get3A_376 : vector<16xf32>
      %mul3A_413 = arith.mulf %sub3A_167, %sub3A_412 : vector<16xf32>
      %add3A_414 = arith.addf %get3A_376, %mul3A_413 : vector<16xf32>
      %sub3A_415 = arith.subf %get3A_391, %get3A_386 : vector<16xf32>
      %mul3A_416 = arith.mulf %sub3A_167, %sub3A_415 : vector<16xf32>
      %add3A_417 = arith.addf %get3A_386, %mul3A_416 : vector<16xf32>
      %sub3A_418 = arith.subf %add3A_417, %add3A_414 : vector<16xf32>
      %mul3A_419 = arith.mulf %sub3A, %sub3A_418 : vector<16xf32>
      %add3A_420 = arith.addf %add3A_414, %mul3A_419 : vector<16xf32>
      %sub3A_421 = arith.subf %get3A_401, %get3A_396 : vector<16xf32>
      %mul3A_422 = arith.mulf %sub3A_167, %sub3A_421 : vector<16xf32>
      %add3A_423 = arith.addf %get3A_396, %mul3A_422 : vector<16xf32>
      %sub3A_424 = arith.subf %get3A_411, %get3A_406 : vector<16xf32>
      %mul3A_425 = arith.mulf %sub3A_167, %sub3A_424 : vector<16xf32>
      %add3A_426 = arith.addf %get3A_406, %mul3A_425 : vector<16xf32>
      %sub3A_427 = arith.subf %add3A_426, %add3A_423 : vector<16xf32>
      %mul3A_428 = arith.mulf %sub3A, %sub3A_427 : vector<16xf32>
      %add3A_429 = arith.addf %add3A_423, %mul3A_428 : vector<16xf32>
      %sub3A_430 = arith.subf %add3A_429, %add3A_420 : vector<16xf32>
      %mul3A_431 = arith.mulf %sub3A_371, %sub3A_430 : vector<16xf32>
      %add3A_432 = arith.addf %add3A_420, %mul3A_431 : vector<16xf32>
      %mul3A_433 = arith.mulf %add3A_432, %get3A_170 : vector<16xf32>
      %swap3A_434 = arith.index_cast %add3A_145 : i32 to index
      %swap3A_435 = tpu.vector_load %arg38[%swap3A_434] {strides = array<i32>} : memref<2048xf32, #tpu.memory_space<vmem>>, vector<16xf32>,
      %swap3A_436 = vector.shape_cast %swap3A_435 : vector<16xf32> to vector<16xf32>
      %swap3A_437 = vector.shape_cast %mul3A_433 : vector<16xf32> to vector<16xf32>
      tpu.vector_store %arg38[%swap3A_434], %swap3A_437 {strides = array<i32>} : memref<2048xf32, #tpu.memory_space<vmem>>, vector<16xf32>,
      %scan3A_438 = arith.constant 0 : i32
      scf.yield %scan3A_438 : i32
    }
    %scan3A_116 = arith.constant 32 : i32
    %dma_wait3A_117 = arith.constant 0 : i32
    %dma_wait3A_118 = tpu.memref_slice %arg8[%dma_wait3A_117] : memref<262144xf32, #tpu.memory_space<hbm>> -> memref<262144xf32, #tpu.memory_space<hbm>>
    tpu.wait_indirect_dma semaphore(%arg40 : memref<!tpu.dma_semaphore, #tpu.memory_space<semaphore_mem>>) src(%dma_wait3A_118 : memref<262144xf32, #tpu.memory_space<hbm>>) dst(%arg31 : memref<2048xf32, #tpu.memory_space<vmem>>)
    %dma_wait3A_119 = arith.constant 0 : i32
    %dma_wait3A_120 = tpu.memref_slice %arg9[%dma_wait3A_119] : memref<8388608xf32, #tpu.memory_space<hbm>> -> memref<8388608xf32, #tpu.memory_space<hbm>>
    tpu.wait_indirect_dma semaphore(%arg40 : memref<!tpu.dma_semaphore, #tpu.memory_space<semaphore_mem>>) src(%dma_wait3A_120 : memref<8388608xf32, #tpu.memory_space<hbm>>) dst(%arg32 : memref<4096xf32, #tpu.memory_space<vmem>>)
    %dma_wait3A_121 = arith.constant 0 : i32
    %dma_wait3A_122 = tpu.memref_slice %arg10[%dma_wait3A_121] : memref<8388608xf32, #tpu.memory_space<hbm>> -> memref<8388608xf32, #tpu.memory_space<hbm>>
    tpu.wait_indirect_dma semaphore(%arg40 : memref<!tpu.dma_semaphore, #tpu.memory_space<semaphore_mem>>) src(%dma_wait3A_122 : memref<8388608xf32, #tpu.memory_space<hbm>>) dst(%arg33 : memref<4096xf32, #tpu.memory_space<vmem>>)
    %dma_wait3A_123 = arith.constant 0 : i32
    %dma_wait3A_124 = tpu.memref_slice %arg11[%dma_wait3A_123] : memref<8388608xf32, #tpu.memory_space<hbm>> -> memref<8388608xf32, #tpu.memory_space<hbm>>
    tpu.wait_indirect_dma semaphore(%arg40 : memref<!tpu.dma_semaphore, #tpu.memory_space<semaphore_mem>>) src(%dma_wait3A_124 : memref<8388608xf32, #tpu.memory_space<hbm>>) dst(%arg34 : memref<4096xf32, #tpu.memory_space<vmem>>)
    %scan3A_125 = arith.constant 0 : i32
    %scan3A_126 = arith.constant 0 : i32
    %scan3A_127 = arith.constant 32 : i32
    %scan3A_128 = arith.addi %scan3A_126, %scan3A_127 : i32
    %scan3A_129 = arith.constant 1 : i32
    %scan3A_130 = scf.for %scan3A_140 = %scan3A_126 to %scan3A_128 step %scan3A_129 iter_args(%scan3A_141 = %scan3A_125) -> (i32)  : i32 {
      %mul3A_142 = arith.constant 16 : i32
      %mul3A_143 = arith.muli %scan3A_140, %mul3A_142 : i32
      %add3A_144 = arith.constant 1536 : i32
      %add3A_145 = arith.addi %add3A_144, %mul3A_143 : i32
      %mul3A_146 = arith.constant 16 : i32
      %mul3A_147 = arith.muli %scan3A_140, %mul3A_146 : i32
      %get3A = arith.index_cast %add3A_145 : i32 to index
      %get3A_148 = tpu.vector_load %arg13[%get3A] {strides = array<i32>} : memref<2048xf32, #tpu.memory_space<vmem>>, vector<16xf32>,
      %get3A_149 = vector.shape_cast %get3A_148 : vector<16xf32> to vector<16xf32>
      %mul3A_150 = arith.constant 5.110000e+02 : f32
      %mul3A_151 = vector.broadcast %mul3A_150 : f32 to vector<16xf32>
      %mul3A_152 = arith.mulf %get3A_149, %mul3A_151 : vector<16xf32>
      %get3A_153 = arith.index_cast %add3A_145 : i32 to index
      %get3A_154 = tpu.vector_load %arg14[%get3A_153] {strides = array<i32>} : memref<2048xf32, #tpu.memory_space<vmem>>, vector<16xf32>,
      %get3A_155 = vector.shape_cast %get3A_154 : vector<16xf32> to vector<16xf32>
      %mul3A_156 = arith.constant 5.110000e+02 : f32
      %mul3A_157 = vector.broadcast %mul3A_156 : f32 to vector<16xf32>
      %mul3A_158 = arith.mulf %get3A_155, %mul3A_157 : vector<16xf32>
      %convert_element_type3A = arith.fptosi %mul3A_152 : vector<16xf32> to vector<16xi32>
      %min3A = arith.constant 510 : i32
      %min3A_159 = vector.broadcast %min3A : i32 to vector<16xi32>
      %min3A_160 = arith.minsi %convert_element_type3A, %min3A_159 : vector<16xi32>
      %convert_element_type3A_161 = arith.fptosi %mul3A_158 : vector<16xf32> to vector<16xi32>
      %min3A_162 = arith.constant 510 : i32
      %min3A_163 = vector.broadcast %min3A_162 : i32 to vector<16xi32>
      %min3A_164 = arith.minsi %convert_element_type3A_161, %min3A_163 : vector<16xi32>
      %convert_element_type3A_165 = arith.sitofp %min3A_160 : vector<16xi32> to vector<16xf32>
      %sub3A = arith.subf %mul3A_152, %convert_element_type3A_165 : vector<16xf32>
      %convert_element_type3A_166 = arith.sitofp %min3A_164 : vector<16xi32> to vector<16xf32>
      %sub3A_167 = arith.subf %mul3A_158, %convert_element_type3A_166 : vector<16xf32>
      %get3A_168 = arith.index_cast %add3A_145 : i32 to index
      %get3A_169 = tpu.vector_load %arg18[%get3A_168] {strides = array<i32>} : memref<2048xf32, #tpu.memory_space<vmem>>, vector<16xf32>,
      %get3A_170 = vector.shape_cast %get3A_169 : vector<16xf32> to vector<16xf32>
      %add3A_171 = arith.constant 0 : i32
      %add3A_172 = arith.addi %add3A_171, %mul3A_147 : i32
      %get3A_173 = arith.index_cast %add3A_172 : i32 to index
      %get3A_174 = tpu.vector_load %arg31[%get3A_173] {strides = array<i32>} : memref<2048xf32, #tpu.memory_space<vmem>>, vector<16xf32>,
      %get3A_175 = vector.shape_cast %get3A_174 : vector<16xf32> to vector<16xf32>
      %add3A_176 = arith.constant 512 : i32
      %add3A_177 = arith.addi %add3A_176, %mul3A_147 : i32
      %get3A_178 = arith.index_cast %add3A_177 : i32 to index
      %get3A_179 = tpu.vector_load %arg31[%get3A_178] {strides = array<i32>} : memref<2048xf32, #tpu.memory_space<vmem>>, vector<16xf32>,
      %get3A_180 = vector.shape_cast %get3A_179 : vector<16xf32> to vector<16xf32>
      %add3A_181 = arith.constant 1024 : i32
      %add3A_182 = arith.addi %add3A_181, %mul3A_147 : i32
      %get3A_183 = arith.index_cast %add3A_182 : i32 to index
      %get3A_184 = tpu.vector_load %arg31[%get3A_183] {strides = array<i32>} : memref<2048xf32, #tpu.memory_space<vmem>>, vector<16xf32>,
      %get3A_185 = vector.shape_cast %get3A_184 : vector<16xf32> to vector<16xf32>
      %add3A_186 = arith.constant 1536 : i32
      %add3A_187 = arith.addi %add3A_186, %mul3A_147 : i32
      %get3A_188 = arith.index_cast %add3A_187 : i32 to index
      %get3A_189 = tpu.vector_load %arg31[%get3A_188] {strides = array<i32>} : memref<2048xf32, #tpu.memory_space<vmem>>, vector<16xf32>,
      %get3A_190 = vector.shape_cast %get3A_189 : vector<16xf32> to vector<16xf32>
      %sub3A_191 = arith.subf %get3A_180, %get3A_175 : vector<16xf32>
      %mul3A_192 = arith.mulf %sub3A_167, %sub3A_191 : vector<16xf32>
      %add3A_193 = arith.addf %get3A_175, %mul3A_192 : vector<16xf32>
      %sub3A_194 = arith.subf %get3A_190, %get3A_185 : vector<16xf32>
      %mul3A_195 = arith.mulf %sub3A_167, %sub3A_194 : vector<16xf32>
      %add3A_196 = arith.addf %get3A_185, %mul3A_195 : vector<16xf32>
      %sub3A_197 = arith.subf %add3A_196, %add3A_193 : vector<16xf32>
      %mul3A_198 = arith.mulf %sub3A, %sub3A_197 : vector<16xf32>
      %add3A_199 = arith.addf %add3A_193, %mul3A_198 : vector<16xf32>
      %mul3A_200 = arith.mulf %add3A_199, %get3A_170 : vector<16xf32>
      %swap3A = arith.index_cast %add3A_145 : i32 to index
      %swap3A_201 = tpu.vector_load %arg35[%swap3A] {strides = array<i32>} : memref<2048xf32, #tpu.memory_space<vmem>>, vector<16xf32>,
      %swap3A_202 = vector.shape_cast %swap3A_201 : vector<16xf32> to vector<16xf32>
      %swap3A_203 = vector.shape_cast %mul3A_200 : vector<16xf32> to vector<16xf32>
      tpu.vector_store %arg35[%swap3A], %swap3A_203 {strides = array<i32>} : memref<2048xf32, #tpu.memory_space<vmem>>, vector<16xf32>,
      %get3A_204 = arith.index_cast %add3A_145 : i32 to index
      %get3A_205 = tpu.vector_load %arg15[%get3A_204] {strides = array<i32>} : memref<2048xf32, #tpu.memory_space<vmem>>, vector<16xf32>,
      %get3A_206 = vector.shape_cast %get3A_205 : vector<16xf32> to vector<16xf32>
      %mul3A_207 = arith.constant 3.100000e+01 : f32
      %mul3A_208 = vector.broadcast %mul3A_207 : f32 to vector<16xf32>
      %mul3A_209 = arith.mulf %get3A_206, %mul3A_208 : vector<16xf32>
      %convert_element_type3A_210 = arith.fptosi %mul3A_209 : vector<16xf32> to vector<16xi32>
      %min3A_211 = arith.constant 30 : i32
      %min3A_212 = vector.broadcast %min3A_211 : i32 to vector<16xi32>
      %min3A_213 = arith.minsi %convert_element_type3A_210, %min3A_212 : vector<16xi32>
      %convert_element_type3A_214 = arith.sitofp %min3A_213 : vector<16xi32> to vector<16xf32>
      %sub3A_215 = arith.subf %mul3A_209, %convert_element_type3A_214 : vector<16xf32>
      %add3A_216 = arith.constant 0 : i32
      %add3A_217 = arith.addi %add3A_216, %mul3A_147 : i32
      %get3A_218 = arith.index_cast %add3A_217 : i32 to index
      %get3A_219 = tpu.vector_load %arg32[%get3A_218] {strides = array<i32>} : memref<4096xf32, #tpu.memory_space<vmem>>, vector<16xf32>,
      %get3A_220 = vector.shape_cast %get3A_219 : vector<16xf32> to vector<16xf32>
      %add3A_221 = arith.constant 512 : i32
      %add3A_222 = arith.addi %add3A_221, %mul3A_147 : i32
      %get3A_223 = arith.index_cast %add3A_222 : i32 to index
      %get3A_224 = tpu.vector_load %arg32[%get3A_223] {strides = array<i32>} : memref<4096xf32, #tpu.memory_space<vmem>>, vector<16xf32>,
      %get3A_225 = vector.shape_cast %get3A_224 : vector<16xf32> to vector<16xf32>
      %add3A_226 = arith.constant 1024 : i32
      %add3A_227 = arith.addi %add3A_226, %mul3A_147 : i32
      %get3A_228 = arith.index_cast %add3A_227 : i32 to index
      %get3A_229 = tpu.vector_load %arg32[%get3A_228] {strides = array<i32>} : memref<4096xf32, #tpu.memory_space<vmem>>, vector<16xf32>,
      %get3A_230 = vector.shape_cast %get3A_229 : vector<16xf32> to vector<16xf32>
      %add3A_231 = arith.constant 1536 : i32
      %add3A_232 = arith.addi %add3A_231, %mul3A_147 : i32
      %get3A_233 = arith.index_cast %add3A_232 : i32 to index
      %get3A_234 = tpu.vector_load %arg32[%get3A_233] {strides = array<i32>} : memref<4096xf32, #tpu.memory_space<vmem>>, vector<16xf32>,
      %get3A_235 = vector.shape_cast %get3A_234 : vector<16xf32> to vector<16xf32>
      %add3A_236 = arith.constant 2048 : i32
      %add3A_237 = arith.addi %add3A_236, %mul3A_147 : i32
      %get3A_238 = arith.index_cast %add3A_237 : i32 to index
      %get3A_239 = tpu.vector_load %arg32[%get3A_238] {strides = array<i32>} : memref<4096xf32, #tpu.memory_space<vmem>>, vector<16xf32>,
      %get3A_240 = vector.shape_cast %get3A_239 : vector<16xf32> to vector<16xf32>
      %add3A_241 = arith.constant 2560 : i32
      %add3A_242 = arith.addi %add3A_241, %mul3A_147 : i32
      %get3A_243 = arith.index_cast %add3A_242 : i32 to index
      %get3A_244 = tpu.vector_load %arg32[%get3A_243] {strides = array<i32>} : memref<4096xf32, #tpu.memory_space<vmem>>, vector<16xf32>,
      %get3A_245 = vector.shape_cast %get3A_244 : vector<16xf32> to vector<16xf32>
      %add3A_246 = arith.constant 3072 : i32
      %add3A_247 = arith.addi %add3A_246, %mul3A_147 : i32
      %get3A_248 = arith.index_cast %add3A_247 : i32 to index
      %get3A_249 = tpu.vector_load %arg32[%get3A_248] {strides = array<i32>} : memref<4096xf32, #tpu.memory_space<vmem>>, vector<16xf32>,
      %get3A_250 = vector.shape_cast %get3A_249 : vector<16xf32> to vector<16xf32>
      %add3A_251 = arith.constant 3584 : i32
      %add3A_252 = arith.addi %add3A_251, %mul3A_147 : i32
      %get3A_253 = arith.index_cast %add3A_252 : i32 to index
      %get3A_254 = tpu.vector_load %arg32[%get3A_253] {strides = array<i32>} : memref<4096xf32, #tpu.memory_space<vmem>>, vector<16xf32>,
      %get3A_255 = vector.shape_cast %get3A_254 : vector<16xf32> to vector<16xf32>
      %sub3A_256 = arith.subf %get3A_225, %get3A_220 : vector<16xf32>
      %mul3A_257 = arith.mulf %sub3A_167, %sub3A_256 : vector<16xf32>
      %add3A_258 = arith.addf %get3A_220, %mul3A_257 : vector<16xf32>
      %sub3A_259 = arith.subf %get3A_235, %get3A_230 : vector<16xf32>
      %mul3A_260 = arith.mulf %sub3A_167, %sub3A_259 : vector<16xf32>
      %add3A_261 = arith.addf %get3A_230, %mul3A_260 : vector<16xf32>
      %sub3A_262 = arith.subf %add3A_261, %add3A_258 : vector<16xf32>
      %mul3A_263 = arith.mulf %sub3A, %sub3A_262 : vector<16xf32>
      %add3A_264 = arith.addf %add3A_258, %mul3A_263 : vector<16xf32>
      %sub3A_265 = arith.subf %get3A_245, %get3A_240 : vector<16xf32>
      %mul3A_266 = arith.mulf %sub3A_167, %sub3A_265 : vector<16xf32>
      %add3A_267 = arith.addf %get3A_240, %mul3A_266 : vector<16xf32>
      %sub3A_268 = arith.subf %get3A_255, %get3A_250 : vector<16xf32>
      %mul3A_269 = arith.mulf %sub3A_167, %sub3A_268 : vector<16xf32>
      %add3A_270 = arith.addf %get3A_250, %mul3A_269 : vector<16xf32>
      %sub3A_271 = arith.subf %add3A_270, %add3A_267 : vector<16xf32>
      %mul3A_272 = arith.mulf %sub3A, %sub3A_271 : vector<16xf32>
      %add3A_273 = arith.addf %add3A_267, %mul3A_272 : vector<16xf32>
      %sub3A_274 = arith.subf %add3A_273, %add3A_264 : vector<16xf32>
      %mul3A_275 = arith.mulf %sub3A_215, %sub3A_274 : vector<16xf32>
      %add3A_276 = arith.addf %add3A_264, %mul3A_275 : vector<16xf32>
      %mul3A_277 = arith.mulf %add3A_276, %get3A_170 : vector<16xf32>
      %swap3A_278 = arith.index_cast %add3A_145 : i32 to index
      %swap3A_279 = tpu.vector_load %arg36[%swap3A_278] {strides = array<i32>} : memref<2048xf32, #tpu.memory_space<vmem>>, vector<16xf32>,
      %swap3A_280 = vector.shape_cast %swap3A_279 : vector<16xf32> to vector<16xf32>
      %swap3A_281 = vector.shape_cast %mul3A_277 : vector<16xf32> to vector<16xf32>
      tpu.vector_store %arg36[%swap3A_278], %swap3A_281 {strides = array<i32>} : memref<2048xf32, #tpu.memory_space<vmem>>, vector<16xf32>,
      %get3A_282 = arith.index_cast %add3A_145 : i32 to index
      %get3A_283 = tpu.vector_load %arg16[%get3A_282] {strides = array<i32>} : memref<2048xf32, #tpu.memory_space<vmem>>, vector<16xf32>,
      %get3A_284 = vector.shape_cast %get3A_283 : vector<16xf32> to vector<16xf32>
      %mul3A_285 = arith.constant 3.100000e+01 : f32
      %mul3A_286 = vector.broadcast %mul3A_285 : f32 to vector<16xf32>
      %mul3A_287 = arith.mulf %get3A_284, %mul3A_286 : vector<16xf32>
      %convert_element_type3A_288 = arith.fptosi %mul3A_287 : vector<16xf32> to vector<16xi32>
      %min3A_289 = arith.constant 30 : i32
      %min3A_290 = vector.broadcast %min3A_289 : i32 to vector<16xi32>
      %min3A_291 = arith.minsi %convert_element_type3A_288, %min3A_290 : vector<16xi32>
      %convert_element_type3A_292 = arith.sitofp %min3A_291 : vector<16xi32> to vector<16xf32>
      %sub3A_293 = arith.subf %mul3A_287, %convert_element_type3A_292 : vector<16xf32>
      %add3A_294 = arith.constant 0 : i32
      %add3A_295 = arith.addi %add3A_294, %mul3A_147 : i32
      %get3A_296 = arith.index_cast %add3A_295 : i32 to index
      %get3A_297 = tpu.vector_load %arg33[%get3A_296] {strides = array<i32>} : memref<4096xf32, #tpu.memory_space<vmem>>, vector<16xf32>,
      %get3A_298 = vector.shape_cast %get3A_297 : vector<16xf32> to vector<16xf32>
      %add3A_299 = arith.constant 512 : i32
      %add3A_300 = arith.addi %add3A_299, %mul3A_147 : i32
      %get3A_301 = arith.index_cast %add3A_300 : i32 to index
      %get3A_302 = tpu.vector_load %arg33[%get3A_301] {strides = array<i32>} : memref<4096xf32, #tpu.memory_space<vmem>>, vector<16xf32>,
      %get3A_303 = vector.shape_cast %get3A_302 : vector<16xf32> to vector<16xf32>
      %add3A_304 = arith.constant 1024 : i32
      %add3A_305 = arith.addi %add3A_304, %mul3A_147 : i32
      %get3A_306 = arith.index_cast %add3A_305 : i32 to index
      %get3A_307 = tpu.vector_load %arg33[%get3A_306] {strides = array<i32>} : memref<4096xf32, #tpu.memory_space<vmem>>, vector<16xf32>,
      %get3A_308 = vector.shape_cast %get3A_307 : vector<16xf32> to vector<16xf32>
      %add3A_309 = arith.constant 1536 : i32
      %add3A_310 = arith.addi %add3A_309, %mul3A_147 : i32
      %get3A_311 = arith.index_cast %add3A_310 : i32 to index
      %get3A_312 = tpu.vector_load %arg33[%get3A_311] {strides = array<i32>} : memref<4096xf32, #tpu.memory_space<vmem>>, vector<16xf32>,
      %get3A_313 = vector.shape_cast %get3A_312 : vector<16xf32> to vector<16xf32>
      %add3A_314 = arith.constant 2048 : i32
      %add3A_315 = arith.addi %add3A_314, %mul3A_147 : i32
      %get3A_316 = arith.index_cast %add3A_315 : i32 to index
      %get3A_317 = tpu.vector_load %arg33[%get3A_316] {strides = array<i32>} : memref<4096xf32, #tpu.memory_space<vmem>>, vector<16xf32>,
      %get3A_318 = vector.shape_cast %get3A_317 : vector<16xf32> to vector<16xf32>
      %add3A_319 = arith.constant 2560 : i32
      %add3A_320 = arith.addi %add3A_319, %mul3A_147 : i32
      %get3A_321 = arith.index_cast %add3A_320 : i32 to index
      %get3A_322 = tpu.vector_load %arg33[%get3A_321] {strides = array<i32>} : memref<4096xf32, #tpu.memory_space<vmem>>, vector<16xf32>,
      %get3A_323 = vector.shape_cast %get3A_322 : vector<16xf32> to vector<16xf32>
      %add3A_324 = arith.constant 3072 : i32
      %add3A_325 = arith.addi %add3A_324, %mul3A_147 : i32
      %get3A_326 = arith.index_cast %add3A_325 : i32 to index
      %get3A_327 = tpu.vector_load %arg33[%get3A_326] {strides = array<i32>} : memref<4096xf32, #tpu.memory_space<vmem>>, vector<16xf32>,
      %get3A_328 = vector.shape_cast %get3A_327 : vector<16xf32> to vector<16xf32>
      %add3A_329 = arith.constant 3584 : i32
      %add3A_330 = arith.addi %add3A_329, %mul3A_147 : i32
      %get3A_331 = arith.index_cast %add3A_330 : i32 to index
      %get3A_332 = tpu.vector_load %arg33[%get3A_331] {strides = array<i32>} : memref<4096xf32, #tpu.memory_space<vmem>>, vector<16xf32>,
      %get3A_333 = vector.shape_cast %get3A_332 : vector<16xf32> to vector<16xf32>
      %sub3A_334 = arith.subf %get3A_303, %get3A_298 : vector<16xf32>
      %mul3A_335 = arith.mulf %sub3A_167, %sub3A_334 : vector<16xf32>
      %add3A_336 = arith.addf %get3A_298, %mul3A_335 : vector<16xf32>
      %sub3A_337 = arith.subf %get3A_313, %get3A_308 : vector<16xf32>
      %mul3A_338 = arith.mulf %sub3A_167, %sub3A_337 : vector<16xf32>
      %add3A_339 = arith.addf %get3A_308, %mul3A_338 : vector<16xf32>
      %sub3A_340 = arith.subf %add3A_339, %add3A_336 : vector<16xf32>
      %mul3A_341 = arith.mulf %sub3A, %sub3A_340 : vector<16xf32>
      %add3A_342 = arith.addf %add3A_336, %mul3A_341 : vector<16xf32>
      %sub3A_343 = arith.subf %get3A_323, %get3A_318 : vector<16xf32>
      %mul3A_344 = arith.mulf %sub3A_167, %sub3A_343 : vector<16xf32>
      %add3A_345 = arith.addf %get3A_318, %mul3A_344 : vector<16xf32>
      %sub3A_346 = arith.subf %get3A_333, %get3A_328 : vector<16xf32>
      %mul3A_347 = arith.mulf %sub3A_167, %sub3A_346 : vector<16xf32>
      %add3A_348 = arith.addf %get3A_328, %mul3A_347 : vector<16xf32>
      %sub3A_349 = arith.subf %add3A_348, %add3A_345 : vector<16xf32>
      %mul3A_350 = arith.mulf %sub3A, %sub3A_349 : vector<16xf32>
      %add3A_351 = arith.addf %add3A_345, %mul3A_350 : vector<16xf32>
      %sub3A_352 = arith.subf %add3A_351, %add3A_342 : vector<16xf32>
      %mul3A_353 = arith.mulf %sub3A_293, %sub3A_352 : vector<16xf32>
      %add3A_354 = arith.addf %add3A_342, %mul3A_353 : vector<16xf32>
      %mul3A_355 = arith.mulf %add3A_354, %get3A_170 : vector<16xf32>
      %swap3A_356 = arith.index_cast %add3A_145 : i32 to index
      %swap3A_357 = tpu.vector_load %arg37[%swap3A_356] {strides = array<i32>} : memref<2048xf32, #tpu.memory_space<vmem>>, vector<16xf32>,
      %swap3A_358 = vector.shape_cast %swap3A_357 : vector<16xf32> to vector<16xf32>
      %swap3A_359 = vector.shape_cast %mul3A_355 : vector<16xf32> to vector<16xf32>
      tpu.vector_store %arg37[%swap3A_356], %swap3A_359 {strides = array<i32>} : memref<2048xf32, #tpu.memory_space<vmem>>, vector<16xf32>,
      %get3A_360 = arith.index_cast %add3A_145 : i32 to index
      %get3A_361 = tpu.vector_load %arg17[%get3A_360] {strides = array<i32>} : memref<2048xf32, #tpu.memory_space<vmem>>, vector<16xf32>,
      %get3A_362 = vector.shape_cast %get3A_361 : vector<16xf32> to vector<16xf32>
      %mul3A_363 = arith.constant 3.100000e+01 : f32
      %mul3A_364 = vector.broadcast %mul3A_363 : f32 to vector<16xf32>
      %mul3A_365 = arith.mulf %get3A_362, %mul3A_364 : vector<16xf32>
      %convert_element_type3A_366 = arith.fptosi %mul3A_365 : vector<16xf32> to vector<16xi32>
      %min3A_367 = arith.constant 30 : i32
      %min3A_368 = vector.broadcast %min3A_367 : i32 to vector<16xi32>
      %min3A_369 = arith.minsi %convert_element_type3A_366, %min3A_368 : vector<16xi32>
      %convert_element_type3A_370 = arith.sitofp %min3A_369 : vector<16xi32> to vector<16xf32>
      %sub3A_371 = arith.subf %mul3A_365, %convert_element_type3A_370 : vector<16xf32>
      %add3A_372 = arith.constant 0 : i32
      %add3A_373 = arith.addi %add3A_372, %mul3A_147 : i32
      %get3A_374 = arith.index_cast %add3A_373 : i32 to index
      %get3A_375 = tpu.vector_load %arg34[%get3A_374] {strides = array<i32>} : memref<4096xf32, #tpu.memory_space<vmem>>, vector<16xf32>,
      %get3A_376 = vector.shape_cast %get3A_375 : vector<16xf32> to vector<16xf32>
      %add3A_377 = arith.constant 512 : i32
      %add3A_378 = arith.addi %add3A_377, %mul3A_147 : i32
      %get3A_379 = arith.index_cast %add3A_378 : i32 to index
      %get3A_380 = tpu.vector_load %arg34[%get3A_379] {strides = array<i32>} : memref<4096xf32, #tpu.memory_space<vmem>>, vector<16xf32>,
      %get3A_381 = vector.shape_cast %get3A_380 : vector<16xf32> to vector<16xf32>
      %add3A_382 = arith.constant 1024 : i32
      %add3A_383 = arith.addi %add3A_382, %mul3A_147 : i32
      %get3A_384 = arith.index_cast %add3A_383 : i32 to index
      %get3A_385 = tpu.vector_load %arg34[%get3A_384] {strides = array<i32>} : memref<4096xf32, #tpu.memory_space<vmem>>, vector<16xf32>,
      %get3A_386 = vector.shape_cast %get3A_385 : vector<16xf32> to vector<16xf32>
      %add3A_387 = arith.constant 1536 : i32
      %add3A_388 = arith.addi %add3A_387, %mul3A_147 : i32
      %get3A_389 = arith.index_cast %add3A_388 : i32 to index
      %get3A_390 = tpu.vector_load %arg34[%get3A_389] {strides = array<i32>} : memref<4096xf32, #tpu.memory_space<vmem>>, vector<16xf32>,
      %get3A_391 = vector.shape_cast %get3A_390 : vector<16xf32> to vector<16xf32>
      %add3A_392 = arith.constant 2048 : i32
      %add3A_393 = arith.addi %add3A_392, %mul3A_147 : i32
      %get3A_394 = arith.index_cast %add3A_393 : i32 to index
      %get3A_395 = tpu.vector_load %arg34[%get3A_394] {strides = array<i32>} : memref<4096xf32, #tpu.memory_space<vmem>>, vector<16xf32>,
      %get3A_396 = vector.shape_cast %get3A_395 : vector<16xf32> to vector<16xf32>
      %add3A_397 = arith.constant 2560 : i32
      %add3A_398 = arith.addi %add3A_397, %mul3A_147 : i32
      %get3A_399 = arith.index_cast %add3A_398 : i32 to index
      %get3A_400 = tpu.vector_load %arg34[%get3A_399] {strides = array<i32>} : memref<4096xf32, #tpu.memory_space<vmem>>, vector<16xf32>,
      %get3A_401 = vector.shape_cast %get3A_400 : vector<16xf32> to vector<16xf32>
      %add3A_402 = arith.constant 3072 : i32
      %add3A_403 = arith.addi %add3A_402, %mul3A_147 : i32
      %get3A_404 = arith.index_cast %add3A_403 : i32 to index
      %get3A_405 = tpu.vector_load %arg34[%get3A_404] {strides = array<i32>} : memref<4096xf32, #tpu.memory_space<vmem>>, vector<16xf32>,
      %get3A_406 = vector.shape_cast %get3A_405 : vector<16xf32> to vector<16xf32>
      %add3A_407 = arith.constant 3584 : i32
      %add3A_408 = arith.addi %add3A_407, %mul3A_147 : i32
      %get3A_409 = arith.index_cast %add3A_408 : i32 to index
      %get3A_410 = tpu.vector_load %arg34[%get3A_409] {strides = array<i32>} : memref<4096xf32, #tpu.memory_space<vmem>>, vector<16xf32>,
      %get3A_411 = vector.shape_cast %get3A_410 : vector<16xf32> to vector<16xf32>
      %sub3A_412 = arith.subf %get3A_381, %get3A_376 : vector<16xf32>
      %mul3A_413 = arith.mulf %sub3A_167, %sub3A_412 : vector<16xf32>
      %add3A_414 = arith.addf %get3A_376, %mul3A_413 : vector<16xf32>
      %sub3A_415 = arith.subf %get3A_391, %get3A_386 : vector<16xf32>
      %mul3A_416 = arith.mulf %sub3A_167, %sub3A_415 : vector<16xf32>
      %add3A_417 = arith.addf %get3A_386, %mul3A_416 : vector<16xf32>
      %sub3A_418 = arith.subf %add3A_417, %add3A_414 : vector<16xf32>
      %mul3A_419 = arith.mulf %sub3A, %sub3A_418 : vector<16xf32>
      %add3A_420 = arith.addf %add3A_414, %mul3A_419 : vector<16xf32>
      %sub3A_421 = arith.subf %get3A_401, %get3A_396 : vector<16xf32>
      %mul3A_422 = arith.mulf %sub3A_167, %sub3A_421 : vector<16xf32>
      %add3A_423 = arith.addf %get3A_396, %mul3A_422 : vector<16xf32>
      %sub3A_424 = arith.subf %get3A_411, %get3A_406 : vector<16xf32>
      %mul3A_425 = arith.mulf %sub3A_167, %sub3A_424 : vector<16xf32>
      %add3A_426 = arith.addf %get3A_406, %mul3A_425 : vector<16xf32>
      %sub3A_427 = arith.subf %add3A_426, %add3A_423 : vector<16xf32>
      %mul3A_428 = arith.mulf %sub3A, %sub3A_427 : vector<16xf32>
      %add3A_429 = arith.addf %add3A_423, %mul3A_428 : vector<16xf32>
      %sub3A_430 = arith.subf %add3A_429, %add3A_420 : vector<16xf32>
      %mul3A_431 = arith.mulf %sub3A_371, %sub3A_430 : vector<16xf32>
      %add3A_432 = arith.addf %add3A_420, %mul3A_431 : vector<16xf32>
      %mul3A_433 = arith.mulf %add3A_432, %get3A_170 : vector<16xf32>
      %swap3A_434 = arith.index_cast %add3A_145 : i32 to index
      %swap3A_435 = tpu.vector_load %arg38[%swap3A_434] {strides = array<i32>} : memref<2048xf32, #tpu.memory_space<vmem>>, vector<16xf32>,
      %swap3A_436 = vector.shape_cast %swap3A_435 : vector<16xf32> to vector<16xf32>
      %swap3A_437 = vector.shape_cast %mul3A_433 : vector<16xf32> to vector<16xf32>
      tpu.vector_store %arg38[%swap3A_434], %swap3A_437 {strides = array<i32>} : memref<2048xf32, #tpu.memory_space<vmem>>, vector<16xf32>,
      %scan3A_438 = arith.constant 0 : i32
      scf.yield %scan3A_438 : i32
    }
    %scan3A_131 = arith.constant 32 : i32
    %add3A_132 = arith.constant 0 : i32
    %add3A_133 = arith.addi %add3A_132, %mul3A_2 : i32
    "tpu.region"() ({
      %run_scoped3A = tpu.sem_alloc : memref<!tpu.dma_semaphore, #tpu.memory_space<semaphore_mem>>
      %dma_start3A_140 = tpu.memref_slice %arg12[%add3A_133] : memref<262144xf32, #tpu.memory_space<hbm>> -> memref<2048xf32, #tpu.memory_space<hbm>>
      %dma_start3A_141 = tpu.memref_slice %arg12[%add3A_133] : memref<262144xf32, #tpu.memory_space<hbm>> -> memref<2048xf32, #tpu.memory_space<hbm>>
      tpu.enqueue_dma source(%arg35 : memref<2048xf32, #tpu.memory_space<vmem>>) target(%dma_start3A_141 : memref<2048xf32, #tpu.memory_space<hbm>>) target_semaphore(%run_scoped3A : memref<!tpu.dma_semaphore, #tpu.memory_space<semaphore_mem>>)
      %dma_wait3A_142 = tpu.memref_slice %arg12[%add3A_133] : memref<262144xf32, #tpu.memory_space<hbm>> -> memref<2048xf32, #tpu.memory_space<hbm>>
      %dma_wait3A_143 = tpu.memref_slice %arg12[%add3A_133] : memref<262144xf32, #tpu.memory_space<hbm>> -> memref<2048xf32, #tpu.memory_space<hbm>>
      tpu.wait_dma2 semaphore(%run_scoped3A : memref<!tpu.dma_semaphore, #tpu.memory_space<semaphore_mem>>) src(%arg35 : memref<2048xf32, #tpu.memory_space<vmem>>) dst(%dma_wait3A_143 : memref<2048xf32, #tpu.memory_space<hbm>>)
      tpu.yield
    }) : () -> ()
    %add3A_134 = arith.constant 65536 : i32
    %add3A_135 = arith.addi %add3A_134, %mul3A_2 : i32
    "tpu.region"() ({
      %run_scoped3A = tpu.sem_alloc : memref<!tpu.dma_semaphore, #tpu.memory_space<semaphore_mem>>
      %dma_start3A_140 = tpu.memref_slice %arg12[%add3A_135] : memref<262144xf32, #tpu.memory_space<hbm>> -> memref<2048xf32, #tpu.memory_space<hbm>>
      %dma_start3A_141 = tpu.memref_slice %arg12[%add3A_135] : memref<262144xf32, #tpu.memory_space<hbm>> -> memref<2048xf32, #tpu.memory_space<hbm>>
      tpu.enqueue_dma source(%arg36 : memref<2048xf32, #tpu.memory_space<vmem>>) target(%dma_start3A_141 : memref<2048xf32, #tpu.memory_space<hbm>>) target_semaphore(%run_scoped3A : memref<!tpu.dma_semaphore, #tpu.memory_space<semaphore_mem>>)
      %dma_wait3A_142 = tpu.memref_slice %arg12[%add3A_135] : memref<262144xf32, #tpu.memory_space<hbm>> -> memref<2048xf32, #tpu.memory_space<hbm>>
      %dma_wait3A_143 = tpu.memref_slice %arg12[%add3A_135] : memref<262144xf32, #tpu.memory_space<hbm>> -> memref<2048xf32, #tpu.memory_space<hbm>>
      tpu.wait_dma2 semaphore(%run_scoped3A : memref<!tpu.dma_semaphore, #tpu.memory_space<semaphore_mem>>) src(%arg36 : memref<2048xf32, #tpu.memory_space<vmem>>) dst(%dma_wait3A_143 : memref<2048xf32, #tpu.memory_space<hbm>>)
      tpu.yield
    }) : () -> ()
    %add3A_136 = arith.constant 131072 : i32
    %add3A_137 = arith.addi %add3A_136, %mul3A_2 : i32
    "tpu.region"() ({
      %run_scoped3A = tpu.sem_alloc : memref<!tpu.dma_semaphore, #tpu.memory_space<semaphore_mem>>
      %dma_start3A_140 = tpu.memref_slice %arg12[%add3A_137] : memref<262144xf32, #tpu.memory_space<hbm>> -> memref<2048xf32, #tpu.memory_space<hbm>>
      %dma_start3A_141 = tpu.memref_slice %arg12[%add3A_137] : memref<262144xf32, #tpu.memory_space<hbm>> -> memref<2048xf32, #tpu.memory_space<hbm>>
      tpu.enqueue_dma source(%arg37 : memref<2048xf32, #tpu.memory_space<vmem>>) target(%dma_start3A_141 : memref<2048xf32, #tpu.memory_space<hbm>>) target_semaphore(%run_scoped3A : memref<!tpu.dma_semaphore, #tpu.memory_space<semaphore_mem>>)
      %dma_wait3A_142 = tpu.memref_slice %arg12[%add3A_137] : memref<262144xf32, #tpu.memory_space<hbm>> -> memref<2048xf32, #tpu.memory_space<hbm>>
      %dma_wait3A_143 = tpu.memref_slice %arg12[%add3A_137] : memref<262144xf32, #tpu.memory_space<hbm>> -> memref<2048xf32, #tpu.memory_space<hbm>>
      tpu.wait_dma2 semaphore(%run_scoped3A : memref<!tpu.dma_semaphore, #tpu.memory_space<semaphore_mem>>) src(%arg37 : memref<2048xf32, #tpu.memory_space<vmem>>) dst(%dma_wait3A_143 : memref<2048xf32, #tpu.memory_space<hbm>>)
      tpu.yield
    }) : () -> ()
    %add3A_138 = arith.constant 196608 : i32
    %add3A_139 = arith.addi %add3A_138, %mul3A_2 : i32
    "tpu.region"() ({
      %run_scoped3A = tpu.sem_alloc : memref<!tpu.dma_semaphore, #tpu.memory_space<semaphore_mem>>
      %dma_start3A_140 = tpu.memref_slice %arg12[%add3A_139] : memref<262144xf32, #tpu.memory_space<hbm>> -> memref<2048xf32, #tpu.memory_space<hbm>>
      %dma_start3A_141 = tpu.memref_slice %arg12[%add3A_139] : memref<262144xf32, #tpu.memory_space<hbm>> -> memref<2048xf32, #tpu.memory_space<hbm>>
      tpu.enqueue_dma source(%arg38 : memref<2048xf32, #tpu.memory_space<vmem>>) target(%dma_start3A_141 : memref<2048xf32, #tpu.memory_space<hbm>>) target_semaphore(%run_scoped3A : memref<!tpu.dma_semaphore, #tpu.memory_space<semaphore_mem>>)
      %dma_wait3A_142 = tpu.memref_slice %arg12[%add3A_139] : memref<262144xf32, #tpu.memory_space<hbm>> -> memref<2048xf32, #tpu.memory_space<hbm>>
      %dma_wait3A_143 = tpu.memref_slice %arg12[%add3A_139] : memref<262144xf32, #tpu.memory_space<hbm>> -> memref<2048xf32, #tpu.memory_space<hbm>>
      tpu.wait_dma2 semaphore(%run_scoped3A : memref<!tpu.dma_semaphore, #tpu.memory_space<semaphore_mem>>) src(%arg38 : memref<2048xf32, #tpu.memory_space<vmem>>) dst(%dma_wait3A_143 : memref<2048xf32, #tpu.memory_space<hbm>>)
      tpu.yield
    }) : () -> ()
    return
  }
}

</mosaic_0001>

<sc_bundles>
// kernel: _sc_call.3.cloned.1.call-start
scs
__scs_entry_jumppad:
0x0: {  	(pc) =	sbr.rel $0x88, $3  }
0x1: {  	(tag) =	ssettag $0x0;
	lr =	simm.s32 $0x1  }
0x2: {  	[smem:$0x3F97] =	sst lr;
	_ =	strace $0xD0000000  }
0x3: {  	_ = 	snop  }
0x4: {  	_ = 	snop  }
0x5: {  	_ = 	snop  }
0x6: {  	_ = 	snop  }
0x7: {  	_ = 	snop  }
__scs_overlays_trampoline_lowered:
0x8: {  	[smem:$0x3FA6] =	sst s0  }
0x9: {  	[smem:$0x3FA7] =	sst s1  }
0xa: {  	[smem:$0x3FA8] =	sst s2  }
0xb: {  	[smem:$0x3FA9] =	sst s3  }
0xc: {  	[smem:$0x3FAA] =	sst s4  }
0xd: {  	[smem:$0x3FAB] =	sst s5  }
0xe: {  	[smem:$0x3FAC] =	sst s6  }
0xf: {  	[smem:$0x3FAD] =	sst s7  }
0x10: {  	[smem:$0x3FAE] =	sst s8  }
0x11: {  	[smem:$0x3FAF] =	sst s9;
	s0 =	simm.s32 @!p0 $0x0  }
0x12: {  	s1 =	sld [smem:$0x3F95];
	s0 =	simm.s32 @p0 $0x1  }
0x13: {  	[smem:$0x3FB0] =	sst s0;
	s0 =	simm.s32 @!p1 $0x0  }
0x14: {  	s2 =	sld [smem:$0x3F94];
	s0 =	simm.s32 @p1 $0x1  }
0x15: {  	[smem:$0x3FB1] =	sst s0;
	s0 =	simm.s32 @!p2 $0x0  }
0x16: {  	s3 =	sld [smem:$0x3FDB];
	s0 =	simm.s32 @p2 $0x1  }
0x17: {  	s4 =	simm.s32 $0x1BF5;
	[smem:$0x3FB3] =	sst s0  }
0x18: {  	s0 =	sld [smem:$0x3F96];
	_ =	swait.ge [sflag:s4], $0x0  }
0x19: {  	s7 =	sld [smem:$0x3F97]  }
0x1a: {  	s8 =	sadd.s32 $0xFFFFE003, lr  }
0x1b: {  	s9 =	sadd.s32 $0xFFFFFEF7, lr;
	s5 =	simm.s32 $0xFFFFFFFF;
	p2 =	slt.u32 s8, $0xFFFFF086  }
0x1c: {  	p1 =	slt.u32 s9, $0xF7A;
	s5 =	simm.s32 @!p2 $0x0  }
0x1d: {  	s5 =	simm.s32 @p1 $0x1;
	p0 =	seq.s32 s7, s2  }
0x1e: {  	s7 =	smul.u32 @!p0 $0xF7A, s2;
	p2 =	seq.s32 @!p0 s5, $0x0  }
0x1f: {  	s9 =	smul.u32 $0xF7A, s1;
	s8 =	simm.s32 @!p0 $0x1BF5;
	p2 =	por !p2, p0  }
0x20: {  	[sflag:s8] =	ssyncset.s32 @!p0 $0xFFFFF086;
	s6 =	sadd.s32 @!p0 s3, s7;
	s7 =	simm.s32 @!p0 $0x108  }
0x21: {  	s3 =	sadd.s32 s3, s9;
	s6 =	sadd.s32 @!p0 $0x88, s6;
	s7 =	simm.s32 @p2 $0x1082  }
0x22: {  	[simem:s7], [sflag:s8] =	dma.local @!p0 [hbm:s6], $0xF7A  }
0x23: {  	s9 =	sor.u32 $0xD0000000, s2;
	s6 =	simm.s32 $0x108;
	_ =	swait.ge @!p0 [sflag:s8], $0x0  }
0x24: {  	s3 =	sadd.s32 $0x88, s3;
	s6 =	simm.s32 @!p1 $0x1082;
	[sflag:s4] =	ssyncset.s32 $0xFFFFF086  }
0x25: {  	[simem:s6], [sflag:s4] =	dma.local [hbm:s3], $0xF7A  }
0x26: {  	[smem:$0x3F97] =	sst s1;
	(tag) =	ssettag s2;
	_ =	strace s9  }
0x27: {  	s1 =	sld [smem:$0x3FA7]  }
0x28: {  	s2 =	sld [smem:$0x3FA8]  }
0x29: {  	s4 =	sld [smem:$0x3FAA]  }
0x2a: {  	p0 =	seq.s32 s5, $0x0;
	s5 =	sld [smem:$0x3FAB]  }
0x2b: {  	s6 =	sld [smem:$0x3FAC]  }
0x2c: {  	s7 =	sld [smem:$0x3FAD]  }
0x2d: {  	s3 =	simm.s32 $0x108;
	s8 =	sld [smem:$0x3FAE]  }
0x2e: {  	s3 =	simm.s32 @!p0 $0x1082;
	s9 =	sld [smem:$0x3FAF]  }
0x2f: {  	lr =	sadd.s32 s0, s3;
	s0 =	sld [smem:$0x3FA6]  }
0x30: {  	s3 =	sld [smem:$0x3FA9]  }
0x31: {  	[smem:$0x3FB2] =	sst s10  }
0x32: {  	s10 =	sld [smem:$0x3FB0];
	_ =	sdelay $0x3  }
0x33: {  	p0 =	seq.s32 s10, $0x1;
	s10 =	sld [smem:$0x3FB2];
	_ =	sdelay $0x3  }
0x34: {  	[smem:$0x3FB2] =	sst s10  }
0x35: {  	s10 =	sld [smem:$0x3FB1];
	_ =	sdelay $0x3  }
0x36: {  	p1 =	seq.s32 s10, $0x1;
	s10 =	sld [smem:$0x3FB2];
	_ =	sdelay $0x3  }
0x37: {  	[smem:$0x3FB2] =	sst s10  }
0x38: {  	s10 =	sld [smem:$0x3FB3]  }
0x39: {  	_ = 	snop;
	(pc) =	sbr.ind lr, $3  }
0x3a: {  	_ = 	snop  }
0x3b: {  	_ = 	snop  }
0x3c: {  	p2 =	seq.s32 s10, $0x1;
	s10 =	sld [smem:$0x3FB2]  }
0x3d: {  	_ =	shalt  }
0x3e: {  	_ =	shalt  }
0x3f: {  	_ =	shalt  }
0x40: {  	_ =	shalt  }
0x41: {  	_ =	shalt  }
0x42: {  	_ =	shalt  }
0x43: {  	_ =	shalt  }
0x44: {  	_ =	shalt  }
0x45: {  	_ =	shalt  }
0x46: {  	_ =	shalt  }
0x47: {  	_ =	shalt  }
0x48: {  	_ =	shalt  }
0x49: {  	_ =	shalt  }
0x4a: {  	_ =	shalt  }
0x4b: {  	_ =	shalt  }
0x4c: {  	_ =	shalt  }
0x4d: {  	_ =	shalt  }
0x4e: {  	_ =	shalt  }
0x4f: {  	_ =	shalt  }
0x50: {  	_ =	shalt  }
0x51: {  	_ =	shalt  }
0x52: {  	_ =	shalt  }
0x53: {  	_ =	shalt  }
0x54: {  	_ =	shalt  }
0x55: {  	_ =	shalt  }
0x56: {  	_ =	shalt  }
0x57: {  	_ =	shalt  }
0x58: {  	_ =	shalt  }
0x59: {  	_ =	shalt  }
0x5a: {  	_ =	shalt  }
0x5b: {  	_ =	shalt  }
0x5c: {  	_ =	shalt  }
0x5d: {  	_ =	shalt  }
0x5e: {  	_ =	shalt  }
0x5f: {  	_ =	shalt  }
0x60: {  	_ =	shalt  }
0x61: {  	_ =	shalt  }
0x62: {  	_ =	shalt  }
0x63: {  	_ =	shalt  }
0x64: {  	_ =	shalt  }
0x65: {  	_ =	shalt  }
0x66: {  	_ =	shalt  }
0x67: {  	_ =	shalt  }
0x68: {  	_ =	shalt  }
0x69: {  	_ =	shalt  }
0x6a: {  	_ =	shalt  }
0x6b: {  	_ =	shalt  }
0x6c: {  	_ =	shalt  }
0x6d: {  	_ =	shalt  }
0x6e: {  	_ =	shalt  }
0x6f: {  	_ =	shalt  }
0x70: {  	_ =	shalt  }
0x71: {  	_ =	shalt  }
0x72: {  	_ =	shalt  }
0x73: {  	_ =	shalt  }
0x74: {  	_ =	shalt  }
0x75: {  	_ =	shalt  }
0x76: {  	_ =	shalt  }
0x77: {  	_ =	shalt  }
0x78: {  	_ =	shalt  }
0x79: {  	_ =	shalt  }
0x7a: {  	_ =	shalt  }
0x7b: {  	_ =	shalt  }
0x7c: {  	_ =	shalt  }
0x7d: {  	_ =	shalt  }
0x7e: {  	_ =	shalt  }
0x7f: {  	_ =	shalt  }
0x80: {  	_ =	shalt  }
0x81: {  	_ =	shalt  }
0x82: {  	_ =	shalt  }
0x83: {  	_ =	shalt  }
0x84: {  	_ =	shalt  }
0x85: {  	_ =	shalt  }
0x86: {  	_ =	shalt  }
0x87: {  	_ =	shalt  }
.Lfunc_end0:
.L_simem_size_0:
called_computation_lowered:
.L_overlay_start_0:
0x88: {  	s2 =	sld [smem:$0x3FD9]  }
0x89: {  	s3 =	sld [smem:$0x3FFE];
	_ =	sdelay $0x1  }
0x8a: {  	s1 =	srdreg.scid  }
0x8b: {  	s0 =	sand.u32 $0x1, s1  }
0x8c: {  	s18 =	sshll.u32 s0, $0xA;
	s2 =	sadd.s32 s3, s2  }
0x8d: {  	s2 =	sadd.s32 s2, s18  }
0x8e: {  	[smem:$0x3FBE] =	sst s2  }
0x8f: {  	_ = 	snop  }
0x90: {  	s2 =	sld [smem:$0x3FC9]  }
0x91: {  	s19 =	sld [smem:$0x3FC8]  }
0x92: {  	s4 =	sld [smem:$0x3FC7]  }
0x93: {  	s5 =	sld [smem:$0x3FC6]  }
0x94: {  	s6 =	sld [smem:$0x3FC5]  }
0x95: {  	s7 =	sld [smem:$0x3FC4]  }
0x96: {  	s8 =	sld [smem:$0x3FC3]  }
0x97: {  	s9 =	sld [smem:$0x3FC2]  }
0x98: {  	s10 =	sld [smem:$0x3FC1]  }
0x99: {  	s11 =	sld [smem:$0x3FC0]  }
0x9a: {  	s12 =	sld [smem:$0x3FD0];
	(tm) =	ssettm $0x1  }
0x9b: {  	s13 =	sld [smem:$0x3FFB];
	_ =	sdelay $0x3  }
0x9c: {  	_ =	strace s13  }
0x9d: {  	s13 =	sld [smem:$0x3FFC];
	_ =	sdelay $0x3  }
0x9e: {  	_ =	strace s13  }
0x9f: {  	s13 =	sld [smem:$0x3FFD];
	_ =	sdelay $0x3  }
0xa0: {  	_ =	strace s13  }
0xa1: {  	_ =	strace $0x8FFFFFFF  }
0xa2: {  	s20 =	sld [smem:$0x3FDB];
	_ =	sdelay $0x1  }
0xa3: {  	s14 =	simm.s32 $_scs_section_size  }
0xa4: {  	s15 =	simm.s32 $_size__tile_overlayer_lowered;
	s16 =	simm.s32 $_tile_overlayer_lowered  }
0xa5: {  	s23 =	simm.s32 $0x1BFF;
	s22 =	sshll.u32 s16, $0x1;
	s13 =	sadd.s32 s14, s20  }
0xa6: {  	s17 =	simm.s32 $0x0;
	s21 =	sshll.u32 s15, $0x1;
	s15 =	sadd.s32 s22, s13  }
0xa7: {  	[timem:s17], [sflag:s23] =	dma.local [hbm:s15], s21  }
0xa8: {  	_ =	swait.ge [sflag:s23], s21  }
0xa9: {  	s14 =	ssub.s32 $0x0, s21;
	[sflag:s23] =	ssyncset.done $0x0  }
0xaa: {  	[sflag:s23] =	ssyncadd.s32 s14;
	_ =	sdelay $0x1  }
0xab: {  	s24 =	simm.s32 $0x1B8B  }
0xac: {  	_ =	swait.ge [sflag:s24], $0x1  }
0xad: {  	[sflag:s24] =	ssyncset.done $0x0  }
0xae: {  	s25 =	simm.s32 $0x1B8E;
	[sflag:s24] =	ssyncadd.s32 $0xFFFFFFFF  }
0xaf: {  	s26 =	simm.s32 $execute0_lowered;
	[smem:$0x3FD2] =	sst s25  }
0xb0: {  	s14 =	sshll.u32 s26, $0x1;
	_ =	strace $0x80000046;
	[dreg:$0x1] =	wrdreg $0xFFFFFFFF  }
0xb1: {  	s28 =	simm.s32 $_size_execute0_lowered;
	s13 =	sadd.s32 s13, s14;
	[dreg:$0x0] =	wrdreg $0x0  }
0xb2: {  	s14 =	sshll.u32 s28, $0x1;
	[dreg:$0x2] =	wrdreg s13  }
0xb3: {  	[dreg:$0x3] =	wrdreg s14  }
0xb4: {  	[dreg:$0x4] =	wrdreg $0xC0  }
0xb5: {  	_ =	task [dreg:s17], $0x5FFFF  }
0xb6: {  	[dreg:$0x1] =	wrdreg $0xFFFFFFFF  }
0xb7: {  	[dreg:$0x0] =	wrdreg $0x60  }
0xb8: {  	[dreg:$0x2] =	wrdreg s2  }
0xb9: {  	[dreg:$0x3] =	wrdreg s19  }
0xba: {  	[dreg:$0x4] =	wrdreg s4  }
0xbb: {  	[dreg:$0x5] =	wrdreg s5  }
0xbc: {  	[dreg:$0x6] =	wrdreg s6  }
0xbd: {  	[dreg:$0x7] =	wrdreg s7  }
0xbe: {  	[dreg:$0x8] =	wrdreg s8  }
0xbf: {  	[dreg:$0x9] =	wrdreg s9  }
0xc0: {  	[dreg:$0xa] =	wrdreg s10  }
0xc1: {  	[dreg:$0xb] =	wrdreg s11  }
0xc2: {  	[dreg:$0xc] =	wrdreg s12  }
0xc3: {  	[dreg:$0xd] =	wrdreg $0x9  }
0xc4: {  	_ =	task.clear_ibuf [dreg:s17], $0xEFFFF;
	_ =	strace $0x90000046  }
0xc5: {  	s29 =	simm.s32 $0x9;
	_ =	strace $0x80000048  }
0xc6: {  	_ =	swait.ge [sflag:s29], $0x1  }
0xc7: {  	[sflag:s29] =	ssyncadd.s32 $0xFFFFFFFF  }
0xc8: {  	_ =	strace $0x90000048  }
0xc9: {  	_ =	sfence  }
0xca: {  	s30 =	sld [smem:$0x0];
	_ =	sdelay $0x2  }
0xcb: {  	s31 =	sshll.u32 s1, $0xD;
	s1 =	sshrl.u32 s1, $0x2  }
0xcc: {  	s3 =	sand.u32 $0x4000, s31;
	s1 =	sadd.s32 s1, s30  }
0xcd: {  	s0 =	sor.u32 s3, s0;
	s1 =	sshll.u32 s1, $0x11  }
0xce: {  	s0 =	sor.u32 s1, s0  }
0xcf: {  	s0 =	sadd.s32 $0x8F2B, s0  }
0xd0: {  	[sflag:s0] =	ssyncadd.remote.s32 $0x1  }
0xd1: {  	_ =	sfence.sel $0xFFFF  }
0xd2: {  	[dreg:$0x0] =	wrdreg $0xFFFFFFFF;
	(pc) =	sbr.abs _section_cstart, $3  }
0xd3: {  	[dreg:$0x1] =	wrdreg $0xFFFFFFFF  }
0xd4: {  	_ =	task.clear_ibuf [dreg:s17], $0x2FFFF;
	_ =	strace $0x9FFFFFFF  }
0xd5: {  	(tm) =	ssettm $0x7FFFFFFF  }
tec
execute0_lowered:
.L_overlay_start_1:
0x0: {  	(tag) =	ssettag $0x1  }
0x1: {  	s0 =	rddreg [dreg:$0x0]  }
0x2: {  	s5 =	rddreg [dreg:$0x1]  }
0x3: {  	s9 =	rddreg [dreg:$0x2]  }
0x4: {  	s10 =	rddreg [dreg:$0x3]  }
0x5: {  	s11 =	rddreg [dreg:$0x4]  }
0x6: {  	s12 =	rddreg [dreg:$0x5]  }
0x7: {  	s1 =	rddreg [dreg:$0x6]  }
0x8: {  	s2 =	rddreg [dreg:$0x7]  }
0x9: {  	s3 =	rddreg [dreg:$0x8]  }
0xa: {  	s4 =	rddreg [dreg:$0x9]  }
0xb: {  	s13 =	rddreg [dreg:$0xa];
	s7 =	srdreg.scid  }
0xc: {  	s6 =	simm.s32 $0x0;
	s14 =	stileid.u32;
	s18 =	simm.s32 $0x3  }
0xd: {  	s19 =	simm.s32 $0x800;
	s20 =	simm.s32 $0x1000;
	s23 =	simm.s32 $0xA000  }
0xe: {  	s24 =	simm.s32 $0xD800;
	s25 =	simm.s32 $0xA800;
	s26 =	simm.s32 $0xC800  }
0xf: {  	s28 =	simm.s32 $0x10000;
	s29 =	simm.s32 $0x1;
	s30 =	simm.s32 $0x2  }
0x10: {  	s31 =	simm.s32 $0x0;
	s7 =	sand.u32 $0x1, s7;
	s14 =	sshll.u32 s14, $0x9  }
0x11: {  	[smem:$0x7FF] =	sst s6;
	s8 =	ssub.s32 $0x2, s7;
	s7 =	sshll.u32 s7, $0x8  }
0x12: {  	_ =	strace $0x80000047;
	s15 =	sshrl.u32 s8, $0x1;
	s14 =	sor.u32 s7, s14  }
0x13: {  	s17 =	ssub.s32 s8, s15;
	s7 =	sadd.s32 s0, s14;
	s8 =	sadd.s32 s5, s14  }
0x14: {  	s9 =	sadd.s32 s9, s14;
	s10 =	sadd.s32 s10, s14;
	s13 =	sadd.s32 s13, s14  }
0x15: {  	s11 =	sadd.s32 s11, s14;
	s12 =	sadd.s32 s12, s14;
	s14 =	sadd.s32 $0x2000, s13  }
0x16: {  	s15 =	sadd.s32 $0x4000, s13;
	s16 =	sadd.s32 $0x6000, s13;
	s17 =	smax.u32 s17, $0x1  }
.LBB2_1:
0x17: {  	[tilespmem:s6], [sflag:$0x3] =	stream.linear.gather [hbm4b:s7+s6], $0x800, $0x38;
	[tilespmem:$0x13000] =	vst v63  }
0x18: {  	_ =	swait.ge [sflag:s18], $0x800  }
0x19: {  	[sflag:s18] =	ssyncset.done $0x0  }
0x1a: {  	[sflag:s18] =	ssyncadd.s32 $0xFFFFF800  }
0x1b: {  	[tilespmem:s19], [sflag:$0x3] =	stream.linear.gather [hbm4b:s8+s6], $0x800, $0x38;
	[tilespmem:$0x13000] =	vst v63  }
0x1c: {  	_ =	swait.ge [sflag:s18], $0x800  }
0x1d: {  	[sflag:s18] =	ssyncset.done $0x0  }
0x1e: {  	[sflag:s18] =	ssyncadd.s32 $0xFFFFF800  }
0x1f: {  	[tilespmem:s20], [sflag:$0x3] =	stream.linear.gather [hbm4b:s9+s6], $0x800, $0x38;
	[tilespmem:$0x13000] =	vst v63  }
0x20: {  	_ =	swait.ge [sflag:s18], $0x800  }
0x21: {  	[sflag:s18] =	ssyncset.done $0x0  }
0x22: {  	s0 =	simm.s32 $0x1800;
	[sflag:s18] =	ssyncadd.s32 $0xFFFFF800  }
0x23: {  	[tilespmem:s0], [sflag:$0x3] =	stream.linear.gather [hbm4b:s10+s6], $0x800, $0x38;
	[tilespmem:$0x13000] =	vst v63  }
0x24: {  	_ =	swait.ge [sflag:s18], $0x800  }
0x25: {  	[sflag:s18] =	ssyncset.done $0x0  }
0x26: {  	s21 =	simm.s32 $0x2000;
	[sflag:s18] =	ssyncadd.s32 $0xFFFFF800  }
0x27: {  	[tilespmem:s21], [sflag:$0x3] =	stream.linear.gather [hbm4b:s11+s6], $0x800, $0x38;
	[tilespmem:$0x13000] =	vst v63  }
0x28: {  	_ =	swait.ge [sflag:s18], $0x800  }
0x29: {  	[sflag:s18] =	ssyncset.done $0x0  }
0x2a: {  	s22 =	simm.s32 $0x2800;
	[sflag:s18] =	ssyncadd.s32 $0xFFFFF800  }
0x2b: {  	[tilespmem:s22], [sflag:$0x3] =	stream.linear.gather [hbm4b:s12+s6], $0x800, $0x38;
	[tilespmem:$0x13000] =	vst v63  }
0x2c: {  	_ =	swait.ge [sflag:s18], $0x800  }
0x2d: {  	[sflag:s18] =	ssyncset.done $0x0  }
0x2e: {  	s0 =	simm.s32 $0x0;
	[sflag:s18] =	ssyncadd.s32 $0xFFFFF800  }
0x2f: {  	v0 =	vld [tilespmem:s0+$0x800]  }
0x30: {  	v1 =	vld [tilespmem:s0+$0x0]  }
0x31: {  	v2 =	vld [tilespmem:s0+$0x2000];
	_ =	sdelay $0x3  }
0x32: {  	v3 =	vld [tilespmem:s0+$0x1000];
	v1 =	vmul.f32 $5.110000000e+02, v1;
	v0 =	vmul.f32 $5.110000000e+02, v0  }
0x33: {  	v2 =	vmul.f32 $3.100000000e+01, v2  }
0x34: {  	v1 =	vtrunc.f32 v1;
	v0 =	vtrunc.f32 v0  }
0x35: {  	v2 =	vtrunc.f32 v2;
	v1 =	vcvt.f32.s32 v1  }
0x36: {  	v0 =	vcvt.f32.s32 v0;
	v2 =	vcvt.f32.s32 v2  }
0x37: {  	v3 =	vmul.f32 $3.100000000e+01, v3;
	vm0 =	vlt.s32 v1, $0x1FE  }
0x38: {  	v4 =	vld [tilespmem:s0+$0x1800];
	vm13 =	vlt.s32 v0, $0x1FE;
	vm1 =	vlt.s32 v2, $0x1E;
	v1 =	vnsel vm0, $0x1FE, v1  }
0x39: {  	v0 =	vnsel vm13, $0x1FE, v0;
	v2 =	vnsel vm1, $0x1E, v2;
	v1 =	vshll.u32 v1, $0x9  }
0x3a: {  	v15 =	vadd.s32 v0, v1;
	v0 =	vtrunc.f32 v3;
	v1 =	vshll.u32 v2, $0x12  }
0x3b: {  	v0 =	vcvt.f32.s32 v0;
	v1 =	vadd.s32 v15, v1  }
0x3c: {  	[tilespmem:s0+$0x5800] =	vst v1;
	v2 =	vadd.s32 $0x40201, v1  }
0x3d: {  	v3 =	vmul.f32 $3.100000000e+01, v4;
	v4 =	vadd.s32 $0x1, v1;
	vm14 =	vlt.s32 v0, $0x1E;
	[tilespmem:s0+$0x6600] =	vst v2  }
0x3e: {  	v2 =	vadd.s32 $0x200, v1;
	[tilespmem:s0+$0x5A00] =	vst v4;
	v0 =	vnsel vm14, $0x1E, v0  }
0x3f: {  	v3 =	vtrunc.f32 v3;
	v4 =	vadd.s32 $0x201, v1;
	[tilespmem:s0+$0x5C00] =	vst v2;
	v0 =	vshll.u32 v0, $0x12  }
0x40: {  	v2 =	vcvt.f32.s32 v3;
	v3 =	vadd.s32 $0x40000, v1;
	[tilespmem:s0+$0x5E00] =	vst v4;
	v0 =	vadd.s32 v15, v0  }
0x41: {  	[tilespmem:s0+$0x6000] =	vst v3;
	v4 =	vadd.s32 $0x1, v0  }
0x42: {  	v3 =	vadd.s32 $0x200, v0;
	[tilespmem:s0+$0x3A00] =	vst v4  }
0x43: {  	vm15 =	vlt.s32 v2, $0x1E;
	v5 =	vadd.s32 $0x201, v0;
	v6 =	vadd.s32 $0x40000, v0;
	[tilespmem:s0+$0x3C00] =	vst v3  }
0x44: {  	v16 =	vadd.s32 $0x40201, v0;
	v4 =	vnsel vm15, $0x1E, v2;
	v2 =	vadd.s32 $0x40001, v1;
	[tilespmem:s0+$0x3E00] =	vst v5  }
0x45: {  	v3 =	vadd.s32 $0x40200, v1;
	[tilespmem:s0+$0x4000] =	vst v6;
	v5 =	vadd.s32 $0x40200, v0;
	v4 =	vshll.u32 v4, $0x12  }
0x46: {  	v6 =	vadd.s32 $0x1, v15;
	[tilespmem:s0+$0x4400] =	vst v5;
	v5 =	vadd.s32 $0x200, v15;
	v1 =	vadd.s32 v15, v4  }
0x47: {  	[tilespmem:s0+$0x3000] =	vst v15;
	v4 =	vadd.s32 $0x40001, v0;
	v12 =	vadd.s32 $0x1, v1;
	v13 =	vadd.s32 $0x200, v1  }
0x48: {  	s5 =	simm.s32 $0x10;
	[tilespmem:s0+$0x4200] =	vst v4;
	v10 =	vadd.s32 $0x201, v1;
	v9 =	vadd.s32 $0x40000, v1;
	v11 =	vadd.s32 $0x40001, v1  }
0x49: {  	s21 =	simm.s32 $0x80;
	v8 =	vadd.s32 $0x40200, v1;
	v7 =	vadd.s32 $0x40201, v1;
	v4 =	vadd.s32 $0x201, v15;
	v14 =	vld [tilespmem:s5+$0x800];
	[tilespmem:s0+$0x4600] =	vst v16  }
.LBB2_2:
0x4a: {  	p0 =	sne.s32 s21, $0x7C0;
	v15 =	vld [tilespmem:s5+$0x0];
	[tilespmem:s0+$0x4A00] =	vst v12  }
0x4b: {  	v12 =	vld [tilespmem:s5+$0x2000];
	[tilespmem:s0+$0x4C00] =	vst v13  }
0x4c: {  	v13 =	vld [tilespmem:s5+$0x1000];
	[tilespmem:s0+$0x4E00] =	vst v10  }
0x4d: {  	v10 =	vld [tilespmem:s5+$0x1800];
	[tilespmem:s0+$0x5000] =	vst v9  }
0x4e: {  	[tilespmem:s0+$0x5200] =	vst v11  }
0x4f: {  	v11 =	vmul.f32 $5.110000000e+02, v14;
	v9 =	vmul.f32 $5.110000000e+02, v15;
	[tilespmem:s0+$0x5400] =	vst v8  }
0x50: {  	v8 =	vmul.f32 $3.100000000e+01, v12;
	[tilespmem:s0+$0x5600] =	vst v7  }
0x51: {  	v7 =	vtrunc.f32 v9;
	v9 =	vtrunc.f32 v11;
	[tilespmem:s0+$0x6200] =	vst v2  }
0x52: {  	v2 =	vcvt.f32.s32 v7;
	v7 =	vtrunc.f32 v8;
	[tilespmem:s0+$0x6400] =	vst v3  }
0x53: {  	v3 =	vcvt.f32.s32 v9;
	v7 =	vcvt.f32.s32 v7;
	[tilespmem:s0+$0x3200] =	vst v6  }
0x54: {  	v8 =	vmul.f32 $3.100000000e+01, v10;
	v6 =	vmul.f32 $3.100000000e+01, v13;
	vm0 =	vlt.s32 v2, $0x1FE;
	[tilespmem:s0+$0x3400] =	vst v5  }
0x55: {  	v2 =	vnsel vm0, $0x1FE, v2;
	vm0 =	vlt.s32 v3, $0x1FE;
	vm1 =	vlt.s32 v7, $0x1E;
	[tilespmem:s0+$0x3600] =	vst v4  }
0x56: {  	v3 =	vnsel vm0, $0x1FE, v3;
	v2 =	vshll.u32 v2, $0x9;
	v4 =	vnsel vm1, $0x1E, v7;
	[tilespmem:s0+$0x3800] =	vst v0  }
0x57: {  	v0 =	vtrunc.f32 v6;
	v14 =	vadd.s32 v3, v2;
	v2 =	vshll.u32 v4, $0x12;
	[tilespmem:s0+$0x4800] =	vst v1;
	s0 =	smov.u32 s5  }
0x58: {  	v0 =	vcvt.f32.s32 v0;
	v1 =	vtrunc.f32 v8;
	[tilespmem:s0+$0x3000] =	vst v14;
	v3 =	vadd.s32 v14, v2  }
0x59: {  	v1 =	vcvt.f32.s32 v1;
	[tilespmem:s0+$0x5800] =	vst v3;
	v2 =	vadd.s32 $0x1, v3;
	v4 =	vadd.s32 $0x40201, v3  }
0x5a: {  	vm0 =	vlt.s32 v0, $0x1E;
	v5 =	vadd.s32 $0x200, v3;
	v6 =	vadd.s32 $0x201, v3;
	[tilespmem:s0+$0x6600] =	vst v4  }
0x5b: {  	v0 =	vnsel vm0, $0x1E, v0;
	vm0 =	vlt.s32 v1, $0x1E;
	v4 =	vadd.s32 $0x40000, v3;
	[tilespmem:s0+$0x5A00] =	vst v2  }
0x5c: {  	v0 =	vshll.u32 v0, $0x12;
	v1 =	vnsel vm0, $0x1E, v1;
	v2 =	vadd.s32 $0x40001, v3;
	[tilespmem:s0+$0x5C00] =	vst v5  }
0x5d: {  	v3 =	vadd.s32 $0x40200, v3;
	v0 =	vadd.s32 v14, v0;
	v1 =	vshll.u32 v1, $0x12;
	[tilespmem:s0+$0x5E00] =	vst v6  }
0x5e: {  	v5 =	vadd.s32 $0x1, v0;
	v6 =	vadd.s32 $0x200, v0;
	v1 =	vadd.s32 v14, v1;
	[tilespmem:s0+$0x6000] =	vst v4  }
0x5f: {  	v15 =	vadd.s32 $0x40001, v0;
	v4 =	vadd.s32 $0x201, v0;
	[tilespmem:s0+$0x3A00] =	vst v5;
	v5 =	vadd.s32 $0x40000, v0  }
0x60: {  	v16 =	vadd.s32 $0x40200, v0;
	v17 =	vadd.s32 $0x40201, v0;
	v12 =	vadd.s32 $0x1, v1;
	[tilespmem:s0+$0x3C00] =	vst v6  }
.Ltmp0:
0x61: {  	v13 =	vadd.s32 $0x200, v1;
	v10 =	vadd.s32 $0x201, v1;
	v9 =	vadd.s32 $0x40000, v1;
	[tilespmem:s0+$0x3E00] =	vst v4;
	(pc) =	sbr.rel @p0 .LBB2_2-.Ltmp0, $4  }
0x62: {  	v11 =	vadd.s32 $0x40001, v1;
	v8 =	vadd.s32 $0x40200, v1;
	v7 =	vadd.s32 $0x40201, v1;
	[tilespmem:s0+$0x4000] =	vst v5  }
0x63: {  	v6 =	vadd.s32 $0x1, v14;
	v4 =	vadd.s32 $0x201, v14;
	v5 =	vadd.s32 $0x200, v14;
	[tilespmem:s0+$0x4200] =	vst v15  }
0x64: {  	s5 =	sshra.s32 s21, $0x2;
	[tilespmem:s0+$0x4400] =	vst v16  }
0x65: {  	s21 =	sadd.s32 $0x40, s21;
	v14 =	vld [tilespmem:s5+$0x800];
	[tilespmem:s0+$0x4600] =	vst v17  }
0x66: {  	v15 =	vld [tilespmem:s5+$0x0];
	[tilespmem:s0+$0x4A00] =	vst v12  }
0x67: {  	v12 =	vld [tilespmem:s5+$0x2000];
	[tilespmem:s0+$0x4C00] =	vst v13  }
0x68: {  	v13 =	vld [tilespmem:s5+$0x1000];
	[tilespmem:s0+$0x4E00] =	vst v10  }
0x69: {  	v10 =	vld [tilespmem:s5+$0x1800];
	[tilespmem:s0+$0x5000] =	vst v9  }
0x6a: {  	[tilespmem:s0+$0x5200] =	vst v11  }
0x6b: {  	[tilespmem:s0+$0x5400] =	vst v8;
	v11 =	vmul.f32 $5.110000000e+02, v14;
	v9 =	vmul.f32 $5.110000000e+02, v15  }
0x6c: {  	[tilespmem:s0+$0x5600] =	vst v7;
	v8 =	vmul.f32 $3.100000000e+01, v12  }
0x6d: {  	[tilespmem:s0+$0x6200] =	vst v2;
	v7 =	vtrunc.f32 v9;
	v9 =	vtrunc.f32 v11  }
0x6e: {  	[tilespmem:s0+$0x6400] =	vst v3;
	v2 =	vcvt.f32.s32 v7;
	v7 =	vtrunc.f32 v8  }
0x6f: {  	[tilespmem:s0+$0x3200] =	vst v6;
	v3 =	vcvt.f32.s32 v9;
	v7 =	vcvt.f32.s32 v7  }
0x70: {  	[tilespmem:s0+$0x3400] =	vst v5;
	v6 =	vmul.f32 $3.100000000e+01, v13;
	vm0 =	vlt.s32 v2, $0x1FE  }
0x71: {  	[tilespmem:s0+$0x3600] =	vst v4;
	vm8 =	vlt.s32 v3, $0x1FE;
	v2 =	vnsel vm0, $0x1FE, v2;
	vm1 =	vlt.s32 v7, $0x1E  }
0x72: {  	[tilespmem:s0+$0x3800] =	vst v0;
	v3 =	vnsel vm8, $0x1FE, v3;
	v2 =	vshll.u32 v2, $0x9;
	v4 =	vnsel vm1, $0x1E, v7  }
0x73: {  	[tilespmem:s0+$0x4800] =	vst v1;
	v0 =	vadd.s32 v3, v2;
	v2 =	vtrunc.f32 v6;
	v3 =	vshll.u32 v4, $0x12  }
0x74: {  	[tilespmem:s5+$0x3000] =	vst v0;
	v1 =	vcvt.f32.s32 v2;
	v2 =	vadd.s32 v0, v3  }
0x75: {  	[tilespmem:s5+$0x5800] =	vst v2;
	v3 =	vadd.s32 $0x40201, v2  }
0x76: {  	v4 =	vadd.s32 $0x1, v2;
	[tilespmem:s5+$0x6600] =	vst v3  }
0x77: {  	v5 =	vadd.s32 $0x201, v2;
	vm9 =	vlt.s32 v1, $0x1E;
	[tilespmem:s5+$0x5A00] =	vst v4  }
0x78: {  	v3 =	vadd.s32 $0x200, v2;
	[tilespmem:s5+$0x5E00] =	vst v5;
	v1 =	vnsel vm9, $0x1E, v1  }
0x79: {  	v4 =	vmul.f32 $3.100000000e+01, v10;
	[tilespmem:s5+$0x5C00] =	vst v3;
	v3 =	vadd.s32 $0x40000, v2;
	v1 =	vshll.u32 v1, $0x12  }
0x7a: {  	[tilespmem:s5+$0x6000] =	vst v3;
	v1 =	vadd.s32 v0, v1  }
0x7b: {  	v4 =	vtrunc.f32 v4;
	v5 =	vadd.s32 $0x1, v1;
	[tilespmem:s5+$0x3800] =	vst v1  }
0x7c: {  	v3 =	vcvt.f32.s32 v4;
	v4 =	vadd.s32 $0x200, v1;
	[tilespmem:s5+$0x3A00] =	vst v5  }
0x7d: {  	v5 =	vadd.s32 $0x201, v1;
	[tilespmem:s5+$0x3C00] =	vst v4  }
0x7e: {  	v4 =	vadd.s32 $0x40000, v1;
	[tilespmem:s5+$0x3E00] =	vst v5  }
0x7f: {  	vm10 =	vlt.s32 v3, $0x1E;
	v5 =	vadd.s32 $0x40001, v1;
	[tilespmem:s5+$0x4000] =	vst v4  }
0x80: {  	v3 =	vnsel vm10, $0x1E, v3;
	v4 =	vadd.s32 $0x40200, v1;
	[tilespmem:s5+$0x4200] =	vst v5  }
0x81: {  	v3 =	vshll.u32 v3, $0x12;
	v5 =	vadd.s32 $0x40201, v1;
	[tilespmem:s5+$0x4400] =	vst v4  }
0x82: {  	v3 =	vadd.s32 v0, v3;
	[tilespmem:s5+$0x4600] =	vst v5  }
0x83: {  	v4 =	vadd.s32 $0x1, v3;
	[tilespmem:s5+$0x4800] =	vst v3  }
0x84: {  	v5 =	vadd.s32 $0x200, v3;
	[tilespmem:s5+$0x4A00] =	vst v4  }
0x85: {  	v4 =	vadd.s32 $0x201, v3;
	[tilespmem:s5+$0x4C00] =	vst v5  }
0x86: {  	v5 =	vadd.s32 $0x40000, v3;
	[tilespmem:s5+$0x4E00] =	vst v4  }
0x87: {  	v4 =	vadd.s32 $0x40001, v3;
	[tilespmem:s5+$0x5000] =	vst v5  }
0x88: {  	v5 =	vadd.s32 $0x40200, v3;
	[tilespmem:s5+$0x5200] =	vst v4  }
0x89: {  	v4 =	vadd.s32 $0x40201, v3;
	[tilespmem:s5+$0x5400] =	vst v5  }
0x8a: {  	v5 =	vadd.s32 $0x40001, v2;
	[tilespmem:s5+$0x5600] =	vst v4  }
0x8b: {  	v2 =	vadd.s32 $0x40200, v2;
	[tilespmem:s5+$0x6200] =	vst v5  }
0x8c: {  	v4 =	vadd.s32 $0x1, v0;
	[tilespmem:s5+$0x6400] =	vst v2  }
0x8d: {  	v2 =	vadd.s32 $0x200, v0;
	[tilespmem:s5+$0x3200] =	vst v4  }
0x8e: {  	v0 =	vadd.s32 $0x201, v0;
	[tilespmem:s5+$0x3400] =	vst v2  }
0x8f: {  	s21 =	simm.s32 $0x3000;
	s22 =	simm.s32 $0x6800;
	[tilespmem:s5+$0x3600] =	vst v0  }
0x90: {  	[tilespmem:s22], [sflag:$0x1] =	stream.indirect.gather [hbm4b:s1+s19], $0x1, s21, s19, $0xb8;
	[tilespmem:$0x13000] =	vst v63  }
0x91: {  	s21 =	simm.s32 $0x3800;
	s22 =	simm.s32 $0x7000  }
0x92: {  	[tilespmem:s22], [sflag:$0x1] =	stream.indirect.gather [hbm4b:s2+s20], $0x1, s21, s20, $0xb8;
	[tilespmem:$0x13000] =	vst v63  }
0x93: {  	s21 =	simm.s32 $0x4800;
	s22 =	simm.s32 $0x8000  }
0x94: {  	[tilespmem:s22], [sflag:$0x1] =	stream.indirect.gather [hbm4b:s3+s20], $0x1, s21, s20, $0xb8;
	[tilespmem:$0x13000] =	vst v63  }
0x95: {  	s0 =	simm.s32 $0x0;
	s21 =	simm.s32 $0x5800;
	s22 =	simm.s32 $0x9000  }
0x96: {  	[tilespmem:s22], [sflag:$0x1] =	stream.indirect.gather [hbm4b:s4+s20], $0x1, s21, s20, $0xb8;
	[tilespmem:$0x13000] =	vst v63  }
0x97: {  	v0 =	vld [tilespmem:s0+$0xA00]  }
0x98: {  	v1 =	vld [tilespmem:s0+$0x200]  }
0x99: {  	v2 =	vld [tilespmem:s0+$0x2200];
	_ =	sdelay $0x3  }
0x9a: {  	v3 =	vld [tilespmem:s0+$0x1200];
	v1 =	vmul.f32 $5.110000000e+02, v1;
	v0 =	vmul.f32 $5.110000000e+02, v0  }
0x9b: {  	v2 =	vmul.f32 $3.100000000e+01, v2  }
0x9c: {  	v1 =	vtrunc.f32 v1;
	v0 =	vtrunc.f32 v0  }
0x9d: {  	v2 =	vtrunc.f32 v2;
	v1 =	vcvt.f32.s32 v1  }
0x9e: {  	v0 =	vcvt.f32.s32 v0;
	v2 =	vcvt.f32.s32 v2  }
0x9f: {  	v3 =	vmul.f32 $3.100000000e+01, v3;
	vm11 =	vlt.s32 v1, $0x1FE  }
0xa0: {  	v4 =	vld [tilespmem:s0+$0x1A00];
	vm12 =	vlt.s32 v0, $0x1FE;
	vm13 =	vlt.s32 v2, $0x1E;
	v1 =	vnsel vm11, $0x1FE, v1  }
0xa1: {  	v0 =	vnsel vm12, $0x1FE, v0;
	v2 =	vnsel vm13, $0x1E, v2;
	v1 =	vshll.u32 v1, $0x9  }
0xa2: {  	v15 =	vadd.s32 v0, v1;
	v0 =	vtrunc.f32 v3;
	v1 =	vshll.u32 v2, $0x12  }
0xa3: {  	v0 =	vcvt.f32.s32 v0;
	v1 =	vadd.s32 v15, v1  }
0xa4: {  	[tilespmem:s0+$0xC800] =	vst v1;
	v2 =	vadd.s32 $0x40201, v1  }
0xa5: {  	v3 =	vmul.f32 $3.100000000e+01, v4;
	v4 =	vadd.s32 $0x1, v1;
	vm14 =	vlt.s32 v0, $0x1E;
	[tilespmem:s0+$0xD600] =	vst v2  }
0xa6: {  	v2 =	vadd.s32 $0x200, v1;
	[tilespmem:s0+$0xCA00] =	vst v4;
	v0 =	vnsel vm14, $0x1E, v0  }
0xa7: {  	v3 =	vtrunc.f32 v3;
	v4 =	vadd.s32 $0x201, v1;
	[tilespmem:s0+$0xCC00] =	vst v2;
	v0 =	vshll.u32 v0, $0x12  }
0xa8: {  	v2 =	vcvt.f32.s32 v3;
	v3 =	vadd.s32 $0x40000, v1;
	[tilespmem:s0+$0xCE00] =	vst v4;
	v0 =	vadd.s32 v15, v0  }
0xa9: {  	[tilespmem:s0+$0xD000] =	vst v3;
	v4 =	vadd.s32 $0x1, v0  }
0xaa: {  	v3 =	vadd.s32 $0x200, v0;
	[tilespmem:s0+$0xAA00] =	vst v4  }
0xab: {  	vm15 =	vlt.s32 v2, $0x1E;
	v5 =	vadd.s32 $0x201, v0;
	v6 =	vadd.s32 $0x40000, v0;
	[tilespmem:s0+$0xAC00] =	vst v3  }
0xac: {  	v16 =	vadd.s32 $0x40201, v0;
	v4 =	vnsel vm15, $0x1E, v2;
	v2 =	vadd.s32 $0x40001, v1;
	[tilespmem:s0+$0xAE00] =	vst v5  }
0xad: {  	v3 =	vadd.s32 $0x40200, v1;
	[tilespmem:s0+$0xB000] =	vst v6;
	v5 =	vadd.s32 $0x40200, v0;
	v4 =	vshll.u32 v4, $0x12  }
0xae: {  	v6 =	vadd.s32 $0x1, v15;
	[tilespmem:s0+$0xB400] =	vst v5;
	v5 =	vadd.s32 $0x200, v15;
	v1 =	vadd.s32 v15, v4  }
0xaf: {  	[tilespmem:s0+$0xA000] =	vst v15;
	v4 =	vadd.s32 $0x40001, v0;
	v12 =	vadd.s32 $0x1, v1;
	v13 =	vadd.s32 $0x200, v1  }
0xb0: {  	s5 =	simm.s32 $0x10;
	[tilespmem:s0+$0xB200] =	vst v4;
	v10 =	vadd.s32 $0x201, v1;
	v9 =	vadd.s32 $0x40000, v1;
	v11 =	vadd.s32 $0x40001, v1  }
0xb1: {  	s21 =	simm.s32 $0x80;
	v8 =	vadd.s32 $0x40200, v1;
	v7 =	vadd.s32 $0x40201, v1;
	v4 =	vadd.s32 $0x201, v15;
	v14 =	vld [tilespmem:s5+$0xA00];
	[tilespmem:s0+$0xB600] =	vst v16  }
.LBB2_4:
0xb2: {  	p0 =	sne.s32 s21, $0x7C0;
	v15 =	vld [tilespmem:s5+$0x200];
	[tilespmem:s0+$0xBA00] =	vst v12  }
0xb3: {  	v12 =	vld [tilespmem:s5+$0x2200];
	[tilespmem:s0+$0xBC00] =	vst v13  }
0xb4: {  	v13 =	vld [tilespmem:s5+$0x1200];
	[tilespmem:s0+$0xBE00] =	vst v10  }
0xb5: {  	v10 =	vld [tilespmem:s5+$0x1A00];
	[tilespmem:s0+$0xC000] =	vst v9  }
0xb6: {  	[tilespmem:s0+$0xC200] =	vst v11  }
0xb7: {  	v11 =	vmul.f32 $5.110000000e+02, v14;
	v9 =	vmul.f32 $5.110000000e+02, v15;
	[tilespmem:s0+$0xC400] =	vst v8  }
0xb8: {  	v8 =	vmul.f32 $3.100000000e+01, v12;
	[tilespmem:s0+$0xC600] =	vst v7  }
0xb9: {  	v7 =	vtrunc.f32 v9;
	v9 =	vtrunc.f32 v11;
	[tilespmem:s0+$0xD200] =	vst v2  }
0xba: {  	v2 =	vcvt.f32.s32 v7;
	v7 =	vtrunc.f32 v8;
	[tilespmem:s0+$0xD400] =	vst v3  }
0xbb: {  	v3 =	vcvt.f32.s32 v9;
	v7 =	vcvt.f32.s32 v7;
	[tilespmem:s0+$0xA200] =	vst v6  }
0xbc: {  	v8 =	vmul.f32 $3.100000000e+01, v10;
	v6 =	vmul.f32 $3.100000000e+01, v13;
	vm0 =	vlt.s32 v2, $0x1FE;
	[tilespmem:s0+$0xA400] =	vst v5  }
0xbd: {  	v2 =	vnsel vm0, $0x1FE, v2;
	vm0 =	vlt.s32 v3, $0x1FE;
	vm1 =	vlt.s32 v7, $0x1E;
	[tilespmem:s0+$0xA600] =	vst v4  }
0xbe: {  	v3 =	vnsel vm0, $0x1FE, v3;
	v2 =	vshll.u32 v2, $0x9;
	v4 =	vnsel vm1, $0x1E, v7;
	[tilespmem:s0+$0xA800] =	vst v0  }
0xbf: {  	v0 =	vtrunc.f32 v6;
	v14 =	vadd.s32 v3, v2;
	v2 =	vshll.u32 v4, $0x12;
	[tilespmem:s0+$0xB800] =	vst v1;
	s0 =	smov.u32 s5  }
0xc0: {  	v0 =	vcvt.f32.s32 v0;
	v1 =	vtrunc.f32 v8;
	[tilespmem:s0+$0xA000] =	vst v14;
	v3 =	vadd.s32 v14, v2  }
0xc1: {  	v1 =	vcvt.f32.s32 v1;
	[tilespmem:s0+$0xC800] =	vst v3;
	v2 =	vadd.s32 $0x1, v3;
	v4 =	vadd.s32 $0x40201, v3  }
0xc2: {  	vm0 =	vlt.s32 v0, $0x1E;
	v5 =	vadd.s32 $0x200, v3;
	v6 =	vadd.s32 $0x201, v3;
	[tilespmem:s0+$0xD600] =	vst v4  }
0xc3: {  	v0 =	vnsel vm0, $0x1E, v0;
	vm0 =	vlt.s32 v1, $0x1E;
	v4 =	vadd.s32 $0x40000, v3;
	[tilespmem:s0+$0xCA00] =	vst v2  }
0xc4: {  	v0 =	vshll.u32 v0, $0x12;
	v1 =	vnsel vm0, $0x1E, v1;
	v2 =	vadd.s32 $0x40001, v3;
	[tilespmem:s0+$0xCC00] =	vst v5  }
0xc5: {  	v3 =	vadd.s32 $0x40200, v3;
	v0 =	vadd.s32 v14, v0;
	v1 =	vshll.u32 v1, $0x12;
	[tilespmem:s0+$0xCE00] =	vst v6  }
0xc6: {  	v5 =	vadd.s32 $0x1, v0;
	v6 =	vadd.s32 $0x200, v0;
	v1 =	vadd.s32 v14, v1;
	[tilespmem:s0+$0xD000] =	vst v4  }
0xc7: {  	v15 =	vadd.s32 $0x40001, v0;
	v4 =	vadd.s32 $0x201, v0;
	[tilespmem:s0+$0xAA00] =	vst v5;
	v5 =	vadd.s32 $0x40000, v0  }
0xc8: {  	v16 =	vadd.s32 $0x40200, v0;
	v17 =	vadd.s32 $0x40201, v0;
	v12 =	vadd.s32 $0x1, v1;
	[tilespmem:s0+$0xAC00] =	vst v6  }
.Ltmp1:
0xc9: {  	v13 =	vadd.s32 $0x200, v1;
	v10 =	vadd.s32 $0x201, v1;
	v9 =	vadd.s32 $0x40000, v1;
	[tilespmem:s0+$0xAE00] =	vst v4;
	(pc) =	sbr.rel @p0 .LBB2_4-.Ltmp1, $4  }
0xca: {  	v11 =	vadd.s32 $0x40001, v1;
	v8 =	vadd.s32 $0x40200, v1;
	v7 =	vadd.s32 $0x40201, v1;
	[tilespmem:s0+$0xB000] =	vst v5  }
0xcb: {  	v6 =	vadd.s32 $0x1, v14;
	v4 =	vadd.s32 $0x201, v14;
	v5 =	vadd.s32 $0x200, v14;
	[tilespmem:s0+$0xB200] =	vst v15  }
0xcc: {  	s5 =	sshra.s32 s21, $0x2;
	[tilespmem:s0+$0xB400] =	vst v16  }
0xcd: {  	s21 =	sadd.s32 $0x40, s21;
	v14 =	vld [tilespmem:s5+$0xA00];
	[tilespmem:s0+$0xB600] =	vst v17  }
0xce: {  	v15 =	vld [tilespmem:s5+$0x200];
	[tilespmem:s0+$0xBA00] =	vst v12  }
0xcf: {  	v12 =	vld [tilespmem:s5+$0x2200];
	[tilespmem:s0+$0xBC00] =	vst v13  }
0xd0: {  	v13 =	vld [tilespmem:s5+$0x1200];
	[tilespmem:s0+$0xBE00] =	vst v10  }
0xd1: {  	v10 =	vld [tilespmem:s5+$0x1A00];
	[tilespmem:s0+$0xC000] =	vst v9  }
0xd2: {  	[tilespmem:s0+$0xC200] =	vst v11  }
0xd3: {  	[tilespmem:s0+$0xC400] =	vst v8;
	v11 =	vmul.f32 $5.110000000e+02, v14;
	v9 =	vmul.f32 $5.110000000e+02, v15  }
0xd4: {  	[tilespmem:s0+$0xC600] =	vst v7;
	v8 =	vmul.f32 $3.100000000e+01, v12  }
0xd5: {  	[tilespmem:s0+$0xD200] =	vst v2;
	v7 =	vtrunc.f32 v9;
	v9 =	vtrunc.f32 v11  }
0xd6: {  	[tilespmem:s0+$0xD400] =	vst v3;
	v2 =	vcvt.f32.s32 v7;
	v7 =	vtrunc.f32 v8  }
0xd7: {  	[tilespmem:s0+$0xA200] =	vst v6;
	v3 =	vcvt.f32.s32 v9;
	v7 =	vcvt.f32.s32 v7  }
0xd8: {  	[tilespmem:s0+$0xA400] =	vst v5;
	v6 =	vmul.f32 $3.100000000e+01, v13;
	vm0 =	vlt.s32 v2, $0x1FE  }
0xd9: {  	[tilespmem:s0+$0xA600] =	vst v4;
	vm5 =	vlt.s32 v3, $0x1FE;
	v2 =	vnsel vm0, $0x1FE, v2;
	vm1 =	vlt.s32 v7, $0x1E  }
0xda: {  	[tilespmem:s0+$0xA800] =	vst v0;
	v3 =	vnsel vm5, $0x1FE, v3;
	v2 =	vshll.u32 v2, $0x9;
	v4 =	vnsel vm1, $0x1E, v7  }
0xdb: {  	[tilespmem:s0+$0xB800] =	vst v1;
	v0 =	vadd.s32 v3, v2;
	v2 =	vtrunc.f32 v6;
	v3 =	vshll.u32 v4, $0x12  }
0xdc: {  	[tilespmem:s5+$0xA000] =	vst v0;
	v1 =	vcvt.f32.s32 v2;
	v2 =	vadd.s32 v0, v3  }
0xdd: {  	[tilespmem:s5+$0xC800] =	vst v2;
	v3 =	vadd.s32 $0x40201, v2  }
0xde: {  	v4 =	vadd.s32 $0x1, v2;
	[tilespmem:s5+$0xD600] =	vst v3  }
0xdf: {  	v5 =	vadd.s32 $0x201, v2;
	vm6 =	vlt.s32 v1, $0x1E;
	[tilespmem:s5+$0xCA00] =	vst v4  }
0xe0: {  	v3 =	vadd.s32 $0x200, v2;
	[tilespmem:s5+$0xCE00] =	vst v5;
	v1 =	vnsel vm6, $0x1E, v1  }
0xe1: {  	v4 =	vmul.f32 $3.100000000e+01, v10;
	[tilespmem:s5+$0xCC00] =	vst v3;
	v3 =	vadd.s32 $0x40000, v2;
	v1 =	vshll.u32 v1, $0x12  }
0xe2: {  	[tilespmem:s5+$0xD000] =	vst v3;
	v1 =	vadd.s32 v0, v1  }
0xe3: {  	v4 =	vtrunc.f32 v4;
	v5 =	vadd.s32 $0x1, v1;
	[tilespmem:s5+$0xA800] =	vst v1  }
0xe4: {  	v3 =	vcvt.f32.s32 v4;
	v4 =	vadd.s32 $0x200, v1;
	[tilespmem:s5+$0xAA00] =	vst v5  }
0xe5: {  	v5 =	vadd.s32 $0x201, v1;
	[tilespmem:s5+$0xAC00] =	vst v4  }
0xe6: {  	v4 =	vadd.s32 $0x40000, v1;
	[tilespmem:s5+$0xAE00] =	vst v5  }
0xe7: {  	vm7 =	vlt.s32 v3, $0x1E;
	v5 =	vadd.s32 $0x40001, v1;
	[tilespmem:s5+$0xB000] =	vst v4  }
0xe8: {  	v3 =	vnsel vm7, $0x1E, v3;
	v4 =	vadd.s32 $0x40200, v1;
	[tilespmem:s5+$0xB200] =	vst v5  }
0xe9: {  	v3 =	vshll.u32 v3, $0x12;
	v5 =	vadd.s32 $0x40201, v1;
	[tilespmem:s5+$0xB400] =	vst v4  }
0xea: {  	v3 =	vadd.s32 v0, v3;
	[tilespmem:s5+$0xB600] =	vst v5  }
0xeb: {  	v4 =	vadd.s32 $0x1, v3;
	[tilespmem:s5+$0xB800] =	vst v3  }
0xec: {  	v5 =	vadd.s32 $0x200, v3;
	[tilespmem:s5+$0xBA00] =	vst v4  }
0xed: {  	v4 =	vadd.s32 $0x201, v3;
	[tilespmem:s5+$0xBC00] =	vst v5  }
0xee: {  	v5 =	vadd.s32 $0x40000, v3;
	[tilespmem:s5+$0xBE00] =	vst v4  }
0xef: {  	v4 =	vadd.s32 $0x40001, v3;
	[tilespmem:s5+$0xC000] =	vst v5  }
0xf0: {  	v5 =	vadd.s32 $0x40200, v3;
	[tilespmem:s5+$0xC200] =	vst v4  }
0xf1: {  	v4 =	vadd.s32 $0x40201, v3;
	[tilespmem:s5+$0xC400] =	vst v5  }
0xf2: {  	v5 =	vadd.s32 $0x40001, v2;
	[tilespmem:s5+$0xC600] =	vst v4  }
0xf3: {  	v2 =	vadd.s32 $0x40200, v2;
	[tilespmem:s5+$0xD200] =	vst v5  }
0xf4: {  	v4 =	vadd.s32 $0x1, v0;
	[tilespmem:s5+$0xD400] =	vst v2  }
0xf5: {  	v2 =	vadd.s32 $0x200, v0;
	[tilespmem:s5+$0xA200] =	vst v4  }
0xf6: {  	v0 =	vadd.s32 $0x201, v0;
	[tilespmem:s5+$0xA400] =	vst v2  }
0xf7: {  	[tilespmem:s5+$0xA600] =	vst v0  }
0xf8: {  	[tilespmem:s24], [sflag:$0x2] =	stream.indirect.gather [hbm4b:s1+s19], $0x1, s23, s19, $0xb8;
	[tilespmem:$0x13000] =	vst v63  }
0xf9: {  	s23 =	simm.s32 $0xE000  }
0xfa: {  	[tilespmem:s23], [sflag:$0x2] =	stream.indirect.gather [hbm4b:s2+s20], $0x1, s25, s20, $0xb8;
	[tilespmem:$0x13000] =	vst v63  }
0xfb: {  	s24 =	simm.s32 $0xB800;
	s25 =	simm.s32 $0xF000  }
0xfc: {  	[tilespmem:s25], [sflag:$0x2] =	stream.indirect.gather [hbm4b:s3+s20], $0x1, s24, s20, $0xb8;
	[tilespmem:$0x13000] =	vst v63  }
0xfd: {  	_ = 	snop  }
0xfe: {  	[tilespmem:s28], [sflag:$0x2] =	stream.indirect.gather [hbm4b:s4+s20], $0x1, s26, s20, $0xb8;
	[tilespmem:$0x13000] =	vst v63  }
0xff: {  	_ =	swait.ge [sflag:s29], $0x800  }
0x100: {  	[sflag:s29] =	ssyncset.done $0x0  }
0x101: {  	[sflag:s29] =	ssyncadd.s32 $0xFFFFF800  }
0x102: {  	_ =	swait.ge [sflag:s29], $0x1000  }
0x103: {  	[sflag:s29] =	ssyncset.done $0x0  }
0x104: {  	[sflag:s29] =	ssyncadd.s32 $0xFFFFF000  }
0x105: {  	_ =	swait.ge [sflag:s29], $0x1000  }
0x106: {  	[sflag:s29] =	ssyncset.done $0x0  }
0x107: {  	[sflag:s29] =	ssyncadd.s32 $0xFFFFF000  }
0x108: {  	_ =	swait.ge [sflag:s29], $0x1000  }
0x109: {  	[sflag:s29] =	ssyncset.done $0x0  }
0x10a: {  	s0 =	simm.s32 $0x0;
	[sflag:s29] =	ssyncadd.s32 $0xFFFFF000  }
0x10b: {  	v0 =	vld [tilespmem:s0+$0x800]  }
0x10c: {  	v1 =	vld [tilespmem:s0+$0x2000]  }
0x10d: {  	v2 =	vld [tilespmem:s0+$0x9000]  }
0x10e: {  	v3 =	vld [tilespmem:s0+$0x9200]  }
0x10f: {  	v4 =	vld [tilespmem:s0+$0x9400]  }
0x110: {  	v5 =	vld [tilespmem:s0+$0x9600];
	v0 =	vmul.f32 $5.110000000e+02, v0  }
0x111: {  	v6 =	vld [tilespmem:s0+$0x0]  }
0x112: {  	v8 =	vld [tilespmem:s0+$0x9800];
	v7 =	vtrunc.f32 v0  }
0x113: {  	v9 =	vld [tilespmem:s0+$0x9A00];
	v7 =	vcvt.f32.s32 v7  }
0x114: {  	v10 =	vld [tilespmem:s0+$0x9C00]  }
0x115: {  	v11 =	vld [tilespmem:s0+$0x9E00];
	vm8 =	vlt.s32 v7, $0x1FE  }
0x116: {  	v12 =	vld [tilespmem:s0+$0x7000];
	v6 =	vmul.f32 $5.110000000e+02, v6;
	v7 =	vnsel vm8, $0x1FE, v7  }
0x117: {  	v13 =	vld [tilespmem:s0+$0x7200];
	v7 =	vcvt.s32.f32 v7  }
0x118: {  	v15 =	vld [tilespmem:s0+$0x7400];
	v3 =	vsub.f32 v3, v2;
	v14 =	vtrunc.f32 v6  }
0x119: {  	v16 =	vld [tilespmem:s0+$0x7800];
	v5 =	vsub.f32 v5, v4;
	v14 =	vcvt.f32.s32 v14;
	v7 =	vsub.f32 v0, v7  }
0x11a: {  	v17 =	vld [tilespmem:s0+$0x7A00];
	v1 =	vmul.f32 $3.100000000e+01, v1;
	v9 =	vsub.f32 v9, v8;
	v11 =	vsub.f32 v11, v10  }
0x11b: {  	v18 =	vld [tilespmem:s0+$0x7C00];
	vm9 =	vlt.s32 v14, $0x1FE;
	v3 =	vmul.f32 v3, v7;
	v5 =	vmul.f32 v5, v7  }
0x11c: {  	v14 =	vnsel vm9, $0x1FE, v14;
	v0 =	vld [tilespmem:s0+$0x7600];
	v9 =	vmul.f32 v9, v7;
	v11 =	vmul.f32 v11, v7  }
0x11d: {  	v14 =	vcvt.s32.f32 v14;
	v2 =	vadd.f32 v3, v2;
	v3 =	vadd.f32 v5, v4;
	v4 =	vld [tilespmem:s0+$0x8000]  }
0x11e: {  	v5 =	vadd.f32 v9, v8;
	v8 =	vadd.f32 v11, v10;
	v9 =	vld [tilespmem:s0+$0x8200]  }
0x11f: {  	v19 =	vld [tilespmem:s0+$0x7E00];
	v6 =	vsub.f32 v6, v14;
	v10 =	vtrunc.f32 v1  }
0x120: {  	v20 =	vld [tilespmem:s0+$0x8800];
	v10 =	vcvt.f32.s32 v10;
	v3 =	vsub.f32 v3, v2;
	v8 =	vsub.f32 v8, v5  }
0x121: {  	v13 =	vsub.f32 v13, v12;
	v17 =	vsub.f32 v17, v16;
	v14 =	vld [tilespmem:s0+$0x8600]  }
0x122: {  	v11 =	vld [tilespmem:s0+$0x8400];
	vm10 =	vlt.s32 v10, $0x1E;
	v3 =	vmul.f32 v3, v6;
	v8 =	vmul.f32 v8, v6  }
0x123: {  	v21 =	vld [tilespmem:s0+$0x8A00];
	v0 =	vsub.f32 v0, v15;
	v10 =	vnsel vm10, $0x1E, v10;
	v9 =	vsub.f32 v9, v4  }
0x124: {  	v22 =	vld [tilespmem:s0+$0x8C00];
	v10 =	vcvt.s32.f32 v10;
	v2 =	vadd.f32 v3, v2;
	v3 =	vadd.f32 v8, v5  }
0x125: {  	v5 =	vmul.f32 v13, v7;
	v8 =	vmul.f32 v0, v7;
	v0 =	vsub.f32 v19, v18;
	v13 =	vld [tilespmem:s0+$0x8E00]  }
0x126: {  	v17 =	vmul.f32 v17, v7;
	v19 =	vld [tilespmem:s0+$0x1000];
	v1 =	vsub.f32 v1, v10;
	v3 =	vsub.f32 v3, v2  }
0x127: {  	v9 =	vmul.f32 v9, v7;
	v5 =	vadd.f32 v5, v12;
	v12 =	vsub.f32 v14, v11  }
0x128: {  	v10 =	vmul.f32 v0, v7;
	v0 =	vld [tilespmem:s0+$0x2800];
	v8 =	vadd.f32 v8, v15;
	v14 =	vsub.f32 v21, v20  }
0x129: {  	v15 =	vadd.f32 v17, v16;
	v17 =	vld [tilespmem:s0+$0x6C00];
	v4 =	vadd.f32 v9, v4;
	v1 =	vmul.f32 v3, v1  }
0x12a: {  	v9 =	vld [tilespmem:s0+$0x6E00];
	v10 =	vadd.f32 v10, v18;
	v14 =	vmul.f32 v14, v7;
	v8 =	vsub.f32 v8, v5  }
0x12b: {  	v3 =	vld [tilespmem:s0+$0x1800];
	v13 =	vsub.f32 v13, v22;
	v18 =	vmul.f32 $3.100000000e+01, v19;
	v1 =	vadd.f32 v1, v2  }
0x12c: {  	v16 =	vld [tilespmem:s0+$0x6800];
	v2 =	vmul.f32 v12, v7;
	v8 =	vmul.f32 v8, v6  }
0x12d: {  	v12 =	vld [tilespmem:s0+$0x6A00];
	v10 =	vsub.f32 v10, v15;
	v13 =	vmul.f32 v13, v7;
	v1 =	vmul.f32 v1, v0  }
0x12e: {  	v2 =	vadd.f32 v2, v11;
	v11 =	vadd.f32 v14, v20;
	v14 =	vtrunc.f32 v18  }
0x12f: {  	s5 =	simm.s32 $0x10;
	v9 =	vsub.f32 v9, v17;
	v10 =	vmul.f32 v10, v6;
	v5 =	vadd.f32 v8, v5;
	[tilespmem:s0+$0x12800] =	vst v1  }
0x130: {  	v3 =	vmul.f32 $3.100000000e+01, v3;
	v13 =	vadd.f32 v13, v22;
	v1 =	vcvt.f32.s32 v14;
	v14 =	vld [tilespmem:s5+$0x800]  }
0x131: {  	v2 =	vsub.f32 v2, v4;
	v8 =	vadd.f32 v10, v15;
	v20 =	vld [tilespmem:s5+$0x2000]  }
0x132: {  	v12 =	vsub.f32 v12, v16;
	v19 =	vtrunc.f32 v3;
	v13 =	vsub.f32 v13, v11;
	v21 =	vld [tilespmem:s5+$0x9000]  }
0x133: {  	v22 =	vld [tilespmem:s5+$0x9200];
	v19 =	vcvt.f32.s32 v19;
	v2 =	vmul.f32 v2, v6;
	vm11 =	vlt.s32 v1, $0x1E  }
0x134: {  	v23 =	vld [tilespmem:s5+$0x9400];
	v8 =	vsub.f32 v8, v5;
	v12 =	vmul.f32 v7, v12;
	v13 =	vmul.f32 v13, v6  }
0x135: {  	v7 =	vmul.f32 v9, v7;
	v1 =	vnsel vm11, $0x1E, v1;
	v9 =	vld [tilespmem:s5+$0x9600];
	v10 =	vmul.f32 $5.110000000e+02, v14  }
0x136: {  	vm12 =	vlt.s32 v19, $0x1E;
	v2 =	vadd.f32 v2, v4;
	v1 =	vcvt.s32.f32 v1;
	v14 =	vld [tilespmem:s5+$0x0]  }
0x137: {  	v12 =	vadd.f32 v12, v16;
	v7 =	vadd.f32 v7, v17;
	v16 =	vld [tilespmem:s5+$0x9800];
	v4 =	vtrunc.f32 v10  }
0x138: {  	v15 =	vnsel vm12, $0x1E, v19;
	v17 =	vld [tilespmem:s5+$0x9A00];
	v11 =	vadd.f32 v13, v11;
	v4 =	vcvt.f32.s32 v4  }
0x139: {  	v13 =	vld [tilespmem:s5+$0x9C00];
	v15 =	vcvt.s32.f32 v15;
	v1 =	vsub.f32 v18, v1;
	v7 =	vsub.f32 v7, v12  }
0x13a: {  	v18 =	vld [tilespmem:s5+$0x9E00];
	v19 =	vsub.f32 v22, v21;
	v11 =	vsub.f32 v11, v2;
	vm13 =	vlt.s32 v4, $0x1FE  }
0x13b: {  	v24 =	vld [tilespmem:s5+$0x7C00];
	v6 =	vmul.f32 v7, v6;
	v14 =	vmul.f32 $5.110000000e+02, v14;
	v4 =	vnsel vm13, $0x1FE, v4  }
0x13c: {  	v25 =	vld [tilespmem:s5+$0x7E00];
	v1 =	vmul.f32 v8, v1;
	v3 =	vsub.f32 v3, v15;
	v15 =	vcvt.s32.f32 v4  }
0x13d: {  	v22 =	vld [tilespmem:s5+$0x7600];
	v9 =	vsub.f32 v9, v23;
	v4 =	vadd.f32 v6, v12;
	v6 =	vtrunc.f32 v14  }
0x13e: {  	v8 =	vld [tilespmem:s5+$0x7200];
	v1 =	vadd.f32 v1, v5;
	v5 =	vcvt.f32.s32 v6;
	v6 =	vsub.f32 v10, v15  }
0x13f: {  	v7 =	vld [tilespmem:s5+$0x7000];
	v17 =	vsub.f32 v17, v16;
	v18 =	vsub.f32 v18, v13  }
0x140: {  	v12 =	vld [tilespmem:s5+$0x7400];
	v15 =	vmul.f32 $3.100000000e+01, v20;
	vm14 =	vlt.s32 v5, $0x1FE;
	v19 =	vmul.f32 v19, v6  }
0x141: {  	v10 =	vld [tilespmem:s5+$0x7800];
	v9 =	vmul.f32 v9, v6;
	v5 =	vnsel vm14, $0x1FE, v5;
	v17 =	vmul.f32 v17, v6  }
0x142: {  	v20 =	vld [tilespmem:s5+$0x7A00];
	v18 =	vmul.f32 v18, v6;
	v5 =	vcvt.s32.f32 v5;
	v19 =	vadd.f32 v19, v21  }
0x143: {  	v1 =	vmul.f32 v1, v0;
	v9 =	vadd.f32 v9, v23;
	v21 =	vld [tilespmem:s5+$0x8000];
	v16 =	vadd.f32 v17, v16  }
0x144: {  	v13 =	vadd.f32 v18, v13;
	v17 =	vld [tilespmem:s5+$0x8200];
	v5 =	vsub.f32 v14, v5;
	v14 =	vtrunc.f32 v15  }
0x145: {  	v18 =	vld [tilespmem:s5+$0x8400];
	[tilespmem:s0+$0x11800] =	vst v1;
	v14 =	vcvt.f32.s32 v14  }
0x146: {  	v3 =	vmul.f32 v11, v3;
	v11 =	vld [tilespmem:s5+$0x8600];
	v9 =	vsub.f32 v9, v19;
	v13 =	vsub.f32 v13, v16  }
0x147: {  	v8 =	vsub.f32 v8, v7;
	v1 =	vsub.f32 v22, v12;
	v22 =	vld [tilespmem:s5+$0x8800];
	vm15 =	vlt.s32 v14, $0x1E  }
0x148: {  	v61 =	vld [tilespmem:s5+$0x8A00];
	v9 =	vmul.f32 v9, v5;
	v13 =	vmul.f32 v13, v5;
	v14 =	vnsel vm15, $0x1E, v14  }
0x149: {  	v23 =	vsub.f32 v25, v24;
	v20 =	vsub.f32 v20, v10;
	v14 =	vcvt.s32.f32 v14  }
0x14a: {  	v8 =	vmul.f32 v8, v6;
	v26 =	vld [tilespmem:s5+$0x8C00];
	v19 =	vadd.f32 v9, v19;
	v9 =	vadd.f32 v13, v16  }
0x14b: {  	v17 =	vsub.f32 v17, v21;
	v16 =	vmul.f32 v20, v6;
	v20 =	vld [tilespmem:s5+$0x8E00];
	v14 =	vsub.f32 v15, v14  }
0x14c: {  	v27 =	vld [tilespmem:s5+$0x1000];
	v13 =	vmul.f32 v1, v6;
	v15 =	vsub.f32 v9, v19;
	v9 =	vadd.f32 v8, v7  }
0x14d: {  	v29 =	vld [tilespmem:s5+$0x1800];
	v23 =	vmul.f32 v23, v6;
	v8 =	vsub.f32 v11, v18;
	v11 =	vsub.f32 v61, v22  }
0x14e: {  	v1 =	vld [tilespmem:s5+$0x2800];
	v17 =	vmul.f32 v17, v6;
	v28 =	vadd.f32 v13, v12;
	v13 =	vmul.f32 v15, v14  }
0x14f: {  	v7 =	vld [tilespmem:s5+$0x6800];
	v12 =	vadd.f32 v16, v10;
	v16 =	vadd.f32 v23, v24;
	v11 =	vmul.f32 v11, v6  }
0x150: {  	v23 =	vld [tilespmem:s5+$0x6A00];
	v10 =	vmul.f32 v8, v6;
	v15 =	vsub.f32 v20, v26;
	v19 =	vadd.f32 v13, v19  }
0x151: {  	v8 =	vmul.f32 $3.100000000e+01, v27;
	v13 =	vadd.f32 v17, v21;
	v14 =	vadd.f32 v11, v22;
	v11 =	vld [tilespmem:s5+$0x6C00]  }
0x152: {  	v18 =	vadd.f32 v10, v18;
	v10 =	vmul.f32 $3.100000000e+01, v29;
	v17 =	vld [tilespmem:s5+$0x6E00];
	v21 =	vmul.f32 v15, v6  }
0x153: {  	v62 =	vsub.f32 v28, v9;
	v15 =	vtrunc.f32 v8;
	v19 =	vmul.f32 v19, v1  }
0x154: {  	v20 =	vsub.f32 v16, v12;
	v15 =	vcvt.f32.s32 v15;
	v63 =	vadd.f32 v21, v26  }
0x155: {  	s21 =	simm.s32 $0x80;
	s23 =	simm.s32 $0x20;
	v16 =	vtrunc.f32 v10;
	v22 =	vsub.f32 v18, v13;
	v21 =	vsub.f32 v23, v7;
	[tilespmem:s5+$0x12800] =	vst v19  }
0x156: {  	s22 =	simm.s32 $0x10;
	s25 =	simm.s32 $0xC0;
	s24 =	simm.s32 $0x0;
	v16 =	vcvt.f32.s32 v16;
	v19 =	vmul.f32 v62, v5;
	v18 =	vld [tilespmem:s23+$0x800];
	v23 =	vsub.f32 v63, v14  }
.LBB2_6:
0x157: {  	p0 =	sne.s32 s25, $0x7C0;
	v24 =	vld [tilespmem:s23+$0x2000];
	v17 =	vsub.f32 v17, v11;
	v20 =	vmul.f32 v20, v5;
	v22 =	vmul.f32 v22, v5  }
0x158: {  	v21 =	vmul.f32 v6, v21;
	vm0 =	vlt.s32 v15, $0x1E;
	v25 =	vld [tilespmem:s23+$0x9000];
	v23 =	vmul.f32 v23, v5  }
0x159: {  	v15 =	vnsel vm0, $0x1E, v15;
	vm0 =	vlt.s32 v16, $0x1E;
	v26 =	vld [tilespmem:s23+$0x9200];
	v6 =	vmul.f32 v17, v6  }
0x15a: {  	v9 =	vadd.f32 v19, v9;
	v12 =	vadd.f32 v20, v12;
	v16 =	vnsel vm0, $0x1E, v16;
	v17 =	vld [tilespmem:s23+$0x9400]  }
0x15b: {  	v13 =	vadd.f32 v22, v13;
	v14 =	vadd.f32 v23, v14;
	v18 =	vmul.f32 $5.110000000e+02, v18;
	v19 =	vld [tilespmem:s23+$0x9600]  }
0x15c: {  	v7 =	vadd.f32 v21, v7;
	v6 =	vadd.f32 v6, v11;
	v11 =	vcvt.s32.f32 v15;
	v20 =	vld [tilespmem:s23+$0x0]  }
0x15d: {  	v16 =	vcvt.s32.f32 v16;
	v12 =	vsub.f32 v12, v9;
	v15 =	vtrunc.f32 v18;
	v21 =	vld [tilespmem:s23+$0x9800]  }
0x15e: {  	v14 =	vsub.f32 v14, v13;
	v6 =	vsub.f32 v6, v7;
	v15 =	vcvt.f32.s32 v15;
	v22 =	vld [tilespmem:s23+$0x9A00]  }
0x15f: {  	v4 =	vmul.f32 v4, v0;
	v10 =	vsub.f32 v10, v16;
	v8 =	vsub.f32 v8, v11;
	v23 =	vld [tilespmem:s23+$0x9C00]  }
0x160: {  	v16 =	vadd.f32 v3, v2;
	v2 =	vmovc v13;
	v5 =	vmul.f32 v6, v5;
	vm0 =	vlt.s32 v15, $0x1FE;
	v11 =	vld [tilespmem:s23+$0x9E00]  }
0x161: {  	v6 =	vmul.f32 v12, v8;
	v13 =	vmul.f32 $5.110000000e+02, v20;
	v3 =	vnsel vm0, $0x1FE, v15;
	v15 =	vld [tilespmem:s23+$0x7000];
	[tilespmem:s24+$0x11000] =	vst v4  }
0x162: {  	v4 =	vadd.f32 v5, v7;
	v8 =	vcvt.s32.f32 v3;
	v12 =	vld [tilespmem:s23+$0x7200];
	v3 =	vmul.f32 v14, v10  }
0x163: {  	v9 =	vadd.f32 v6, v9;
	v10 =	vsub.f32 v26, v25;
	v5 =	vtrunc.f32 v13;
	v7 =	vld [tilespmem:s23+$0x7400]  }
0x164: {  	v14 =	vsub.f32 v19, v17;
	v5 =	vcvt.f32.s32 v5;
	v6 =	vsub.f32 v18, v8;
	v8 =	vld [tilespmem:s23+$0x7600]  }
0x165: {  	v19 =	vmul.f32 $3.100000000e+01, v24;
	v20 =	vsub.f32 v22, v21;
	v18 =	vld [tilespmem:s23+$0x7800];
	v11 =	vsub.f32 v11, v23  }
0x166: {  	vm0 =	vlt.s32 v5, $0x1FE;
	v22 =	vld [tilespmem:s23+$0x7A00];
	v10 =	vmul.f32 v10, v6;
	v14 =	vmul.f32 v14, v6  }
0x167: {  	v20 =	vmul.f32 v20, v6;
	v5 =	vnsel vm0, $0x1FE, v5;
	v24 =	vld [tilespmem:s23+$0x7C00];
	v11 =	vmul.f32 v11, v6  }
0x168: {  	v5 =	vcvt.s32.f32 v5;
	v26 =	vld [tilespmem:s23+$0x7E00];
	v10 =	vadd.f32 v10, v25;
	v14 =	vadd.f32 v14, v17  }
0x169: {  	v9 =	vmul.f32 v9, v1;
	v20 =	vadd.f32 v20, v21;
	v17 =	vld [tilespmem:s23+$0x8000];
	v11 =	vadd.f32 v11, v23  }
0x16a: {  	v12 =	vsub.f32 v12, v15;
	v21 =	vtrunc.f32 v19;
	v5 =	vsub.f32 v13, v5;
	v13 =	vld [tilespmem:s23+$0x8200]  }
0x16b: {  	v21 =	vcvt.f32.s32 v21;
	v14 =	vsub.f32 v14, v10;
	v23 =	vld [tilespmem:s23+$0x8400];
	v11 =	vsub.f32 v11, v20;
	[tilespmem:s22+$0x11800] =	vst v9  }
0x16c: {  	v8 =	vsub.f32 v8, v7;
	v9 =	vmul.f32 v12, v6;
	v12 =	vsub.f32 v22, v18;
	v22 =	vld [tilespmem:s23+$0x8600]  }
0x16d: {  	vm0 =	vlt.s32 v21, $0x1E;
	v14 =	vmul.f32 v14, v5;
	v25 =	vld [tilespmem:s23+$0x8800];
	v11 =	vmul.f32 v11, v5  }
0x16e: {  	v8 =	vmul.f32 v8, v6;
	v21 =	vnsel vm0, $0x1E, v21;
	v26 =	vsub.f32 v26, v24;
	v27 =	vld [tilespmem:s23+$0x8A00]  }
0x16f: {  	v21 =	vcvt.s32.f32 v21;
	v10 =	vadd.f32 v14, v10;
	v28 =	vld [tilespmem:s23+$0x8C00];
	v11 =	vadd.f32 v11, v20  }
0x170: {  	v12 =	vmul.f32 v12, v6;
	v14 =	vmul.f32 v26, v6;
	v13 =	vsub.f32 v13, v17;
	v20 =	vld [tilespmem:s23+$0x8E00]  }
0x171: {  	v16 =	vmul.f32 v16, v0;
	v0 =	vmovc v1;
	v19 =	vsub.f32 v19, v21;
	v26 =	vld [tilespmem:s23+$0x1000];
	v11 =	vsub.f32 v11, v10  }
0x172: {  	v9 =	vadd.f32 v9, v15;
	v13 =	vmul.f32 v13, v6;
	v15 =	vsub.f32 v22, v23;
	v1 =	vld [tilespmem:s23+$0x2800]  }
0x173: {  	v21 =	vadd.f32 v8, v7;
	v22 =	vld [tilespmem:s23+$0x1800];
	v8 =	vsub.f32 v27, v25;
	v11 =	vmul.f32 v11, v19;
	[tilespmem:s24+$0x12000] =	vst v16;
	s24 =	smov.u32 s22;
	s22 =	smov.u32 s23  }
0x174: {  	v12 =	vadd.f32 v12, v18;
	v16 =	vadd.f32 v14, v24;
	v14 =	vmul.f32 v15, v6;
	v7 =	vld [tilespmem:s22+$0x6800]  }
0x175: {  	v18 =	vld [tilespmem:s22+$0x6A00];
	v15 =	vmul.f32 v8, v6;
	v19 =	vsub.f32 v20, v28;
	v10 =	vadd.f32 v11, v10  }
0x176: {  	v13 =	vadd.f32 v13, v17;
	v23 =	vadd.f32 v14, v23;
	v11 =	vld [tilespmem:s22+$0x6C00];
	v8 =	vmul.f32 $3.100000000e+01, v26  }
.Ltmp2:
0x177: {  	v17 =	vld [tilespmem:s22+$0x6E00];
	v14 =	vadd.f32 v15, v25;
	v19 =	vmul.f32 v19, v6;
	v24 =	vmul.f32 v10, v1;
	(pc) =	sbr.rel @p0 .LBB2_6-.Ltmp2, $4  }
0x178: {  	v25 =	vsub.f32 v21, v9;
	v15 =	vtrunc.f32 v8;
	v10 =	vmul.f32 $3.100000000e+01, v22  }
0x179: {  	v20 =	vsub.f32 v16, v12;
	v15 =	vcvt.f32.s32 v15;
	v26 =	vadd.f32 v19, v28;
	[tilespmem:s22+$0x12800] =	vst v24  }
0x17a: {  	s23 =	sshra.s32 s25, $0x2;
	v22 =	vsub.f32 v23, v13;
	v21 =	vsub.f32 v18, v7;
	v16 =	vtrunc.f32 v10  }
0x17b: {  	s25 =	sadd.s32 $0x40, s25;
	v19 =	vmul.f32 v25, v5;
	v18 =	vld [tilespmem:s23+$0x800];
	v16 =	vcvt.f32.s32 v16;
	v23 =	vsub.f32 v26, v14  }
0x17c: {  	v24 =	vld [tilespmem:s23+$0x2000]  }
0x17d: {  	v25 =	vld [tilespmem:s23+$0x9000]  }
0x17e: {  	v26 =	vld [tilespmem:s23+$0x9200]  }
0x17f: {  	v27 =	vld [tilespmem:s23+$0x9400]  }
0x180: {  	v28 =	vld [tilespmem:s23+$0x9600]  }
0x181: {  	v29 =	vld [tilespmem:s23+$0x0]  }
0x182: {  	v30 =	vld [tilespmem:s23+$0x9800]  }
0x183: {  	v17 =	vsub.f32 v17, v11;
	v20 =	vmul.f32 v20, v5;
	v22 =	vmul.f32 v22, v5;
	v34 =	vld [tilespmem:s23+$0x9A00]  }
0x184: {  	v21 =	vmul.f32 v6, v21;
	vm0 =	vlt.s32 v15, $0x1E;
	v35 =	vld [tilespmem:s23+$0x9C00];
	v4 =	vmul.f32 v4, v0  }
0x185: {  	v36 =	vld [tilespmem:s23+$0x9E00];
	v15 =	vnsel vm0, $0x1E, v15;
	v9 =	vadd.f32 v19, v9;
	v17 =	vmul.f32 v17, v6  }
0x186: {  	v37 =	vld [tilespmem:s23+$0x7000];
	v12 =	vadd.f32 v20, v12;
	v6 =	vadd.f32 v22, v13;
	v13 =	vcvt.s32.f32 v15;
	[tilespmem:s24+$0x11000] =	vst v4  }
0x187: {  	v38 =	vld [tilespmem:s23+$0x7200];
	v18 =	vmul.f32 $5.110000000e+02, v18  }
0x188: {  	v40 =	vld [tilespmem:s23+$0x7600];
	v12 =	vsub.f32 v12, v9;
	v8 =	vsub.f32 v8, v13  }
0x189: {  	vm6 =	vlt.s32 v16, $0x1E;
	v42 =	vld [tilespmem:s23+$0x7A00];
	v15 =	vtrunc.f32 v18  }
0x18a: {  	v16 =	vnsel vm6, $0x1E, v16;
	v43 =	vld [tilespmem:s23+$0x7C00];
	v8 =	vmul.f32 v12, v8;
	v15 =	vcvt.f32.s32 v15  }
0x18b: {  	v7 =	vadd.f32 v21, v7;
	v4 =	vcvt.s32.f32 v16;
	v44 =	vld [tilespmem:s23+$0x7E00];
	v13 =	vmul.f32 $5.110000000e+02, v29  }
0x18c: {  	v45 =	vld [tilespmem:s23+$0x8000];
	v11 =	vadd.f32 v17, v11;
	v8 =	vadd.f32 v8, v9;
	vm7 =	vlt.s32 v15, $0x1FE  }
0x18d: {  	v46 =	vld [tilespmem:s23+$0x8200];
	v4 =	vsub.f32 v10, v4;
	v10 =	vtrunc.f32 v13;
	v15 =	vnsel vm7, $0x1FE, v15  }
0x18e: {  	v48 =	vld [tilespmem:s23+$0x8400];
	v11 =	vsub.f32 v11, v7;
	v8 =	vmul.f32 v8, v1;
	v12 =	vcvt.s32.f32 v15  }
0x18f: {  	v2 =	vadd.f32 v3, v2;
	v23 =	vmul.f32 v23, v5;
	v9 =	vcvt.f32.s32 v10;
	v15 =	vld [tilespmem:s23+$0x7400]  }
0x190: {  	v5 =	vmul.f32 v11, v5;
	v10 =	vsub.f32 v18, v12;
	v12 =	vld [tilespmem:s23+$0x7800];
	[tilespmem:s22+$0x11800] =	vst v8  }
0x191: {  	v0 =	vmul.f32 v2, v0;
	v14 =	vadd.f32 v23, v14;
	vm8 =	vlt.s32 v9, $0x1FE;
	v8 =	vld [tilespmem:s23+$0x8600]  }
0x192: {  	v24 =	vmul.f32 $3.100000000e+01, v24;
	v5 =	vadd.f32 v5, v7;
	v9 =	vnsel vm8, $0x1FE, v9;
	v7 =	vld [tilespmem:s23+$0x8800]  }
0x193: {  	v39 =	vsub.f32 v26, v25;
	v41 =	vsub.f32 v34, v30;
	v9 =	vcvt.s32.f32 v9;
	v49 =	vld [tilespmem:s23+$0x8A00]  }
0x194: {  	v22 =	vsub.f32 v36, v35;
	v47 =	vtrunc.f32 v24;
	v11 =	vsub.f32 v28, v27;
	v51 =	vld [tilespmem:s23+$0x8C00]  }
0x195: {  	v14 =	vsub.f32 v14, v6;
	v9 =	vsub.f32 v13, v9;
	v13 =	vcvt.f32.s32 v47;
	v52 =	vld [tilespmem:s23+$0x8E00]  }
0x196: {  	v16 =	vsub.f32 v38, v37;
	v53 =	vld [tilespmem:s23+$0x1000];
	v21 =	vmul.f32 v39, v10;
	v11 =	vmul.f32 v11, v10  }
0x197: {  	v54 =	vsub.f32 v44, v43;
	v2 =	vld [tilespmem:s23+$0x2800];
	v18 =	vmul.f32 v41, v10;
	v22 =	vmul.f32 v22, v10  }
0x198: {  	v55 =	vld [tilespmem:s23+$0x1800];
	[tilespmem:s24+$0x12000] =	vst v0;
	v16 =	vmul.f32 v16, v10;
	v50 =	vsub.f32 v40, v15;
	v21 =	vadd.f32 v21, v25  }
0x199: {  	v58 =	vld [tilespmem:s23+$0x6C00];
	vm9 =	vlt.s32 v13, $0x1E;
	v11 =	vadd.f32 v11, v27;
	v18 =	vadd.f32 v18, v30  }
0x19a: {  	v60 =	vld [tilespmem:s23+$0x6E00];
	v20 =	vadd.f32 v22, v35;
	v13 =	vnsel vm9, $0x1E, v13;
	v27 =	vsub.f32 v46, v45  }
0x19b: {  	v16 =	vadd.f32 v16, v37;
	v13 =	vcvt.s32.f32 v13;
	v19 =	vsub.f32 v42, v12  }
0x19c: {  	v22 =	vmul.f32 v50, v10;
	v11 =	vsub.f32 v11, v21;
	v3 =	vsub.f32 v20, v18  }
0x19d: {  	v27 =	vmul.f32 v27, v10;
	v8 =	vsub.f32 v8, v48;
	v23 =	vmul.f32 $3.100000000e+01, v53  }
0x19e: {  	v13 =	vsub.f32 v24, v13;
	v19 =	vmul.f32 v19, v10;
	v0 =	vadd.f32 v22, v15  }
0x19f: {  	v24 =	vmul.f32 v54, v10;
	v15 =	vsub.f32 v49, v7;
	v25 =	vsub.f32 v60, v58  }
0x1a0: {  	v11 =	vmul.f32 v11, v9;
	v3 =	vmul.f32 v3, v9;
	v59 =	vadd.f32 v27, v45  }
0x1a1: {  	v17 =	vmul.f32 $3.100000000e+01, v55;
	v12 =	vadd.f32 v19, v12;
	v57 =	vadd.f32 v24, v43  }
0x1a2: {  	v8 =	vmul.f32 v8, v10;
	v11 =	vadd.f32 v11, v21;
	v3 =	vadd.f32 v3, v18  }
0x1a3: {  	v15 =	vmul.f32 v15, v10;
	v0 =	vsub.f32 v0, v16;
	v18 =	vsub.f32 v52, v51  }
0x1a4: {  	v61 =	vtrunc.f32 v17;
	v8 =	vadd.f32 v8, v48;
	v3 =	vsub.f32 v3, v11  }
0x1a5: {  	v56 =	vld [tilespmem:s23+$0x6A00];
	v21 =	vcvt.f32.s32 v61;
	v7 =	vadd.f32 v15, v7;
	v15 =	vtrunc.f32 v23  }
0x1a6: {  	v20 =	vsub.f32 v57, v12;
	v18 =	vmul.f32 v18, v10;
	v3 =	vmul.f32 v3, v13;
	v13 =	vld [tilespmem:s23+$0x6800]  }
0x1a7: {  	v0 =	vmul.f32 v0, v9;
	v15 =	vcvt.f32.s32 v15;
	v8 =	vsub.f32 v8, v59  }
0x1a8: {  	vm11 =	vlt.s32 v21, $0x1E;
	v20 =	vmul.f32 v20, v9;
	v18 =	vadd.f32 v18, v51  }
0x1a9: {  	v0 =	vadd.f32 v0, v16;
	v8 =	vmul.f32 v8, v9;
	vm10 =	vlt.s32 v15, $0x1E  }
0x1aa: {  	v15 =	vnsel vm10, $0x1E, v15;
	v12 =	vadd.f32 v20, v12;
	v18 =	vsub.f32 v18, v7  }
0x1ab: {  	v62 =	vnsel vm11, $0x1E, v21;
	v15 =	vcvt.s32.f32 v15;
	v19 =	vsub.f32 v56, v13  }
0x1ac: {  	v8 =	vadd.f32 v8, v59;
	v12 =	vsub.f32 v12, v0;
	v18 =	vmul.f32 v18, v9  }
0x1ad: {  	v15 =	vsub.f32 v23, v15;
	v19 =	vmul.f32 v10, v19;
	v10 =	vmul.f32 v25, v10  }
0x1ae: {  	v16 =	vcvt.s32.f32 v62;
	v3 =	vadd.f32 v3, v11;
	v7 =	vadd.f32 v18, v7  }
0x1af: {  	v11 =	vmul.f32 v12, v15;
	v13 =	vadd.f32 v19, v13;
	v10 =	vadd.f32 v10, v58  }
0x1b0: {  	v4 =	vmul.f32 v14, v4;
	v12 =	vsub.f32 v17, v16;
	v7 =	vsub.f32 v7, v8  }
0x1b1: {  	v3 =	vmul.f32 v3, v2;
	v0 =	vadd.f32 v11, v0;
	v10 =	vsub.f32 v10, v13  }
0x1b2: {  	v4 =	vadd.f32 v4, v6;
	v5 =	vmul.f32 v5, v1;
	v6 =	vmul.f32 v7, v12  }
0x1b3: {  	[tilespmem:s23+$0x12800] =	vst v3;
	v0 =	vmul.f32 v0, v2;
	v9 =	vmul.f32 v10, v9  }
0x1b4: {  	v1 =	vmul.f32 v4, v1;
	[tilespmem:s22+$0x11000] =	vst v5;
	v4 =	vadd.f32 v6, v8  }
0x1b5: {  	[tilespmem:s23+$0x11800] =	vst v0;
	v3 =	vadd.f32 v9, v13  }
0x1b6: {  	[tilespmem:s22+$0x12000] =	vst v1;
	v1 =	vmul.f32 v4, v2  }
0x1b7: {  	v0 =	vmul.f32 v3, v2  }
0x1b8: {  	[tilespmem:s23+$0x12000] =	vst v1  }
0x1b9: {  	[tilespmem:s23+$0x11000] =	vst v0  }
0x1ba: {  	v0 =	vld [tilespmem:s0+$0xC00]  }
0x1bb: {  	v1 =	vld [tilespmem:s0+$0x400]  }
0x1bc: {  	v2 =	vld [tilespmem:s0+$0x2400];
	_ =	sdelay $0x3  }
0x1bd: {  	v3 =	vld [tilespmem:s0+$0x1400];
	v1 =	vmul.f32 $5.110000000e+02, v1;
	v0 =	vmul.f32 $5.110000000e+02, v0  }
0x1be: {  	v2 =	vmul.f32 $3.100000000e+01, v2  }
0x1bf: {  	v1 =	vtrunc.f32 v1;
	v0 =	vtrunc.f32 v0  }
0x1c0: {  	v2 =	vtrunc.f32 v2;
	v1 =	vcvt.f32.s32 v1  }
0x1c1: {  	v0 =	vcvt.f32.s32 v0;
	v2 =	vcvt.f32.s32 v2  }
0x1c2: {  	v3 =	vmul.f32 $3.100000000e+01, v3;
	vm12 =	vlt.s32 v1, $0x1FE  }
0x1c3: {  	v4 =	vld [tilespmem:s0+$0x1C00];
	vm13 =	vlt.s32 v0, $0x1FE;
	vm1 =	vlt.s32 v2, $0x1E;
	v1 =	vnsel vm12, $0x1FE, v1  }
0x1c4: {  	v0 =	vnsel vm13, $0x1FE, v0;
	v2 =	vnsel vm1, $0x1E, v2;
	v1 =	vshll.u32 v1, $0x9  }
0x1c5: {  	v15 =	vadd.s32 v0, v1;
	v0 =	vtrunc.f32 v3;
	v1 =	vshll.u32 v2, $0x12  }
0x1c6: {  	v0 =	vcvt.f32.s32 v0;
	v1 =	vadd.s32 v15, v1  }
0x1c7: {  	[tilespmem:s0+$0x5800] =	vst v1;
	v2 =	vadd.s32 $0x40201, v1  }
0x1c8: {  	v3 =	vmul.f32 $3.100000000e+01, v4;
	v4 =	vadd.s32 $0x1, v1;
	vm14 =	vlt.s32 v0, $0x1E;
	[tilespmem:s0+$0x6600] =	vst v2  }
0x1c9: {  	v2 =	vadd.s32 $0x200, v1;
	[tilespmem:s0+$0x5A00] =	vst v4;
	v0 =	vnsel vm14, $0x1E, v0  }
0x1ca: {  	v3 =	vtrunc.f32 v3;
	v4 =	vadd.s32 $0x201, v1;
	[tilespmem:s0+$0x5C00] =	vst v2;
	v0 =	vshll.u32 v0, $0x12  }
0x1cb: {  	v2 =	vcvt.f32.s32 v3;
	v3 =	vadd.s32 $0x40000, v1;
	[tilespmem:s0+$0x5E00] =	vst v4;
	v0 =	vadd.s32 v15, v0  }
0x1cc: {  	[tilespmem:s0+$0x6000] =	vst v3;
	v4 =	vadd.s32 $0x1, v0  }
0x1cd: {  	v3 =	vadd.s32 $0x200, v0;
	[tilespmem:s0+$0x3A00] =	vst v4  }
0x1ce: {  	vm15 =	vlt.s32 v2, $0x1E;
	v5 =	vadd.s32 $0x201, v0;
	v6 =	vadd.s32 $0x40000, v0;
	[tilespmem:s0+$0x3C00] =	vst v3  }
0x1cf: {  	v63 =	vadd.s32 $0x40201, v0;
	v4 =	vnsel vm15, $0x1E, v2;
	v2 =	vadd.s32 $0x40001, v1;
	[tilespmem:s0+$0x3E00] =	vst v5  }
0x1d0: {  	v3 =	vadd.s32 $0x40200, v1;
	[tilespmem:s0+$0x4000] =	vst v6;
	v5 =	vadd.s32 $0x40200, v0;
	v4 =	vshll.u32 v4, $0x12  }
0x1d1: {  	v6 =	vadd.s32 $0x1, v15;
	[tilespmem:s0+$0x4400] =	vst v5;
	v5 =	vadd.s32 $0x200, v15;
	v1 =	vadd.s32 v15, v4  }
0x1d2: {  	[tilespmem:s0+$0x3000] =	vst v15;
	v4 =	vadd.s32 $0x40001, v0;
	v12 =	vadd.s32 $0x1, v1;
	v13 =	vadd.s32 $0x200, v1  }
0x1d3: {  	[tilespmem:s0+$0x4200] =	vst v4;
	v11 =	vadd.s32 $0x201, v1;
	v9 =	vadd.s32 $0x40000, v1;
	v10 =	vadd.s32 $0x40001, v1  }
0x1d4: {  	v8 =	vadd.s32 $0x40200, v1;
	v7 =	vadd.s32 $0x40201, v1;
	v4 =	vadd.s32 $0x201, v15;
	v14 =	vld [tilespmem:s5+$0xC00];
	[tilespmem:s0+$0x4600] =	vst v63  }
.LBB2_8:
0x1d5: {  	p0 =	sne.s32 s21, $0x7C0;
	v15 =	vld [tilespmem:s5+$0x400];
	[tilespmem:s0+$0x4A00] =	vst v12  }
0x1d6: {  	v12 =	vld [tilespmem:s5+$0x2400];
	[tilespmem:s0+$0x4C00] =	vst v13  }
0x1d7: {  	v13 =	vld [tilespmem:s5+$0x1400];
	[tilespmem:s0+$0x4E00] =	vst v11  }
0x1d8: {  	v11 =	vld [tilespmem:s5+$0x1C00];
	[tilespmem:s0+$0x5000] =	vst v9  }
0x1d9: {  	[tilespmem:s0+$0x5200] =	vst v10  }
0x1da: {  	v10 =	vmul.f32 $5.110000000e+02, v14;
	v9 =	vmul.f32 $5.110000000e+02, v15;
	[tilespmem:s0+$0x5400] =	vst v8  }
0x1db: {  	v8 =	vmul.f32 $3.100000000e+01, v12;
	[tilespmem:s0+$0x5600] =	vst v7  }
0x1dc: {  	v7 =	vtrunc.f32 v9;
	v9 =	vtrunc.f32 v10;
	[tilespmem:s0+$0x6200] =	vst v2  }
0x1dd: {  	v2 =	vcvt.f32.s32 v7;
	v7 =	vtrunc.f32 v8;
	[tilespmem:s0+$0x6400] =	vst v3  }
0x1de: {  	v3 =	vcvt.f32.s32 v9;
	v7 =	vcvt.f32.s32 v7;
	[tilespmem:s0+$0x3200] =	vst v6  }
0x1df: {  	v8 =	vmul.f32 $3.100000000e+01, v11;
	v6 =	vmul.f32 $3.100000000e+01, v13;
	vm0 =	vlt.s32 v2, $0x1FE;
	[tilespmem:s0+$0x3400] =	vst v5  }
0x1e0: {  	v2 =	vnsel vm0, $0x1FE, v2;
	vm0 =	vlt.s32 v3, $0x1FE;
	vm1 =	vlt.s32 v7, $0x1E;
	[tilespmem:s0+$0x3600] =	vst v4  }
0x1e1: {  	v3 =	vnsel vm0, $0x1FE, v3;
	v2 =	vshll.u32 v2, $0x9;
	v4 =	vnsel vm1, $0x1E, v7;
	[tilespmem:s0+$0x3800] =	vst v0  }
0x1e2: {  	v0 =	vtrunc.f32 v6;
	v14 =	vadd.s32 v3, v2;
	v2 =	vshll.u32 v4, $0x12;
	[tilespmem:s0+$0x4800] =	vst v1;
	s0 =	smov.u32 s5  }
0x1e3: {  	v0 =	vcvt.f32.s32 v0;
	v1 =	vtrunc.f32 v8;
	[tilespmem:s0+$0x3000] =	vst v14;
	v3 =	vadd.s32 v14, v2  }
0x1e4: {  	v1 =	vcvt.f32.s32 v1;
	[tilespmem:s0+$0x5800] =	vst v3;
	v2 =	vadd.s32 $0x1, v3;
	v4 =	vadd.s32 $0x40201, v3  }
0x1e5: {  	vm0 =	vlt.s32 v0, $0x1E;
	v5 =	vadd.s32 $0x200, v3;
	v6 =	vadd.s32 $0x201, v3;
	[tilespmem:s0+$0x6600] =	vst v4  }
0x1e6: {  	v0 =	vnsel vm0, $0x1E, v0;
	vm0 =	vlt.s32 v1, $0x1E;
	v4 =	vadd.s32 $0x40000, v3;
	[tilespmem:s0+$0x5A00] =	vst v2  }
0x1e7: {  	v0 =	vshll.u32 v0, $0x12;
	v1 =	vnsel vm0, $0x1E, v1;
	v2 =	vadd.s32 $0x40001, v3;
	[tilespmem:s0+$0x5C00] =	vst v5  }
0x1e8: {  	v3 =	vadd.s32 $0x40200, v3;
	v0 =	vadd.s32 v14, v0;
	v1 =	vshll.u32 v1, $0x12;
	[tilespmem:s0+$0x5E00] =	vst v6  }
0x1e9: {  	v5 =	vadd.s32 $0x1, v0;
	v6 =	vadd.s32 $0x200, v0;
	v1 =	vadd.s32 v14, v1;
	[tilespmem:s0+$0x6000] =	vst v4  }
0x1ea: {  	v15 =	vadd.s32 $0x40001, v0;
	v4 =	vadd.s32 $0x201, v0;
	[tilespmem:s0+$0x3A00] =	vst v5;
	v5 =	vadd.s32 $0x40000, v0  }
0x1eb: {  	v16 =	vadd.s32 $0x40200, v0;
	v17 =	vadd.s32 $0x40201, v0;
	v12 =	vadd.s32 $0x1, v1;
	[tilespmem:s0+$0x3C00] =	vst v6  }
.Ltmp3:
0x1ec: {  	v13 =	vadd.s32 $0x200, v1;
	v11 =	vadd.s32 $0x201, v1;
	v9 =	vadd.s32 $0x40000, v1;
	[tilespmem:s0+$0x3E00] =	vst v4;
	(pc) =	sbr.rel @p0 .LBB2_8-.Ltmp3, $4  }
0x1ed: {  	v10 =	vadd.s32 $0x40001, v1;
	v8 =	vadd.s32 $0x40200, v1;
	v7 =	vadd.s32 $0x40201, v1;
	[tilespmem:s0+$0x4000] =	vst v5  }
0x1ee: {  	v6 =	vadd.s32 $0x1, v14;
	v4 =	vadd.s32 $0x201, v14;
	v5 =	vadd.s32 $0x200, v14;
	[tilespmem:s0+$0x4200] =	vst v15  }
0x1ef: {  	s5 =	sshra.s32 s21, $0x2;
	[tilespmem:s0+$0x4400] =	vst v16  }
0x1f0: {  	s21 =	sadd.s32 $0x40, s21;
	v14 =	vld [tilespmem:s5+$0xC00];
	[tilespmem:s0+$0x4600] =	vst v17  }
0x1f1: {  	v15 =	vld [tilespmem:s5+$0x400];
	[tilespmem:s0+$0x4A00] =	vst v12  }
0x1f2: {  	v12 =	vld [tilespmem:s5+$0x2400];
	[tilespmem:s0+$0x4C00] =	vst v13  }
0x1f3: {  	v13 =	vld [tilespmem:s5+$0x1400];
	[tilespmem:s0+$0x4E00] =	vst v11  }
0x1f4: {  	v11 =	vld [tilespmem:s5+$0x1C00];
	[tilespmem:s0+$0x5000] =	vst v9  }
0x1f5: {  	[tilespmem:s0+$0x5200] =	vst v10  }
0x1f6: {  	[tilespmem:s0+$0x5400] =	vst v8;
	v10 =	vmul.f32 $5.110000000e+02, v14;
	v9 =	vmul.f32 $5.110000000e+02, v15  }
0x1f7: {  	[tilespmem:s0+$0x5600] =	vst v7;
	v8 =	vmul.f32 $3.100000000e+01, v12  }
0x1f8: {  	[tilespmem:s0+$0x6200] =	vst v2;
	v7 =	vtrunc.f32 v9;
	v9 =	vtrunc.f32 v10  }
0x1f9: {  	[tilespmem:s0+$0x6400] =	vst v3;
	v2 =	vcvt.f32.s32 v7;
	v7 =	vtrunc.f32 v8  }
0x1fa: {  	[tilespmem:s0+$0x3200] =	vst v6;
	v3 =	vcvt.f32.s32 v9;
	v7 =	vcvt.f32.s32 v7  }
0x1fb: {  	[tilespmem:s0+$0x3400] =	vst v5;
	v6 =	vmul.f32 $3.100000000e+01, v13;
	vm0 =	vlt.s32 v2, $0x1FE  }
0x1fc: {  	[tilespmem:s0+$0x3600] =	vst v4;
	vm5 =	vlt.s32 v3, $0x1FE;
	v2 =	vnsel vm0, $0x1FE, v2;
	vm1 =	vlt.s32 v7, $0x1E  }
0x1fd: {  	[tilespmem:s0+$0x3800] =	vst v0;
	v3 =	vnsel vm5, $0x1FE, v3;
	v2 =	vshll.u32 v2, $0x9;
	v4 =	vnsel vm1, $0x1E, v7  }
0x1fe: {  	[tilespmem:s0+$0x4800] =	vst v1;
	v0 =	vadd.s32 v3, v2;
	v2 =	vtrunc.f32 v6;
	v3 =	vshll.u32 v4, $0x12  }
0x1ff: {  	[tilespmem:s5+$0x3000] =	vst v0;
	v1 =	vcvt.f32.s32 v2;
	v2 =	vadd.s32 v0, v3  }
0x200: {  	[tilespmem:s5+$0x5800] =	vst v2;
	v3 =	vadd.s32 $0x40201, v2  }
0x201: {  	v4 =	vadd.s32 $0x1, v2;
	[tilespmem:s5+$0x6600] =	vst v3  }
0x202: {  	v5 =	vadd.s32 $0x201, v2;
	vm6 =	vlt.s32 v1, $0x1E;
	[tilespmem:s5+$0x5A00] =	vst v4  }
0x203: {  	v3 =	vadd.s32 $0x200, v2;
	[tilespmem:s5+$0x5E00] =	vst v5;
	v1 =	vnsel vm6, $0x1E, v1  }
0x204: {  	v4 =	vmul.f32 $3.100000000e+01, v11;
	[tilespmem:s5+$0x5C00] =	vst v3;
	v3 =	vadd.s32 $0x40000, v2;
	v1 =	vshll.u32 v1, $0x12  }
0x205: {  	[tilespmem:s5+$0x6000] =	vst v3;
	v1 =	vadd.s32 v0, v1  }
0x206: {  	v4 =	vtrunc.f32 v4;
	v5 =	vadd.s32 $0x1, v1;
	[tilespmem:s5+$0x3800] =	vst v1  }
0x207: {  	v3 =	vcvt.f32.s32 v4;
	v4 =	vadd.s32 $0x200, v1;
	[tilespmem:s5+$0x3A00] =	vst v5  }
0x208: {  	v5 =	vadd.s32 $0x201, v1;
	[tilespmem:s5+$0x3C00] =	vst v4  }
0x209: {  	v4 =	vadd.s32 $0x40000, v1;
	[tilespmem:s5+$0x3E00] =	vst v5  }
0x20a: {  	vm7 =	vlt.s32 v3, $0x1E;
	v5 =	vadd.s32 $0x40001, v1;
	[tilespmem:s5+$0x4000] =	vst v4  }
0x20b: {  	v3 =	vnsel vm7, $0x1E, v3;
	v4 =	vadd.s32 $0x40200, v1;
	[tilespmem:s5+$0x4200] =	vst v5  }
0x20c: {  	v3 =	vshll.u32 v3, $0x12;
	v5 =	vadd.s32 $0x40201, v1;
	[tilespmem:s5+$0x4400] =	vst v4  }
0x20d: {  	v3 =	vadd.s32 v0, v3;
	[tilespmem:s5+$0x4600] =	vst v5  }
0x20e: {  	v4 =	vadd.s32 $0x1, v3;
	[tilespmem:s5+$0x4800] =	vst v3  }
0x20f: {  	v5 =	vadd.s32 $0x200, v3;
	[tilespmem:s5+$0x4A00] =	vst v4  }
0x210: {  	v4 =	vadd.s32 $0x201, v3;
	[tilespmem:s5+$0x4C00] =	vst v5  }
0x211: {  	v5 =	vadd.s32 $0x40000, v3;
	[tilespmem:s5+$0x4E00] =	vst v4  }
0x212: {  	v4 =	vadd.s32 $0x40001, v3;
	[tilespmem:s5+$0x5000] =	vst v5  }
0x213: {  	v5 =	vadd.s32 $0x40200, v3;
	[tilespmem:s5+$0x5200] =	vst v4  }
0x214: {  	v4 =	vadd.s32 $0x40201, v3;
	[tilespmem:s5+$0x5400] =	vst v5  }
0x215: {  	v5 =	vadd.s32 $0x40001, v2;
	[tilespmem:s5+$0x5600] =	vst v4  }
0x216: {  	v2 =	vadd.s32 $0x40200, v2;
	[tilespmem:s5+$0x6200] =	vst v5  }
0x217: {  	v4 =	vadd.s32 $0x1, v0;
	[tilespmem:s5+$0x6400] =	vst v2  }
0x218: {  	v2 =	vadd.s32 $0x200, v0;
	[tilespmem:s5+$0x3200] =	vst v4  }
0x219: {  	v0 =	vadd.s32 $0x201, v0;
	[tilespmem:s5+$0x3400] =	vst v2  }
0x21a: {  	s24 =	simm.s32 $0x3000;
	s25 =	simm.s32 $0x6800;
	[tilespmem:s5+$0x3600] =	vst v0  }
0x21b: {  	[tilespmem:s25], [sflag:$0x1] =	stream.indirect.gather [hbm4b:s1+s19], $0x1, s24, s19, $0xb8;
	[tilespmem:$0x13000] =	vst v63  }
0x21c: {  	s21 =	simm.s32 $0x7000;
	s5 =	simm.s32 $0x3800  }
0x21d: {  	[tilespmem:s21], [sflag:$0x1] =	stream.indirect.gather [hbm4b:s2+s20], $0x1, s5, s20, $0xb8;
	[tilespmem:$0x13000] =	vst v63  }
0x21e: {  	s22 =	simm.s32 $0x4800;
	s23 =	simm.s32 $0x8000  }
0x21f: {  	[tilespmem:s23], [sflag:$0x1] =	stream.indirect.gather [hbm4b:s3+s20], $0x1, s22, s20, $0xb8;
	[tilespmem:$0x13000] =	vst v63  }
0x220: {  	s24 =	simm.s32 $0x5800;
	s25 =	simm.s32 $0x9000  }
0x221: {  	[tilespmem:s25], [sflag:$0x1] =	stream.indirect.gather [hbm4b:s4+s20], $0x1, s24, s20, $0xb8;
	[tilespmem:$0x13000] =	vst v63  }
0x222: {  	_ =	swait.ge [sflag:s30], $0x800  }
0x223: {  	[sflag:s30] =	ssyncset.done $0x0  }
0x224: {  	[sflag:s30] =	ssyncadd.s32 $0xFFFFF800  }
0x225: {  	_ =	swait.ge [sflag:s30], $0x1000  }
0x226: {  	[sflag:s30] =	ssyncset.done $0x0  }
0x227: {  	[sflag:s30] =	ssyncadd.s32 $0xFFFFF000  }
0x228: {  	_ =	swait.ge [sflag:s30], $0x1000  }
0x229: {  	[sflag:s30] =	ssyncset.done $0x0  }
0x22a: {  	[sflag:s30] =	ssyncadd.s32 $0xFFFFF000  }
0x22b: {  	_ =	swait.ge [sflag:s30], $0x1000  }
0x22c: {  	[sflag:s30] =	ssyncset.done $0x0  }
0x22d: {  	s0 =	simm.s32 $0x0;
	[sflag:s30] =	ssyncadd.s32 $0xFFFFF000  }
0x22e: {  	v0 =	vld [tilespmem:s0+$0xA00]  }
0x22f: {  	v1 =	vld [tilespmem:s0+$0x2200]  }
0x230: {  	v2 =	vld [tilespmem:s0+$0x10000]  }
0x231: {  	v3 =	vld [tilespmem:s0+$0x10200]  }
0x232: {  	v4 =	vld [tilespmem:s0+$0x10400]  }
0x233: {  	v5 =	vld [tilespmem:s0+$0x10600];
	v0 =	vmul.f32 $5.110000000e+02, v0  }
0x234: {  	v6 =	vld [tilespmem:s0+$0x200]  }
0x235: {  	v8 =	vld [tilespmem:s0+$0x10800];
	v7 =	vtrunc.f32 v0  }
0x236: {  	v9 =	vld [tilespmem:s0+$0x10A00];
	v7 =	vcvt.f32.s32 v7  }
0x237: {  	v10 =	vld [tilespmem:s0+$0x10C00]  }
0x238: {  	v11 =	vld [tilespmem:s0+$0x10E00];
	vm8 =	vlt.s32 v7, $0x1FE  }
0x239: {  	v12 =	vld [tilespmem:s0+$0xE000];
	v6 =	vmul.f32 $5.110000000e+02, v6;
	v7 =	vnsel vm8, $0x1FE, v7  }
0x23a: {  	v13 =	vld [tilespmem:s0+$0xE200];
	v7 =	vcvt.s32.f32 v7  }
0x23b: {  	v15 =	vld [tilespmem:s0+$0xE400];
	v3 =	vsub.f32 v3, v2;
	v14 =	vtrunc.f32 v6  }
0x23c: {  	v16 =	vld [tilespmem:s0+$0xE800];
	v5 =	vsub.f32 v5, v4;
	v14 =	vcvt.f32.s32 v14;
	v7 =	vsub.f32 v0, v7  }
0x23d: {  	v17 =	vld [tilespmem:s0+$0xEA00];
	v1 =	vmul.f32 $3.100000000e+01, v1;
	v9 =	vsub.f32 v9, v8;
	v11 =	vsub.f32 v11, v10  }
0x23e: {  	v18 =	vld [tilespmem:s0+$0xEC00];
	vm9 =	vlt.s32 v14, $0x1FE;
	v3 =	vmul.f32 v3, v7;
	v5 =	vmul.f32 v5, v7  }
0x23f: {  	v14 =	vnsel vm9, $0x1FE, v14;
	v0 =	vld [tilespmem:s0+$0xE600];
	v9 =	vmul.f32 v9, v7;
	v11 =	vmul.f32 v11, v7  }
0x240: {  	v14 =	vcvt.s32.f32 v14;
	v2 =	vadd.f32 v3, v2;
	v3 =	vadd.f32 v5, v4;
	v4 =	vld [tilespmem:s0+$0xF000]  }
0x241: {  	v5 =	vadd.f32 v9, v8;
	v8 =	vadd.f32 v11, v10;
	v9 =	vld [tilespmem:s0+$0xF200]  }
0x242: {  	v19 =	vld [tilespmem:s0+$0xEE00];
	v6 =	vsub.f32 v6, v14;
	v10 =	vtrunc.f32 v1  }
0x243: {  	v20 =	vld [tilespmem:s0+$0xF800];
	v10 =	vcvt.f32.s32 v10;
	v3 =	vsub.f32 v3, v2;
	v8 =	vsub.f32 v8, v5  }
0x244: {  	v13 =	vsub.f32 v13, v12;
	v17 =	vsub.f32 v17, v16;
	v14 =	vld [tilespmem:s0+$0xF600]  }
0x245: {  	v11 =	vld [tilespmem:s0+$0xF400];
	vm10 =	vlt.s32 v10, $0x1E;
	v3 =	vmul.f32 v3, v6;
	v8 =	vmul.f32 v8, v6  }
0x246: {  	v21 =	vld [tilespmem:s0+$0xFA00];
	v0 =	vsub.f32 v0, v15;
	v10 =	vnsel vm10, $0x1E, v10;
	v9 =	vsub.f32 v9, v4  }
0x247: {  	v22 =	vld [tilespmem:s0+$0xFC00];
	v10 =	vcvt.s32.f32 v10;
	v2 =	vadd.f32 v3, v2;
	v3 =	vadd.f32 v8, v5  }
0x248: {  	v5 =	vmul.f32 v13, v7;
	v8 =	vmul.f32 v0, v7;
	v0 =	vsub.f32 v19, v18;
	v13 =	vld [tilespmem:s0+$0xFE00]  }
0x249: {  	v17 =	vmul.f32 v17, v7;
	v19 =	vld [tilespmem:s0+$0x1200];
	v1 =	vsub.f32 v1, v10;
	v3 =	vsub.f32 v3, v2  }
0x24a: {  	v9 =	vmul.f32 v9, v7;
	v5 =	vadd.f32 v5, v12;
	v12 =	vsub.f32 v14, v11  }
0x24b: {  	v10 =	vmul.f32 v0, v7;
	v0 =	vld [tilespmem:s0+$0x2A00];
	v8 =	vadd.f32 v8, v15;
	v14 =	vsub.f32 v21, v20  }
0x24c: {  	v15 =	vadd.f32 v17, v16;
	v17 =	vld [tilespmem:s0+$0xDC00];
	v4 =	vadd.f32 v9, v4;
	v1 =	vmul.f32 v3, v1  }
0x24d: {  	v9 =	vld [tilespmem:s0+$0xDE00];
	v10 =	vadd.f32 v10, v18;
	v14 =	vmul.f32 v14, v7;
	v8 =	vsub.f32 v8, v5  }
0x24e: {  	v3 =	vld [tilespmem:s0+$0x1A00];
	v13 =	vsub.f32 v13, v22;
	v18 =	vmul.f32 $3.100000000e+01, v19;
	v1 =	vadd.f32 v1, v2  }
0x24f: {  	v16 =	vld [tilespmem:s0+$0xD800];
	v2 =	vmul.f32 v12, v7;
	v8 =	vmul.f32 v8, v6  }
0x250: {  	v12 =	vld [tilespmem:s0+$0xDA00];
	v10 =	vsub.f32 v10, v15;
	v13 =	vmul.f32 v13, v7;
	v1 =	vmul.f32 v1, v0  }
0x251: {  	v2 =	vadd.f32 v2, v11;
	v11 =	vadd.f32 v14, v20;
	v14 =	vtrunc.f32 v18  }
0x252: {  	s5 =	simm.s32 $0x10;
	v9 =	vsub.f32 v9, v17;
	v10 =	vmul.f32 v10, v6;
	v5 =	vadd.f32 v8, v5;
	[tilespmem:s0+$0x12A00] =	vst v1  }
0x253: {  	v3 =	vmul.f32 $3.100000000e+01, v3;
	v13 =	vadd.f32 v13, v22;
	v1 =	vcvt.f32.s32 v14;
	v14 =	vld [tilespmem:s5+$0xA00]  }
0x254: {  	v2 =	vsub.f32 v2, v4;
	v8 =	vadd.f32 v10, v15;
	v20 =	vld [tilespmem:s5+$0x2200]  }
0x255: {  	v12 =	vsub.f32 v12, v16;
	v19 =	vtrunc.f32 v3;
	v13 =	vsub.f32 v13, v11;
	v21 =	vld [tilespmem:s5+$0x10000]  }
0x256: {  	v22 =	vld [tilespmem:s5+$0x10200];
	v19 =	vcvt.f32.s32 v19;
	v2 =	vmul.f32 v2, v6;
	vm11 =	vlt.s32 v1, $0x1E  }
0x257: {  	v23 =	vld [tilespmem:s5+$0x10400];
	v8 =	vsub.f32 v8, v5;
	v12 =	vmul.f32 v7, v12;
	v13 =	vmul.f32 v13, v6  }
0x258: {  	v7 =	vmul.f32 v9, v7;
	v1 =	vnsel vm11, $0x1E, v1;
	v9 =	vld [tilespmem:s5+$0x10600];
	v10 =	vmul.f32 $5.110000000e+02, v14  }
0x259: {  	vm12 =	vlt.s32 v19, $0x1E;
	v2 =	vadd.f32 v2, v4;
	v1 =	vcvt.s32.f32 v1;
	v14 =	vld [tilespmem:s5+$0x200]  }
0x25a: {  	v12 =	vadd.f32 v12, v16;
	v7 =	vadd.f32 v7, v17;
	v16 =	vld [tilespmem:s5+$0x10800];
	v4 =	vtrunc.f32 v10  }
0x25b: {  	v15 =	vnsel vm12, $0x1E, v19;
	v17 =	vld [tilespmem:s5+$0x10A00];
	v11 =	vadd.f32 v13, v11;
	v4 =	vcvt.f32.s32 v4  }
0x25c: {  	v13 =	vld [tilespmem:s5+$0x10C00];
	v15 =	vcvt.s32.f32 v15;
	v1 =	vsub.f32 v18, v1;
	v7 =	vsub.f32 v7, v12  }
0x25d: {  	v18 =	vld [tilespmem:s5+$0x10E00];
	v19 =	vsub.f32 v22, v21;
	v11 =	vsub.f32 v11, v2;
	vm13 =	vlt.s32 v4, $0x1FE  }
0x25e: {  	v24 =	vld [tilespmem:s5+$0xEC00];
	v6 =	vmul.f32 v7, v6;
	v14 =	vmul.f32 $5.110000000e+02, v14;
	v4 =	vnsel vm13, $0x1FE, v4  }
0x25f: {  	v25 =	vld [tilespmem:s5+$0xEE00];
	v1 =	vmul.f32 v8, v1;
	v3 =	vsub.f32 v3, v15;
	v15 =	vcvt.s32.f32 v4  }
0x260: {  	v22 =	vld [tilespmem:s5+$0xE600];
	v9 =	vsub.f32 v9, v23;
	v4 =	vadd.f32 v6, v12;
	v6 =	vtrunc.f32 v14  }
0x261: {  	v8 =	vld [tilespmem:s5+$0xE200];
	v1 =	vadd.f32 v1, v5;
	v5 =	vcvt.f32.s32 v6;
	v6 =	vsub.f32 v10, v15  }
0x262: {  	v7 =	vld [tilespmem:s5+$0xE000];
	v17 =	vsub.f32 v17, v16;
	v18 =	vsub.f32 v18, v13  }
0x263: {  	v12 =	vld [tilespmem:s5+$0xE400];
	v15 =	vmul.f32 $3.100000000e+01, v20;
	vm14 =	vlt.s32 v5, $0x1FE;
	v19 =	vmul.f32 v19, v6  }
0x264: {  	v10 =	vld [tilespmem:s5+$0xE800];
	v9 =	vmul.f32 v9, v6;
	v5 =	vnsel vm14, $0x1FE, v5;
	v17 =	vmul.f32 v17, v6  }
0x265: {  	v20 =	vld [tilespmem:s5+$0xEA00];
	v18 =	vmul.f32 v18, v6;
	v5 =	vcvt.s32.f32 v5;
	v19 =	vadd.f32 v19, v21  }
0x266: {  	v1 =	vmul.f32 v1, v0;
	v9 =	vadd.f32 v9, v23;
	v21 =	vld [tilespmem:s5+$0xF000];
	v16 =	vadd.f32 v17, v16  }
0x267: {  	v13 =	vadd.f32 v18, v13;
	v17 =	vld [tilespmem:s5+$0xF200];
	v5 =	vsub.f32 v14, v5;
	v14 =	vtrunc.f32 v15  }
0x268: {  	v18 =	vld [tilespmem:s5+$0xF400];
	[tilespmem:s0+$0x11A00] =	vst v1;
	v14 =	vcvt.f32.s32 v14  }
0x269: {  	v3 =	vmul.f32 v11, v3;
	v11 =	vld [tilespmem:s5+$0xF600];
	v9 =	vsub.f32 v9, v19;
	v13 =	vsub.f32 v13, v16  }
0x26a: {  	v8 =	vsub.f32 v8, v7;
	v1 =	vsub.f32 v22, v12;
	v22 =	vld [tilespmem:s5+$0xF800];
	vm15 =	vlt.s32 v14, $0x1E  }
0x26b: {  	v61 =	vld [tilespmem:s5+$0xFA00];
	v9 =	vmul.f32 v9, v5;
	v13 =	vmul.f32 v13, v5;
	v14 =	vnsel vm15, $0x1E, v14  }
0x26c: {  	v23 =	vsub.f32 v25, v24;
	v20 =	vsub.f32 v20, v10;
	v14 =	vcvt.s32.f32 v14  }
0x26d: {  	v8 =	vmul.f32 v8, v6;
	v26 =	vld [tilespmem:s5+$0xFC00];
	v19 =	vadd.f32 v9, v19;
	v9 =	vadd.f32 v13, v16  }
0x26e: {  	v17 =	vsub.f32 v17, v21;
	v16 =	vmul.f32 v20, v6;
	v20 =	vld [tilespmem:s5+$0xFE00];
	v14 =	vsub.f32 v15, v14  }
0x26f: {  	v27 =	vld [tilespmem:s5+$0x1200];
	v13 =	vmul.f32 v1, v6;
	v15 =	vsub.f32 v9, v19;
	v9 =	vadd.f32 v8, v7  }
0x270: {  	v29 =	vld [tilespmem:s5+$0x1A00];
	v23 =	vmul.f32 v23, v6;
	v8 =	vsub.f32 v11, v18;
	v11 =	vsub.f32 v61, v22  }
0x271: {  	v1 =	vld [tilespmem:s5+$0x2A00];
	v17 =	vmul.f32 v17, v6;
	v28 =	vadd.f32 v13, v12;
	v13 =	vmul.f32 v15, v14  }
0x272: {  	v7 =	vld [tilespmem:s5+$0xD800];
	v12 =	vadd.f32 v16, v10;
	v16 =	vadd.f32 v23, v24;
	v11 =	vmul.f32 v11, v6  }
0x273: {  	v23 =	vld [tilespmem:s5+$0xDA00];
	v10 =	vmul.f32 v8, v6;
	v15 =	vsub.f32 v20, v26;
	v19 =	vadd.f32 v13, v19  }
0x274: {  	v8 =	vmul.f32 $3.100000000e+01, v27;
	v13 =	vadd.f32 v17, v21;
	v14 =	vadd.f32 v11, v22;
	v11 =	vld [tilespmem:s5+$0xDC00]  }
0x275: {  	v18 =	vadd.f32 v10, v18;
	v10 =	vmul.f32 $3.100000000e+01, v29;
	v17 =	vld [tilespmem:s5+$0xDE00];
	v21 =	vmul.f32 v15, v6  }
0x276: {  	v62 =	vsub.f32 v28, v9;
	v15 =	vtrunc.f32 v8;
	v19 =	vmul.f32 v19, v1  }
0x277: {  	v20 =	vsub.f32 v16, v12;
	v15 =	vcvt.f32.s32 v15;
	v63 =	vadd.f32 v21, v26  }
0x278: {  	s21 =	simm.s32 $0x80;
	s23 =	simm.s32 $0x20;
	v16 =	vtrunc.f32 v10;
	v22 =	vsub.f32 v18, v13;
	v21 =	vsub.f32 v23, v7;
	[tilespmem:s5+$0x12A00] =	vst v19  }
0x279: {  	s22 =	simm.s32 $0x10;
	s25 =	simm.s32 $0xC0;
	s24 =	simm.s32 $0x0;
	v16 =	vcvt.f32.s32 v16;
	v19 =	vmul.f32 v62, v5;
	v18 =	vld [tilespmem:s23+$0xA00];
	v23 =	vsub.f32 v63, v14  }
.LBB2_10:
0x27a: {  	p0 =	sne.s32 s25, $0x7C0;
	v24 =	vld [tilespmem:s23+$0x2200];
	v17 =	vsub.f32 v17, v11;
	v20 =	vmul.f32 v20, v5;
	v22 =	vmul.f32 v22, v5  }
0x27b: {  	v21 =	vmul.f32 v6, v21;
	vm0 =	vlt.s32 v15, $0x1E;
	v25 =	vld [tilespmem:s23+$0x10000];
	v23 =	vmul.f32 v23, v5  }
0x27c: {  	v15 =	vnsel vm0, $0x1E, v15;
	vm0 =	vlt.s32 v16, $0x1E;
	v26 =	vld [tilespmem:s23+$0x10200];
	v6 =	vmul.f32 v17, v6  }
0x27d: {  	v9 =	vadd.f32 v19, v9;
	v12 =	vadd.f32 v20, v12;
	v16 =	vnsel vm0, $0x1E, v16;
	v17 =	vld [tilespmem:s23+$0x10400]  }
0x27e: {  	v13 =	vadd.f32 v22, v13;
	v14 =	vadd.f32 v23, v14;
	v18 =	vmul.f32 $5.110000000e+02, v18;
	v19 =	vld [tilespmem:s23+$0x10600]  }
0x27f: {  	v7 =	vadd.f32 v21, v7;
	v6 =	vadd.f32 v6, v11;
	v11 =	vcvt.s32.f32 v15;
	v20 =	vld [tilespmem:s23+$0x200]  }
0x280: {  	v16 =	vcvt.s32.f32 v16;
	v12 =	vsub.f32 v12, v9;
	v15 =	vtrunc.f32 v18;
	v21 =	vld [tilespmem:s23+$0x10800]  }
0x281: {  	v14 =	vsub.f32 v14, v13;
	v6 =	vsub.f32 v6, v7;
	v15 =	vcvt.f32.s32 v15;
	v22 =	vld [tilespmem:s23+$0x10A00]  }
0x282: {  	v4 =	vmul.f32 v4, v0;
	v10 =	vsub.f32 v10, v16;
	v8 =	vsub.f32 v8, v11;
	v23 =	vld [tilespmem:s23+$0x10C00]  }
0x283: {  	v16 =	vadd.f32 v3, v2;
	v2 =	vmovc v13;
	v5 =	vmul.f32 v6, v5;
	vm0 =	vlt.s32 v15, $0x1FE;
	v11 =	vld [tilespmem:s23+$0x10E00]  }
0x284: {  	v6 =	vmul.f32 v12, v8;
	v13 =	vmul.f32 $5.110000000e+02, v20;
	v3 =	vnsel vm0, $0x1FE, v15;
	v15 =	vld [tilespmem:s23+$0xE000];
	[tilespmem:s24+$0x11200] =	vst v4  }
0x285: {  	v4 =	vadd.f32 v5, v7;
	v8 =	vcvt.s32.f32 v3;
	v12 =	vld [tilespmem:s23+$0xE200];
	v3 =	vmul.f32 v14, v10  }
0x286: {  	v9 =	vadd.f32 v6, v9;
	v10 =	vsub.f32 v26, v25;
	v5 =	vtrunc.f32 v13;
	v7 =	vld [tilespmem:s23+$0xE400]  }
0x287: {  	v14 =	vsub.f32 v19, v17;
	v5 =	vcvt.f32.s32 v5;
	v6 =	vsub.f32 v18, v8;
	v8 =	vld [tilespmem:s23+$0xE600]  }
0x288: {  	v19 =	vmul.f32 $3.100000000e+01, v24;
	v20 =	vsub.f32 v22, v21;
	v18 =	vld [tilespmem:s23+$0xE800];
	v11 =	vsub.f32 v11, v23  }
0x289: {  	vm0 =	vlt.s32 v5, $0x1FE;
	v22 =	vld [tilespmem:s23+$0xEA00];
	v10 =	vmul.f32 v10, v6;
	v14 =	vmul.f32 v14, v6  }
0x28a: {  	v20 =	vmul.f32 v20, v6;
	v5 =	vnsel vm0, $0x1FE, v5;
	v24 =	vld [tilespmem:s23+$0xEC00];
	v11 =	vmul.f32 v11, v6  }
0x28b: {  	v5 =	vcvt.s32.f32 v5;
	v26 =	vld [tilespmem:s23+$0xEE00];
	v10 =	vadd.f32 v10, v25;
	v14 =	vadd.f32 v14, v17  }
0x28c: {  	v9 =	vmul.f32 v9, v1;
	v20 =	vadd.f32 v20, v21;
	v17 =	vld [tilespmem:s23+$0xF000];
	v11 =	vadd.f32 v11, v23  }
0x28d: {  	v12 =	vsub.f32 v12, v15;
	v21 =	vtrunc.f32 v19;
	v5 =	vsub.f32 v13, v5;
	v13 =	vld [tilespmem:s23+$0xF200]  }
0x28e: {  	v21 =	vcvt.f32.s32 v21;
	v14 =	vsub.f32 v14, v10;
	v23 =	vld [tilespmem:s23+$0xF400];
	v11 =	vsub.f32 v11, v20;
	[tilespmem:s22+$0x11A00] =	vst v9  }
0x28f: {  	v8 =	vsub.f32 v8, v7;
	v9 =	vmul.f32 v12, v6;
	v12 =	vsub.f32 v22, v18;
	v22 =	vld [tilespmem:s23+$0xF600]  }
0x290: {  	vm0 =	vlt.s32 v21, $0x1E;
	v14 =	vmul.f32 v14, v5;
	v25 =	vld [tilespmem:s23+$0xF800];
	v11 =	vmul.f32 v11, v5  }
0x291: {  	v8 =	vmul.f32 v8, v6;
	v21 =	vnsel vm0, $0x1E, v21;
	v26 =	vsub.f32 v26, v24;
	v27 =	vld [tilespmem:s23+$0xFA00]  }
0x292: {  	v21 =	vcvt.s32.f32 v21;
	v10 =	vadd.f32 v14, v10;
	v28 =	vld [tilespmem:s23+$0xFC00];
	v11 =	vadd.f32 v11, v20  }
0x293: {  	v12 =	vmul.f32 v12, v6;
	v14 =	vmul.f32 v26, v6;
	v13 =	vsub.f32 v13, v17;
	v20 =	vld [tilespmem:s23+$0xFE00]  }
0x294: {  	v16 =	vmul.f32 v16, v0;
	v0 =	vmovc v1;
	v19 =	vsub.f32 v19, v21;
	v26 =	vld [tilespmem:s23+$0x1200];
	v11 =	vsub.f32 v11, v10  }
0x295: {  	v9 =	vadd.f32 v9, v15;
	v13 =	vmul.f32 v13, v6;
	v15 =	vsub.f32 v22, v23;
	v1 =	vld [tilespmem:s23+$0x2A00]  }
0x296: {  	v21 =	vadd.f32 v8, v7;
	v22 =	vld [tilespmem:s23+$0x1A00];
	v8 =	vsub.f32 v27, v25;
	v11 =	vmul.f32 v11, v19;
	[tilespmem:s24+$0x12200] =	vst v16;
	s24 =	smov.u32 s22;
	s22 =	smov.u32 s23  }
0x297: {  	v12 =	vadd.f32 v12, v18;
	v16 =	vadd.f32 v14, v24;
	v14 =	vmul.f32 v15, v6;
	v7 =	vld [tilespmem:s22+$0xD800]  }
0x298: {  	v18 =	vld [tilespmem:s22+$0xDA00];
	v15 =	vmul.f32 v8, v6;
	v19 =	vsub.f32 v20, v28;
	v10 =	vadd.f32 v11, v10  }
0x299: {  	v13 =	vadd.f32 v13, v17;
	v23 =	vadd.f32 v14, v23;
	v11 =	vld [tilespmem:s22+$0xDC00];
	v8 =	vmul.f32 $3.100000000e+01, v26  }
.Ltmp4:
0x29a: {  	v17 =	vld [tilespmem:s22+$0xDE00];
	v14 =	vadd.f32 v15, v25;
	v19 =	vmul.f32 v19, v6;
	v24 =	vmul.f32 v10, v1;
	(pc) =	sbr.rel @p0 .LBB2_10-.Ltmp4, $4  }
0x29b: {  	v25 =	vsub.f32 v21, v9;
	v15 =	vtrunc.f32 v8;
	v10 =	vmul.f32 $3.100000000e+01, v22  }
0x29c: {  	v20 =	vsub.f32 v16, v12;
	v15 =	vcvt.f32.s32 v15;
	v26 =	vadd.f32 v19, v28;
	[tilespmem:s22+$0x12A00] =	vst v24  }
0x29d: {  	s23 =	sshra.s32 s25, $0x2;
	v22 =	vsub.f32 v23, v13;
	v21 =	vsub.f32 v18, v7;
	v16 =	vtrunc.f32 v10  }
0x29e: {  	s25 =	sadd.s32 $0x40, s25;
	v19 =	vmul.f32 v25, v5;
	v18 =	vld [tilespmem:s23+$0xA00];
	v16 =	vcvt.f32.s32 v16;
	v23 =	vsub.f32 v26, v14  }
0x29f: {  	v24 =	vld [tilespmem:s23+$0x2200]  }
0x2a0: {  	v25 =	vld [tilespmem:s23+$0x10000]  }
0x2a1: {  	v26 =	vld [tilespmem:s23+$0x10200]  }
0x2a2: {  	v27 =	vld [tilespmem:s23+$0x10400]  }
0x2a3: {  	v28 =	vld [tilespmem:s23+$0x10600]  }
0x2a4: {  	v29 =	vld [tilespmem:s23+$0x200]  }
0x2a5: {  	v30 =	vld [tilespmem:s23+$0x10800]  }
0x2a6: {  	v17 =	vsub.f32 v17, v11;
	v20 =	vmul.f32 v20, v5;
	v22 =	vmul.f32 v22, v5;
	v34 =	vld [tilespmem:s23+$0x10A00]  }
0x2a7: {  	v21 =	vmul.f32 v6, v21;
	vm0 =	vlt.s32 v15, $0x1E;
	v35 =	vld [tilespmem:s23+$0x10C00];
	v4 =	vmul.f32 v4, v0  }
0x2a8: {  	v36 =	vld [tilespmem:s23+$0x10E00];
	v15 =	vnsel vm0, $0x1E, v15;
	v9 =	vadd.f32 v19, v9;
	v17 =	vmul.f32 v17, v6  }
0x2a9: {  	v37 =	vld [tilespmem:s23+$0xE000];
	v12 =	vadd.f32 v20, v12;
	v6 =	vadd.f32 v22, v13;
	v13 =	vcvt.s32.f32 v15;
	[tilespmem:s24+$0x11200] =	vst v4  }
0x2aa: {  	v38 =	vld [tilespmem:s23+$0xE200];
	v18 =	vmul.f32 $5.110000000e+02, v18  }
0x2ab: {  	v40 =	vld [tilespmem:s23+$0xE600];
	v12 =	vsub.f32 v12, v9;
	v8 =	vsub.f32 v8, v13  }
0x2ac: {  	vm6 =	vlt.s32 v16, $0x1E;
	v42 =	vld [tilespmem:s23+$0xEA00];
	v15 =	vtrunc.f32 v18  }
0x2ad: {  	v16 =	vnsel vm6, $0x1E, v16;
	v43 =	vld [tilespmem:s23+$0xEC00];
	v8 =	vmul.f32 v12, v8;
	v15 =	vcvt.f32.s32 v15  }
0x2ae: {  	v7 =	vadd.f32 v21, v7;
	v4 =	vcvt.s32.f32 v16;
	v44 =	vld [tilespmem:s23+$0xEE00];
	v13 =	vmul.f32 $5.110000000e+02, v29  }
0x2af: {  	v45 =	vld [tilespmem:s23+$0xF000];
	v11 =	vadd.f32 v17, v11;
	v8 =	vadd.f32 v8, v9;
	vm7 =	vlt.s32 v15, $0x1FE  }
0x2b0: {  	v46 =	vld [tilespmem:s23+$0xF200];
	v4 =	vsub.f32 v10, v4;
	v10 =	vtrunc.f32 v13;
	v15 =	vnsel vm7, $0x1FE, v15  }
0x2b1: {  	v48 =	vld [tilespmem:s23+$0xF400];
	v11 =	vsub.f32 v11, v7;
	v8 =	vmul.f32 v8, v1;
	v12 =	vcvt.s32.f32 v15  }
0x2b2: {  	v2 =	vadd.f32 v3, v2;
	v23 =	vmul.f32 v23, v5;
	v9 =	vcvt.f32.s32 v10;
	v15 =	vld [tilespmem:s23+$0xE400]  }
0x2b3: {  	v5 =	vmul.f32 v11, v5;
	v10 =	vsub.f32 v18, v12;
	v12 =	vld [tilespmem:s23+$0xE800];
	[tilespmem:s22+$0x11A00] =	vst v8  }
0x2b4: {  	v0 =	vmul.f32 v2, v0;
	v14 =	vadd.f32 v23, v14;
	vm8 =	vlt.s32 v9, $0x1FE;
	v8 =	vld [tilespmem:s23+$0xF600]  }
0x2b5: {  	v24 =	vmul.f32 $3.100000000e+01, v24;
	v5 =	vadd.f32 v5, v7;
	v9 =	vnsel vm8, $0x1FE, v9;
	v7 =	vld [tilespmem:s23+$0xF800]  }
0x2b6: {  	v39 =	vsub.f32 v26, v25;
	v41 =	vsub.f32 v34, v30;
	v9 =	vcvt.s32.f32 v9;
	v49 =	vld [tilespmem:s23+$0xFA00]  }
0x2b7: {  	v22 =	vsub.f32 v36, v35;
	v47 =	vtrunc.f32 v24;
	v11 =	vsub.f32 v28, v27;
	v51 =	vld [tilespmem:s23+$0xFC00]  }
0x2b8: {  	v14 =	vsub.f32 v14, v6;
	v9 =	vsub.f32 v13, v9;
	v13 =	vcvt.f32.s32 v47;
	v52 =	vld [tilespmem:s23+$0xFE00]  }
0x2b9: {  	v16 =	vsub.f32 v38, v37;
	v53 =	vld [tilespmem:s23+$0x1200];
	v21 =	vmul.f32 v39, v10;
	v11 =	vmul.f32 v11, v10  }
0x2ba: {  	v54 =	vsub.f32 v44, v43;
	v2 =	vld [tilespmem:s23+$0x2A00];
	v18 =	vmul.f32 v41, v10;
	v22 =	vmul.f32 v22, v10  }
0x2bb: {  	v55 =	vld [tilespmem:s23+$0x1A00];
	[tilespmem:s24+$0x12200] =	vst v0;
	v16 =	vmul.f32 v16, v10;
	v50 =	vsub.f32 v40, v15;
	v21 =	vadd.f32 v21, v25  }
0x2bc: {  	v58 =	vld [tilespmem:s23+$0xDC00];
	vm9 =	vlt.s32 v13, $0x1E;
	v11 =	vadd.f32 v11, v27;
	v18 =	vadd.f32 v18, v30  }
0x2bd: {  	v60 =	vld [tilespmem:s23+$0xDE00];
	v20 =	vadd.f32 v22, v35;
	v13 =	vnsel vm9, $0x1E, v13;
	v27 =	vsub.f32 v46, v45  }
0x2be: {  	v16 =	vadd.f32 v16, v37;
	v13 =	vcvt.s32.f32 v13;
	v19 =	vsub.f32 v42, v12  }
0x2bf: {  	v22 =	vmul.f32 v50, v10;
	v11 =	vsub.f32 v11, v21;
	v3 =	vsub.f32 v20, v18  }
0x2c0: {  	v27 =	vmul.f32 v27, v10;
	v8 =	vsub.f32 v8, v48;
	v23 =	vmul.f32 $3.100000000e+01, v53  }
0x2c1: {  	v13 =	vsub.f32 v24, v13;
	v19 =	vmul.f32 v19, v10;
	v0 =	vadd.f32 v22, v15  }
0x2c2: {  	v24 =	vmul.f32 v54, v10;
	v15 =	vsub.f32 v49, v7;
	v25 =	vsub.f32 v60, v58  }
0x2c3: {  	v11 =	vmul.f32 v11, v9;
	v3 =	vmul.f32 v3, v9;
	v59 =	vadd.f32 v27, v45  }
0x2c4: {  	v17 =	vmul.f32 $3.100000000e+01, v55;
	v12 =	vadd.f32 v19, v12;
	v57 =	vadd.f32 v24, v43  }
0x2c5: {  	v8 =	vmul.f32 v8, v10;
	v11 =	vadd.f32 v11, v21;
	v3 =	vadd.f32 v3, v18  }
0x2c6: {  	v15 =	vmul.f32 v15, v10;
	v0 =	vsub.f32 v0, v16;
	v18 =	vsub.f32 v52, v51  }
0x2c7: {  	v61 =	vtrunc.f32 v17;
	v8 =	vadd.f32 v8, v48;
	v3 =	vsub.f32 v3, v11  }
0x2c8: {  	v56 =	vld [tilespmem:s23+$0xDA00];
	v21 =	vcvt.f32.s32 v61;
	v7 =	vadd.f32 v15, v7;
	v15 =	vtrunc.f32 v23  }
0x2c9: {  	v20 =	vsub.f32 v57, v12;
	v18 =	vmul.f32 v18, v10;
	v3 =	vmul.f32 v3, v13;
	v13 =	vld [tilespmem:s23+$0xD800]  }
0x2ca: {  	v0 =	vmul.f32 v0, v9;
	v15 =	vcvt.f32.s32 v15;
	v8 =	vsub.f32 v8, v59  }
0x2cb: {  	vm11 =	vlt.s32 v21, $0x1E;
	v20 =	vmul.f32 v20, v9;
	v18 =	vadd.f32 v18, v51  }
0x2cc: {  	v0 =	vadd.f32 v0, v16;
	v8 =	vmul.f32 v8, v9;
	vm10 =	vlt.s32 v15, $0x1E  }
0x2cd: {  	v15 =	vnsel vm10, $0x1E, v15;
	v12 =	vadd.f32 v20, v12;
	v18 =	vsub.f32 v18, v7  }
0x2ce: {  	v62 =	vnsel vm11, $0x1E, v21;
	v15 =	vcvt.s32.f32 v15;
	v19 =	vsub.f32 v56, v13  }
0x2cf: {  	v8 =	vadd.f32 v8, v59;
	v12 =	vsub.f32 v12, v0;
	v18 =	vmul.f32 v18, v9  }
0x2d0: {  	v15 =	vsub.f32 v23, v15;
	v19 =	vmul.f32 v10, v19;
	v10 =	vmul.f32 v25, v10  }
0x2d1: {  	v16 =	vcvt.s32.f32 v62;
	v3 =	vadd.f32 v3, v11;
	v7 =	vadd.f32 v18, v7  }
0x2d2: {  	v11 =	vmul.f32 v12, v15;
	v13 =	vadd.f32 v19, v13;
	v10 =	vadd.f32 v10, v58  }
0x2d3: {  	v4 =	vmul.f32 v14, v4;
	v12 =	vsub.f32 v17, v16;
	v7 =	vsub.f32 v7, v8  }
0x2d4: {  	v3 =	vmul.f32 v3, v2;
	v0 =	vadd.f32 v11, v0;
	v10 =	vsub.f32 v10, v13  }
0x2d5: {  	v4 =	vadd.f32 v4, v6;
	v5 =	vmul.f32 v5, v1;
	v6 =	vmul.f32 v7, v12  }
0x2d6: {  	[tilespmem:s23+$0x12A00] =	vst v3;
	v0 =	vmul.f32 v0, v2;
	v9 =	vmul.f32 v10, v9  }
0x2d7: {  	v1 =	vmul.f32 v4, v1;
	[tilespmem:s22+$0x11200] =	vst v5;
	v4 =	vadd.f32 v6, v8  }
0x2d8: {  	[tilespmem:s23+$0x11A00] =	vst v0;
	v3 =	vadd.f32 v9, v13  }
0x2d9: {  	[tilespmem:s22+$0x12200] =	vst v1;
	v1 =	vmul.f32 v4, v2  }
0x2da: {  	v0 =	vmul.f32 v3, v2  }
0x2db: {  	[tilespmem:s23+$0x12200] =	vst v1  }
0x2dc: {  	[tilespmem:s23+$0x11200] =	vst v0  }
0x2dd: {  	v0 =	vld [tilespmem:s0+$0xE00]  }
0x2de: {  	v1 =	vld [tilespmem:s0+$0x600]  }
0x2df: {  	v2 =	vld [tilespmem:s0+$0x2600];
	_ =	sdelay $0x3  }
0x2e0: {  	v3 =	vld [tilespmem:s0+$0x1600];
	v1 =	vmul.f32 $5.110000000e+02, v1;
	v0 =	vmul.f32 $5.110000000e+02, v0  }
0x2e1: {  	v2 =	vmul.f32 $3.100000000e+01, v2  }
0x2e2: {  	v1 =	vtrunc.f32 v1;
	v0 =	vtrunc.f32 v0  }
0x2e3: {  	v2 =	vtrunc.f32 v2;
	v1 =	vcvt.f32.s32 v1  }
0x2e4: {  	v0 =	vcvt.f32.s32 v0;
	v2 =	vcvt.f32.s32 v2  }
0x2e5: {  	v3 =	vmul.f32 $3.100000000e+01, v3;
	vm12 =	vlt.s32 v1, $0x1FE  }
0x2e6: {  	v4 =	vld [tilespmem:s0+$0x1E00];
	vm13 =	vlt.s32 v0, $0x1FE;
	vm1 =	vlt.s32 v2, $0x1E;
	v1 =	vnsel vm12, $0x1FE, v1  }
0x2e7: {  	v0 =	vnsel vm13, $0x1FE, v0;
	v2 =	vnsel vm1, $0x1E, v2;
	v1 =	vshll.u32 v1, $0x9  }
0x2e8: {  	v15 =	vadd.s32 v0, v1;
	v0 =	vtrunc.f32 v3;
	v1 =	vshll.u32 v2, $0x12  }
0x2e9: {  	v0 =	vcvt.f32.s32 v0;
	v1 =	vadd.s32 v15, v1  }
0x2ea: {  	[tilespmem:s0+$0xC800] =	vst v1;
	v2 =	vadd.s32 $0x40201, v1  }
0x2eb: {  	v3 =	vmul.f32 $3.100000000e+01, v4;
	v4 =	vadd.s32 $0x1, v1;
	vm14 =	vlt.s32 v0, $0x1E;
	[tilespmem:s0+$0xD600] =	vst v2  }
0x2ec: {  	v2 =	vadd.s32 $0x200, v1;
	[tilespmem:s0+$0xCA00] =	vst v4;
	v0 =	vnsel vm14, $0x1E, v0  }
0x2ed: {  	v3 =	vtrunc.f32 v3;
	v4 =	vadd.s32 $0x201, v1;
	[tilespmem:s0+$0xCC00] =	vst v2;
	v0 =	vshll.u32 v0, $0x12  }
0x2ee: {  	v2 =	vcvt.f32.s32 v3;
	v3 =	vadd.s32 $0x40000, v1;
	[tilespmem:s0+$0xCE00] =	vst v4;
	v0 =	vadd.s32 v15, v0  }
0x2ef: {  	[tilespmem:s0+$0xD000] =	vst v3;
	v4 =	vadd.s32 $0x1, v0  }
0x2f0: {  	v3 =	vadd.s32 $0x200, v0;
	[tilespmem:s0+$0xAA00] =	vst v4  }
0x2f1: {  	vm15 =	vlt.s32 v2, $0x1E;
	v5 =	vadd.s32 $0x201, v0;
	v6 =	vadd.s32 $0x40000, v0;
	[tilespmem:s0+$0xAC00] =	vst v3  }
0x2f2: {  	v63 =	vadd.s32 $0x40201, v0;
	v4 =	vnsel vm15, $0x1E, v2;
	v2 =	vadd.s32 $0x40001, v1;
	[tilespmem:s0+$0xAE00] =	vst v5  }
0x2f3: {  	v3 =	vadd.s32 $0x40200, v1;
	[tilespmem:s0+$0xB000] =	vst v6;
	v5 =	vadd.s32 $0x40200, v0;
	v4 =	vshll.u32 v4, $0x12  }
0x2f4: {  	v6 =	vadd.s32 $0x1, v15;
	[tilespmem:s0+$0xB400] =	vst v5;
	v5 =	vadd.s32 $0x200, v15;
	v1 =	vadd.s32 v15, v4  }
0x2f5: {  	[tilespmem:s0+$0xA000] =	vst v15;
	v4 =	vadd.s32 $0x40001, v0;
	v12 =	vadd.s32 $0x1, v1;
	v13 =	vadd.s32 $0x200, v1  }
0x2f6: {  	[tilespmem:s0+$0xB200] =	vst v4;
	v11 =	vadd.s32 $0x201, v1;
	v9 =	vadd.s32 $0x40000, v1;
	v10 =	vadd.s32 $0x40001, v1  }
0x2f7: {  	v8 =	vadd.s32 $0x40200, v1;
	v7 =	vadd.s32 $0x40201, v1;
	v4 =	vadd.s32 $0x201, v15;
	v14 =	vld [tilespmem:s5+$0xE00];
	[tilespmem:s0+$0xB600] =	vst v63  }
.LBB2_12:
0x2f8: {  	p0 =	sne.s32 s21, $0x7C0;
	v15 =	vld [tilespmem:s5+$0x600];
	[tilespmem:s0+$0xBA00] =	vst v12  }
0x2f9: {  	v12 =	vld [tilespmem:s5+$0x2600];
	[tilespmem:s0+$0xBC00] =	vst v13  }
0x2fa: {  	v13 =	vld [tilespmem:s5+$0x1600];
	[tilespmem:s0+$0xBE00] =	vst v11  }
0x2fb: {  	v11 =	vld [tilespmem:s5+$0x1E00];
	[tilespmem:s0+$0xC000] =	vst v9  }
0x2fc: {  	[tilespmem:s0+$0xC200] =	vst v10  }
0x2fd: {  	v10 =	vmul.f32 $5.110000000e+02, v14;
	v9 =	vmul.f32 $5.110000000e+02, v15;
	[tilespmem:s0+$0xC400] =	vst v8  }
0x2fe: {  	v8 =	vmul.f32 $3.100000000e+01, v12;
	[tilespmem:s0+$0xC600] =	vst v7  }
0x2ff: {  	v7 =	vtrunc.f32 v9;
	v9 =	vtrunc.f32 v10;
	[tilespmem:s0+$0xD200] =	vst v2  }
0x300: {  	v2 =	vcvt.f32.s32 v7;
	v7 =	vtrunc.f32 v8;
	[tilespmem:s0+$0xD400] =	vst v3  }
0x301: {  	v3 =	vcvt.f32.s32 v9;
	v7 =	vcvt.f32.s32 v7;
	[tilespmem:s0+$0xA200] =	vst v6  }
0x302: {  	v8 =	vmul.f32 $3.100000000e+01, v11;
	v6 =	vmul.f32 $3.100000000e+01, v13;
	vm0 =	vlt.s32 v2, $0x1FE;
	[tilespmem:s0+$0xA400] =	vst v5  }
0x303: {  	v2 =	vnsel vm0, $0x1FE, v2;
	vm0 =	vlt.s32 v3, $0x1FE;
	vm1 =	vlt.s32 v7, $0x1E;
	[tilespmem:s0+$0xA600] =	vst v4  }
0x304: {  	v3 =	vnsel vm0, $0x1FE, v3;
	v2 =	vshll.u32 v2, $0x9;
	v4 =	vnsel vm1, $0x1E, v7;
	[tilespmem:s0+$0xA800] =	vst v0  }
0x305: {  	v0 =	vtrunc.f32 v6;
	v14 =	vadd.s32 v3, v2;
	v2 =	vshll.u32 v4, $0x12;
	[tilespmem:s0+$0xB800] =	vst v1;
	s0 =	smov.u32 s5  }
0x306: {  	v0 =	vcvt.f32.s32 v0;
	v1 =	vtrunc.f32 v8;
	[tilespmem:s0+$0xA000] =	vst v14;
	v3 =	vadd.s32 v14, v2  }
0x307: {  	v1 =	vcvt.f32.s32 v1;
	[tilespmem:s0+$0xC800] =	vst v3;
	v2 =	vadd.s32 $0x1, v3;
	v4 =	vadd.s32 $0x40201, v3  }
0x308: {  	vm0 =	vlt.s32 v0, $0x1E;
	v5 =	vadd.s32 $0x200, v3;
	v6 =	vadd.s32 $0x201, v3;
	[tilespmem:s0+$0xD600] =	vst v4  }
0x309: {  	v0 =	vnsel vm0, $0x1E, v0;
	vm0 =	vlt.s32 v1, $0x1E;
	v4 =	vadd.s32 $0x40000, v3;
	[tilespmem:s0+$0xCA00] =	vst v2  }
0x30a: {  	v0 =	vshll.u32 v0, $0x12;
	v1 =	vnsel vm0, $0x1E, v1;
	v2 =	vadd.s32 $0x40001, v3;
	[tilespmem:s0+$0xCC00] =	vst v5  }
0x30b: {  	v3 =	vadd.s32 $0x40200, v3;
	v0 =	vadd.s32 v14, v0;
	v1 =	vshll.u32 v1, $0x12;
	[tilespmem:s0+$0xCE00] =	vst v6  }
0x30c: {  	v5 =	vadd.s32 $0x1, v0;
	v6 =	vadd.s32 $0x200, v0;
	v1 =	vadd.s32 v14, v1;
	[tilespmem:s0+$0xD000] =	vst v4  }
0x30d: {  	v15 =	vadd.s32 $0x40001, v0;
	v4 =	vadd.s32 $0x201, v0;
	[tilespmem:s0+$0xAA00] =	vst v5;
	v5 =	vadd.s32 $0x40000, v0  }
0x30e: {  	v16 =	vadd.s32 $0x40200, v0;
	v17 =	vadd.s32 $0x40201, v0;
	v12 =	vadd.s32 $0x1, v1;
	[tilespmem:s0+$0xAC00] =	vst v6  }
.Ltmp5:
0x30f: {  	v13 =	vadd.s32 $0x200, v1;
	v11 =	vadd.s32 $0x201, v1;
	v9 =	vadd.s32 $0x40000, v1;
	[tilespmem:s0+$0xAE00] =	vst v4;
	(pc) =	sbr.rel @p0 .LBB2_12-.Ltmp5, $4  }
0x310: {  	v10 =	vadd.s32 $0x40001, v1;
	v8 =	vadd.s32 $0x40200, v1;
	v7 =	vadd.s32 $0x40201, v1;
	[tilespmem:s0+$0xB000] =	vst v5  }
0x311: {  	v6 =	vadd.s32 $0x1, v14;
	v4 =	vadd.s32 $0x201, v14;
	v5 =	vadd.s32 $0x200, v14;
	[tilespmem:s0+$0xB200] =	vst v15  }
0x312: {  	s5 =	sshra.s32 s21, $0x2;
	[tilespmem:s0+$0xB400] =	vst v16  }
0x313: {  	s21 =	sadd.s32 $0x40, s21;
	v14 =	vld [tilespmem:s5+$0xE00];
	[tilespmem:s0+$0xB600] =	vst v17  }
0x314: {  	v15 =	vld [tilespmem:s5+$0x600];
	[tilespmem:s0+$0xBA00] =	vst v12  }
0x315: {  	v12 =	vld [tilespmem:s5+$0x2600];
	[tilespmem:s0+$0xBC00] =	vst v13  }
0x316: {  	v13 =	vld [tilespmem:s5+$0x1600];
	[tilespmem:s0+$0xBE00] =	vst v11  }
0x317: {  	v11 =	vld [tilespmem:s5+$0x1E00];
	[tilespmem:s0+$0xC000] =	vst v9  }
0x318: {  	[tilespmem:s0+$0xC200] =	vst v10  }
0x319: {  	[tilespmem:s0+$0xC400] =	vst v8;
	v10 =	vmul.f32 $5.110000000e+02, v14;
	v9 =	vmul.f32 $5.110000000e+02, v15  }
0x31a: {  	[tilespmem:s0+$0xC600] =	vst v7;
	v8 =	vmul.f32 $3.100000000e+01, v12  }
0x31b: {  	[tilespmem:s0+$0xD200] =	vst v2;
	v7 =	vtrunc.f32 v9;
	v9 =	vtrunc.f32 v10  }
0x31c: {  	[tilespmem:s0+$0xD400] =	vst v3;
	v2 =	vcvt.f32.s32 v7;
	v7 =	vtrunc.f32 v8  }
0x31d: {  	[tilespmem:s0+$0xA200] =	vst v6;
	v3 =	vcvt.f32.s32 v9;
	v7 =	vcvt.f32.s32 v7  }
0x31e: {  	[tilespmem:s0+$0xA400] =	vst v5;
	v6 =	vmul.f32 $3.100000000e+01, v13;
	vm0 =	vlt.s32 v2, $0x1FE  }
0x31f: {  	[tilespmem:s0+$0xA600] =	vst v4;
	vm5 =	vlt.s32 v3, $0x1FE;
	v2 =	vnsel vm0, $0x1FE, v2;
	vm1 =	vlt.s32 v7, $0x1E  }
0x320: {  	[tilespmem:s0+$0xA800] =	vst v0;
	v3 =	vnsel vm5, $0x1FE, v3;
	v2 =	vshll.u32 v2, $0x9;
	v4 =	vnsel vm1, $0x1E, v7  }
0x321: {  	[tilespmem:s0+$0xB800] =	vst v1;
	v0 =	vadd.s32 v3, v2;
	v2 =	vtrunc.f32 v6;
	v3 =	vshll.u32 v4, $0x12  }
0x322: {  	[tilespmem:s5+$0xA000] =	vst v0;
	v1 =	vcvt.f32.s32 v2;
	v2 =	vadd.s32 v0, v3  }
0x323: {  	[tilespmem:s5+$0xC800] =	vst v2;
	v3 =	vadd.s32 $0x40201, v2  }
0x324: {  	v4 =	vadd.s32 $0x1, v2;
	[tilespmem:s5+$0xD600] =	vst v3  }
0x325: {  	v5 =	vadd.s32 $0x201, v2;
	vm6 =	vlt.s32 v1, $0x1E;
	[tilespmem:s5+$0xCA00] =	vst v4  }
0x326: {  	v3 =	vadd.s32 $0x200, v2;
	[tilespmem:s5+$0xCE00] =	vst v5;
	v1 =	vnsel vm6, $0x1E, v1  }
0x327: {  	v4 =	vmul.f32 $3.100000000e+01, v11;
	[tilespmem:s5+$0xCC00] =	vst v3;
	v3 =	vadd.s32 $0x40000, v2;
	v1 =	vshll.u32 v1, $0x12  }
0x328: {  	[tilespmem:s5+$0xD000] =	vst v3;
	v1 =	vadd.s32 v0, v1  }
0x329: {  	v4 =	vtrunc.f32 v4;
	v5 =	vadd.s32 $0x1, v1;
	[tilespmem:s5+$0xA800] =	vst v1  }
0x32a: {  	v3 =	vcvt.f32.s32 v4;
	v4 =	vadd.s32 $0x200, v1;
	[tilespmem:s5+$0xAA00] =	vst v5  }
0x32b: {  	v5 =	vadd.s32 $0x201, v1;
	[tilespmem:s5+$0xAC00] =	vst v4  }
0x32c: {  	v4 =	vadd.s32 $0x40000, v1;
	[tilespmem:s5+$0xAE00] =	vst v5  }
0x32d: {  	vm7 =	vlt.s32 v3, $0x1E;
	v5 =	vadd.s32 $0x40001, v1;
	[tilespmem:s5+$0xB000] =	vst v4  }
0x32e: {  	v3 =	vnsel vm7, $0x1E, v3;
	v4 =	vadd.s32 $0x40200, v1;
	[tilespmem:s5+$0xB200] =	vst v5  }
0x32f: {  	v3 =	vshll.u32 v3, $0x12;
	v5 =	vadd.s32 $0x40201, v1;
	[tilespmem:s5+$0xB400] =	vst v4  }
0x330: {  	v3 =	vadd.s32 v0, v3;
	[tilespmem:s5+$0xB600] =	vst v5  }
0x331: {  	v4 =	vadd.s32 $0x1, v3;
	[tilespmem:s5+$0xB800] =	vst v3  }
0x332: {  	v5 =	vadd.s32 $0x200, v3;
	[tilespmem:s5+$0xBA00] =	vst v4  }
0x333: {  	v4 =	vadd.s32 $0x201, v3;
	[tilespmem:s5+$0xBC00] =	vst v5  }
0x334: {  	v5 =	vadd.s32 $0x40000, v3;
	[tilespmem:s5+$0xBE00] =	vst v4  }
0x335: {  	v4 =	vadd.s32 $0x40001, v3;
	[tilespmem:s5+$0xC000] =	vst v5  }
0x336: {  	v5 =	vadd.s32 $0x40200, v3;
	[tilespmem:s5+$0xC200] =	vst v4  }
0x337: {  	v4 =	vadd.s32 $0x40201, v3;
	[tilespmem:s5+$0xC400] =	vst v5  }
0x338: {  	v5 =	vadd.s32 $0x40001, v2;
	[tilespmem:s5+$0xC600] =	vst v4  }
0x339: {  	v2 =	vadd.s32 $0x40200, v2;
	[tilespmem:s5+$0xD200] =	vst v5  }
0x33a: {  	v4 =	vadd.s32 $0x1, v0;
	[tilespmem:s5+$0xD400] =	vst v2  }
0x33b: {  	v2 =	vadd.s32 $0x200, v0;
	[tilespmem:s5+$0xA200] =	vst v4  }
0x33c: {  	v0 =	vadd.s32 $0x201, v0;
	[tilespmem:s5+$0xA400] =	vst v2  }
0x33d: {  	s23 =	simm.s32 $0xA000;
	s24 =	simm.s32 $0xD800;
	[tilespmem:s5+$0xA600] =	vst v0  }
0x33e: {  	[tilespmem:s24], [sflag:$0x2] =	stream.indirect.gather [hbm4b:s1+s19], $0x1, s23, s19, $0xb8;
	[tilespmem:$0x13000] =	vst v63  }
0x33f: {  	s25 =	simm.s32 $0xA800;
	s5 =	simm.s32 $0xE000  }
0x340: {  	[tilespmem:s5], [sflag:$0x2] =	stream.indirect.gather [hbm4b:s2+s20], $0x1, s25, s20, $0xb8;
	[tilespmem:$0x13000] =	vst v63  }
0x341: {  	s21 =	simm.s32 $0xB800;
	s22 =	simm.s32 $0xF000  }
0x342: {  	[tilespmem:s22], [sflag:$0x2] =	stream.indirect.gather [hbm4b:s3+s20], $0x1, s21, s20, $0xb8;
	[tilespmem:$0x13000] =	vst v63  }
0x343: {  	_ = 	snop  }
0x344: {  	[tilespmem:s28], [sflag:$0x2] =	stream.indirect.gather [hbm4b:s4+s20], $0x1, s26, s20, $0xb8;
	[tilespmem:$0x13000] =	vst v63  }
0x345: {  	_ =	swait.ge [sflag:s29], $0x800  }
0x346: {  	[sflag:s29] =	ssyncset.done $0x0  }
0x347: {  	[sflag:s29] =	ssyncadd.s32 $0xFFFFF800  }
0x348: {  	_ =	swait.ge [sflag:s29], $0x1000  }
0x349: {  	[sflag:s29] =	ssyncset.done $0x0  }
0x34a: {  	[sflag:s29] =	ssyncadd.s32 $0xFFFFF000  }
0x34b: {  	_ =	swait.ge [sflag:s29], $0x1000  }
0x34c: {  	[sflag:s29] =	ssyncset.done $0x0  }
0x34d: {  	[sflag:s29] =	ssyncadd.s32 $0xFFFFF000  }
0x34e: {  	_ =	swait.ge [sflag:s29], $0x1000  }
0x34f: {  	[sflag:s29] =	ssyncset.done $0x0  }
0x350: {  	s0 =	simm.s32 $0x0;
	[sflag:s29] =	ssyncadd.s32 $0xFFFFF000  }
0x351: {  	v0 =	vld [tilespmem:s0+$0xC00]  }
0x352: {  	v1 =	vld [tilespmem:s0+$0x2400]  }
0x353: {  	v2 =	vld [tilespmem:s0+$0x9000]  }
0x354: {  	v3 =	vld [tilespmem:s0+$0x9200]  }
0x355: {  	v4 =	vld [tilespmem:s0+$0x9400]  }
0x356: {  	v5 =	vld [tilespmem:s0+$0x9600];
	v0 =	vmul.f32 $5.110000000e+02, v0  }
0x357: {  	v6 =	vld [tilespmem:s0+$0x400]  }
0x358: {  	v8 =	vld [tilespmem:s0+$0x9800];
	v7 =	vtrunc.f32 v0  }
0x359: {  	v9 =	vld [tilespmem:s0+$0x9A00];
	v7 =	vcvt.f32.s32 v7  }
0x35a: {  	v10 =	vld [tilespmem:s0+$0x9C00]  }
0x35b: {  	v11 =	vld [tilespmem:s0+$0x9E00];
	vm8 =	vlt.s32 v7, $0x1FE  }
0x35c: {  	v12 =	vld [tilespmem:s0+$0x7000];
	v6 =	vmul.f32 $5.110000000e+02, v6;
	v7 =	vnsel vm8, $0x1FE, v7  }
0x35d: {  	v13 =	vld [tilespmem:s0+$0x7200];
	v7 =	vcvt.s32.f32 v7  }
0x35e: {  	v15 =	vld [tilespmem:s0+$0x7400];
	v3 =	vsub.f32 v3, v2;
	v14 =	vtrunc.f32 v6  }
0x35f: {  	v16 =	vld [tilespmem:s0+$0x7800];
	v5 =	vsub.f32 v5, v4;
	v14 =	vcvt.f32.s32 v14;
	v7 =	vsub.f32 v0, v7  }
0x360: {  	v17 =	vld [tilespmem:s0+$0x7A00];
	v1 =	vmul.f32 $3.100000000e+01, v1;
	v9 =	vsub.f32 v9, v8;
	v11 =	vsub.f32 v11, v10  }
0x361: {  	v18 =	vld [tilespmem:s0+$0x7C00];
	vm9 =	vlt.s32 v14, $0x1FE;
	v3 =	vmul.f32 v3, v7;
	v5 =	vmul.f32 v5, v7  }
0x362: {  	v14 =	vnsel vm9, $0x1FE, v14;
	v0 =	vld [tilespmem:s0+$0x7600];
	v9 =	vmul.f32 v9, v7;
	v11 =	vmul.f32 v11, v7  }
0x363: {  	v14 =	vcvt.s32.f32 v14;
	v2 =	vadd.f32 v3, v2;
	v3 =	vadd.f32 v5, v4;
	v4 =	vld [tilespmem:s0+$0x8000]  }
0x364: {  	v5 =	vadd.f32 v9, v8;
	v8 =	vadd.f32 v11, v10;
	v9 =	vld [tilespmem:s0+$0x8200]  }
0x365: {  	v19 =	vld [tilespmem:s0+$0x7E00];
	v6 =	vsub.f32 v6, v14;
	v10 =	vtrunc.f32 v1  }
0x366: {  	v20 =	vld [tilespmem:s0+$0x8800];
	v10 =	vcvt.f32.s32 v10;
	v3 =	vsub.f32 v3, v2;
	v8 =	vsub.f32 v8, v5  }
0x367: {  	v13 =	vsub.f32 v13, v12;
	v17 =	vsub.f32 v17, v16;
	v14 =	vld [tilespmem:s0+$0x8600]  }
0x368: {  	v11 =	vld [tilespmem:s0+$0x8400];
	vm10 =	vlt.s32 v10, $0x1E;
	v3 =	vmul.f32 v3, v6;
	v8 =	vmul.f32 v8, v6  }
0x369: {  	v21 =	vld [tilespmem:s0+$0x8A00];
	v0 =	vsub.f32 v0, v15;
	v10 =	vnsel vm10, $0x1E, v10;
	v9 =	vsub.f32 v9, v4  }
0x36a: {  	v22 =	vld [tilespmem:s0+$0x8C00];
	v10 =	vcvt.s32.f32 v10;
	v2 =	vadd.f32 v3, v2;
	v3 =	vadd.f32 v8, v5  }
0x36b: {  	v5 =	vmul.f32 v13, v7;
	v8 =	vmul.f32 v0, v7;
	v0 =	vsub.f32 v19, v18;
	v13 =	vld [tilespmem:s0+$0x8E00]  }
0x36c: {  	v17 =	vmul.f32 v17, v7;
	v19 =	vld [tilespmem:s0+$0x1400];
	v1 =	vsub.f32 v1, v10;
	v3 =	vsub.f32 v3, v2  }
0x36d: {  	v9 =	vmul.f32 v9, v7;
	v5 =	vadd.f32 v5, v12;
	v12 =	vsub.f32 v14, v11  }
0x36e: {  	v10 =	vmul.f32 v0, v7;
	v0 =	vld [tilespmem:s0+$0x2C00];
	v8 =	vadd.f32 v8, v15;
	v14 =	vsub.f32 v21, v20  }
0x36f: {  	v15 =	vadd.f32 v17, v16;
	v17 =	vld [tilespmem:s0+$0x6C00];
	v4 =	vadd.f32 v9, v4;
	v1 =	vmul.f32 v3, v1  }
0x370: {  	v9 =	vld [tilespmem:s0+$0x6E00];
	v10 =	vadd.f32 v10, v18;
	v14 =	vmul.f32 v14, v7;
	v8 =	vsub.f32 v8, v5  }
0x371: {  	v3 =	vld [tilespmem:s0+$0x1C00];
	v13 =	vsub.f32 v13, v22;
	v18 =	vmul.f32 $3.100000000e+01, v19;
	v1 =	vadd.f32 v1, v2  }
0x372: {  	v16 =	vld [tilespmem:s0+$0x6800];
	v2 =	vmul.f32 v12, v7;
	v8 =	vmul.f32 v8, v6  }
0x373: {  	v12 =	vld [tilespmem:s0+$0x6A00];
	v10 =	vsub.f32 v10, v15;
	v13 =	vmul.f32 v13, v7;
	v1 =	vmul.f32 v1, v0  }
0x374: {  	v2 =	vadd.f32 v2, v11;
	v11 =	vadd.f32 v14, v20;
	v14 =	vtrunc.f32 v18  }
0x375: {  	s5 =	simm.s32 $0x10;
	v9 =	vsub.f32 v9, v17;
	v10 =	vmul.f32 v10, v6;
	v5 =	vadd.f32 v8, v5;
	[tilespmem:s0+$0x12C00] =	vst v1  }
0x376: {  	v3 =	vmul.f32 $3.100000000e+01, v3;
	v13 =	vadd.f32 v13, v22;
	v1 =	vcvt.f32.s32 v14;
	v14 =	vld [tilespmem:s5+$0xC00]  }
0x377: {  	v2 =	vsub.f32 v2, v4;
	v8 =	vadd.f32 v10, v15;
	v20 =	vld [tilespmem:s5+$0x2400]  }
0x378: {  	v12 =	vsub.f32 v12, v16;
	v19 =	vtrunc.f32 v3;
	v13 =	vsub.f32 v13, v11;
	v21 =	vld [tilespmem:s5+$0x9000]  }
0x379: {  	v22 =	vld [tilespmem:s5+$0x9200];
	v19 =	vcvt.f32.s32 v19;
	v2 =	vmul.f32 v2, v6;
	vm11 =	vlt.s32 v1, $0x1E  }
0x37a: {  	v23 =	vld [tilespmem:s5+$0x9400];
	v8 =	vsub.f32 v8, v5;
	v12 =	vmul.f32 v7, v12;
	v13 =	vmul.f32 v13, v6  }
0x37b: {  	v7 =	vmul.f32 v9, v7;
	v1 =	vnsel vm11, $0x1E, v1;
	v9 =	vld [tilespmem:s5+$0x9600];
	v10 =	vmul.f32 $5.110000000e+02, v14  }
0x37c: {  	vm12 =	vlt.s32 v19, $0x1E;
	v2 =	vadd.f32 v2, v4;
	v1 =	vcvt.s32.f32 v1;
	v14 =	vld [tilespmem:s5+$0x400]  }
0x37d: {  	v12 =	vadd.f32 v12, v16;
	v7 =	vadd.f32 v7, v17;
	v16 =	vld [tilespmem:s5+$0x9800];
	v4 =	vtrunc.f32 v10  }
0x37e: {  	v15 =	vnsel vm12, $0x1E, v19;
	v17 =	vld [tilespmem:s5+$0x9A00];
	v11 =	vadd.f32 v13, v11;
	v4 =	vcvt.f32.s32 v4  }
0x37f: {  	v13 =	vld [tilespmem:s5+$0x9C00];
	v15 =	vcvt.s32.f32 v15;
	v1 =	vsub.f32 v18, v1;
	v7 =	vsub.f32 v7, v12  }
0x380: {  	v18 =	vld [tilespmem:s5+$0x9E00];
	v19 =	vsub.f32 v22, v21;
	v11 =	vsub.f32 v11, v2;
	vm13 =	vlt.s32 v4, $0x1FE  }
0x381: {  	v24 =	vld [tilespmem:s5+$0x7C00];
	v6 =	vmul.f32 v7, v6;
	v14 =	vmul.f32 $5.110000000e+02, v14;
	v4 =	vnsel vm13, $0x1FE, v4  }
0x382: {  	v25 =	vld [tilespmem:s5+$0x7E00];
	v1 =	vmul.f32 v8, v1;
	v3 =	vsub.f32 v3, v15;
	v15 =	vcvt.s32.f32 v4  }
0x383: {  	v22 =	vld [tilespmem:s5+$0x7600];
	v9 =	vsub.f32 v9, v23;
	v4 =	vadd.f32 v6, v12;
	v6 =	vtrunc.f32 v14  }
0x384: {  	v8 =	vld [tilespmem:s5+$0x7200];
	v1 =	vadd.f32 v1, v5;
	v5 =	vcvt.f32.s32 v6;
	v6 =	vsub.f32 v10, v15  }
0x385: {  	v7 =	vld [tilespmem:s5+$0x7000];
	v17 =	vsub.f32 v17, v16;
	v18 =	vsub.f32 v18, v13  }
0x386: {  	v12 =	vld [tilespmem:s5+$0x7400];
	v15 =	vmul.f32 $3.100000000e+01, v20;
	vm14 =	vlt.s32 v5, $0x1FE;
	v19 =	vmul.f32 v19, v6  }
0x387: {  	v10 =	vld [tilespmem:s5+$0x7800];
	v9 =	vmul.f32 v9, v6;
	v5 =	vnsel vm14, $0x1FE, v5;
	v17 =	vmul.f32 v17, v6  }
0x388: {  	v20 =	vld [tilespmem:s5+$0x7A00];
	v18 =	vmul.f32 v18, v6;
	v5 =	vcvt.s32.f32 v5;
	v19 =	vadd.f32 v19, v21  }
0x389: {  	v1 =	vmul.f32 v1, v0;
	v9 =	vadd.f32 v9, v23;
	v21 =	vld [tilespmem:s5+$0x8000];
	v16 =	vadd.f32 v17, v16  }
0x38a: {  	v13 =	vadd.f32 v18, v13;
	v17 =	vld [tilespmem:s5+$0x8200];
	v5 =	vsub.f32 v14, v5;
	v14 =	vtrunc.f32 v15  }
0x38b: {  	v18 =	vld [tilespmem:s5+$0x8400];
	[tilespmem:s0+$0x11C00] =	vst v1;
	v14 =	vcvt.f32.s32 v14  }
0x38c: {  	v3 =	vmul.f32 v11, v3;
	v11 =	vld [tilespmem:s5+$0x8600];
	v9 =	vsub.f32 v9, v19;
	v13 =	vsub.f32 v13, v16  }
0x38d: {  	v8 =	vsub.f32 v8, v7;
	v1 =	vsub.f32 v22, v12;
	v22 =	vld [tilespmem:s5+$0x8800];
	vm15 =	vlt.s32 v14, $0x1E  }
0x38e: {  	v61 =	vld [tilespmem:s5+$0x8A00];
	v9 =	vmul.f32 v9, v5;
	v13 =	vmul.f32 v13, v5;
	v14 =	vnsel vm15, $0x1E, v14  }
0x38f: {  	v23 =	vsub.f32 v25, v24;
	v20 =	vsub.f32 v20, v10;
	v14 =	vcvt.s32.f32 v14  }
0x390: {  	v8 =	vmul.f32 v8, v6;
	v26 =	vld [tilespmem:s5+$0x8C00];
	v19 =	vadd.f32 v9, v19;
	v9 =	vadd.f32 v13, v16  }
0x391: {  	v17 =	vsub.f32 v17, v21;
	v16 =	vmul.f32 v20, v6;
	v20 =	vld [tilespmem:s5+$0x8E00];
	v14 =	vsub.f32 v15, v14  }
0x392: {  	v27 =	vld [tilespmem:s5+$0x1400];
	v13 =	vmul.f32 v1, v6;
	v15 =	vsub.f32 v9, v19;
	v9 =	vadd.f32 v8, v7  }
0x393: {  	v29 =	vld [tilespmem:s5+$0x1C00];
	v23 =	vmul.f32 v23, v6;
	v8 =	vsub.f32 v11, v18;
	v11 =	vsub.f32 v61, v22  }
0x394: {  	v1 =	vld [tilespmem:s5+$0x2C00];
	v17 =	vmul.f32 v17, v6;
	v28 =	vadd.f32 v13, v12;
	v13 =	vmul.f32 v15, v14  }
0x395: {  	v7 =	vld [tilespmem:s5+$0x6800];
	v12 =	vadd.f32 v16, v10;
	v16 =	vadd.f32 v23, v24;
	v11 =	vmul.f32 v11, v6  }
0x396: {  	v23 =	vld [tilespmem:s5+$0x6A00];
	v10 =	vmul.f32 v8, v6;
	v15 =	vsub.f32 v20, v26;
	v19 =	vadd.f32 v13, v19  }
0x397: {  	v8 =	vmul.f32 $3.100000000e+01, v27;
	v13 =	vadd.f32 v17, v21;
	v14 =	vadd.f32 v11, v22;
	v11 =	vld [tilespmem:s5+$0x6C00]  }
0x398: {  	v17 =	vadd.f32 v10, v18;
	v10 =	vmul.f32 $3.100000000e+01, v29;
	v18 =	vld [tilespmem:s5+$0x6E00];
	v21 =	vmul.f32 v15, v6  }
0x399: {  	v62 =	vsub.f32 v28, v9;
	v15 =	vtrunc.f32 v8;
	v19 =	vmul.f32 v19, v1  }
0x39a: {  	v20 =	vsub.f32 v16, v12;
	v15 =	vcvt.f32.s32 v15;
	v63 =	vadd.f32 v21, v26  }
0x39b: {  	s21 =	simm.s32 $0x20;
	v16 =	vtrunc.f32 v10;
	v22 =	vsub.f32 v17, v13;
	v21 =	vsub.f32 v23, v7;
	[tilespmem:s5+$0x12C00] =	vst v19  }
0x39c: {  	s22 =	simm.s32 $0xC0;
	v16 =	vcvt.f32.s32 v16;
	v19 =	vmul.f32 v62, v5;
	v17 =	vld [tilespmem:s21+$0xC00];
	v23 =	vsub.f32 v63, v14  }
.LBB2_14:
0x39d: {  	p0 =	sne.s32 s22, $0x7C0;
	v24 =	vld [tilespmem:s21+$0x2400];
	v18 =	vsub.f32 v18, v11;
	v20 =	vmul.f32 v20, v5;
	v22 =	vmul.f32 v22, v5  }
0x39e: {  	v21 =	vmul.f32 v6, v21;
	vm0 =	vlt.s32 v15, $0x1E;
	v25 =	vld [tilespmem:s21+$0x9000];
	v23 =	vmul.f32 v23, v5  }
0x39f: {  	v15 =	vnsel vm0, $0x1E, v15;
	vm0 =	vlt.s32 v16, $0x1E;
	v26 =	vld [tilespmem:s21+$0x9200];
	v6 =	vmul.f32 v18, v6  }
0x3a0: {  	v9 =	vadd.f32 v19, v9;
	v12 =	vadd.f32 v20, v12;
	v16 =	vnsel vm0, $0x1E, v16;
	v18 =	vld [tilespmem:s21+$0x9400]  }
0x3a1: {  	v13 =	vadd.f32 v22, v13;
	v14 =	vadd.f32 v23, v14;
	v17 =	vmul.f32 $5.110000000e+02, v17;
	v19 =	vld [tilespmem:s21+$0x9600]  }
0x3a2: {  	v7 =	vadd.f32 v21, v7;
	v6 =	vadd.f32 v6, v11;
	v11 =	vcvt.s32.f32 v15;
	v20 =	vld [tilespmem:s21+$0x400]  }
0x3a3: {  	v16 =	vcvt.s32.f32 v16;
	v12 =	vsub.f32 v12, v9;
	v15 =	vtrunc.f32 v17;
	v21 =	vld [tilespmem:s21+$0x9800]  }
0x3a4: {  	v14 =	vsub.f32 v14, v13;
	v6 =	vsub.f32 v6, v7;
	v15 =	vcvt.f32.s32 v15;
	v22 =	vld [tilespmem:s21+$0x9A00]  }
0x3a5: {  	v4 =	vmul.f32 v4, v0;
	v10 =	vsub.f32 v10, v16;
	v8 =	vsub.f32 v8, v11;
	v23 =	vld [tilespmem:s21+$0x9C00]  }
0x3a6: {  	v16 =	vadd.f32 v3, v2;
	v2 =	vmovc v13;
	v5 =	vmul.f32 v6, v5;
	vm0 =	vlt.s32 v15, $0x1FE;
	v11 =	vld [tilespmem:s21+$0x9E00]  }
0x3a7: {  	v6 =	vmul.f32 v12, v8;
	v13 =	vmul.f32 $5.110000000e+02, v20;
	v3 =	vnsel vm0, $0x1FE, v15;
	v15 =	vld [tilespmem:s21+$0x7000];
	[tilespmem:s0+$0x11400] =	vst v4  }
0x3a8: {  	v4 =	vadd.f32 v5, v7;
	v8 =	vcvt.s32.f32 v3;
	v12 =	vld [tilespmem:s21+$0x7200];
	v3 =	vmul.f32 v14, v10  }
0x3a9: {  	v9 =	vadd.f32 v6, v9;
	v10 =	vsub.f32 v26, v25;
	v5 =	vtrunc.f32 v13;
	v7 =	vld [tilespmem:s21+$0x7400]  }
0x3aa: {  	v14 =	vsub.f32 v19, v18;
	v5 =	vcvt.f32.s32 v5;
	v6 =	vsub.f32 v17, v8;
	v8 =	vld [tilespmem:s21+$0x7600]  }
0x3ab: {  	v19 =	vmul.f32 $3.100000000e+01, v24;
	v20 =	vsub.f32 v22, v21;
	v17 =	vld [tilespmem:s21+$0x7800];
	v11 =	vsub.f32 v11, v23  }
0x3ac: {  	vm0 =	vlt.s32 v5, $0x1FE;
	v22 =	vld [tilespmem:s21+$0x7A00];
	v10 =	vmul.f32 v10, v6;
	v14 =	vmul.f32 v14, v6  }
0x3ad: {  	v20 =	vmul.f32 v20, v6;
	v5 =	vnsel vm0, $0x1FE, v5;
	v24 =	vld [tilespmem:s21+$0x7C00];
	v11 =	vmul.f32 v11, v6  }
0x3ae: {  	v5 =	vcvt.s32.f32 v5;
	v26 =	vld [tilespmem:s21+$0x7E00];
	v10 =	vadd.f32 v10, v25;
	v14 =	vadd.f32 v14, v18  }
0x3af: {  	v9 =	vmul.f32 v9, v1;
	v20 =	vadd.f32 v20, v21;
	v18 =	vld [tilespmem:s21+$0x8000];
	v11 =	vadd.f32 v11, v23  }
0x3b0: {  	v12 =	vsub.f32 v12, v15;
	v21 =	vtrunc.f32 v19;
	v5 =	vsub.f32 v13, v5;
	v13 =	vld [tilespmem:s21+$0x8200]  }
0x3b1: {  	v21 =	vcvt.f32.s32 v21;
	v14 =	vsub.f32 v14, v10;
	v23 =	vld [tilespmem:s21+$0x8400];
	v11 =	vsub.f32 v11, v20;
	[tilespmem:s5+$0x11C00] =	vst v9  }
0x3b2: {  	v8 =	vsub.f32 v8, v7;
	v9 =	vmul.f32 v12, v6;
	v12 =	vsub.f32 v22, v17;
	v22 =	vld [tilespmem:s21+$0x8600]  }
0x3b3: {  	vm0 =	vlt.s32 v21, $0x1E;
	v14 =	vmul.f32 v14, v5;
	v25 =	vld [tilespmem:s21+$0x8800];
	v11 =	vmul.f32 v11, v5  }
0x3b4: {  	v8 =	vmul.f32 v8, v6;
	v21 =	vnsel vm0, $0x1E, v21;
	v26 =	vsub.f32 v26, v24;
	v27 =	vld [tilespmem:s21+$0x8A00]  }
0x3b5: {  	v21 =	vcvt.s32.f32 v21;
	v10 =	vadd.f32 v14, v10;
	v28 =	vld [tilespmem:s21+$0x8C00];
	v11 =	vadd.f32 v11, v20  }
0x3b6: {  	v12 =	vmul.f32 v12, v6;
	v14 =	vmul.f32 v26, v6;
	v13 =	vsub.f32 v13, v18;
	v20 =	vld [tilespmem:s21+$0x8E00]  }
0x3b7: {  	v16 =	vmul.f32 v16, v0;
	v0 =	vmovc v1;
	v19 =	vsub.f32 v19, v21;
	v26 =	vld [tilespmem:s21+$0x1400];
	v11 =	vsub.f32 v11, v10  }
0x3b8: {  	v9 =	vadd.f32 v9, v15;
	v13 =	vmul.f32 v13, v6;
	v15 =	vsub.f32 v22, v23;
	v1 =	vld [tilespmem:s21+$0x2C00]  }
0x3b9: {  	v21 =	vadd.f32 v8, v7;
	v22 =	vld [tilespmem:s21+$0x1C00];
	v8 =	vsub.f32 v27, v25;
	v11 =	vmul.f32 v11, v19;
	[tilespmem:s0+$0x12400] =	vst v16;
	s0 =	smov.u32 s5;
	s5 =	smov.u32 s21  }
0x3ba: {  	v12 =	vadd.f32 v12, v17;
	v16 =	vadd.f32 v14, v24;
	v14 =	vmul.f32 v15, v6;
	v7 =	vld [tilespmem:s5+$0x6800]  }
0x3bb: {  	v17 =	vld [tilespmem:s5+$0x6A00];
	v15 =	vmul.f32 v8, v6;
	v19 =	vsub.f32 v20, v28;
	v10 =	vadd.f32 v11, v10  }
0x3bc: {  	v13 =	vadd.f32 v13, v18;
	v23 =	vadd.f32 v14, v23;
	v11 =	vld [tilespmem:s5+$0x6C00];
	v8 =	vmul.f32 $3.100000000e+01, v26  }
.Ltmp6:
0x3bd: {  	v18 =	vld [tilespmem:s5+$0x6E00];
	v14 =	vadd.f32 v15, v25;
	v19 =	vmul.f32 v19, v6;
	v24 =	vmul.f32 v10, v1;
	(pc) =	sbr.rel @p0 .LBB2_14-.Ltmp6, $4  }
0x3be: {  	v25 =	vsub.f32 v21, v9;
	v15 =	vtrunc.f32 v8;
	v10 =	vmul.f32 $3.100000000e+01, v22  }
0x3bf: {  	v20 =	vsub.f32 v16, v12;
	v15 =	vcvt.f32.s32 v15;
	v26 =	vadd.f32 v19, v28;
	[tilespmem:s5+$0x12C00] =	vst v24  }
0x3c0: {  	s21 =	sshra.s32 s22, $0x2;
	v22 =	vsub.f32 v23, v13;
	v21 =	vsub.f32 v17, v7;
	v16 =	vtrunc.f32 v10  }
0x3c1: {  	s22 =	sadd.s32 $0x40, s22;
	v19 =	vmul.f32 v25, v5;
	v17 =	vld [tilespmem:s21+$0xC00];
	v16 =	vcvt.f32.s32 v16;
	v23 =	vsub.f32 v26, v14  }
0x3c2: {  	v24 =	vld [tilespmem:s21+$0x2400]  }
0x3c3: {  	v25 =	vld [tilespmem:s21+$0x9000]  }
0x3c4: {  	v26 =	vld [tilespmem:s21+$0x9200]  }
0x3c5: {  	v27 =	vld [tilespmem:s21+$0x9400];
	v18 =	vsub.f32 v18, v11;
	v20 =	vmul.f32 v20, v5;
	v22 =	vmul.f32 v22, v5  }
0x3c6: {  	v28 =	vld [tilespmem:s21+$0x9600];
	v21 =	vmul.f32 v6, v21;
	vm0 =	vlt.s32 v15, $0x1E;
	v4 =	vmul.f32 v4, v0  }
0x3c7: {  	v29 =	vld [tilespmem:s21+$0x400];
	v2 =	vadd.f32 v3, v2;
	v23 =	vmul.f32 v23, v5;
	v15 =	vnsel vm0, $0x1E, v15  }
0x3c8: {  	v30 =	vld [tilespmem:s21+$0x9800];
	vm14 =	vlt.s32 v16, $0x1E;
	v9 =	vadd.f32 v19, v9;
	v18 =	vmul.f32 v18, v6  }
0x3c9: {  	v19 =	vld [tilespmem:s21+$0x9A00];
	v12 =	vadd.f32 v20, v12;
	v6 =	vadd.f32 v22, v13;
	v13 =	vcvt.s32.f32 v15  }
0x3ca: {  	v20 =	vld [tilespmem:s21+$0x9C00];
	v7 =	vadd.f32 v21, v7;
	v14 =	vadd.f32 v23, v14;
	v17 =	vmul.f32 $5.110000000e+02, v17  }
0x3cb: {  	v22 =	vld [tilespmem:s21+$0x9E00];
	v16 =	vnsel vm14, $0x1E, v16;
	v11 =	vadd.f32 v18, v11;
	v12 =	vsub.f32 v12, v9  }
0x3cc: {  	v18 =	vld [tilespmem:s21+$0x7000];
	v8 =	vsub.f32 v8, v13;
	[tilespmem:s0+$0x11400] =	vst v4;
	v4 =	vcvt.s32.f32 v16;
	v15 =	vtrunc.f32 v17  }
0x3cd: {  	v13 =	vmul.f32 $5.110000000e+02, v29;
	v16 =	vld [tilespmem:s21+$0x7200];
	v21 =	vsub.f32 v26, v25;
	v15 =	vcvt.f32.s32 v15  }
0x3ce: {  	v23 =	vld [tilespmem:s21+$0x7600];
	v24 =	vmul.f32 $3.100000000e+01, v24;
	v11 =	vsub.f32 v11, v7;
	v8 =	vmul.f32 v12, v8  }
0x3cf: {  	v47 =	vld [tilespmem:s21+$0x7C00];
	v4 =	vsub.f32 v10, v4;
	v10 =	vtrunc.f32 v13;
	vm15 =	vlt.s32 v15, $0x1FE  }
0x3d0: {  	v48 =	vld [tilespmem:s21+$0x7E00];
	v8 =	vadd.f32 v8, v9;
	v9 =	vcvt.f32.s32 v10;
	v15 =	vnsel vm15, $0x1FE, v15  }
0x3d1: {  	v49 =	vld [tilespmem:s21+$0x8000];
	v22 =	vsub.f32 v22, v20;
	v5 =	vmul.f32 v11, v5;
	v12 =	vcvt.s32.f32 v15  }
0x3d2: {  	v50 =	vld [tilespmem:s21+$0x8200];
	v11 =	vsub.f32 v28, v27;
	vm4 =	vlt.s32 v9, $0x1FE;
	v8 =	vmul.f32 v8, v1  }
0x3d3: {  	v5 =	vadd.f32 v5, v7;
	v15 =	vld [tilespmem:s21+$0x7400];
	v9 =	vnsel vm4, $0x1FE, v9;
	v10 =	vsub.f32 v17, v12  }
0x3d4: {  	v16 =	vsub.f32 v16, v18;
	v9 =	vcvt.s32.f32 v9;
	v12 =	vld [tilespmem:s21+$0x7800];
	v17 =	vsub.f32 v19, v30  }
0x3d5: {  	v52 =	vsub.f32 v48, v47;
	v19 =	vld [tilespmem:s21+$0x7A00];
	v21 =	vmul.f32 v21, v10;
	v11 =	vmul.f32 v11, v10  }
0x3d6: {  	v51 =	vld [tilespmem:s21+$0x8400];
	[tilespmem:s5+$0x11C00] =	vst v8;
	v9 =	vsub.f32 v13, v9;
	v17 =	vmul.f32 v17, v10;
	v22 =	vmul.f32 v22, v10  }
0x3d7: {  	v8 =	vld [tilespmem:s21+$0x8600];
	v16 =	vmul.f32 v16, v10;
	v21 =	vadd.f32 v21, v25;
	v11 =	vadd.f32 v11, v27  }
0x3d8: {  	v0 =	vmul.f32 v2, v0;
	v17 =	vadd.f32 v17, v30;
	v20 =	vadd.f32 v22, v20  }
0x3d9: {  	v22 =	vtrunc.f32 v24;
	v27 =	vsub.f32 v50, v49;
	v16 =	vadd.f32 v16, v18  }
0x3da: {  	v7 =	vld [tilespmem:s21+$0x8800];
	v13 =	vcvt.f32.s32 v22;
	v22 =	vsub.f32 v23, v15;
	v19 =	vsub.f32 v19, v12  }
0x3db: {  	v2 =	vld [tilespmem:s21+$0x2C00];
	v11 =	vsub.f32 v11, v21;
	v3 =	vsub.f32 v20, v17;
	v27 =	vmul.f32 v27, v10  }
0x3dc: {  	v18 =	vld [tilespmem:s21+$0x1C00];
	v8 =	vsub.f32 v8, v51;
	v22 =	vmul.f32 v22, v10;
	v19 =	vmul.f32 v19, v10  }
0x3dd: {  	v20 =	vld [tilespmem:s21+$0x8A00];
	vm5 =	vlt.s32 v13, $0x1E;
	v11 =	vmul.f32 v11, v9;
	v3 =	vmul.f32 v3, v9  }
0x3de: {  	v23 =	vld [tilespmem:s21+$0x1400];
	v13 =	vnsel vm5, $0x1E, v13;
	v8 =	vmul.f32 v8, v10;
	v53 =	vadd.f32 v27, v49  }
0x3df: {  	v13 =	vcvt.s32.f32 v13;
	v12 =	vadd.f32 v19, v12;
	v11 =	vadd.f32 v11, v21;
	v21 =	vld [tilespmem:s21+$0x8C00]  }
0x3e0: {  	v3 =	vadd.f32 v3, v17;
	v17 =	vld [tilespmem:s21+$0x8E00];
	[tilespmem:s0+$0x12400] =	vst v0;
	v0 =	vadd.f32 v22, v15  }
0x3e1: {  	v18 =	vmul.f32 $3.100000000e+01, v18;
	v8 =	vadd.f32 v8, v51;
	v13 =	vsub.f32 v24, v13;
	v19 =	vld [tilespmem:s21+$0x6A00]  }
0x3e2: {  	v24 =	vmul.f32 v52, v10;
	v15 =	vsub.f32 v20, v7;
	v22 =	vld [tilespmem:s21+$0x6C00];
	v3 =	vsub.f32 v3, v11  }
0x3e3: {  	v23 =	vmul.f32 $3.100000000e+01, v23;
	v54 =	vld [tilespmem:s21+$0x6E00];
	v0 =	vsub.f32 v0, v16;
	v8 =	vsub.f32 v8, v53  }
0x3e4: {  	v20 =	vadd.f32 v24, v47;
	v15 =	vmul.f32 v15, v10;
	v3 =	vmul.f32 v3, v13;
	v13 =	vld [tilespmem:s21+$0x6800]  }
0x3e5: {  	v0 =	vmul.f32 v0, v9;
	v8 =	vmul.f32 v8, v9;
	v17 =	vsub.f32 v17, v21  }
0x3e6: {  	v7 =	vadd.f32 v15, v7;
	v15 =	vtrunc.f32 v23;
	v20 =	vsub.f32 v20, v12  }
0x3e7: {  	v14 =	vsub.f32 v14, v6;
	v15 =	vcvt.f32.s32 v15;
	v17 =	vmul.f32 v17, v10  }
0x3e8: {  	v25 =	vsub.f32 v54, v22;
	v0 =	vadd.f32 v0, v16;
	v20 =	vmul.f32 v20, v9  }
0x3e9: {  	vm6 =	vlt.s32 v15, $0x1E;
	v17 =	vadd.f32 v17, v21;
	v19 =	vsub.f32 v19, v13  }
0x3ea: {  	v21 =	vtrunc.f32 v18;
	v15 =	vnsel vm6, $0x1E, v15;
	v12 =	vadd.f32 v20, v12  }
0x3eb: {  	v21 =	vcvt.f32.s32 v21;
	v15 =	vcvt.s32.f32 v15;
	v17 =	vsub.f32 v17, v7  }
0x3ec: {  	v19 =	vmul.f32 v10, v19;
	v10 =	vmul.f32 v25, v10;
	v12 =	vsub.f32 v12, v0  }
0x3ed: {  	vm7 =	vlt.s32 v21, $0x1E;
	v15 =	vsub.f32 v23, v15;
	v17 =	vmul.f32 v17, v9  }
0x3ee: {  	v13 =	vadd.f32 v19, v13;
	v10 =	vadd.f32 v10, v22;
	v16 =	vnsel vm7, $0x1E, v21  }
0x3ef: {  	v8 =	vadd.f32 v8, v53;
	v16 =	vcvt.s32.f32 v16;
	v7 =	vadd.f32 v17, v7  }
0x3f0: {  	v3 =	vadd.f32 v3, v11;
	v11 =	vmul.f32 v12, v15;
	v10 =	vsub.f32 v10, v13  }
0x3f1: {  	v4 =	vmul.f32 v14, v4;
	v12 =	vsub.f32 v18, v16;
	v7 =	vsub.f32 v7, v8  }
0x3f2: {  	v3 =	vmul.f32 v3, v2;
	v0 =	vadd.f32 v11, v0;
	v9 =	vmul.f32 v10, v9  }
0x3f3: {  	v4 =	vadd.f32 v4, v6;
	v5 =	vmul.f32 v5, v1;
	v6 =	vmul.f32 v7, v12  }
0x3f4: {  	[tilespmem:s21+$0x12C00] =	vst v3;
	v0 =	vmul.f32 v0, v2;
	v3 =	vadd.f32 v9, v13  }
0x3f5: {  	v1 =	vmul.f32 v4, v1;
	[tilespmem:s5+$0x11400] =	vst v5;
	v4 =	vadd.f32 v6, v8  }
0x3f6: {  	[tilespmem:s21+$0x11C00] =	vst v0;
	v0 =	vmul.f32 v3, v2  }
0x3f7: {  	[tilespmem:s5+$0x12400] =	vst v1;
	v1 =	vmul.f32 v4, v2  }
0x3f8: {  	[tilespmem:s21+$0x11400] =	vst v0  }
0x3f9: {  	[tilespmem:s21+$0x12400] =	vst v1  }
0x3fa: {  	_ =	swait.ge [sflag:s30], $0x800  }
0x3fb: {  	[sflag:s30] =	ssyncset.done $0x0  }
0x3fc: {  	[sflag:s30] =	ssyncadd.s32 $0xFFFFF800  }
0x3fd: {  	_ =	swait.ge [sflag:s30], $0x1000  }
0x3fe: {  	[sflag:s30] =	ssyncset.done $0x0  }
0x3ff: {  	[sflag:s30] =	ssyncadd.s32 $0xFFFFF000  }
0x400: {  	_ =	swait.ge [sflag:s30], $0x1000  }
0x401: {  	[sflag:s30] =	ssyncset.done $0x0  }
0x402: {  	[sflag:s30] =	ssyncadd.s32 $0xFFFFF000  }
0x403: {  	_ =	swait.ge [sflag:s30], $0x1000  }
0x404: {  	[sflag:s30] =	ssyncset.done $0x0  }
0x405: {  	s0 =	simm.s32 $0x0;
	[sflag:s30] =	ssyncadd.s32 $0xFFFFF000  }
0x406: {  	v0 =	vld [tilespmem:s0+$0xE00]  }
0x407: {  	v1 =	vld [tilespmem:s0+$0x2600]  }
0x408: {  	v2 =	vld [tilespmem:s0+$0x10000]  }
0x409: {  	v3 =	vld [tilespmem:s0+$0x10200]  }
0x40a: {  	v4 =	vld [tilespmem:s0+$0x10400]  }
0x40b: {  	v5 =	vld [tilespmem:s0+$0x10600];
	v0 =	vmul.f32 $5.110000000e+02, v0  }
0x40c: {  	v6 =	vld [tilespmem:s0+$0x600]  }
0x40d: {  	v8 =	vld [tilespmem:s0+$0x10800];
	v7 =	vtrunc.f32 v0  }
0x40e: {  	v9 =	vld [tilespmem:s0+$0x10A00];
	v7 =	vcvt.f32.s32 v7  }
0x40f: {  	v10 =	vld [tilespmem:s0+$0x10C00]  }
0x410: {  	v11 =	vld [tilespmem:s0+$0x10E00];
	vm8 =	vlt.s32 v7, $0x1FE  }
0x411: {  	v12 =	vld [tilespmem:s0+$0xE000];
	v6 =	vmul.f32 $5.110000000e+02, v6;
	v7 =	vnsel vm8, $0x1FE, v7  }
0x412: {  	v13 =	vld [tilespmem:s0+$0xE200];
	v7 =	vcvt.s32.f32 v7  }
0x413: {  	v15 =	vld [tilespmem:s0+$0xE400];
	v3 =	vsub.f32 v3, v2;
	v14 =	vtrunc.f32 v6  }
0x414: {  	v16 =	vld [tilespmem:s0+$0xE800];
	v5 =	vsub.f32 v5, v4;
	v14 =	vcvt.f32.s32 v14;
	v7 =	vsub.f32 v0, v7  }
0x415: {  	v17 =	vld [tilespmem:s0+$0xEA00];
	v1 =	vmul.f32 $3.100000000e+01, v1;
	v9 =	vsub.f32 v9, v8;
	v11 =	vsub.f32 v11, v10  }
0x416: {  	v18 =	vld [tilespmem:s0+$0xEC00];
	vm9 =	vlt.s32 v14, $0x1FE;
	v3 =	vmul.f32 v3, v7;
	v5 =	vmul.f32 v5, v7  }
0x417: {  	v14 =	vnsel vm9, $0x1FE, v14;
	v0 =	vld [tilespmem:s0+$0xE600];
	v9 =	vmul.f32 v9, v7;
	v11 =	vmul.f32 v11, v7  }
0x418: {  	v14 =	vcvt.s32.f32 v14;
	v2 =	vadd.f32 v3, v2;
	v3 =	vadd.f32 v5, v4;
	v4 =	vld [tilespmem:s0+$0xF000]  }
0x419: {  	v5 =	vadd.f32 v9, v8;
	v8 =	vadd.f32 v11, v10;
	v9 =	vld [tilespmem:s0+$0xF200]  }
0x41a: {  	v19 =	vld [tilespmem:s0+$0xEE00];
	v6 =	vsub.f32 v6, v14;
	v10 =	vtrunc.f32 v1  }
0x41b: {  	v20 =	vld [tilespmem:s0+$0xF800];
	v10 =	vcvt.f32.s32 v10;
	v3 =	vsub.f32 v3, v2;
	v8 =	vsub.f32 v8, v5  }
0x41c: {  	v13 =	vsub.f32 v13, v12;
	v17 =	vsub.f32 v17, v16;
	v14 =	vld [tilespmem:s0+$0xF600]  }
0x41d: {  	v11 =	vld [tilespmem:s0+$0xF400];
	vm10 =	vlt.s32 v10, $0x1E;
	v3 =	vmul.f32 v3, v6;
	v8 =	vmul.f32 v8, v6  }
0x41e: {  	v21 =	vld [tilespmem:s0+$0xFA00];
	v0 =	vsub.f32 v0, v15;
	v10 =	vnsel vm10, $0x1E, v10;
	v9 =	vsub.f32 v9, v4  }
0x41f: {  	v22 =	vld [tilespmem:s0+$0xFC00];
	v10 =	vcvt.s32.f32 v10;
	v2 =	vadd.f32 v3, v2;
	v3 =	vadd.f32 v8, v5  }
0x420: {  	v5 =	vmul.f32 v13, v7;
	v8 =	vmul.f32 v0, v7;
	v0 =	vsub.f32 v19, v18;
	v13 =	vld [tilespmem:s0+$0xFE00]  }
0x421: {  	v17 =	vmul.f32 v17, v7;
	v19 =	vld [tilespmem:s0+$0x1600];
	v1 =	vsub.f32 v1, v10;
	v3 =	vsub.f32 v3, v2  }
0x422: {  	v9 =	vmul.f32 v9, v7;
	v5 =	vadd.f32 v5, v12;
	v12 =	vsub.f32 v14, v11  }
0x423: {  	v10 =	vmul.f32 v0, v7;
	v0 =	vld [tilespmem:s0+$0x2E00];
	v8 =	vadd.f32 v8, v15;
	v14 =	vsub.f32 v21, v20  }
0x424: {  	v15 =	vadd.f32 v17, v16;
	v17 =	vld [tilespmem:s0+$0xDC00];
	v4 =	vadd.f32 v9, v4;
	v1 =	vmul.f32 v3, v1  }
0x425: {  	v9 =	vld [tilespmem:s0+$0xDE00];
	v10 =	vadd.f32 v10, v18;
	v14 =	vmul.f32 v14, v7;
	v8 =	vsub.f32 v8, v5  }
0x426: {  	v3 =	vld [tilespmem:s0+$0x1E00];
	v13 =	vsub.f32 v13, v22;
	v18 =	vmul.f32 $3.100000000e+01, v19;
	v1 =	vadd.f32 v1, v2  }
0x427: {  	v16 =	vld [tilespmem:s0+$0xD800];
	v2 =	vmul.f32 v12, v7;
	v8 =	vmul.f32 v8, v6  }
0x428: {  	v12 =	vld [tilespmem:s0+$0xDA00];
	v10 =	vsub.f32 v10, v15;
	v13 =	vmul.f32 v13, v7;
	v1 =	vmul.f32 v1, v0  }
0x429: {  	v2 =	vadd.f32 v2, v11;
	v11 =	vadd.f32 v14, v20;
	v14 =	vtrunc.f32 v18  }
0x42a: {  	s5 =	simm.s32 $0x10;
	v9 =	vsub.f32 v9, v17;
	v10 =	vmul.f32 v10, v6;
	v5 =	vadd.f32 v8, v5;
	[tilespmem:s0+$0x12E00] =	vst v1  }
0x42b: {  	v3 =	vmul.f32 $3.100000000e+01, v3;
	v13 =	vadd.f32 v13, v22;
	v1 =	vcvt.f32.s32 v14;
	v14 =	vld [tilespmem:s5+$0xE00]  }
0x42c: {  	v2 =	vsub.f32 v2, v4;
	v8 =	vadd.f32 v10, v15;
	v20 =	vld [tilespmem:s5+$0x2600]  }
0x42d: {  	v12 =	vsub.f32 v12, v16;
	v19 =	vtrunc.f32 v3;
	v13 =	vsub.f32 v13, v11;
	v21 =	vld [tilespmem:s5+$0x10000]  }
0x42e: {  	v22 =	vld [tilespmem:s5+$0x10200];
	v19 =	vcvt.f32.s32 v19;
	v2 =	vmul.f32 v2, v6;
	vm11 =	vlt.s32 v1, $0x1E  }
0x42f: {  	v23 =	vld [tilespmem:s5+$0x10400];
	v8 =	vsub.f32 v8, v5;
	v12 =	vmul.f32 v7, v12;
	v13 =	vmul.f32 v13, v6  }
0x430: {  	v7 =	vmul.f32 v9, v7;
	v1 =	vnsel vm11, $0x1E, v1;
	v9 =	vld [tilespmem:s5+$0x10600];
	v10 =	vmul.f32 $5.110000000e+02, v14  }
0x431: {  	vm12 =	vlt.s32 v19, $0x1E;
	v2 =	vadd.f32 v2, v4;
	v1 =	vcvt.s32.f32 v1;
	v14 =	vld [tilespmem:s5+$0x600]  }
0x432: {  	v12 =	vadd.f32 v12, v16;
	v7 =	vadd.f32 v7, v17;
	v16 =	vld [tilespmem:s5+$0x10800];
	v4 =	vtrunc.f32 v10  }
0x433: {  	v15 =	vnsel vm12, $0x1E, v19;
	v17 =	vld [tilespmem:s5+$0x10A00];
	v11 =	vadd.f32 v13, v11;
	v4 =	vcvt.f32.s32 v4  }
0x434: {  	v13 =	vld [tilespmem:s5+$0x10C00];
	v15 =	vcvt.s32.f32 v15;
	v1 =	vsub.f32 v18, v1;
	v7 =	vsub.f32 v7, v12  }
0x435: {  	v18 =	vld [tilespmem:s5+$0x10E00];
	v19 =	vsub.f32 v22, v21;
	v11 =	vsub.f32 v11, v2;
	vm13 =	vlt.s32 v4, $0x1FE  }
0x436: {  	v55 =	vld [tilespmem:s5+$0xEC00];
	v6 =	vmul.f32 v7, v6;
	v14 =	vmul.f32 $5.110000000e+02, v14;
	v4 =	vnsel vm13, $0x1FE, v4  }
0x437: {  	v56 =	vld [tilespmem:s5+$0xEE00];
	v1 =	vmul.f32 v8, v1;
	v3 =	vsub.f32 v3, v15;
	v15 =	vcvt.s32.f32 v4  }
0x438: {  	v22 =	vld [tilespmem:s5+$0xE600];
	v9 =	vsub.f32 v9, v23;
	v4 =	vadd.f32 v6, v12;
	v6 =	vtrunc.f32 v14  }
0x439: {  	v8 =	vld [tilespmem:s5+$0xE200];
	v1 =	vadd.f32 v1, v5;
	v5 =	vcvt.f32.s32 v6;
	v6 =	vsub.f32 v10, v15  }
0x43a: {  	v7 =	vld [tilespmem:s5+$0xE000];
	v17 =	vsub.f32 v17, v16;
	v18 =	vsub.f32 v18, v13  }
0x43b: {  	v12 =	vld [tilespmem:s5+$0xE400];
	v15 =	vmul.f32 $3.100000000e+01, v20;
	vm14 =	vlt.s32 v5, $0x1FE;
	v19 =	vmul.f32 v19, v6  }
0x43c: {  	v10 =	vld [tilespmem:s5+$0xE800];
	v9 =	vmul.f32 v9, v6;
	v5 =	vnsel vm14, $0x1FE, v5;
	v17 =	vmul.f32 v17, v6  }
0x43d: {  	v20 =	vld [tilespmem:s5+$0xEA00];
	v18 =	vmul.f32 v18, v6;
	v5 =	vcvt.s32.f32 v5;
	v19 =	vadd.f32 v19, v21  }
0x43e: {  	v1 =	vmul.f32 v1, v0;
	v9 =	vadd.f32 v9, v23;
	v21 =	vld [tilespmem:s5+$0xF000];
	v16 =	vadd.f32 v17, v16  }
0x43f: {  	v13 =	vadd.f32 v18, v13;
	v17 =	vld [tilespmem:s5+$0xF200];
	v5 =	vsub.f32 v14, v5;
	v14 =	vtrunc.f32 v15  }
0x440: {  	v18 =	vld [tilespmem:s5+$0xF400];
	[tilespmem:s0+$0x11E00] =	vst v1;
	v14 =	vcvt.f32.s32 v14  }
0x441: {  	v3 =	vmul.f32 v11, v3;
	v11 =	vld [tilespmem:s5+$0xF600];
	v9 =	vsub.f32 v9, v19;
	v13 =	vsub.f32 v13, v16  }
0x442: {  	v8 =	vsub.f32 v8, v7;
	v1 =	vsub.f32 v22, v12;
	v22 =	vld [tilespmem:s5+$0xF800];
	vm15 =	vlt.s32 v14, $0x1E  }
0x443: {  	v57 =	vld [tilespmem:s5+$0xFA00];
	v9 =	vmul.f32 v9, v5;
	v13 =	vmul.f32 v13, v5;
	v14 =	vnsel vm15, $0x1E, v14  }
0x444: {  	v23 =	vsub.f32 v56, v55;
	v20 =	vsub.f32 v20, v10;
	v14 =	vcvt.s32.f32 v14  }
0x445: {  	v8 =	vmul.f32 v8, v6;
	v58 =	vld [tilespmem:s5+$0xFC00];
	v19 =	vadd.f32 v9, v19;
	v9 =	vadd.f32 v13, v16  }
0x446: {  	v17 =	vsub.f32 v17, v21;
	v16 =	vmul.f32 v20, v6;
	v20 =	vld [tilespmem:s5+$0xFE00];
	v14 =	vsub.f32 v15, v14  }
0x447: {  	v59 =	vld [tilespmem:s5+$0x1600];
	v13 =	vmul.f32 v1, v6;
	v15 =	vsub.f32 v9, v19;
	v9 =	vadd.f32 v8, v7  }
0x448: {  	v61 =	vld [tilespmem:s5+$0x1E00];
	v23 =	vmul.f32 v23, v6;
	v8 =	vsub.f32 v11, v18;
	v11 =	vsub.f32 v57, v22  }
0x449: {  	v1 =	vld [tilespmem:s5+$0x2E00];
	v17 =	vmul.f32 v17, v6;
	v60 =	vadd.f32 v13, v12;
	v13 =	vmul.f32 v15, v14  }
0x44a: {  	v7 =	vld [tilespmem:s5+$0xD800];
	v12 =	vadd.f32 v16, v10;
	v16 =	vadd.f32 v23, v55;
	v11 =	vmul.f32 v11, v6  }
0x44b: {  	v23 =	vld [tilespmem:s5+$0xDA00];
	v10 =	vmul.f32 v8, v6;
	v15 =	vsub.f32 v20, v58;
	v19 =	vadd.f32 v13, v19  }
0x44c: {  	v8 =	vmul.f32 $3.100000000e+01, v59;
	v13 =	vadd.f32 v17, v21;
	v14 =	vadd.f32 v11, v22;
	v11 =	vld [tilespmem:s5+$0xDC00]  }
0x44d: {  	v17 =	vadd.f32 v10, v18;
	v10 =	vmul.f32 $3.100000000e+01, v61;
	v18 =	vld [tilespmem:s5+$0xDE00];
	v21 =	vmul.f32 v15, v6  }
0x44e: {  	v62 =	vsub.f32 v60, v9;
	v15 =	vtrunc.f32 v8;
	v19 =	vmul.f32 v19, v1  }
0x44f: {  	v20 =	vsub.f32 v16, v12;
	v15 =	vcvt.f32.s32 v15;
	v63 =	vadd.f32 v21, v58  }
0x450: {  	s21 =	simm.s32 $0x20;
	v16 =	vtrunc.f32 v10;
	v22 =	vsub.f32 v17, v13;
	v21 =	vsub.f32 v23, v7;
	[tilespmem:s5+$0x12E00] =	vst v19  }
0x451: {  	s22 =	simm.s32 $0xC0;
	v16 =	vcvt.f32.s32 v16;
	v19 =	vmul.f32 v62, v5;
	v17 =	vld [tilespmem:s21+$0xE00];
	v23 =	vsub.f32 v63, v14  }
.LBB2_16:
0x452: {  	p0 =	sne.s32 s22, $0x7C0;
	v24 =	vld [tilespmem:s21+$0x2600];
	v18 =	vsub.f32 v18, v11;
	v20 =	vmul.f32 v20, v5;
	v22 =	vmul.f32 v22, v5  }
0x453: {  	v21 =	vmul.f32 v6, v21;
	vm0 =	vlt.s32 v15, $0x1E;
	v25 =	vld [tilespmem:s21+$0x10000];
	v23 =	vmul.f32 v23, v5  }
0x454: {  	v15 =	vnsel vm0, $0x1E, v15;
	vm0 =	vlt.s32 v16, $0x1E;
	v26 =	vld [tilespmem:s21+$0x10200];
	v6 =	vmul.f32 v18, v6  }
0x455: {  	v9 =	vadd.f32 v19, v9;
	v12 =	vadd.f32 v20, v12;
	v16 =	vnsel vm0, $0x1E, v16;
	v18 =	vld [tilespmem:s21+$0x10400]  }
0x456: {  	v13 =	vadd.f32 v22, v13;
	v14 =	vadd.f32 v23, v14;
	v17 =	vmul.f32 $5.110000000e+02, v17;
	v19 =	vld [tilespmem:s21+$0x10600]  }
0x457: {  	v7 =	vadd.f32 v21, v7;
	v6 =	vadd.f32 v6, v11;
	v11 =	vcvt.s32.f32 v15;
	v20 =	vld [tilespmem:s21+$0x600]  }
0x458: {  	v16 =	vcvt.s32.f32 v16;
	v12 =	vsub.f32 v12, v9;
	v15 =	vtrunc.f32 v17;
	v21 =	vld [tilespmem:s21+$0x10800]  }
0x459: {  	v14 =	vsub.f32 v14, v13;
	v6 =	vsub.f32 v6, v7;
	v15 =	vcvt.f32.s32 v15;
	v22 =	vld [tilespmem:s21+$0x10A00]  }
0x45a: {  	v4 =	vmul.f32 v4, v0;
	v10 =	vsub.f32 v10, v16;
	v8 =	vsub.f32 v8, v11;
	v23 =	vld [tilespmem:s21+$0x10C00]  }
0x45b: {  	v16 =	vadd.f32 v3, v2;
	v2 =	vmovc v13;
	v5 =	vmul.f32 v6, v5;
	vm0 =	vlt.s32 v15, $0x1FE;
	v11 =	vld [tilespmem:s21+$0x10E00]  }
0x45c: {  	v6 =	vmul.f32 v12, v8;
	v13 =	vmul.f32 $5.110000000e+02, v20;
	v3 =	vnsel vm0, $0x1FE, v15;
	v15 =	vld [tilespmem:s21+$0xE000];
	[tilespmem:s0+$0x11600] =	vst v4  }
0x45d: {  	v4 =	vadd.f32 v5, v7;
	v8 =	vcvt.s32.f32 v3;
	v12 =	vld [tilespmem:s21+$0xE200];
	v3 =	vmul.f32 v14, v10  }
0x45e: {  	v9 =	vadd.f32 v6, v9;
	v10 =	vsub.f32 v26, v25;
	v5 =	vtrunc.f32 v13;
	v7 =	vld [tilespmem:s21+$0xE400]  }
0x45f: {  	v14 =	vsub.f32 v19, v18;
	v5 =	vcvt.f32.s32 v5;
	v6 =	vsub.f32 v17, v8;
	v8 =	vld [tilespmem:s21+$0xE600]  }
0x460: {  	v19 =	vmul.f32 $3.100000000e+01, v24;
	v20 =	vsub.f32 v22, v21;
	v17 =	vld [tilespmem:s21+$0xE800];
	v11 =	vsub.f32 v11, v23  }
0x461: {  	vm0 =	vlt.s32 v5, $0x1FE;
	v22 =	vld [tilespmem:s21+$0xEA00];
	v10 =	vmul.f32 v10, v6;
	v14 =	vmul.f32 v14, v6  }
0x462: {  	v20 =	vmul.f32 v20, v6;
	v5 =	vnsel vm0, $0x1FE, v5;
	v24 =	vld [tilespmem:s21+$0xEC00];
	v11 =	vmul.f32 v11, v6  }
0x463: {  	v5 =	vcvt.s32.f32 v5;
	v26 =	vld [tilespmem:s21+$0xEE00];
	v10 =	vadd.f32 v10, v25;
	v14 =	vadd.f32 v14, v18  }
0x464: {  	v9 =	vmul.f32 v9, v1;
	v20 =	vadd.f32 v20, v21;
	v18 =	vld [tilespmem:s21+$0xF000];
	v11 =	vadd.f32 v11, v23  }
0x465: {  	v12 =	vsub.f32 v12, v15;
	v21 =	vtrunc.f32 v19;
	v5 =	vsub.f32 v13, v5;
	v13 =	vld [tilespmem:s21+$0xF200]  }
0x466: {  	v21 =	vcvt.f32.s32 v21;
	v14 =	vsub.f32 v14, v10;
	v23 =	vld [tilespmem:s21+$0xF400];
	v11 =	vsub.f32 v11, v20;
	[tilespmem:s5+$0x11E00] =	vst v9  }
0x467: {  	v8 =	vsub.f32 v8, v7;
	v9 =	vmul.f32 v12, v6;
	v12 =	vsub.f32 v22, v17;
	v22 =	vld [tilespmem:s21+$0xF600]  }
0x468: {  	vm0 =	vlt.s32 v21, $0x1E;
	v14 =	vmul.f32 v14, v5;
	v25 =	vld [tilespmem:s21+$0xF800];
	v11 =	vmul.f32 v11, v5  }
0x469: {  	v8 =	vmul.f32 v8, v6;
	v21 =	vnsel vm0, $0x1E, v21;
	v26 =	vsub.f32 v26, v24;
	v27 =	vld [tilespmem:s21+$0xFA00]  }
0x46a: {  	v21 =	vcvt.s32.f32 v21;
	v10 =	vadd.f32 v14, v10;
	v28 =	vld [tilespmem:s21+$0xFC00];
	v11 =	vadd.f32 v11, v20  }
0x46b: {  	v12 =	vmul.f32 v12, v6;
	v14 =	vmul.f32 v26, v6;
	v13 =	vsub.f32 v13, v18;
	v20 =	vld [tilespmem:s21+$0xFE00]  }
0x46c: {  	v16 =	vmul.f32 v16, v0;
	v0 =	vmovc v1;
	v19 =	vsub.f32 v19, v21;
	v26 =	vld [tilespmem:s21+$0x1600];
	v11 =	vsub.f32 v11, v10  }
0x46d: {  	v9 =	vadd.f32 v9, v15;
	v13 =	vmul.f32 v13, v6;
	v15 =	vsub.f32 v22, v23;
	v1 =	vld [tilespmem:s21+$0x2E00]  }
0x46e: {  	v21 =	vadd.f32 v8, v7;
	v22 =	vld [tilespmem:s21+$0x1E00];
	v8 =	vsub.f32 v27, v25;
	v11 =	vmul.f32 v11, v19;
	[tilespmem:s0+$0x12600] =	vst v16;
	s0 =	smov.u32 s5;
	s5 =	smov.u32 s21  }
0x46f: {  	v12 =	vadd.f32 v12, v17;
	v16 =	vadd.f32 v14, v24;
	v14 =	vmul.f32 v15, v6;
	v7 =	vld [tilespmem:s5+$0xD800]  }
0x470: {  	v17 =	vld [tilespmem:s5+$0xDA00];
	v15 =	vmul.f32 v8, v6;
	v19 =	vsub.f32 v20, v28;
	v10 =	vadd.f32 v11, v10  }
0x471: {  	v13 =	vadd.f32 v13, v18;
	v23 =	vadd.f32 v14, v23;
	v11 =	vld [tilespmem:s5+$0xDC00];
	v8 =	vmul.f32 $3.100000000e+01, v26  }
.Ltmp7:
0x472: {  	v18 =	vld [tilespmem:s5+$0xDE00];
	v14 =	vadd.f32 v15, v25;
	v19 =	vmul.f32 v19, v6;
	v24 =	vmul.f32 v10, v1;
	(pc) =	sbr.rel @p0 .LBB2_16-.Ltmp7, $4  }
0x473: {  	v25 =	vsub.f32 v21, v9;
	v15 =	vtrunc.f32 v8;
	v10 =	vmul.f32 $3.100000000e+01, v22  }
0x474: {  	v20 =	vsub.f32 v16, v12;
	v15 =	vcvt.f32.s32 v15;
	v26 =	vadd.f32 v19, v28;
	[tilespmem:s5+$0x12E00] =	vst v24  }
0x475: {  	s21 =	sshra.s32 s22, $0x2;
	v22 =	vsub.f32 v23, v13;
	v21 =	vsub.f32 v17, v7;
	v16 =	vtrunc.f32 v10  }
0x476: {  	s22 =	sadd.s32 $0x40, s22;
	v19 =	vmul.f32 v25, v5;
	v17 =	vld [tilespmem:s21+$0xE00];
	v16 =	vcvt.f32.s32 v16;
	v23 =	vsub.f32 v26, v14  }
0x477: {  	v24 =	vld [tilespmem:s21+$0x2600]  }
0x478: {  	v25 =	vld [tilespmem:s21+$0x10000]  }
0x479: {  	v26 =	vld [tilespmem:s21+$0x10200]  }
0x47a: {  	v27 =	vld [tilespmem:s21+$0x10400]  }
0x47b: {  	v20 =	vmul.f32 v20, v5;
	v28 =	vld [tilespmem:s21+$0x10600]  }
0x47c: {  	v18 =	vsub.f32 v18, v11;
	v22 =	vmul.f32 v22, v5;
	v21 =	vmul.f32 v6, v21;
	v29 =	vld [tilespmem:s21+$0x600]  }
0x47d: {  	vm0 =	vlt.s32 v15, $0x1E;
	v30 =	vld [tilespmem:s21+$0x10800];
	v4 =	vmul.f32 v4, v0;
	v2 =	vadd.f32 v3, v2  }
0x47e: {  	v38 =	vld [tilespmem:s21+$0x10A00];
	v23 =	vmul.f32 v23, v5;
	v15 =	vnsel vm0, $0x1E, v15;
	vm10 =	vlt.s32 v16, $0x1E  }
0x47f: {  	v41 =	vld [tilespmem:s21+$0x10C00];
	v9 =	vadd.f32 v19, v9;
	v18 =	vmul.f32 v18, v6;
	v12 =	vadd.f32 v20, v12  }
0x480: {  	v42 =	vld [tilespmem:s21+$0x10E00];
	v6 =	vadd.f32 v22, v13;
	v39 =	vcvt.s32.f32 v15;
	v16 =	vnsel vm10, $0x1E, v16  }
0x481: {  	v7 =	vadd.f32 v21, v7;
	v14 =	vadd.f32 v23, v14;
	v45 =	vcvt.s32.f32 v16  }
0x482: {  	v44 =	vld [tilespmem:s21+$0xE000];
	[tilespmem:s0+$0x11600] =	vst v4;
	v43 =	vadd.f32 v18, v11;
	v12 =	vsub.f32 v12, v9  }
0x483: {  	v47 =	vld [tilespmem:s21+$0xE200];
	v17 =	vmul.f32 $5.110000000e+02, v17;
	v8 =	vsub.f32 v8, v39;
	v4 =	vsub.f32 v10, v45  }
0x484: {  	v49 =	vld [tilespmem:s21+$0xE400];
	v46 =	vmul.f32 $5.110000000e+02, v29;
	v51 =	vsub.f32 v26, v25;
	v56 =	vsub.f32 v28, v27  }
0x485: {  	v52 =	vld [tilespmem:s21+$0xE600];
	v57 =	vsub.f32 v38, v30;
	v22 =	vsub.f32 v42, v41;
	v24 =	vmul.f32 $3.100000000e+01, v24  }
0x486: {  	v54 =	vld [tilespmem:s21+$0xE800];
	v14 =	vsub.f32 v14, v6;
	v40 =	vtrunc.f32 v17;
	v8 =	vmul.f32 v12, v8  }
0x487: {  	v58 =	vld [tilespmem:s21+$0xEA00];
	v42 =	vmul.f32 v2, v0;
	v11 =	vsub.f32 v43, v7;
	v15 =	vcvt.f32.s32 v40  }
0x488: {  	v59 =	vld [tilespmem:s21+$0xEC00];
	v50 =	vtrunc.f32 v46;
	v63 =	vtrunc.f32 v24;
	v8 =	vadd.f32 v8, v9  }
0x489: {  	v60 =	vld [tilespmem:s21+$0xEE00];
	v53 =	vcvt.f32.s32 v50;
	v55 =	vmul.f32 v11, v5;
	vm11 =	vlt.s32 v15, $0x1FE  }
0x48a: {  	v61 =	vld [tilespmem:s21+$0xF000];
	v33 =	vcvt.f32.s32 v63;
	v15 =	vnsel vm11, $0x1FE, v15;
	v8 =	vmul.f32 v8, v1  }
0x48b: {  	v62 =	vld [tilespmem:s21+$0xF200];
	v16 =	vsub.f32 v47, v44;
	vm12 =	vlt.s32 v53, $0x1FE;
	v48 =	vcvt.s32.f32 v15  }
0x48c: {  	v32 =	vld [tilespmem:s21+$0xF400];
	v37 =	vsub.f32 v52, v49;
	vm13 =	vlt.s32 v33, $0x1E;
	v9 =	vnsel vm12, $0x1FE, v53;
	[tilespmem:s5+$0x11E00] =	vst v8  }
0x48d: {  	v13 =	vnsel vm13, $0x1E, v33;
	v9 =	vcvt.s32.f32 v9;
	v10 =	vsub.f32 v17, v48;
	v8 =	vld [tilespmem:s21+$0xF600]  }
0x48e: {  	v19 =	vsub.f32 v58, v54;
	v5 =	vadd.f32 v55, v7;
	v13 =	vcvt.s32.f32 v13;
	v35 =	vld [tilespmem:s21+$0xF800]  }
0x48f: {  	v36 =	vld [tilespmem:s21+$0xFA00];
	v9 =	vsub.f32 v46, v9;
	v21 =	vmul.f32 v51, v10;
	v11 =	vmul.f32 v56, v10  }
0x490: {  	v40 =	vld [tilespmem:s21+$0x1600];
	v13 =	vsub.f32 v24, v13;
	v17 =	vmul.f32 v57, v10;
	v22 =	vmul.f32 v22, v10  }
0x491: {  	v38 =	vld [tilespmem:s21+$0xFC00];
	v16 =	vmul.f32 v16, v10;
	v21 =	vadd.f32 v21, v25;
	v11 =	vadd.f32 v11, v27  }
0x492: {  	v39 =	vld [tilespmem:s21+$0xFE00];
	v19 =	vmul.f32 v19, v10;
	v17 =	vadd.f32 v17, v30;
	v20 =	vadd.f32 v22, v41  }
0x493: {  	v43 =	vld [tilespmem:s21+$0x2E00];
	v41 =	vsub.f32 v60, v59;
	v27 =	vsub.f32 v62, v61  }
0x494: {  	v22 =	vmul.f32 v37, v10;
	v16 =	vadd.f32 v16, v44;
	v44 =	vld [tilespmem:s21+$0x1E00];
	[tilespmem:s0+$0x12600] =	vst v42;
	v12 =	vadd.f32 v19, v54  }
0x495: {  	v8 =	vsub.f32 v8, v32;
	v46 =	vsub.f32 v36, v35;
	v47 =	vld [tilespmem:s21+$0xD800];
	v23 =	vmul.f32 $3.100000000e+01, v40  }
0x496: {  	v48 =	vld [tilespmem:s21+$0xDA00];
	v11 =	vsub.f32 v11, v21;
	v34 =	vsub.f32 v20, v17;
	v24 =	vmul.f32 v41, v10  }
0x497: {  	v50 =	vld [tilespmem:s21+$0xDC00];
	v27 =	vmul.f32 v27, v10;
	v45 =	vadd.f32 v22, v49;
	v8 =	vmul.f32 v8, v10  }
0x498: {  	v52 =	vld [tilespmem:s21+$0xDE00];
	v15 =	vmul.f32 v46, v10;
	v11 =	vmul.f32 v11, v9;
	v49 =	vadd.f32 v24, v59  }
0x499: {  	v3 =	vmul.f32 v34, v9;
	v51 =	vadd.f32 v27, v61;
	v0 =	vsub.f32 v45, v16  }
0x49a: {  	v53 =	vtrunc.f32 v23;
	v8 =	vadd.f32 v8, v32;
	v7 =	vadd.f32 v15, v35  }
0x49b: {  	v18 =	vmul.f32 $3.100000000e+01, v44;
	v11 =	vadd.f32 v11, v21;
	v3 =	vadd.f32 v3, v17  }
0x49c: {  	v15 =	vcvt.f32.s32 v53;
	v17 =	vsub.f32 v39, v38;
	v20 =	vsub.f32 v49, v12  }
0x49d: {  	v19 =	vsub.f32 v48, v47;
	v0 =	vmul.f32 v0, v9;
	v25 =	vsub.f32 v52, v50  }
0x49e: {  	v54 =	vtrunc.f32 v18;
	v8 =	vsub.f32 v8, v51;
	v17 =	vmul.f32 v17, v10  }
0x49f: {  	vm14 =	vlt.s32 v15, $0x1E;
	v3 =	vsub.f32 v3, v11;
	v21 =	vcvt.f32.s32 v54  }
0x4a0: {  	v20 =	vmul.f32 v20, v9;
	v19 =	vmul.f32 v10, v19;
	v17 =	vadd.f32 v17, v38  }
0x4a1: {  	v10 =	vmul.f32 v25, v10;
	v15 =	vnsel vm14, $0x1E, v15;
	v0 =	vadd.f32 v0, v16  }
0x4a2: {  	v8 =	vmul.f32 v8, v9;
	v15 =	vcvt.s32.f32 v15;
	v17 =	vsub.f32 v17, v7  }
0x4a3: {  	v3 =	vmul.f32 v3, v13;
	v12 =	vadd.f32 v20, v12;
	vm15 =	vlt.s32 v21, $0x1E  }
0x4a4: {  	v13 =	vadd.f32 v19, v47;
	v10 =	vadd.f32 v10, v50;
	v17 =	vmul.f32 v17, v9  }
0x4a5: {  	v55 =	vnsel vm15, $0x1E, v21;
	v15 =	vsub.f32 v23, v15;
	v12 =	vsub.f32 v12, v0  }
0x4a6: {  	v8 =	vadd.f32 v8, v51;
	v16 =	vcvt.s32.f32 v55;
	v7 =	vadd.f32 v17, v7  }
0x4a7: {  	v3 =	vadd.f32 v3, v11;
	v10 =	vsub.f32 v10, v13;
	v56 =	vmul.f32 v12, v15  }
0x4a8: {  	v4 =	vmul.f32 v14, v4;
	v57 =	vsub.f32 v18, v16;
	v7 =	vsub.f32 v7, v8  }
0x4a9: {  	v3 =	vmul.f32 v3, v43;
	v9 =	vmul.f32 v10, v9;
	v0 =	vadd.f32 v56, v0  }
0x4aa: {  	v4 =	vadd.f32 v4, v6;
	v5 =	vmul.f32 v5, v1;
	v58 =	vmul.f32 v7, v57  }
0x4ab: {  	[tilespmem:s21+$0x12E00] =	vst v3;
	v59 =	vadd.f32 v9, v13;
	v0 =	vmul.f32 v0, v43  }
0x4ac: {  	v60 =	vmul.f32 v4, v1;
	[tilespmem:s5+$0x11600] =	vst v5;
	v61 =	vadd.f32 v58, v8  }
0x4ad: {  	v62 =	vmul.f32 v59, v43;
	[tilespmem:s21+$0x11E00] =	vst v0  }
0x4ae: {  	[tilespmem:s5+$0x12600] =	vst v60;
	v63 =	vmul.f32 v61, v43  }
0x4af: {  	[tilespmem:s21+$0x11600] =	vst v62  }
0x4b0: {  	s22 =	simm.s32 $0x11000;
	[tilespmem:s21+$0x12600] =	vst v63  }
0x4b1: {  	[hbm4b:s13+s6] =	stream.linear.scatter [tilespmem:s22], [sflag:$0x3], $0x800, $0x38;
	[tilespmem:$0x13000] =	vst v63  }
0x4b2: {  	_ =	swait.ge [sflag:s18], $0x800  }
0x4b3: {  	[sflag:s18] =	ssyncset.done $0x0  }
0x4b4: {  	s5 =	simm.s32 $0x11800;
	[sflag:s18] =	ssyncadd.s32 $0xFFFFF800  }
0x4b5: {  	[hbm4b:s14+s6] =	stream.linear.scatter [tilespmem:s5], [sflag:$0x3], $0x800, $0x38;
	[tilespmem:$0x13000] =	vst v63  }
0x4b6: {  	_ =	swait.ge [sflag:s18], $0x800  }
0x4b7: {  	[sflag:s18] =	ssyncset.done $0x0  }
0x4b8: {  	s21 =	simm.s32 $0x12000;
	[sflag:s18] =	ssyncadd.s32 $0xFFFFF800  }
0x4b9: {  	[hbm4b:s15+s6] =	stream.linear.scatter [tilespmem:s21], [sflag:$0x3], $0x800, $0x38;
	[tilespmem:$0x13000] =	vst v63  }
0x4ba: {  	s31 =	sadd.s32 $0x1, s31;
	_ =	swait.ge [sflag:s18], $0x800  }
0x4bb: {  	p0 =	sne.s32 s31, s17;
	[sflag:s18] =	ssyncset.done $0x0  }
.Ltmp8:
0x4bc: {  	s22 =	simm.s32 $0x12800;
	[sflag:s18] =	ssyncadd.s32 $0xFFFFF800;
	(pc) =	sbr.rel @p0 .LBB2_1-.Ltmp8, $4  }
0x4bd: {  	[hbm4b:s16+s6] =	stream.linear.scatter [tilespmem:s22], [sflag:$0x3], $0x800, $0x38;
	[tilespmem:$0x13000] =	vst v63  }
0x4be: {  	_ =	swait.ge [sflag:s18], $0x800  }
0x4bf: {  	[sflag:s18] =	ssyncset.done $0x0  }
0x4c0: {  	[sflag:s18] =	ssyncadd.s32 $0xFFFFF800  }
0x4c1: {  	_ =	sfence.sel $0x180000  }
0x4c2: {  	[bflag:$0x0] =	sbarrier.arrive $0xFFFF  }
0x4c3: {  	_ =	strace $0x90000047  }
0x4c4: {  	s0 =	stileid.u32;
	[bflag:$0x2] =	sbarrier.arrive $0xFFFF  }
0x4c5: {  	p0 =	sne.s32 s0, $0x0;
	s0 =	rddreg [dreg:$0xb]  }
0x4c6: {  	s0 =	sadd.s32 @!p0 $0x100000, s0  }
0x4c7: {  	[sflag:s0] =	ssyncadd.tile.s32 @!p0 $0x1;
	_ =	shalt  }
.Lfunc_end2:
_tile_overlayer_lowered:
.L_overlay_start_2:
0x4c8: {  	(tag) =	ssettag $0x2  }
0x4c9: {  	s0 =	rddreg [dreg:$0x0];
	s2 =	stileid.u32  }
0x4ca: {  	s1 =	rddreg [dreg:$0x1];
	p0 =	sne.s32 s2, $0x0  }
0x4cb: {  	s3 =	rddreg [dreg:$0x2];
	[bflag:$0x3] =	sbarrier.arrive $0xFFFF;
	s2 =	simm.s32 @!p0 $0x1C03  }
0x4cc: {  	[timem:s3], [sflag:s2] =	dma.local @!p0 [hbm:s0], s1  }
0x4cd: {  	s0 =	simm.s32 @!p0 $0x3  }
0x4ce: {  	_ =	swait.ge @!p0 [sflag:s0], s1  }
0x4cf: {  	s1 =	ssub.s32 @!p0 $0x0, s1;
	[sflag:s0] =	ssyncset.done @!p0 $0x0  }
0x4d0: {  	[sflag:s0] =	ssyncadd.s32 @!p0 s1  }
0x4d1: {  	[bflag:$0x3] =	sbarrier.arrive $0xFFFF  }
0x4d2: {  	_ =	shalt  }

</sc_bundles>
